<compile_context>
chip_gen: v7x
topology: tpu7x:2x2x1
jax: 0.10.2.dev20260603
libtpu: 0.0.44.dev20260713+nightly
codegen_flags: <defaults>
</compile_context>

<pallas_src>
import functools

import jax
import jax.numpy as jnp
from jax import lax
from jax.experimental import pallas as pl
from jax.experimental.pallas import tpu as pltpu
from jax.experimental.pallas import tpu_sc as plsc

_NC = 2
_NS = 16
_NW = _NC * _NS
_C = 32
_NBUF = 8
_D = 6


@functools.lru_cache(maxsize=None)
def _make_gather(V, D, N, S):
    B = N * S
    rows_per_w = B // _NW
    K = rows_per_w // _C
    G = K // _NBUF
    cpj = N // _C
    assert B == _NW * K * _C and K % _NBUF == 0 and G >= 3 and _D < _NBUF
    assert N % _C == 0

    mesh = plsc.VectorSubcoreMesh(core_axis_name="c", subcore_axis_name="s")

    @functools.partial(
        pl.kernel,
        mesh=mesh,
        out_type=jax.ShapeDtypeStruct((S, N, D), jnp.float32),
        scratch_types=[
            pltpu.VMEM((rows_per_w,), jnp.int32),
            pltpu.VMEM((_NBUF, _C, D), jnp.float32),
        ] + [pltpu.SemaphoreType.DMA] * (2 * _NBUF),
    )
    def gather_k(table, idx, out, idx_v, rows_v, *sems):
        gsems = sems[:_NBUF]
        osems = sems[_NBUF:]
        w = lax.axis_index("s") * _NC + lax.axis_index("c")
        chunk0 = w * K
        pltpu.sync_copy(idx.at[pl.ds(chunk0 * _C, rows_per_w)], idx_v)

        def gcopy(c, b):
            return pltpu.make_async_copy(
                table.at[idx_v.at[pl.ds(c * _C, _C)]], rows_v.at[b],
                gsems[b])

        def ocopy(c, b):
            cg = chunk0 + c
            j = cg // cpj
            i0 = (cg % cpj) * _C
            return pltpu.make_async_copy(
                rows_v.at[b], out.at[j, pl.ds(i0, _C), :], osems[b])

        def step(c, b, wait_o, prefetch):
            gcopy(c, b).wait()
            ocopy(c, b).start()
            if prefetch:
                cf = c + _D
                bf = (b + _D) % _NBUF
                if wait_o:
                    ocopy(c, bf).wait()
                gcopy(cf, bf).start()

        for b in range(_D):
            gcopy(b, b).start()

        for b in range(_NBUF):
            step(b, b, wait_o=(b + _D >= _NBUF), prefetch=True)

        def body(g, carry):
            for b in range(_NBUF):
                step(g * _NBUF + b, b, wait_o=True, prefetch=True)
            return carry

        lax.fori_loop(1, G - 1, body, 0)

        for b in range(_NBUF):
            c = (G - 1) * _NBUF + b
            step(c, b, wait_o=True, prefetch=(b + _D < _NBUF))

        for b in range(_NBUF):
            ocopy(0, b).wait()

    return gather_k


def kernel(input, indices):
    V, D = input.shape
    N, S = indices.shape
    idx = indices.T.reshape(-1).astype(jnp.int32)
    out = _make_gather(V, D, N, S)(input, idx)
    return out.transpose(1, 0, 2)

# --- scband reference (transcript-rebuilt; emitter-appended) ---
"""Pipeline reference for scband-gather-81140522156160 (READ-ONLY COPY).

The authoritative reference and input builder live on the scoring server;
editing this copy changes nothing except your own understanding.
"""

import jax, jax.numpy as jnp
import numpy as np

def setup_inputs(seed: int = 0) -> dict:
    key = jax.random.key(seed)
    k1, k2 = jax.random.split(key)
    input = jax.random.normal(k1, (100000, 128), dtype=jnp.float32)
    indices = jax.random.randint(k2, (16384, 26), 0, 100000, dtype=jnp.int64)
    return {"input": input, "indices": indices}

def reference(input, indices):
    # Gather with dim=0: input[indices]
    return jnp.take(input, indices, axis=0)

if __name__ == "__main__":
    import jax
    _d = setup_inputs()
    print(jax.jit(kernel)(*tuple(_d.values())))

</pallas_src>

<mosaic_0001>
#map = affine_map<(d0, d1) -> (0, 0)>
#map1 = affine_map<(d0, d1) -> (0)>
#map2 = affine_map<(d0, d1) -> (0, 0, 0)>
module attributes {stable_mosaic.version = 14 : i64} {
  func.func @gather_k(%arg0: i32, %arg1: i32, %arg2: memref<100000x128xf32, #tpu.memory_space<hbm>>, %arg3: memref<425984xi32, #tpu.memory_space<hbm>>, %arg4: memref<26x16384x128xf32, #tpu.memory_space<hbm>>, %arg5: memref<13312xi32, #tpu.memory_space<vmem>>, %arg6: memref<8x32x128xf32, #tpu.memory_space<vmem>>, %arg7: memref<!tpu.dma_semaphore, #tpu.memory_space<semaphore_mem>>, %arg8: memref<!tpu.dma_semaphore, #tpu.memory_space<semaphore_mem>>, %arg9: memref<!tpu.dma_semaphore, #tpu.memory_space<semaphore_mem>>, %arg10: memref<!tpu.dma_semaphore, #tpu.memory_space<semaphore_mem>>, %arg11: memref<!tpu.dma_semaphore, #tpu.memory_space<semaphore_mem>>, %arg12: memref<!tpu.dma_semaphore, #tpu.memory_space<semaphore_mem>>, %arg13: memref<!tpu.dma_semaphore, #tpu.memory_space<semaphore_mem>>, %arg14: memref<!tpu.dma_semaphore, #tpu.memory_space<semaphore_mem>>, %arg15: memref<!tpu.dma_semaphore, #tpu.memory_space<semaphore_mem>>, %arg16: memref<!tpu.dma_semaphore, #tpu.memory_space<semaphore_mem>>, %arg17: memref<!tpu.dma_semaphore, #tpu.memory_space<semaphore_mem>>, %arg18: memref<!tpu.dma_semaphore, #tpu.memory_space<semaphore_mem>>, %arg19: memref<!tpu.dma_semaphore, #tpu.memory_space<semaphore_mem>>, %arg20: memref<!tpu.dma_semaphore, #tpu.memory_space<semaphore_mem>>, %arg21: memref<!tpu.dma_semaphore, #tpu.memory_space<semaphore_mem>>, %arg22: memref<!tpu.dma_semaphore, #tpu.memory_space<semaphore_mem>>) attributes {dimension_semantics = [#tpu.dimension_semantics<core_parallel>, #tpu.dimension_semantics<subcore_parallel>], iteration_bounds = array<i64: 2, 16>, scalar_prefetch = 0 : i64, scratch_operands = 18 : i64, tpu.core_type = #tpu.core_type<sc_vector_subcore>, window_params = [{transform_indices = #map}, {transform_indices = #map1}, {transform_indices = #map2}]} {
    %mul3A = arith.constant 2 : i32
    %mul3A_0 = arith.muli %arg1, %mul3A : i32
    %add3A = arith.addi %mul3A_0, %arg0 : i32
    %mul3A_1 = arith.constant 416 : i32
    %mul3A_2 = arith.muli %add3A, %mul3A_1 : i32
    %mul3A_3 = arith.constant 32 : i32
    %mul3A_4 = arith.muli %mul3A_2, %mul3A_3 : i32
    "tpu.region"() ({
      %run_scoped3A = tpu.sem_alloc : memref<!tpu.dma_semaphore, #tpu.memory_space<semaphore_mem>>
      %dma_start3A_2206 = tpu.memref_slice %arg3[%mul3A_4] : memref<425984xi32, #tpu.memory_space<hbm>> -> memref<13312xi32, #tpu.memory_space<hbm>>
      %dma_start3A_2207 = tpu.memref_slice %arg3[%mul3A_4] : memref<425984xi32, #tpu.memory_space<hbm>> -> memref<13312xi32, #tpu.memory_space<hbm>>
      tpu.enqueue_dma source(%dma_start3A_2207 : memref<13312xi32, #tpu.memory_space<hbm>>) target(%arg5 : memref<13312xi32, #tpu.memory_space<vmem>>) target_semaphore(%run_scoped3A : memref<!tpu.dma_semaphore, #tpu.memory_space<semaphore_mem>>)
      %dma_wait3A_2208 = tpu.memref_slice %arg3[%mul3A_4] : memref<425984xi32, #tpu.memory_space<hbm>> -> memref<13312xi32, #tpu.memory_space<hbm>>
      %dma_wait3A_2209 = tpu.memref_slice %arg3[%mul3A_4] : memref<425984xi32, #tpu.memory_space<hbm>> -> memref<13312xi32, #tpu.memory_space<hbm>>
      tpu.wait_dma2 semaphore(%run_scoped3A : memref<!tpu.dma_semaphore, #tpu.memory_space<semaphore_mem>>) src(%dma_wait3A_2209 : memref<13312xi32, #tpu.memory_space<hbm>>) dst(%arg5 : memref<13312xi32, #tpu.memory_space<vmem>>)
      tpu.yield
    }) : () -> ()
    %dma_start3A = arith.constant 0 : i32
    %dma_start3A_5 = arith.constant 0 : i32
    %dma_start3A_6 = arith.constant 0 : i32
    %dma_start3A_7 = tpu.memref_slice %arg6[%dma_start3A, %dma_start3A_5, %dma_start3A_6] : memref<8x32x128xf32, #tpu.memory_space<vmem>> -> memref<1x32x128xf32, #tpu.memory_space<vmem>>
    %dma_start3A_8 = tpu.memref_squeeze %dma_start3A_7 : memref<1x32x128xf32, #tpu.memory_space<vmem>> -> memref<32x128xf32, #tpu.memory_space<vmem>>
    %dma_start3A_9 = arith.constant 0 : i32
    %dma_start3A_10 = tpu.memref_slice %arg5[%dma_start3A_9] : memref<13312xi32, #tpu.memory_space<vmem>> -> memref<32xi32, #tpu.memory_space<vmem>>
    %dma_start3A_11 = arith.constant 0 : i32
    %dma_start3A_12 = arith.constant 0 : i32
    %dma_start3A_13 = tpu.memref_slice %arg2[%dma_start3A_11, %dma_start3A_12] : memref<100000x128xf32, #tpu.memory_space<hbm>> -> memref<100000x128xf32, #tpu.memory_space<hbm>>
    tpu.enqueue_indirect_dma source(%dma_start3A_13 : memref<100000x128xf32, #tpu.memory_space<hbm>>) target(%dma_start3A_8 : memref<32x128xf32, #tpu.memory_space<vmem>>) offsets(%dma_start3A_10 : memref<32xi32, #tpu.memory_space<vmem>>) semaphore(%arg7 : memref<!tpu.dma_semaphore, #tpu.memory_space<semaphore_mem>>)
    %dma_start3A_14 = arith.constant 1 : i32
    %dma_start3A_15 = arith.constant 0 : i32
    %dma_start3A_16 = arith.constant 0 : i32
    %dma_start3A_17 = tpu.memref_slice %arg6[%dma_start3A_14, %dma_start3A_15, %dma_start3A_16] : memref<8x32x128xf32, #tpu.memory_space<vmem>> -> memref<1x32x128xf32, #tpu.memory_space<vmem>>
    %dma_start3A_18 = tpu.memref_squeeze %dma_start3A_17 : memref<1x32x128xf32, #tpu.memory_space<vmem>> -> memref<32x128xf32, #tpu.memory_space<vmem>>
    %dma_start3A_19 = arith.constant 32 : i32
    %dma_start3A_20 = tpu.memref_slice %arg5[%dma_start3A_19] : memref<13312xi32, #tpu.memory_space<vmem>> -> memref<32xi32, #tpu.memory_space<vmem>>
    %dma_start3A_21 = arith.constant 0 : i32
    %dma_start3A_22 = arith.constant 0 : i32
    %dma_start3A_23 = tpu.memref_slice %arg2[%dma_start3A_21, %dma_start3A_22] : memref<100000x128xf32, #tpu.memory_space<hbm>> -> memref<100000x128xf32, #tpu.memory_space<hbm>>
    tpu.enqueue_indirect_dma source(%dma_start3A_23 : memref<100000x128xf32, #tpu.memory_space<hbm>>) target(%dma_start3A_18 : memref<32x128xf32, #tpu.memory_space<vmem>>) offsets(%dma_start3A_20 : memref<32xi32, #tpu.memory_space<vmem>>) semaphore(%arg8 : memref<!tpu.dma_semaphore, #tpu.memory_space<semaphore_mem>>)
    %dma_start3A_24 = arith.constant 2 : i32
    %dma_start3A_25 = arith.constant 0 : i32
    %dma_start3A_26 = arith.constant 0 : i32
    %dma_start3A_27 = tpu.memref_slice %arg6[%dma_start3A_24, %dma_start3A_25, %dma_start3A_26] : memref<8x32x128xf32, #tpu.memory_space<vmem>> -> memref<1x32x128xf32, #tpu.memory_space<vmem>>
    %dma_start3A_28 = tpu.memref_squeeze %dma_start3A_27 : memref<1x32x128xf32, #tpu.memory_space<vmem>> -> memref<32x128xf32, #tpu.memory_space<vmem>>
    %dma_start3A_29 = arith.constant 64 : i32
    %dma_start3A_30 = tpu.memref_slice %arg5[%dma_start3A_29] : memref<13312xi32, #tpu.memory_space<vmem>> -> memref<32xi32, #tpu.memory_space<vmem>>
    %dma_start3A_31 = arith.constant 0 : i32
    %dma_start3A_32 = arith.constant 0 : i32
    %dma_start3A_33 = tpu.memref_slice %arg2[%dma_start3A_31, %dma_start3A_32] : memref<100000x128xf32, #tpu.memory_space<hbm>> -> memref<100000x128xf32, #tpu.memory_space<hbm>>
    tpu.enqueue_indirect_dma source(%dma_start3A_33 : memref<100000x128xf32, #tpu.memory_space<hbm>>) target(%dma_start3A_28 : memref<32x128xf32, #tpu.memory_space<vmem>>) offsets(%dma_start3A_30 : memref<32xi32, #tpu.memory_space<vmem>>) semaphore(%arg9 : memref<!tpu.dma_semaphore, #tpu.memory_space<semaphore_mem>>)
    %dma_start3A_34 = arith.constant 3 : i32
    %dma_start3A_35 = arith.constant 0 : i32
    %dma_start3A_36 = arith.constant 0 : i32
    %dma_start3A_37 = tpu.memref_slice %arg6[%dma_start3A_34, %dma_start3A_35, %dma_start3A_36] : memref<8x32x128xf32, #tpu.memory_space<vmem>> -> memref<1x32x128xf32, #tpu.memory_space<vmem>>
    %dma_start3A_38 = tpu.memref_squeeze %dma_start3A_37 : memref<1x32x128xf32, #tpu.memory_space<vmem>> -> memref<32x128xf32, #tpu.memory_space<vmem>>
    %dma_start3A_39 = arith.constant 96 : i32
    %dma_start3A_40 = tpu.memref_slice %arg5[%dma_start3A_39] : memref<13312xi32, #tpu.memory_space<vmem>> -> memref<32xi32, #tpu.memory_space<vmem>>
    %dma_start3A_41 = arith.constant 0 : i32
    %dma_start3A_42 = arith.constant 0 : i32
    %dma_start3A_43 = tpu.memref_slice %arg2[%dma_start3A_41, %dma_start3A_42] : memref<100000x128xf32, #tpu.memory_space<hbm>> -> memref<100000x128xf32, #tpu.memory_space<hbm>>
    tpu.enqueue_indirect_dma source(%dma_start3A_43 : memref<100000x128xf32, #tpu.memory_space<hbm>>) target(%dma_start3A_38 : memref<32x128xf32, #tpu.memory_space<vmem>>) offsets(%dma_start3A_40 : memref<32xi32, #tpu.memory_space<vmem>>) semaphore(%arg10 : memref<!tpu.dma_semaphore, #tpu.memory_space<semaphore_mem>>)
    %dma_start3A_44 = arith.constant 4 : i32
    %dma_start3A_45 = arith.constant 0 : i32
    %dma_start3A_46 = arith.constant 0 : i32
    %dma_start3A_47 = tpu.memref_slice %arg6[%dma_start3A_44, %dma_start3A_45, %dma_start3A_46] : memref<8x32x128xf32, #tpu.memory_space<vmem>> -> memref<1x32x128xf32, #tpu.memory_space<vmem>>
    %dma_start3A_48 = tpu.memref_squeeze %dma_start3A_47 : memref<1x32x128xf32, #tpu.memory_space<vmem>> -> memref<32x128xf32, #tpu.memory_space<vmem>>
    %dma_start3A_49 = arith.constant 128 : i32
    %dma_start3A_50 = tpu.memref_slice %arg5[%dma_start3A_49] : memref<13312xi32, #tpu.memory_space<vmem>> -> memref<32xi32, #tpu.memory_space<vmem>>
    %dma_start3A_51 = arith.constant 0 : i32
    %dma_start3A_52 = arith.constant 0 : i32
    %dma_start3A_53 = tpu.memref_slice %arg2[%dma_start3A_51, %dma_start3A_52] : memref<100000x128xf32, #tpu.memory_space<hbm>> -> memref<100000x128xf32, #tpu.memory_space<hbm>>
    tpu.enqueue_indirect_dma source(%dma_start3A_53 : memref<100000x128xf32, #tpu.memory_space<hbm>>) target(%dma_start3A_48 : memref<32x128xf32, #tpu.memory_space<vmem>>) offsets(%dma_start3A_50 : memref<32xi32, #tpu.memory_space<vmem>>) semaphore(%arg11 : memref<!tpu.dma_semaphore, #tpu.memory_space<semaphore_mem>>)
    %dma_start3A_54 = arith.constant 5 : i32
    %dma_start3A_55 = arith.constant 0 : i32
    %dma_start3A_56 = arith.constant 0 : i32
    %dma_start3A_57 = tpu.memref_slice %arg6[%dma_start3A_54, %dma_start3A_55, %dma_start3A_56] : memref<8x32x128xf32, #tpu.memory_space<vmem>> -> memref<1x32x128xf32, #tpu.memory_space<vmem>>
    %dma_start3A_58 = tpu.memref_squeeze %dma_start3A_57 : memref<1x32x128xf32, #tpu.memory_space<vmem>> -> memref<32x128xf32, #tpu.memory_space<vmem>>
    %dma_start3A_59 = arith.constant 160 : i32
    %dma_start3A_60 = tpu.memref_slice %arg5[%dma_start3A_59] : memref<13312xi32, #tpu.memory_space<vmem>> -> memref<32xi32, #tpu.memory_space<vmem>>
    %dma_start3A_61 = arith.constant 0 : i32
    %dma_start3A_62 = arith.constant 0 : i32
    %dma_start3A_63 = tpu.memref_slice %arg2[%dma_start3A_61, %dma_start3A_62] : memref<100000x128xf32, #tpu.memory_space<hbm>> -> memref<100000x128xf32, #tpu.memory_space<hbm>>
    tpu.enqueue_indirect_dma source(%dma_start3A_63 : memref<100000x128xf32, #tpu.memory_space<hbm>>) target(%dma_start3A_58 : memref<32x128xf32, #tpu.memory_space<vmem>>) offsets(%dma_start3A_60 : memref<32xi32, #tpu.memory_space<vmem>>) semaphore(%arg12 : memref<!tpu.dma_semaphore, #tpu.memory_space<semaphore_mem>>)
    %dma_wait3A = arith.constant 0 : i32
    %dma_wait3A_64 = arith.constant 0 : i32
    %dma_wait3A_65 = arith.constant 0 : i32
    %dma_wait3A_66 = tpu.memref_slice %arg6[%dma_wait3A, %dma_wait3A_64, %dma_wait3A_65] : memref<8x32x128xf32, #tpu.memory_space<vmem>> -> memref<1x32x128xf32, #tpu.memory_space<vmem>>
    %dma_wait3A_67 = tpu.memref_squeeze %dma_wait3A_66 : memref<1x32x128xf32, #tpu.memory_space<vmem>> -> memref<32x128xf32, #tpu.memory_space<vmem>>
    %dma_wait3A_68 = arith.constant 0 : i32
    %dma_wait3A_69 = tpu.memref_slice %arg5[%dma_wait3A_68] : memref<13312xi32, #tpu.memory_space<vmem>> -> memref<32xi32, #tpu.memory_space<vmem>>
    %dma_wait3A_70 = arith.constant 0 : i32
    %dma_wait3A_71 = arith.constant 0 : i32
    %dma_wait3A_72 = tpu.memref_slice %arg2[%dma_wait3A_70, %dma_wait3A_71] : memref<100000x128xf32, #tpu.memory_space<hbm>> -> memref<100000x128xf32, #tpu.memory_space<hbm>>
    tpu.wait_indirect_dma semaphore(%arg7 : memref<!tpu.dma_semaphore, #tpu.memory_space<semaphore_mem>>) src(%dma_wait3A_72 : memref<100000x128xf32, #tpu.memory_space<hbm>>) dst(%dma_wait3A_67 : memref<32x128xf32, #tpu.memory_space<vmem>>)
    %add3A_73 = arith.constant 0 : i32
    %add3A_74 = arith.addi %mul3A_2, %add3A_73 : i32
    %jit3A = arith.constant 512 : i32
    %div3A = arith.divsi %add3A_74, %jit3A : i32
    %sign3A = arith.constant 0 : i32
    %sign3A_75 = arith.cmpi sgt, %add3A_74, %sign3A : i32
    %sign3A_76 = arith.extui %sign3A_75 : i1 to i32
    %sign3A_77 = arith.constant 0 : i32
    %sign3A_78 = arith.cmpi slt, %add3A_74, %sign3A_77 : i32
    %sign3A_79 = arith.extui %sign3A_78 : i1 to i32
    %sign3A_80 = arith.subi %sign3A_76, %sign3A_79 : i32
    %sign3A_81 = arith.constant 0 : i32
    %sign3A_82 = arith.cmpi sgt, %jit3A, %sign3A_81 : i32
    %sign3A_83 = arith.extui %sign3A_82 : i1 to i32
    %sign3A_84 = arith.constant 0 : i32
    %sign3A_85 = arith.cmpi slt, %jit3A, %sign3A_84 : i32
    %sign3A_86 = arith.extui %sign3A_85 : i1 to i32
    %sign3A_87 = arith.subi %sign3A_83, %sign3A_86 : i32
    %ne3A = arith.cmpi ne, %sign3A_80, %sign3A_87 : i32
    %rem3A = arith.remsi %add3A_74, %jit3A : i32
    %ne3A_88 = arith.constant 0 : i32
    %ne3A_89 = arith.cmpi ne, %rem3A, %ne3A_88 : i32
    %and3A = arith.andi %ne3A, %ne3A_89 : i1
    %sub3A = arith.constant 1 : i32
    %sub3A_90 = arith.subi %div3A, %sub3A : i32
    %select_n3A = arith.select %and3A, %sub3A_90, %div3A : i32
    %jit3A_91 = arith.constant 512 : i32
    %eq3A = arith.constant 0 : i32
    %eq3A_92 = arith.cmpi eq, %jit3A_91, %eq3A : i32
    %jit3A_93 = arith.constant 1 : i32
    %select_n3A_94 = arith.select %eq3A_92, %jit3A_93, %jit3A_91 : i32
    %rem3A_95 = arith.remsi %add3A_74, %select_n3A_94 : i32
    %ne3A_96 = arith.constant 0 : i32
    %ne3A_97 = arith.cmpi ne, %rem3A_95, %ne3A_96 : i32
    %lt3A = arith.constant 0 : i32
    %lt3A_98 = arith.cmpi slt, %rem3A_95, %lt3A : i32
    %lt3A_99 = arith.constant 0 : i32
    %lt3A_100 = arith.cmpi slt, %select_n3A_94, %lt3A_99 : i32
    %ne3A_101 = arith.xori %lt3A_98, %lt3A_100 : i1
    %and3A_102 = arith.andi %ne3A_101, %ne3A_97 : i1
    %add3A_103 = arith.addi %rem3A_95, %select_n3A_94 : i32
    %select_n3A_104 = arith.select %and3A_102, %add3A_103, %rem3A_95 : i32
    %mul3A_105 = arith.constant 32 : i32
    %mul3A_106 = arith.muli %select_n3A_104, %mul3A_105 : i32
    %dma_start3A_107 = arith.constant 0 : i32
    %dma_start3A_108 = arith.constant 0 : i32
    %dma_start3A_109 = arith.constant 0 : i32
    %dma_start3A_110 = tpu.memref_slice %arg6[%dma_start3A_107, %dma_start3A_108, %dma_start3A_109] : memref<8x32x128xf32, #tpu.memory_space<vmem>> -> memref<1x32x128xf32, #tpu.memory_space<vmem>>
    %dma_start3A_111 = tpu.memref_squeeze %dma_start3A_110 : memref<1x32x128xf32, #tpu.memory_space<vmem>> -> memref<32x128xf32, #tpu.memory_space<vmem>>
    %dma_start3A_112 = arith.constant 0 : i32
    %dma_start3A_113 = tpu.memref_slice %arg4[%select_n3A, %mul3A_106, %dma_start3A_112] : memref<26x16384x128xf32, #tpu.memory_space<hbm>> -> memref<1x32x128xf32, #tpu.memory_space<hbm>>
    %dma_start3A_114 = tpu.memref_squeeze %dma_start3A_113 : memref<1x32x128xf32, #tpu.memory_space<hbm>> -> memref<32x128xf32, #tpu.memory_space<hbm>>
    %dma_start3A_115 = arith.constant 0 : i32
    %dma_start3A_116 = tpu.memref_slice %arg4[%select_n3A, %mul3A_106, %dma_start3A_115] : memref<26x16384x128xf32, #tpu.memory_space<hbm>> -> memref<1x32x128xf32, #tpu.memory_space<hbm>>
    %dma_start3A_117 = tpu.memref_squeeze %dma_start3A_116 : memref<1x32x128xf32, #tpu.memory_space<hbm>> -> memref<32x128xf32, #tpu.memory_space<hbm>>
    %dma_start3A_118 = arith.constant 0 : i32
    %dma_start3A_119 = arith.constant 0 : i32
    %dma_start3A_120 = tpu.memref_slice %arg6[%dma_start3A_107, %dma_start3A_118, %dma_start3A_119] : memref<8x32x128xf32, #tpu.memory_space<vmem>> -> memref<1x32x128xf32, #tpu.memory_space<vmem>>
    %dma_start3A_121 = tpu.memref_squeeze %dma_start3A_120 : memref<1x32x128xf32, #tpu.memory_space<vmem>> -> memref<32x128xf32, #tpu.memory_space<vmem>>
    tpu.enqueue_dma source(%dma_start3A_121 : memref<32x128xf32, #tpu.memory_space<vmem>>) target(%dma_start3A_117 : memref<32x128xf32, #tpu.memory_space<hbm>>) target_semaphore(%arg15 : memref<!tpu.dma_semaphore, #tpu.memory_space<semaphore_mem>>)
    %dma_start3A_122 = arith.constant 6 : i32
    %dma_start3A_123 = arith.constant 0 : i32
    %dma_start3A_124 = arith.constant 0 : i32
    %dma_start3A_125 = tpu.memref_slice %arg6[%dma_start3A_122, %dma_start3A_123, %dma_start3A_124] : memref<8x32x128xf32, #tpu.memory_space<vmem>> -> memref<1x32x128xf32, #tpu.memory_space<vmem>>
    %dma_start3A_126 = tpu.memref_squeeze %dma_start3A_125 : memref<1x32x128xf32, #tpu.memory_space<vmem>> -> memref<32x128xf32, #tpu.memory_space<vmem>>
    %dma_start3A_127 = arith.constant 192 : i32
    %dma_start3A_128 = tpu.memref_slice %arg5[%dma_start3A_127] : memref<13312xi32, #tpu.memory_space<vmem>> -> memref<32xi32, #tpu.memory_space<vmem>>
    %dma_start3A_129 = arith.constant 0 : i32
    %dma_start3A_130 = arith.constant 0 : i32
    %dma_start3A_131 = tpu.memref_slice %arg2[%dma_start3A_129, %dma_start3A_130] : memref<100000x128xf32, #tpu.memory_space<hbm>> -> memref<100000x128xf32, #tpu.memory_space<hbm>>
    tpu.enqueue_indirect_dma source(%dma_start3A_131 : memref<100000x128xf32, #tpu.memory_space<hbm>>) target(%dma_start3A_126 : memref<32x128xf32, #tpu.memory_space<vmem>>) offsets(%dma_start3A_128 : memref<32xi32, #tpu.memory_space<vmem>>) semaphore(%arg13 : memref<!tpu.dma_semaphore, #tpu.memory_space<semaphore_mem>>)
    %dma_wait3A_132 = arith.constant 1 : i32
    %dma_wait3A_133 = arith.constant 0 : i32
    %dma_wait3A_134 = arith.constant 0 : i32
    %dma_wait3A_135 = tpu.memref_slice %arg6[%dma_wait3A_132, %dma_wait3A_133, %dma_wait3A_134] : memref<8x32x128xf32, #tpu.memory_space<vmem>> -> memref<1x32x128xf32, #tpu.memory_space<vmem>>
    %dma_wait3A_136 = tpu.memref_squeeze %dma_wait3A_135 : memref<1x32x128xf32, #tpu.memory_space<vmem>> -> memref<32x128xf32, #tpu.memory_space<vmem>>
    %dma_wait3A_137 = arith.constant 32 : i32
    %dma_wait3A_138 = tpu.memref_slice %arg5[%dma_wait3A_137] : memref<13312xi32, #tpu.memory_space<vmem>> -> memref<32xi32, #tpu.memory_space<vmem>>
    %dma_wait3A_139 = arith.constant 0 : i32
    %dma_wait3A_140 = arith.constant 0 : i32
    %dma_wait3A_141 = tpu.memref_slice %arg2[%dma_wait3A_139, %dma_wait3A_140] : memref<100000x128xf32, #tpu.memory_space<hbm>> -> memref<100000x128xf32, #tpu.memory_space<hbm>>
    tpu.wait_indirect_dma semaphore(%arg8 : memref<!tpu.dma_semaphore, #tpu.memory_space<semaphore_mem>>) src(%dma_wait3A_141 : memref<100000x128xf32, #tpu.memory_space<hbm>>) dst(%dma_wait3A_136 : memref<32x128xf32, #tpu.memory_space<vmem>>)
    %add3A_142 = arith.constant 1 : i32
    %add3A_143 = arith.addi %mul3A_2, %add3A_142 : i32
    %jit3A_144 = arith.constant 512 : i32
    %div3A_145 = arith.divsi %add3A_143, %jit3A_144 : i32
    %sign3A_146 = arith.constant 0 : i32
    %sign3A_147 = arith.cmpi sgt, %add3A_143, %sign3A_146 : i32
    %sign3A_148 = arith.extui %sign3A_147 : i1 to i32
    %sign3A_149 = arith.constant 0 : i32
    %sign3A_150 = arith.cmpi slt, %add3A_143, %sign3A_149 : i32
    %sign3A_151 = arith.extui %sign3A_150 : i1 to i32
    %sign3A_152 = arith.subi %sign3A_148, %sign3A_151 : i32
    %sign3A_153 = arith.constant 0 : i32
    %sign3A_154 = arith.cmpi sgt, %jit3A_144, %sign3A_153 : i32
    %sign3A_155 = arith.extui %sign3A_154 : i1 to i32
    %sign3A_156 = arith.constant 0 : i32
    %sign3A_157 = arith.cmpi slt, %jit3A_144, %sign3A_156 : i32
    %sign3A_158 = arith.extui %sign3A_157 : i1 to i32
    %sign3A_159 = arith.subi %sign3A_155, %sign3A_158 : i32
    %ne3A_160 = arith.cmpi ne, %sign3A_152, %sign3A_159 : i32
    %rem3A_161 = arith.remsi %add3A_143, %jit3A_144 : i32
    %ne3A_162 = arith.constant 0 : i32
    %ne3A_163 = arith.cmpi ne, %rem3A_161, %ne3A_162 : i32
    %and3A_164 = arith.andi %ne3A_160, %ne3A_163 : i1
    %sub3A_165 = arith.constant 1 : i32
    %sub3A_166 = arith.subi %div3A_145, %sub3A_165 : i32
    %select_n3A_167 = arith.select %and3A_164, %sub3A_166, %div3A_145 : i32
    %jit3A_168 = arith.constant 512 : i32
    %eq3A_169 = arith.constant 0 : i32
    %eq3A_170 = arith.cmpi eq, %jit3A_168, %eq3A_169 : i32
    %jit3A_171 = arith.constant 1 : i32
    %select_n3A_172 = arith.select %eq3A_170, %jit3A_171, %jit3A_168 : i32
    %rem3A_173 = arith.remsi %add3A_143, %select_n3A_172 : i32
    %ne3A_174 = arith.constant 0 : i32
    %ne3A_175 = arith.cmpi ne, %rem3A_173, %ne3A_174 : i32
    %lt3A_176 = arith.constant 0 : i32
    %lt3A_177 = arith.cmpi slt, %rem3A_173, %lt3A_176 : i32
    %lt3A_178 = arith.constant 0 : i32
    %lt3A_179 = arith.cmpi slt, %select_n3A_172, %lt3A_178 : i32
    %ne3A_180 = arith.xori %lt3A_177, %lt3A_179 : i1
    %and3A_181 = arith.andi %ne3A_180, %ne3A_175 : i1
    %add3A_182 = arith.addi %rem3A_173, %select_n3A_172 : i32
    %select_n3A_183 = arith.select %and3A_181, %add3A_182, %rem3A_173 : i32
    %mul3A_184 = arith.constant 32 : i32
    %mul3A_185 = arith.muli %select_n3A_183, %mul3A_184 : i32
    %dma_start3A_186 = arith.constant 1 : i32
    %dma_start3A_187 = arith.constant 0 : i32
    %dma_start3A_188 = arith.constant 0 : i32
    %dma_start3A_189 = tpu.memref_slice %arg6[%dma_start3A_186, %dma_start3A_187, %dma_start3A_188] : memref<8x32x128xf32, #tpu.memory_space<vmem>> -> memref<1x32x128xf32, #tpu.memory_space<vmem>>
    %dma_start3A_190 = tpu.memref_squeeze %dma_start3A_189 : memref<1x32x128xf32, #tpu.memory_space<vmem>> -> memref<32x128xf32, #tpu.memory_space<vmem>>
    %dma_start3A_191 = arith.constant 0 : i32
    %dma_start3A_192 = tpu.memref_slice %arg4[%select_n3A_167, %mul3A_185, %dma_start3A_191] : memref<26x16384x128xf32, #tpu.memory_space<hbm>> -> memref<1x32x128xf32, #tpu.memory_space<hbm>>
    %dma_start3A_193 = tpu.memref_squeeze %dma_start3A_192 : memref<1x32x128xf32, #tpu.memory_space<hbm>> -> memref<32x128xf32, #tpu.memory_space<hbm>>
    %dma_start3A_194 = arith.constant 0 : i32
    %dma_start3A_195 = tpu.memref_slice %arg4[%select_n3A_167, %mul3A_185, %dma_start3A_194] : memref<26x16384x128xf32, #tpu.memory_space<hbm>> -> memref<1x32x128xf32, #tpu.memory_space<hbm>>
    %dma_start3A_196 = tpu.memref_squeeze %dma_start3A_195 : memref<1x32x128xf32, #tpu.memory_space<hbm>> -> memref<32x128xf32, #tpu.memory_space<hbm>>
    %dma_start3A_197 = arith.constant 0 : i32
    %dma_start3A_198 = arith.constant 0 : i32
    %dma_start3A_199 = tpu.memref_slice %arg6[%dma_start3A_186, %dma_start3A_197, %dma_start3A_198] : memref<8x32x128xf32, #tpu.memory_space<vmem>> -> memref<1x32x128xf32, #tpu.memory_space<vmem>>
    %dma_start3A_200 = tpu.memref_squeeze %dma_start3A_199 : memref<1x32x128xf32, #tpu.memory_space<vmem>> -> memref<32x128xf32, #tpu.memory_space<vmem>>
    tpu.enqueue_dma source(%dma_start3A_200 : memref<32x128xf32, #tpu.memory_space<vmem>>) target(%dma_start3A_196 : memref<32x128xf32, #tpu.memory_space<hbm>>) target_semaphore(%arg16 : memref<!tpu.dma_semaphore, #tpu.memory_space<semaphore_mem>>)
    %dma_start3A_201 = arith.constant 7 : i32
    %dma_start3A_202 = arith.constant 0 : i32
    %dma_start3A_203 = arith.constant 0 : i32
    %dma_start3A_204 = tpu.memref_slice %arg6[%dma_start3A_201, %dma_start3A_202, %dma_start3A_203] : memref<8x32x128xf32, #tpu.memory_space<vmem>> -> memref<1x32x128xf32, #tpu.memory_space<vmem>>
    %dma_start3A_205 = tpu.memref_squeeze %dma_start3A_204 : memref<1x32x128xf32, #tpu.memory_space<vmem>> -> memref<32x128xf32, #tpu.memory_space<vmem>>
    %dma_start3A_206 = arith.constant 224 : i32
    %dma_start3A_207 = tpu.memref_slice %arg5[%dma_start3A_206] : memref<13312xi32, #tpu.memory_space<vmem>> -> memref<32xi32, #tpu.memory_space<vmem>>
    %dma_start3A_208 = arith.constant 0 : i32
    %dma_start3A_209 = arith.constant 0 : i32
    %dma_start3A_210 = tpu.memref_slice %arg2[%dma_start3A_208, %dma_start3A_209] : memref<100000x128xf32, #tpu.memory_space<hbm>> -> memref<100000x128xf32, #tpu.memory_space<hbm>>
    tpu.enqueue_indirect_dma source(%dma_start3A_210 : memref<100000x128xf32, #tpu.memory_space<hbm>>) target(%dma_start3A_205 : memref<32x128xf32, #tpu.memory_space<vmem>>) offsets(%dma_start3A_207 : memref<32xi32, #tpu.memory_space<vmem>>) semaphore(%arg14 : memref<!tpu.dma_semaphore, #tpu.memory_space<semaphore_mem>>)
    %dma_wait3A_211 = arith.constant 2 : i32
    %dma_wait3A_212 = arith.constant 0 : i32
    %dma_wait3A_213 = arith.constant 0 : i32
    %dma_wait3A_214 = tpu.memref_slice %arg6[%dma_wait3A_211, %dma_wait3A_212, %dma_wait3A_213] : memref<8x32x128xf32, #tpu.memory_space<vmem>> -> memref<1x32x128xf32, #tpu.memory_space<vmem>>
    %dma_wait3A_215 = tpu.memref_squeeze %dma_wait3A_214 : memref<1x32x128xf32, #tpu.memory_space<vmem>> -> memref<32x128xf32, #tpu.memory_space<vmem>>
    %dma_wait3A_216 = arith.constant 64 : i32
    %dma_wait3A_217 = tpu.memref_slice %arg5[%dma_wait3A_216] : memref<13312xi32, #tpu.memory_space<vmem>> -> memref<32xi32, #tpu.memory_space<vmem>>
    %dma_wait3A_218 = arith.constant 0 : i32
    %dma_wait3A_219 = arith.constant 0 : i32
    %dma_wait3A_220 = tpu.memref_slice %arg2[%dma_wait3A_218, %dma_wait3A_219] : memref<100000x128xf32, #tpu.memory_space<hbm>> -> memref<100000x128xf32, #tpu.memory_space<hbm>>
    tpu.wait_indirect_dma semaphore(%arg9 : memref<!tpu.dma_semaphore, #tpu.memory_space<semaphore_mem>>) src(%dma_wait3A_220 : memref<100000x128xf32, #tpu.memory_space<hbm>>) dst(%dma_wait3A_215 : memref<32x128xf32, #tpu.memory_space<vmem>>)
    %add3A_221 = arith.constant 2 : i32
    %add3A_222 = arith.addi %mul3A_2, %add3A_221 : i32
    %jit3A_223 = arith.constant 512 : i32
    %div3A_224 = arith.divsi %add3A_222, %jit3A_223 : i32
    %sign3A_225 = arith.constant 0 : i32
    %sign3A_226 = arith.cmpi sgt, %add3A_222, %sign3A_225 : i32
    %sign3A_227 = arith.extui %sign3A_226 : i1 to i32
    %sign3A_228 = arith.constant 0 : i32
    %sign3A_229 = arith.cmpi slt, %add3A_222, %sign3A_228 : i32
    %sign3A_230 = arith.extui %sign3A_229 : i1 to i32
    %sign3A_231 = arith.subi %sign3A_227, %sign3A_230 : i32
    %sign3A_232 = arith.constant 0 : i32
    %sign3A_233 = arith.cmpi sgt, %jit3A_223, %sign3A_232 : i32
    %sign3A_234 = arith.extui %sign3A_233 : i1 to i32
    %sign3A_235 = arith.constant 0 : i32
    %sign3A_236 = arith.cmpi slt, %jit3A_223, %sign3A_235 : i32
    %sign3A_237 = arith.extui %sign3A_236 : i1 to i32
    %sign3A_238 = arith.subi %sign3A_234, %sign3A_237 : i32
    %ne3A_239 = arith.cmpi ne, %sign3A_231, %sign3A_238 : i32
    %rem3A_240 = arith.remsi %add3A_222, %jit3A_223 : i32
    %ne3A_241 = arith.constant 0 : i32
    %ne3A_242 = arith.cmpi ne, %rem3A_240, %ne3A_241 : i32
    %and3A_243 = arith.andi %ne3A_239, %ne3A_242 : i1
    %sub3A_244 = arith.constant 1 : i32
    %sub3A_245 = arith.subi %div3A_224, %sub3A_244 : i32
    %select_n3A_246 = arith.select %and3A_243, %sub3A_245, %div3A_224 : i32
    %jit3A_247 = arith.constant 512 : i32
    %eq3A_248 = arith.constant 0 : i32
    %eq3A_249 = arith.cmpi eq, %jit3A_247, %eq3A_248 : i32
    %jit3A_250 = arith.constant 1 : i32
    %select_n3A_251 = arith.select %eq3A_249, %jit3A_250, %jit3A_247 : i32
    %rem3A_252 = arith.remsi %add3A_222, %select_n3A_251 : i32
    %ne3A_253 = arith.constant 0 : i32
    %ne3A_254 = arith.cmpi ne, %rem3A_252, %ne3A_253 : i32
    %lt3A_255 = arith.constant 0 : i32
    %lt3A_256 = arith.cmpi slt, %rem3A_252, %lt3A_255 : i32
    %lt3A_257 = arith.constant 0 : i32
    %lt3A_258 = arith.cmpi slt, %select_n3A_251, %lt3A_257 : i32
    %ne3A_259 = arith.xori %lt3A_256, %lt3A_258 : i1
    %and3A_260 = arith.andi %ne3A_259, %ne3A_254 : i1
    %add3A_261 = arith.addi %rem3A_252, %select_n3A_251 : i32
    %select_n3A_262 = arith.select %and3A_260, %add3A_261, %rem3A_252 : i32
    %mul3A_263 = arith.constant 32 : i32
    %mul3A_264 = arith.muli %select_n3A_262, %mul3A_263 : i32
    %dma_start3A_265 = arith.constant 2 : i32
    %dma_start3A_266 = arith.constant 0 : i32
    %dma_start3A_267 = arith.constant 0 : i32
    %dma_start3A_268 = tpu.memref_slice %arg6[%dma_start3A_265, %dma_start3A_266, %dma_start3A_267] : memref<8x32x128xf32, #tpu.memory_space<vmem>> -> memref<1x32x128xf32, #tpu.memory_space<vmem>>
    %dma_start3A_269 = tpu.memref_squeeze %dma_start3A_268 : memref<1x32x128xf32, #tpu.memory_space<vmem>> -> memref<32x128xf32, #tpu.memory_space<vmem>>
    %dma_start3A_270 = arith.constant 0 : i32
    %dma_start3A_271 = tpu.memref_slice %arg4[%select_n3A_246, %mul3A_264, %dma_start3A_270] : memref<26x16384x128xf32, #tpu.memory_space<hbm>> -> memref<1x32x128xf32, #tpu.memory_space<hbm>>
    %dma_start3A_272 = tpu.memref_squeeze %dma_start3A_271 : memref<1x32x128xf32, #tpu.memory_space<hbm>> -> memref<32x128xf32, #tpu.memory_space<hbm>>
    %dma_start3A_273 = arith.constant 0 : i32
    %dma_start3A_274 = tpu.memref_slice %arg4[%select_n3A_246, %mul3A_264, %dma_start3A_273] : memref<26x16384x128xf32, #tpu.memory_space<hbm>> -> memref<1x32x128xf32, #tpu.memory_space<hbm>>
    %dma_start3A_275 = tpu.memref_squeeze %dma_start3A_274 : memref<1x32x128xf32, #tpu.memory_space<hbm>> -> memref<32x128xf32, #tpu.memory_space<hbm>>
    %dma_start3A_276 = arith.constant 0 : i32
    %dma_start3A_277 = arith.constant 0 : i32
    %dma_start3A_278 = tpu.memref_slice %arg6[%dma_start3A_265, %dma_start3A_276, %dma_start3A_277] : memref<8x32x128xf32, #tpu.memory_space<vmem>> -> memref<1x32x128xf32, #tpu.memory_space<vmem>>
    %dma_start3A_279 = tpu.memref_squeeze %dma_start3A_278 : memref<1x32x128xf32, #tpu.memory_space<vmem>> -> memref<32x128xf32, #tpu.memory_space<vmem>>
    tpu.enqueue_dma source(%dma_start3A_279 : memref<32x128xf32, #tpu.memory_space<vmem>>) target(%dma_start3A_275 : memref<32x128xf32, #tpu.memory_space<hbm>>) target_semaphore(%arg17 : memref<!tpu.dma_semaphore, #tpu.memory_space<semaphore_mem>>)
    %add3A_280 = arith.constant 2 : i32
    %add3A_281 = arith.addi %mul3A_2, %add3A_280 : i32
    %jit3A_282 = arith.constant 512 : i32
    %div3A_283 = arith.divsi %add3A_281, %jit3A_282 : i32
    %sign3A_284 = arith.constant 0 : i32
    %sign3A_285 = arith.cmpi sgt, %add3A_281, %sign3A_284 : i32
    %sign3A_286 = arith.extui %sign3A_285 : i1 to i32
    %sign3A_287 = arith.constant 0 : i32
    %sign3A_288 = arith.cmpi slt, %add3A_281, %sign3A_287 : i32
    %sign3A_289 = arith.extui %sign3A_288 : i1 to i32
    %sign3A_290 = arith.subi %sign3A_286, %sign3A_289 : i32
    %sign3A_291 = arith.constant 0 : i32
    %sign3A_292 = arith.cmpi sgt, %jit3A_282, %sign3A_291 : i32
    %sign3A_293 = arith.extui %sign3A_292 : i1 to i32
    %sign3A_294 = arith.constant 0 : i32
    %sign3A_295 = arith.cmpi slt, %jit3A_282, %sign3A_294 : i32
    %sign3A_296 = arith.extui %sign3A_295 : i1 to i32
    %sign3A_297 = arith.subi %sign3A_293, %sign3A_296 : i32
    %ne3A_298 = arith.cmpi ne, %sign3A_290, %sign3A_297 : i32
    %rem3A_299 = arith.remsi %add3A_281, %jit3A_282 : i32
    %ne3A_300 = arith.constant 0 : i32
    %ne3A_301 = arith.cmpi ne, %rem3A_299, %ne3A_300 : i32
    %and3A_302 = arith.andi %ne3A_298, %ne3A_301 : i1
    %sub3A_303 = arith.constant 1 : i32
    %sub3A_304 = arith.subi %div3A_283, %sub3A_303 : i32
    %select_n3A_305 = arith.select %and3A_302, %sub3A_304, %div3A_283 : i32
    %jit3A_306 = arith.constant 512 : i32
    %eq3A_307 = arith.constant 0 : i32
    %eq3A_308 = arith.cmpi eq, %jit3A_306, %eq3A_307 : i32
    %jit3A_309 = arith.constant 1 : i32
    %select_n3A_310 = arith.select %eq3A_308, %jit3A_309, %jit3A_306 : i32
    %rem3A_311 = arith.remsi %add3A_281, %select_n3A_310 : i32
    %ne3A_312 = arith.constant 0 : i32
    %ne3A_313 = arith.cmpi ne, %rem3A_311, %ne3A_312 : i32
    %lt3A_314 = arith.constant 0 : i32
    %lt3A_315 = arith.cmpi slt, %rem3A_311, %lt3A_314 : i32
    %lt3A_316 = arith.constant 0 : i32
    %lt3A_317 = arith.cmpi slt, %select_n3A_310, %lt3A_316 : i32
    %ne3A_318 = arith.xori %lt3A_315, %lt3A_317 : i1
    %and3A_319 = arith.andi %ne3A_318, %ne3A_313 : i1
    %add3A_320 = arith.addi %rem3A_311, %select_n3A_310 : i32
    %select_n3A_321 = arith.select %and3A_319, %add3A_320, %rem3A_311 : i32
    %mul3A_322 = arith.constant 32 : i32
    %mul3A_323 = arith.muli %select_n3A_321, %mul3A_322 : i32
    %dma_wait3A_324 = arith.constant 0 : i32
    %dma_wait3A_325 = arith.constant 0 : i32
    %dma_wait3A_326 = arith.constant 0 : i32
    %dma_wait3A_327 = tpu.memref_slice %arg6[%dma_wait3A_324, %dma_wait3A_325, %dma_wait3A_326] : memref<8x32x128xf32, #tpu.memory_space<vmem>> -> memref<1x32x128xf32, #tpu.memory_space<vmem>>
    %dma_wait3A_328 = tpu.memref_squeeze %dma_wait3A_327 : memref<1x32x128xf32, #tpu.memory_space<vmem>> -> memref<32x128xf32, #tpu.memory_space<vmem>>
    %dma_wait3A_329 = arith.constant 0 : i32
    %dma_wait3A_330 = tpu.memref_slice %arg4[%select_n3A_305, %mul3A_323, %dma_wait3A_329] : memref<26x16384x128xf32, #tpu.memory_space<hbm>> -> memref<1x32x128xf32, #tpu.memory_space<hbm>>
    %dma_wait3A_331 = tpu.memref_squeeze %dma_wait3A_330 : memref<1x32x128xf32, #tpu.memory_space<hbm>> -> memref<32x128xf32, #tpu.memory_space<hbm>>
    %dma_wait3A_332 = arith.constant 0 : i32
    %dma_wait3A_333 = tpu.memref_slice %arg4[%select_n3A_305, %mul3A_323, %dma_wait3A_332] : memref<26x16384x128xf32, #tpu.memory_space<hbm>> -> memref<1x32x128xf32, #tpu.memory_space<hbm>>
    %dma_wait3A_334 = tpu.memref_squeeze %dma_wait3A_333 : memref<1x32x128xf32, #tpu.memory_space<hbm>> -> memref<32x128xf32, #tpu.memory_space<hbm>>
    %dma_wait3A_335 = arith.constant 0 : i32
    %dma_wait3A_336 = arith.constant 0 : i32
    %dma_wait3A_337 = tpu.memref_slice %arg6[%dma_wait3A_324, %dma_wait3A_335, %dma_wait3A_336] : memref<8x32x128xf32, #tpu.memory_space<vmem>> -> memref<1x32x128xf32, #tpu.memory_space<vmem>>
    %dma_wait3A_338 = tpu.memref_squeeze %dma_wait3A_337 : memref<1x32x128xf32, #tpu.memory_space<vmem>> -> memref<32x128xf32, #tpu.memory_space<vmem>>
    tpu.wait_dma2 semaphore(%arg15 : memref<!tpu.dma_semaphore, #tpu.memory_space<semaphore_mem>>) src(%dma_wait3A_338 : memref<32x128xf32, #tpu.memory_space<vmem>>) dst(%dma_wait3A_334 : memref<32x128xf32, #tpu.memory_space<hbm>>)
    %dma_start3A_339 = arith.constant 0 : i32
    %dma_start3A_340 = arith.constant 0 : i32
    %dma_start3A_341 = arith.constant 0 : i32
    %dma_start3A_342 = tpu.memref_slice %arg6[%dma_start3A_339, %dma_start3A_340, %dma_start3A_341] : memref<8x32x128xf32, #tpu.memory_space<vmem>> -> memref<1x32x128xf32, #tpu.memory_space<vmem>>
    %dma_start3A_343 = tpu.memref_squeeze %dma_start3A_342 : memref<1x32x128xf32, #tpu.memory_space<vmem>> -> memref<32x128xf32, #tpu.memory_space<vmem>>
    %dma_start3A_344 = arith.constant 256 : i32
    %dma_start3A_345 = tpu.memref_slice %arg5[%dma_start3A_344] : memref<13312xi32, #tpu.memory_space<vmem>> -> memref<32xi32, #tpu.memory_space<vmem>>
    %dma_start3A_346 = arith.constant 0 : i32
    %dma_start3A_347 = arith.constant 0 : i32
    %dma_start3A_348 = tpu.memref_slice %arg2[%dma_start3A_346, %dma_start3A_347] : memref<100000x128xf32, #tpu.memory_space<hbm>> -> memref<100000x128xf32, #tpu.memory_space<hbm>>
    tpu.enqueue_indirect_dma source(%dma_start3A_348 : memref<100000x128xf32, #tpu.memory_space<hbm>>) target(%dma_start3A_343 : memref<32x128xf32, #tpu.memory_space<vmem>>) offsets(%dma_start3A_345 : memref<32xi32, #tpu.memory_space<vmem>>) semaphore(%arg7 : memref<!tpu.dma_semaphore, #tpu.memory_space<semaphore_mem>>)
    %dma_wait3A_349 = arith.constant 3 : i32
    %dma_wait3A_350 = arith.constant 0 : i32
    %dma_wait3A_351 = arith.constant 0 : i32
    %dma_wait3A_352 = tpu.memref_slice %arg6[%dma_wait3A_349, %dma_wait3A_350, %dma_wait3A_351] : memref<8x32x128xf32, #tpu.memory_space<vmem>> -> memref<1x32x128xf32, #tpu.memory_space<vmem>>
    %dma_wait3A_353 = tpu.memref_squeeze %dma_wait3A_352 : memref<1x32x128xf32, #tpu.memory_space<vmem>> -> memref<32x128xf32, #tpu.memory_space<vmem>>
    %dma_wait3A_354 = arith.constant 96 : i32
    %dma_wait3A_355 = tpu.memref_slice %arg5[%dma_wait3A_354] : memref<13312xi32, #tpu.memory_space<vmem>> -> memref<32xi32, #tpu.memory_space<vmem>>
    %dma_wait3A_356 = arith.constant 0 : i32
    %dma_wait3A_357 = arith.constant 0 : i32
    %dma_wait3A_358 = tpu.memref_slice %arg2[%dma_wait3A_356, %dma_wait3A_357] : memref<100000x128xf32, #tpu.memory_space<hbm>> -> memref<100000x128xf32, #tpu.memory_space<hbm>>
    tpu.wait_indirect_dma semaphore(%arg10 : memref<!tpu.dma_semaphore, #tpu.memory_space<semaphore_mem>>) src(%dma_wait3A_358 : memref<100000x128xf32, #tpu.memory_space<hbm>>) dst(%dma_wait3A_353 : memref<32x128xf32, #tpu.memory_space<vmem>>)
    %add3A_359 = arith.constant 3 : i32
    %add3A_360 = arith.addi %mul3A_2, %add3A_359 : i32
    %jit3A_361 = arith.constant 512 : i32
    %div3A_362 = arith.divsi %add3A_360, %jit3A_361 : i32
    %sign3A_363 = arith.constant 0 : i32
    %sign3A_364 = arith.cmpi sgt, %add3A_360, %sign3A_363 : i32
    %sign3A_365 = arith.extui %sign3A_364 : i1 to i32
    %sign3A_366 = arith.constant 0 : i32
    %sign3A_367 = arith.cmpi slt, %add3A_360, %sign3A_366 : i32
    %sign3A_368 = arith.extui %sign3A_367 : i1 to i32
    %sign3A_369 = arith.subi %sign3A_365, %sign3A_368 : i32
    %sign3A_370 = arith.constant 0 : i32
    %sign3A_371 = arith.cmpi sgt, %jit3A_361, %sign3A_370 : i32
    %sign3A_372 = arith.extui %sign3A_371 : i1 to i32
    %sign3A_373 = arith.constant 0 : i32
    %sign3A_374 = arith.cmpi slt, %jit3A_361, %sign3A_373 : i32
    %sign3A_375 = arith.extui %sign3A_374 : i1 to i32
    %sign3A_376 = arith.subi %sign3A_372, %sign3A_375 : i32
    %ne3A_377 = arith.cmpi ne, %sign3A_369, %sign3A_376 : i32
    %rem3A_378 = arith.remsi %add3A_360, %jit3A_361 : i32
    %ne3A_379 = arith.constant 0 : i32
    %ne3A_380 = arith.cmpi ne, %rem3A_378, %ne3A_379 : i32
    %and3A_381 = arith.andi %ne3A_377, %ne3A_380 : i1
    %sub3A_382 = arith.constant 1 : i32
    %sub3A_383 = arith.subi %div3A_362, %sub3A_382 : i32
    %select_n3A_384 = arith.select %and3A_381, %sub3A_383, %div3A_362 : i32
    %jit3A_385 = arith.constant 512 : i32
    %eq3A_386 = arith.constant 0 : i32
    %eq3A_387 = arith.cmpi eq, %jit3A_385, %eq3A_386 : i32
    %jit3A_388 = arith.constant 1 : i32
    %select_n3A_389 = arith.select %eq3A_387, %jit3A_388, %jit3A_385 : i32
    %rem3A_390 = arith.remsi %add3A_360, %select_n3A_389 : i32
    %ne3A_391 = arith.constant 0 : i32
    %ne3A_392 = arith.cmpi ne, %rem3A_390, %ne3A_391 : i32
    %lt3A_393 = arith.constant 0 : i32
    %lt3A_394 = arith.cmpi slt, %rem3A_390, %lt3A_393 : i32
    %lt3A_395 = arith.constant 0 : i32
    %lt3A_396 = arith.cmpi slt, %select_n3A_389, %lt3A_395 : i32
    %ne3A_397 = arith.xori %lt3A_394, %lt3A_396 : i1
    %and3A_398 = arith.andi %ne3A_397, %ne3A_392 : i1
    %add3A_399 = arith.addi %rem3A_390, %select_n3A_389 : i32
    %select_n3A_400 = arith.select %and3A_398, %add3A_399, %rem3A_390 : i32
    %mul3A_401 = arith.constant 32 : i32
    %mul3A_402 = arith.muli %select_n3A_400, %mul3A_401 : i32
    %dma_start3A_403 = arith.constant 3 : i32
    %dma_start3A_404 = arith.constant 0 : i32
    %dma_start3A_405 = arith.constant 0 : i32
    %dma_start3A_406 = tpu.memref_slice %arg6[%dma_start3A_403, %dma_start3A_404, %dma_start3A_405] : memref<8x32x128xf32, #tpu.memory_space<vmem>> -> memref<1x32x128xf32, #tpu.memory_space<vmem>>
    %dma_start3A_407 = tpu.memref_squeeze %dma_start3A_406 : memref<1x32x128xf32, #tpu.memory_space<vmem>> -> memref<32x128xf32, #tpu.memory_space<vmem>>
    %dma_start3A_408 = arith.constant 0 : i32
    %dma_start3A_409 = tpu.memref_slice %arg4[%select_n3A_384, %mul3A_402, %dma_start3A_408] : memref<26x16384x128xf32, #tpu.memory_space<hbm>> -> memref<1x32x128xf32, #tpu.memory_space<hbm>>
    %dma_start3A_410 = tpu.memref_squeeze %dma_start3A_409 : memref<1x32x128xf32, #tpu.memory_space<hbm>> -> memref<32x128xf32, #tpu.memory_space<hbm>>
    %dma_start3A_411 = arith.constant 0 : i32
    %dma_start3A_412 = tpu.memref_slice %arg4[%select_n3A_384, %mul3A_402, %dma_start3A_411] : memref<26x16384x128xf32, #tpu.memory_space<hbm>> -> memref<1x32x128xf32, #tpu.memory_space<hbm>>
    %dma_start3A_413 = tpu.memref_squeeze %dma_start3A_412 : memref<1x32x128xf32, #tpu.memory_space<hbm>> -> memref<32x128xf32, #tpu.memory_space<hbm>>
    %dma_start3A_414 = arith.constant 0 : i32
    %dma_start3A_415 = arith.constant 0 : i32
    %dma_start3A_416 = tpu.memref_slice %arg6[%dma_start3A_403, %dma_start3A_414, %dma_start3A_415] : memref<8x32x128xf32, #tpu.memory_space<vmem>> -> memref<1x32x128xf32, #tpu.memory_space<vmem>>
    %dma_start3A_417 = tpu.memref_squeeze %dma_start3A_416 : memref<1x32x128xf32, #tpu.memory_space<vmem>> -> memref<32x128xf32, #tpu.memory_space<vmem>>
    tpu.enqueue_dma source(%dma_start3A_417 : memref<32x128xf32, #tpu.memory_space<vmem>>) target(%dma_start3A_413 : memref<32x128xf32, #tpu.memory_space<hbm>>) target_semaphore(%arg18 : memref<!tpu.dma_semaphore, #tpu.memory_space<semaphore_mem>>)
    %add3A_418 = arith.constant 3 : i32
    %add3A_419 = arith.addi %mul3A_2, %add3A_418 : i32
    %jit3A_420 = arith.constant 512 : i32
    %div3A_421 = arith.divsi %add3A_419, %jit3A_420 : i32
    %sign3A_422 = arith.constant 0 : i32
    %sign3A_423 = arith.cmpi sgt, %add3A_419, %sign3A_422 : i32
    %sign3A_424 = arith.extui %sign3A_423 : i1 to i32
    %sign3A_425 = arith.constant 0 : i32
    %sign3A_426 = arith.cmpi slt, %add3A_419, %sign3A_425 : i32
    %sign3A_427 = arith.extui %sign3A_426 : i1 to i32
    %sign3A_428 = arith.subi %sign3A_424, %sign3A_427 : i32
    %sign3A_429 = arith.constant 0 : i32
    %sign3A_430 = arith.cmpi sgt, %jit3A_420, %sign3A_429 : i32
    %sign3A_431 = arith.extui %sign3A_430 : i1 to i32
    %sign3A_432 = arith.constant 0 : i32
    %sign3A_433 = arith.cmpi slt, %jit3A_420, %sign3A_432 : i32
    %sign3A_434 = arith.extui %sign3A_433 : i1 to i32
    %sign3A_435 = arith.subi %sign3A_431, %sign3A_434 : i32
    %ne3A_436 = arith.cmpi ne, %sign3A_428, %sign3A_435 : i32
    %rem3A_437 = arith.remsi %add3A_419, %jit3A_420 : i32
    %ne3A_438 = arith.constant 0 : i32
    %ne3A_439 = arith.cmpi ne, %rem3A_437, %ne3A_438 : i32
    %and3A_440 = arith.andi %ne3A_436, %ne3A_439 : i1
    %sub3A_441 = arith.constant 1 : i32
    %sub3A_442 = arith.subi %div3A_421, %sub3A_441 : i32
    %select_n3A_443 = arith.select %and3A_440, %sub3A_442, %div3A_421 : i32
    %jit3A_444 = arith.constant 512 : i32
    %eq3A_445 = arith.constant 0 : i32
    %eq3A_446 = arith.cmpi eq, %jit3A_444, %eq3A_445 : i32
    %jit3A_447 = arith.constant 1 : i32
    %select_n3A_448 = arith.select %eq3A_446, %jit3A_447, %jit3A_444 : i32
    %rem3A_449 = arith.remsi %add3A_419, %select_n3A_448 : i32
    %ne3A_450 = arith.constant 0 : i32
    %ne3A_451 = arith.cmpi ne, %rem3A_449, %ne3A_450 : i32
    %lt3A_452 = arith.constant 0 : i32
    %lt3A_453 = arith.cmpi slt, %rem3A_449, %lt3A_452 : i32
    %lt3A_454 = arith.constant 0 : i32
    %lt3A_455 = arith.cmpi slt, %select_n3A_448, %lt3A_454 : i32
    %ne3A_456 = arith.xori %lt3A_453, %lt3A_455 : i1
    %and3A_457 = arith.andi %ne3A_456, %ne3A_451 : i1
    %add3A_458 = arith.addi %rem3A_449, %select_n3A_448 : i32
    %select_n3A_459 = arith.select %and3A_457, %add3A_458, %rem3A_449 : i32
    %mul3A_460 = arith.constant 32 : i32
    %mul3A_461 = arith.muli %select_n3A_459, %mul3A_460 : i32
    %dma_wait3A_462 = arith.constant 1 : i32
    %dma_wait3A_463 = arith.constant 0 : i32
    %dma_wait3A_464 = arith.constant 0 : i32
    %dma_wait3A_465 = tpu.memref_slice %arg6[%dma_wait3A_462, %dma_wait3A_463, %dma_wait3A_464] : memref<8x32x128xf32, #tpu.memory_space<vmem>> -> memref<1x32x128xf32, #tpu.memory_space<vmem>>
    %dma_wait3A_466 = tpu.memref_squeeze %dma_wait3A_465 : memref<1x32x128xf32, #tpu.memory_space<vmem>> -> memref<32x128xf32, #tpu.memory_space<vmem>>
    %dma_wait3A_467 = arith.constant 0 : i32
    %dma_wait3A_468 = tpu.memref_slice %arg4[%select_n3A_443, %mul3A_461, %dma_wait3A_467] : memref<26x16384x128xf32, #tpu.memory_space<hbm>> -> memref<1x32x128xf32, #tpu.memory_space<hbm>>
    %dma_wait3A_469 = tpu.memref_squeeze %dma_wait3A_468 : memref<1x32x128xf32, #tpu.memory_space<hbm>> -> memref<32x128xf32, #tpu.memory_space<hbm>>
    %dma_wait3A_470 = arith.constant 0 : i32
    %dma_wait3A_471 = tpu.memref_slice %arg4[%select_n3A_443, %mul3A_461, %dma_wait3A_470] : memref<26x16384x128xf32, #tpu.memory_space<hbm>> -> memref<1x32x128xf32, #tpu.memory_space<hbm>>
    %dma_wait3A_472 = tpu.memref_squeeze %dma_wait3A_471 : memref<1x32x128xf32, #tpu.memory_space<hbm>> -> memref<32x128xf32, #tpu.memory_space<hbm>>
    %dma_wait3A_473 = arith.constant 0 : i32
    %dma_wait3A_474 = arith.constant 0 : i32
    %dma_wait3A_475 = tpu.memref_slice %arg6[%dma_wait3A_462, %dma_wait3A_473, %dma_wait3A_474] : memref<8x32x128xf32, #tpu.memory_space<vmem>> -> memref<1x32x128xf32, #tpu.memory_space<vmem>>
    %dma_wait3A_476 = tpu.memref_squeeze %dma_wait3A_475 : memref<1x32x128xf32, #tpu.memory_space<vmem>> -> memref<32x128xf32, #tpu.memory_space<vmem>>
    tpu.wait_dma2 semaphore(%arg16 : memref<!tpu.dma_semaphore, #tpu.memory_space<semaphore_mem>>) src(%dma_wait3A_476 : memref<32x128xf32, #tpu.memory_space<vmem>>) dst(%dma_wait3A_472 : memref<32x128xf32, #tpu.memory_space<hbm>>)
    %dma_start3A_477 = arith.constant 1 : i32
    %dma_start3A_478 = arith.constant 0 : i32
    %dma_start3A_479 = arith.constant 0 : i32
    %dma_start3A_480 = tpu.memref_slice %arg6[%dma_start3A_477, %dma_start3A_478, %dma_start3A_479] : memref<8x32x128xf32, #tpu.memory_space<vmem>> -> memref<1x32x128xf32, #tpu.memory_space<vmem>>
    %dma_start3A_481 = tpu.memref_squeeze %dma_start3A_480 : memref<1x32x128xf32, #tpu.memory_space<vmem>> -> memref<32x128xf32, #tpu.memory_space<vmem>>
    %dma_start3A_482 = arith.constant 288 : i32
    %dma_start3A_483 = tpu.memref_slice %arg5[%dma_start3A_482] : memref<13312xi32, #tpu.memory_space<vmem>> -> memref<32xi32, #tpu.memory_space<vmem>>
    %dma_start3A_484 = arith.constant 0 : i32
    %dma_start3A_485 = arith.constant 0 : i32
    %dma_start3A_486 = tpu.memref_slice %arg2[%dma_start3A_484, %dma_start3A_485] : memref<100000x128xf32, #tpu.memory_space<hbm>> -> memref<100000x128xf32, #tpu.memory_space<hbm>>
    tpu.enqueue_indirect_dma source(%dma_start3A_486 : memref<100000x128xf32, #tpu.memory_space<hbm>>) target(%dma_start3A_481 : memref<32x128xf32, #tpu.memory_space<vmem>>) offsets(%dma_start3A_483 : memref<32xi32, #tpu.memory_space<vmem>>) semaphore(%arg8 : memref<!tpu.dma_semaphore, #tpu.memory_space<semaphore_mem>>)
    %dma_wait3A_487 = arith.constant 4 : i32
    %dma_wait3A_488 = arith.constant 0 : i32
    %dma_wait3A_489 = arith.constant 0 : i32
    %dma_wait3A_490 = tpu.memref_slice %arg6[%dma_wait3A_487, %dma_wait3A_488, %dma_wait3A_489] : memref<8x32x128xf32, #tpu.memory_space<vmem>> -> memref<1x32x128xf32, #tpu.memory_space<vmem>>
    %dma_wait3A_491 = tpu.memref_squeeze %dma_wait3A_490 : memref<1x32x128xf32, #tpu.memory_space<vmem>> -> memref<32x128xf32, #tpu.memory_space<vmem>>
    %dma_wait3A_492 = arith.constant 128 : i32
    %dma_wait3A_493 = tpu.memref_slice %arg5[%dma_wait3A_492] : memref<13312xi32, #tpu.memory_space<vmem>> -> memref<32xi32, #tpu.memory_space<vmem>>
    %dma_wait3A_494 = arith.constant 0 : i32
    %dma_wait3A_495 = arith.constant 0 : i32
    %dma_wait3A_496 = tpu.memref_slice %arg2[%dma_wait3A_494, %dma_wait3A_495] : memref<100000x128xf32, #tpu.memory_space<hbm>> -> memref<100000x128xf32, #tpu.memory_space<hbm>>
    tpu.wait_indirect_dma semaphore(%arg11 : memref<!tpu.dma_semaphore, #tpu.memory_space<semaphore_mem>>) src(%dma_wait3A_496 : memref<100000x128xf32, #tpu.memory_space<hbm>>) dst(%dma_wait3A_491 : memref<32x128xf32, #tpu.memory_space<vmem>>)
    %add3A_497 = arith.constant 4 : i32
    %add3A_498 = arith.addi %mul3A_2, %add3A_497 : i32
    %jit3A_499 = arith.constant 512 : i32
    %div3A_500 = arith.divsi %add3A_498, %jit3A_499 : i32
    %sign3A_501 = arith.constant 0 : i32
    %sign3A_502 = arith.cmpi sgt, %add3A_498, %sign3A_501 : i32
    %sign3A_503 = arith.extui %sign3A_502 : i1 to i32
    %sign3A_504 = arith.constant 0 : i32
    %sign3A_505 = arith.cmpi slt, %add3A_498, %sign3A_504 : i32
    %sign3A_506 = arith.extui %sign3A_505 : i1 to i32
    %sign3A_507 = arith.subi %sign3A_503, %sign3A_506 : i32
    %sign3A_508 = arith.constant 0 : i32
    %sign3A_509 = arith.cmpi sgt, %jit3A_499, %sign3A_508 : i32
    %sign3A_510 = arith.extui %sign3A_509 : i1 to i32
    %sign3A_511 = arith.constant 0 : i32
    %sign3A_512 = arith.cmpi slt, %jit3A_499, %sign3A_511 : i32
    %sign3A_513 = arith.extui %sign3A_512 : i1 to i32
    %sign3A_514 = arith.subi %sign3A_510, %sign3A_513 : i32
    %ne3A_515 = arith.cmpi ne, %sign3A_507, %sign3A_514 : i32
    %rem3A_516 = arith.remsi %add3A_498, %jit3A_499 : i32
    %ne3A_517 = arith.constant 0 : i32
    %ne3A_518 = arith.cmpi ne, %rem3A_516, %ne3A_517 : i32
    %and3A_519 = arith.andi %ne3A_515, %ne3A_518 : i1
    %sub3A_520 = arith.constant 1 : i32
    %sub3A_521 = arith.subi %div3A_500, %sub3A_520 : i32
    %select_n3A_522 = arith.select %and3A_519, %sub3A_521, %div3A_500 : i32
    %jit3A_523 = arith.constant 512 : i32
    %eq3A_524 = arith.constant 0 : i32
    %eq3A_525 = arith.cmpi eq, %jit3A_523, %eq3A_524 : i32
    %jit3A_526 = arith.constant 1 : i32
    %select_n3A_527 = arith.select %eq3A_525, %jit3A_526, %jit3A_523 : i32
    %rem3A_528 = arith.remsi %add3A_498, %select_n3A_527 : i32
    %ne3A_529 = arith.constant 0 : i32
    %ne3A_530 = arith.cmpi ne, %rem3A_528, %ne3A_529 : i32
    %lt3A_531 = arith.constant 0 : i32
    %lt3A_532 = arith.cmpi slt, %rem3A_528, %lt3A_531 : i32
    %lt3A_533 = arith.constant 0 : i32
    %lt3A_534 = arith.cmpi slt, %select_n3A_527, %lt3A_533 : i32
    %ne3A_535 = arith.xori %lt3A_532, %lt3A_534 : i1
    %and3A_536 = arith.andi %ne3A_535, %ne3A_530 : i1
    %add3A_537 = arith.addi %rem3A_528, %select_n3A_527 : i32
    %select_n3A_538 = arith.select %and3A_536, %add3A_537, %rem3A_528 : i32
    %mul3A_539 = arith.constant 32 : i32
    %mul3A_540 = arith.muli %select_n3A_538, %mul3A_539 : i32
    %dma_start3A_541 = arith.constant 4 : i32
    %dma_start3A_542 = arith.constant 0 : i32
    %dma_start3A_543 = arith.constant 0 : i32
    %dma_start3A_544 = tpu.memref_slice %arg6[%dma_start3A_541, %dma_start3A_542, %dma_start3A_543] : memref<8x32x128xf32, #tpu.memory_space<vmem>> -> memref<1x32x128xf32, #tpu.memory_space<vmem>>
    %dma_start3A_545 = tpu.memref_squeeze %dma_start3A_544 : memref<1x32x128xf32, #tpu.memory_space<vmem>> -> memref<32x128xf32, #tpu.memory_space<vmem>>
    %dma_start3A_546 = arith.constant 0 : i32
    %dma_start3A_547 = tpu.memref_slice %arg4[%select_n3A_522, %mul3A_540, %dma_start3A_546] : memref<26x16384x128xf32, #tpu.memory_space<hbm>> -> memref<1x32x128xf32, #tpu.memory_space<hbm>>
    %dma_start3A_548 = tpu.memref_squeeze %dma_start3A_547 : memref<1x32x128xf32, #tpu.memory_space<hbm>> -> memref<32x128xf32, #tpu.memory_space<hbm>>
    %dma_start3A_549 = arith.constant 0 : i32
    %dma_start3A_550 = tpu.memref_slice %arg4[%select_n3A_522, %mul3A_540, %dma_start3A_549] : memref<26x16384x128xf32, #tpu.memory_space<hbm>> -> memref<1x32x128xf32, #tpu.memory_space<hbm>>
    %dma_start3A_551 = tpu.memref_squeeze %dma_start3A_550 : memref<1x32x128xf32, #tpu.memory_space<hbm>> -> memref<32x128xf32, #tpu.memory_space<hbm>>
    %dma_start3A_552 = arith.constant 0 : i32
    %dma_start3A_553 = arith.constant 0 : i32
    %dma_start3A_554 = tpu.memref_slice %arg6[%dma_start3A_541, %dma_start3A_552, %dma_start3A_553] : memref<8x32x128xf32, #tpu.memory_space<vmem>> -> memref<1x32x128xf32, #tpu.memory_space<vmem>>
    %dma_start3A_555 = tpu.memref_squeeze %dma_start3A_554 : memref<1x32x128xf32, #tpu.memory_space<vmem>> -> memref<32x128xf32, #tpu.memory_space<vmem>>
    tpu.enqueue_dma source(%dma_start3A_555 : memref<32x128xf32, #tpu.memory_space<vmem>>) target(%dma_start3A_551 : memref<32x128xf32, #tpu.memory_space<hbm>>) target_semaphore(%arg19 : memref<!tpu.dma_semaphore, #tpu.memory_space<semaphore_mem>>)
    %add3A_556 = arith.constant 4 : i32
    %add3A_557 = arith.addi %mul3A_2, %add3A_556 : i32
    %jit3A_558 = arith.constant 512 : i32
    %div3A_559 = arith.divsi %add3A_557, %jit3A_558 : i32
    %sign3A_560 = arith.constant 0 : i32
    %sign3A_561 = arith.cmpi sgt, %add3A_557, %sign3A_560 : i32
    %sign3A_562 = arith.extui %sign3A_561 : i1 to i32
    %sign3A_563 = arith.constant 0 : i32
    %sign3A_564 = arith.cmpi slt, %add3A_557, %sign3A_563 : i32
    %sign3A_565 = arith.extui %sign3A_564 : i1 to i32
    %sign3A_566 = arith.subi %sign3A_562, %sign3A_565 : i32
    %sign3A_567 = arith.constant 0 : i32
    %sign3A_568 = arith.cmpi sgt, %jit3A_558, %sign3A_567 : i32
    %sign3A_569 = arith.extui %sign3A_568 : i1 to i32
    %sign3A_570 = arith.constant 0 : i32
    %sign3A_571 = arith.cmpi slt, %jit3A_558, %sign3A_570 : i32
    %sign3A_572 = arith.extui %sign3A_571 : i1 to i32
    %sign3A_573 = arith.subi %sign3A_569, %sign3A_572 : i32
    %ne3A_574 = arith.cmpi ne, %sign3A_566, %sign3A_573 : i32
    %rem3A_575 = arith.remsi %add3A_557, %jit3A_558 : i32
    %ne3A_576 = arith.constant 0 : i32
    %ne3A_577 = arith.cmpi ne, %rem3A_575, %ne3A_576 : i32
    %and3A_578 = arith.andi %ne3A_574, %ne3A_577 : i1
    %sub3A_579 = arith.constant 1 : i32
    %sub3A_580 = arith.subi %div3A_559, %sub3A_579 : i32
    %select_n3A_581 = arith.select %and3A_578, %sub3A_580, %div3A_559 : i32
    %jit3A_582 = arith.constant 512 : i32
    %eq3A_583 = arith.constant 0 : i32
    %eq3A_584 = arith.cmpi eq, %jit3A_582, %eq3A_583 : i32
    %jit3A_585 = arith.constant 1 : i32
    %select_n3A_586 = arith.select %eq3A_584, %jit3A_585, %jit3A_582 : i32
    %rem3A_587 = arith.remsi %add3A_557, %select_n3A_586 : i32
    %ne3A_588 = arith.constant 0 : i32
    %ne3A_589 = arith.cmpi ne, %rem3A_587, %ne3A_588 : i32
    %lt3A_590 = arith.constant 0 : i32
    %lt3A_591 = arith.cmpi slt, %rem3A_587, %lt3A_590 : i32
    %lt3A_592 = arith.constant 0 : i32
    %lt3A_593 = arith.cmpi slt, %select_n3A_586, %lt3A_592 : i32
    %ne3A_594 = arith.xori %lt3A_591, %lt3A_593 : i1
    %and3A_595 = arith.andi %ne3A_594, %ne3A_589 : i1
    %add3A_596 = arith.addi %rem3A_587, %select_n3A_586 : i32
    %select_n3A_597 = arith.select %and3A_595, %add3A_596, %rem3A_587 : i32
    %mul3A_598 = arith.constant 32 : i32
    %mul3A_599 = arith.muli %select_n3A_597, %mul3A_598 : i32
    %dma_wait3A_600 = arith.constant 2 : i32
    %dma_wait3A_601 = arith.constant 0 : i32
    %dma_wait3A_602 = arith.constant 0 : i32
    %dma_wait3A_603 = tpu.memref_slice %arg6[%dma_wait3A_600, %dma_wait3A_601, %dma_wait3A_602] : memref<8x32x128xf32, #tpu.memory_space<vmem>> -> memref<1x32x128xf32, #tpu.memory_space<vmem>>
    %dma_wait3A_604 = tpu.memref_squeeze %dma_wait3A_603 : memref<1x32x128xf32, #tpu.memory_space<vmem>> -> memref<32x128xf32, #tpu.memory_space<vmem>>
    %dma_wait3A_605 = arith.constant 0 : i32
    %dma_wait3A_606 = tpu.memref_slice %arg4[%select_n3A_581, %mul3A_599, %dma_wait3A_605] : memref<26x16384x128xf32, #tpu.memory_space<hbm>> -> memref<1x32x128xf32, #tpu.memory_space<hbm>>
    %dma_wait3A_607 = tpu.memref_squeeze %dma_wait3A_606 : memref<1x32x128xf32, #tpu.memory_space<hbm>> -> memref<32x128xf32, #tpu.memory_space<hbm>>
    %dma_wait3A_608 = arith.constant 0 : i32
    %dma_wait3A_609 = tpu.memref_slice %arg4[%select_n3A_581, %mul3A_599, %dma_wait3A_608] : memref<26x16384x128xf32, #tpu.memory_space<hbm>> -> memref<1x32x128xf32, #tpu.memory_space<hbm>>
    %dma_wait3A_610 = tpu.memref_squeeze %dma_wait3A_609 : memref<1x32x128xf32, #tpu.memory_space<hbm>> -> memref<32x128xf32, #tpu.memory_space<hbm>>
    %dma_wait3A_611 = arith.constant 0 : i32
    %dma_wait3A_612 = arith.constant 0 : i32
    %dma_wait3A_613 = tpu.memref_slice %arg6[%dma_wait3A_600, %dma_wait3A_611, %dma_wait3A_612] : memref<8x32x128xf32, #tpu.memory_space<vmem>> -> memref<1x32x128xf32, #tpu.memory_space<vmem>>
    %dma_wait3A_614 = tpu.memref_squeeze %dma_wait3A_613 : memref<1x32x128xf32, #tpu.memory_space<vmem>> -> memref<32x128xf32, #tpu.memory_space<vmem>>
    tpu.wait_dma2 semaphore(%arg17 : memref<!tpu.dma_semaphore, #tpu.memory_space<semaphore_mem>>) src(%dma_wait3A_614 : memref<32x128xf32, #tpu.memory_space<vmem>>) dst(%dma_wait3A_610 : memref<32x128xf32, #tpu.memory_space<hbm>>)
    %dma_start3A_615 = arith.constant 2 : i32
    %dma_start3A_616 = arith.constant 0 : i32
    %dma_start3A_617 = arith.constant 0 : i32
    %dma_start3A_618 = tpu.memref_slice %arg6[%dma_start3A_615, %dma_start3A_616, %dma_start3A_617] : memref<8x32x128xf32, #tpu.memory_space<vmem>> -> memref<1x32x128xf32, #tpu.memory_space<vmem>>
    %dma_start3A_619 = tpu.memref_squeeze %dma_start3A_618 : memref<1x32x128xf32, #tpu.memory_space<vmem>> -> memref<32x128xf32, #tpu.memory_space<vmem>>
    %dma_start3A_620 = arith.constant 320 : i32
    %dma_start3A_621 = tpu.memref_slice %arg5[%dma_start3A_620] : memref<13312xi32, #tpu.memory_space<vmem>> -> memref<32xi32, #tpu.memory_space<vmem>>
    %dma_start3A_622 = arith.constant 0 : i32
    %dma_start3A_623 = arith.constant 0 : i32
    %dma_start3A_624 = tpu.memref_slice %arg2[%dma_start3A_622, %dma_start3A_623] : memref<100000x128xf32, #tpu.memory_space<hbm>> -> memref<100000x128xf32, #tpu.memory_space<hbm>>
    tpu.enqueue_indirect_dma source(%dma_start3A_624 : memref<100000x128xf32, #tpu.memory_space<hbm>>) target(%dma_start3A_619 : memref<32x128xf32, #tpu.memory_space<vmem>>) offsets(%dma_start3A_621 : memref<32xi32, #tpu.memory_space<vmem>>) semaphore(%arg9 : memref<!tpu.dma_semaphore, #tpu.memory_space<semaphore_mem>>)
    %dma_wait3A_625 = arith.constant 5 : i32
    %dma_wait3A_626 = arith.constant 0 : i32
    %dma_wait3A_627 = arith.constant 0 : i32
    %dma_wait3A_628 = tpu.memref_slice %arg6[%dma_wait3A_625, %dma_wait3A_626, %dma_wait3A_627] : memref<8x32x128xf32, #tpu.memory_space<vmem>> -> memref<1x32x128xf32, #tpu.memory_space<vmem>>
    %dma_wait3A_629 = tpu.memref_squeeze %dma_wait3A_628 : memref<1x32x128xf32, #tpu.memory_space<vmem>> -> memref<32x128xf32, #tpu.memory_space<vmem>>
    %dma_wait3A_630 = arith.constant 160 : i32
    %dma_wait3A_631 = tpu.memref_slice %arg5[%dma_wait3A_630] : memref<13312xi32, #tpu.memory_space<vmem>> -> memref<32xi32, #tpu.memory_space<vmem>>
    %dma_wait3A_632 = arith.constant 0 : i32
    %dma_wait3A_633 = arith.constant 0 : i32
    %dma_wait3A_634 = tpu.memref_slice %arg2[%dma_wait3A_632, %dma_wait3A_633] : memref<100000x128xf32, #tpu.memory_space<hbm>> -> memref<100000x128xf32, #tpu.memory_space<hbm>>
    tpu.wait_indirect_dma semaphore(%arg12 : memref<!tpu.dma_semaphore, #tpu.memory_space<semaphore_mem>>) src(%dma_wait3A_634 : memref<100000x128xf32, #tpu.memory_space<hbm>>) dst(%dma_wait3A_629 : memref<32x128xf32, #tpu.memory_space<vmem>>)
    %add3A_635 = arith.constant 5 : i32
    %add3A_636 = arith.addi %mul3A_2, %add3A_635 : i32
    %jit3A_637 = arith.constant 512 : i32
    %div3A_638 = arith.divsi %add3A_636, %jit3A_637 : i32
    %sign3A_639 = arith.constant 0 : i32
    %sign3A_640 = arith.cmpi sgt, %add3A_636, %sign3A_639 : i32
    %sign3A_641 = arith.extui %sign3A_640 : i1 to i32
    %sign3A_642 = arith.constant 0 : i32
    %sign3A_643 = arith.cmpi slt, %add3A_636, %sign3A_642 : i32
    %sign3A_644 = arith.extui %sign3A_643 : i1 to i32
    %sign3A_645 = arith.subi %sign3A_641, %sign3A_644 : i32
    %sign3A_646 = arith.constant 0 : i32
    %sign3A_647 = arith.cmpi sgt, %jit3A_637, %sign3A_646 : i32
    %sign3A_648 = arith.extui %sign3A_647 : i1 to i32
    %sign3A_649 = arith.constant 0 : i32
    %sign3A_650 = arith.cmpi slt, %jit3A_637, %sign3A_649 : i32
    %sign3A_651 = arith.extui %sign3A_650 : i1 to i32
    %sign3A_652 = arith.subi %sign3A_648, %sign3A_651 : i32
    %ne3A_653 = arith.cmpi ne, %sign3A_645, %sign3A_652 : i32
    %rem3A_654 = arith.remsi %add3A_636, %jit3A_637 : i32
    %ne3A_655 = arith.constant 0 : i32
    %ne3A_656 = arith.cmpi ne, %rem3A_654, %ne3A_655 : i32
    %and3A_657 = arith.andi %ne3A_653, %ne3A_656 : i1
    %sub3A_658 = arith.constant 1 : i32
    %sub3A_659 = arith.subi %div3A_638, %sub3A_658 : i32
    %select_n3A_660 = arith.select %and3A_657, %sub3A_659, %div3A_638 : i32
    %jit3A_661 = arith.constant 512 : i32
    %eq3A_662 = arith.constant 0 : i32
    %eq3A_663 = arith.cmpi eq, %jit3A_661, %eq3A_662 : i32
    %jit3A_664 = arith.constant 1 : i32
    %select_n3A_665 = arith.select %eq3A_663, %jit3A_664, %jit3A_661 : i32
    %rem3A_666 = arith.remsi %add3A_636, %select_n3A_665 : i32
    %ne3A_667 = arith.constant 0 : i32
    %ne3A_668 = arith.cmpi ne, %rem3A_666, %ne3A_667 : i32
    %lt3A_669 = arith.constant 0 : i32
    %lt3A_670 = arith.cmpi slt, %rem3A_666, %lt3A_669 : i32
    %lt3A_671 = arith.constant 0 : i32
    %lt3A_672 = arith.cmpi slt, %select_n3A_665, %lt3A_671 : i32
    %ne3A_673 = arith.xori %lt3A_670, %lt3A_672 : i1
    %and3A_674 = arith.andi %ne3A_673, %ne3A_668 : i1
    %add3A_675 = arith.addi %rem3A_666, %select_n3A_665 : i32
    %select_n3A_676 = arith.select %and3A_674, %add3A_675, %rem3A_666 : i32
    %mul3A_677 = arith.constant 32 : i32
    %mul3A_678 = arith.muli %select_n3A_676, %mul3A_677 : i32
    %dma_start3A_679 = arith.constant 5 : i32
    %dma_start3A_680 = arith.constant 0 : i32
    %dma_start3A_681 = arith.constant 0 : i32
    %dma_start3A_682 = tpu.memref_slice %arg6[%dma_start3A_679, %dma_start3A_680, %dma_start3A_681] : memref<8x32x128xf32, #tpu.memory_space<vmem>> -> memref<1x32x128xf32, #tpu.memory_space<vmem>>
    %dma_start3A_683 = tpu.memref_squeeze %dma_start3A_682 : memref<1x32x128xf32, #tpu.memory_space<vmem>> -> memref<32x128xf32, #tpu.memory_space<vmem>>
    %dma_start3A_684 = arith.constant 0 : i32
    %dma_start3A_685 = tpu.memref_slice %arg4[%select_n3A_660, %mul3A_678, %dma_start3A_684] : memref<26x16384x128xf32, #tpu.memory_space<hbm>> -> memref<1x32x128xf32, #tpu.memory_space<hbm>>
    %dma_start3A_686 = tpu.memref_squeeze %dma_start3A_685 : memref<1x32x128xf32, #tpu.memory_space<hbm>> -> memref<32x128xf32, #tpu.memory_space<hbm>>
    %dma_start3A_687 = arith.constant 0 : i32
    %dma_start3A_688 = tpu.memref_slice %arg4[%select_n3A_660, %mul3A_678, %dma_start3A_687] : memref<26x16384x128xf32, #tpu.memory_space<hbm>> -> memref<1x32x128xf32, #tpu.memory_space<hbm>>
    %dma_start3A_689 = tpu.memref_squeeze %dma_start3A_688 : memref<1x32x128xf32, #tpu.memory_space<hbm>> -> memref<32x128xf32, #tpu.memory_space<hbm>>
    %dma_start3A_690 = arith.constant 0 : i32
    %dma_start3A_691 = arith.constant 0 : i32
    %dma_start3A_692 = tpu.memref_slice %arg6[%dma_start3A_679, %dma_start3A_690, %dma_start3A_691] : memref<8x32x128xf32, #tpu.memory_space<vmem>> -> memref<1x32x128xf32, #tpu.memory_space<vmem>>
    %dma_start3A_693 = tpu.memref_squeeze %dma_start3A_692 : memref<1x32x128xf32, #tpu.memory_space<vmem>> -> memref<32x128xf32, #tpu.memory_space<vmem>>
    tpu.enqueue_dma source(%dma_start3A_693 : memref<32x128xf32, #tpu.memory_space<vmem>>) target(%dma_start3A_689 : memref<32x128xf32, #tpu.memory_space<hbm>>) target_semaphore(%arg20 : memref<!tpu.dma_semaphore, #tpu.memory_space<semaphore_mem>>)
    %add3A_694 = arith.constant 5 : i32
    %add3A_695 = arith.addi %mul3A_2, %add3A_694 : i32
    %jit3A_696 = arith.constant 512 : i32
    %div3A_697 = arith.divsi %add3A_695, %jit3A_696 : i32
    %sign3A_698 = arith.constant 0 : i32
    %sign3A_699 = arith.cmpi sgt, %add3A_695, %sign3A_698 : i32
    %sign3A_700 = arith.extui %sign3A_699 : i1 to i32
    %sign3A_701 = arith.constant 0 : i32
    %sign3A_702 = arith.cmpi slt, %add3A_695, %sign3A_701 : i32
    %sign3A_703 = arith.extui %sign3A_702 : i1 to i32
    %sign3A_704 = arith.subi %sign3A_700, %sign3A_703 : i32
    %sign3A_705 = arith.constant 0 : i32
    %sign3A_706 = arith.cmpi sgt, %jit3A_696, %sign3A_705 : i32
    %sign3A_707 = arith.extui %sign3A_706 : i1 to i32
    %sign3A_708 = arith.constant 0 : i32
    %sign3A_709 = arith.cmpi slt, %jit3A_696, %sign3A_708 : i32
    %sign3A_710 = arith.extui %sign3A_709 : i1 to i32
    %sign3A_711 = arith.subi %sign3A_707, %sign3A_710 : i32
    %ne3A_712 = arith.cmpi ne, %sign3A_704, %sign3A_711 : i32
    %rem3A_713 = arith.remsi %add3A_695, %jit3A_696 : i32
    %ne3A_714 = arith.constant 0 : i32
    %ne3A_715 = arith.cmpi ne, %rem3A_713, %ne3A_714 : i32
    %and3A_716 = arith.andi %ne3A_712, %ne3A_715 : i1
    %sub3A_717 = arith.constant 1 : i32
    %sub3A_718 = arith.subi %div3A_697, %sub3A_717 : i32
    %select_n3A_719 = arith.select %and3A_716, %sub3A_718, %div3A_697 : i32
    %jit3A_720 = arith.constant 512 : i32
    %eq3A_721 = arith.constant 0 : i32
    %eq3A_722 = arith.cmpi eq, %jit3A_720, %eq3A_721 : i32
    %jit3A_723 = arith.constant 1 : i32
    %select_n3A_724 = arith.select %eq3A_722, %jit3A_723, %jit3A_720 : i32
    %rem3A_725 = arith.remsi %add3A_695, %select_n3A_724 : i32
    %ne3A_726 = arith.constant 0 : i32
    %ne3A_727 = arith.cmpi ne, %rem3A_725, %ne3A_726 : i32
    %lt3A_728 = arith.constant 0 : i32
    %lt3A_729 = arith.cmpi slt, %rem3A_725, %lt3A_728 : i32
    %lt3A_730 = arith.constant 0 : i32
    %lt3A_731 = arith.cmpi slt, %select_n3A_724, %lt3A_730 : i32
    %ne3A_732 = arith.xori %lt3A_729, %lt3A_731 : i1
    %and3A_733 = arith.andi %ne3A_732, %ne3A_727 : i1
    %add3A_734 = arith.addi %rem3A_725, %select_n3A_724 : i32
    %select_n3A_735 = arith.select %and3A_733, %add3A_734, %rem3A_725 : i32
    %mul3A_736 = arith.constant 32 : i32
    %mul3A_737 = arith.muli %select_n3A_735, %mul3A_736 : i32
    %dma_wait3A_738 = arith.constant 3 : i32
    %dma_wait3A_739 = arith.constant 0 : i32
    %dma_wait3A_740 = arith.constant 0 : i32
    %dma_wait3A_741 = tpu.memref_slice %arg6[%dma_wait3A_738, %dma_wait3A_739, %dma_wait3A_740] : memref<8x32x128xf32, #tpu.memory_space<vmem>> -> memref<1x32x128xf32, #tpu.memory_space<vmem>>
    %dma_wait3A_742 = tpu.memref_squeeze %dma_wait3A_741 : memref<1x32x128xf32, #tpu.memory_space<vmem>> -> memref<32x128xf32, #tpu.memory_space<vmem>>
    %dma_wait3A_743 = arith.constant 0 : i32
    %dma_wait3A_744 = tpu.memref_slice %arg4[%select_n3A_719, %mul3A_737, %dma_wait3A_743] : memref<26x16384x128xf32, #tpu.memory_space<hbm>> -> memref<1x32x128xf32, #tpu.memory_space<hbm>>
    %dma_wait3A_745 = tpu.memref_squeeze %dma_wait3A_744 : memref<1x32x128xf32, #tpu.memory_space<hbm>> -> memref<32x128xf32, #tpu.memory_space<hbm>>
    %dma_wait3A_746 = arith.constant 0 : i32
    %dma_wait3A_747 = tpu.memref_slice %arg4[%select_n3A_719, %mul3A_737, %dma_wait3A_746] : memref<26x16384x128xf32, #tpu.memory_space<hbm>> -> memref<1x32x128xf32, #tpu.memory_space<hbm>>
    %dma_wait3A_748 = tpu.memref_squeeze %dma_wait3A_747 : memref<1x32x128xf32, #tpu.memory_space<hbm>> -> memref<32x128xf32, #tpu.memory_space<hbm>>
    %dma_wait3A_749 = arith.constant 0 : i32
    %dma_wait3A_750 = arith.constant 0 : i32
    %dma_wait3A_751 = tpu.memref_slice %arg6[%dma_wait3A_738, %dma_wait3A_749, %dma_wait3A_750] : memref<8x32x128xf32, #tpu.memory_space<vmem>> -> memref<1x32x128xf32, #tpu.memory_space<vmem>>
    %dma_wait3A_752 = tpu.memref_squeeze %dma_wait3A_751 : memref<1x32x128xf32, #tpu.memory_space<vmem>> -> memref<32x128xf32, #tpu.memory_space<vmem>>
    tpu.wait_dma2 semaphore(%arg18 : memref<!tpu.dma_semaphore, #tpu.memory_space<semaphore_mem>>) src(%dma_wait3A_752 : memref<32x128xf32, #tpu.memory_space<vmem>>) dst(%dma_wait3A_748 : memref<32x128xf32, #tpu.memory_space<hbm>>)
    %dma_start3A_753 = arith.constant 3 : i32
    %dma_start3A_754 = arith.constant 0 : i32
    %dma_start3A_755 = arith.constant 0 : i32
    %dma_start3A_756 = tpu.memref_slice %arg6[%dma_start3A_753, %dma_start3A_754, %dma_start3A_755] : memref<8x32x128xf32, #tpu.memory_space<vmem>> -> memref<1x32x128xf32, #tpu.memory_space<vmem>>
    %dma_start3A_757 = tpu.memref_squeeze %dma_start3A_756 : memref<1x32x128xf32, #tpu.memory_space<vmem>> -> memref<32x128xf32, #tpu.memory_space<vmem>>
    %dma_start3A_758 = arith.constant 352 : i32
    %dma_start3A_759 = tpu.memref_slice %arg5[%dma_start3A_758] : memref<13312xi32, #tpu.memory_space<vmem>> -> memref<32xi32, #tpu.memory_space<vmem>>
    %dma_start3A_760 = arith.constant 0 : i32
    %dma_start3A_761 = arith.constant 0 : i32
    %dma_start3A_762 = tpu.memref_slice %arg2[%dma_start3A_760, %dma_start3A_761] : memref<100000x128xf32, #tpu.memory_space<hbm>> -> memref<100000x128xf32, #tpu.memory_space<hbm>>
    tpu.enqueue_indirect_dma source(%dma_start3A_762 : memref<100000x128xf32, #tpu.memory_space<hbm>>) target(%dma_start3A_757 : memref<32x128xf32, #tpu.memory_space<vmem>>) offsets(%dma_start3A_759 : memref<32xi32, #tpu.memory_space<vmem>>) semaphore(%arg10 : memref<!tpu.dma_semaphore, #tpu.memory_space<semaphore_mem>>)
    %dma_wait3A_763 = arith.constant 6 : i32
    %dma_wait3A_764 = arith.constant 0 : i32
    %dma_wait3A_765 = arith.constant 0 : i32
    %dma_wait3A_766 = tpu.memref_slice %arg6[%dma_wait3A_763, %dma_wait3A_764, %dma_wait3A_765] : memref<8x32x128xf32, #tpu.memory_space<vmem>> -> memref<1x32x128xf32, #tpu.memory_space<vmem>>
    %dma_wait3A_767 = tpu.memref_squeeze %dma_wait3A_766 : memref<1x32x128xf32, #tpu.memory_space<vmem>> -> memref<32x128xf32, #tpu.memory_space<vmem>>
    %dma_wait3A_768 = arith.constant 192 : i32
    %dma_wait3A_769 = tpu.memref_slice %arg5[%dma_wait3A_768] : memref<13312xi32, #tpu.memory_space<vmem>> -> memref<32xi32, #tpu.memory_space<vmem>>
    %dma_wait3A_770 = arith.constant 0 : i32
    %dma_wait3A_771 = arith.constant 0 : i32
    %dma_wait3A_772 = tpu.memref_slice %arg2[%dma_wait3A_770, %dma_wait3A_771] : memref<100000x128xf32, #tpu.memory_space<hbm>> -> memref<100000x128xf32, #tpu.memory_space<hbm>>
    tpu.wait_indirect_dma semaphore(%arg13 : memref<!tpu.dma_semaphore, #tpu.memory_space<semaphore_mem>>) src(%dma_wait3A_772 : memref<100000x128xf32, #tpu.memory_space<hbm>>) dst(%dma_wait3A_767 : memref<32x128xf32, #tpu.memory_space<vmem>>)
    %add3A_773 = arith.constant 6 : i32
    %add3A_774 = arith.addi %mul3A_2, %add3A_773 : i32
    %jit3A_775 = arith.constant 512 : i32
    %div3A_776 = arith.divsi %add3A_774, %jit3A_775 : i32
    %sign3A_777 = arith.constant 0 : i32
    %sign3A_778 = arith.cmpi sgt, %add3A_774, %sign3A_777 : i32
    %sign3A_779 = arith.extui %sign3A_778 : i1 to i32
    %sign3A_780 = arith.constant 0 : i32
    %sign3A_781 = arith.cmpi slt, %add3A_774, %sign3A_780 : i32
    %sign3A_782 = arith.extui %sign3A_781 : i1 to i32
    %sign3A_783 = arith.subi %sign3A_779, %sign3A_782 : i32
    %sign3A_784 = arith.constant 0 : i32
    %sign3A_785 = arith.cmpi sgt, %jit3A_775, %sign3A_784 : i32
    %sign3A_786 = arith.extui %sign3A_785 : i1 to i32
    %sign3A_787 = arith.constant 0 : i32
    %sign3A_788 = arith.cmpi slt, %jit3A_775, %sign3A_787 : i32
    %sign3A_789 = arith.extui %sign3A_788 : i1 to i32
    %sign3A_790 = arith.subi %sign3A_786, %sign3A_789 : i32
    %ne3A_791 = arith.cmpi ne, %sign3A_783, %sign3A_790 : i32
    %rem3A_792 = arith.remsi %add3A_774, %jit3A_775 : i32
    %ne3A_793 = arith.constant 0 : i32
    %ne3A_794 = arith.cmpi ne, %rem3A_792, %ne3A_793 : i32
    %and3A_795 = arith.andi %ne3A_791, %ne3A_794 : i1
    %sub3A_796 = arith.constant 1 : i32
    %sub3A_797 = arith.subi %div3A_776, %sub3A_796 : i32
    %select_n3A_798 = arith.select %and3A_795, %sub3A_797, %div3A_776 : i32
    %jit3A_799 = arith.constant 512 : i32
    %eq3A_800 = arith.constant 0 : i32
    %eq3A_801 = arith.cmpi eq, %jit3A_799, %eq3A_800 : i32
    %jit3A_802 = arith.constant 1 : i32
    %select_n3A_803 = arith.select %eq3A_801, %jit3A_802, %jit3A_799 : i32
    %rem3A_804 = arith.remsi %add3A_774, %select_n3A_803 : i32
    %ne3A_805 = arith.constant 0 : i32
    %ne3A_806 = arith.cmpi ne, %rem3A_804, %ne3A_805 : i32
    %lt3A_807 = arith.constant 0 : i32
    %lt3A_808 = arith.cmpi slt, %rem3A_804, %lt3A_807 : i32
    %lt3A_809 = arith.constant 0 : i32
    %lt3A_810 = arith.cmpi slt, %select_n3A_803, %lt3A_809 : i32
    %ne3A_811 = arith.xori %lt3A_808, %lt3A_810 : i1
    %and3A_812 = arith.andi %ne3A_811, %ne3A_806 : i1
    %add3A_813 = arith.addi %rem3A_804, %select_n3A_803 : i32
    %select_n3A_814 = arith.select %and3A_812, %add3A_813, %rem3A_804 : i32
    %mul3A_815 = arith.constant 32 : i32
    %mul3A_816 = arith.muli %select_n3A_814, %mul3A_815 : i32
    %dma_start3A_817 = arith.constant 6 : i32
    %dma_start3A_818 = arith.constant 0 : i32
    %dma_start3A_819 = arith.constant 0 : i32
    %dma_start3A_820 = tpu.memref_slice %arg6[%dma_start3A_817, %dma_start3A_818, %dma_start3A_819] : memref<8x32x128xf32, #tpu.memory_space<vmem>> -> memref<1x32x128xf32, #tpu.memory_space<vmem>>
    %dma_start3A_821 = tpu.memref_squeeze %dma_start3A_820 : memref<1x32x128xf32, #tpu.memory_space<vmem>> -> memref<32x128xf32, #tpu.memory_space<vmem>>
    %dma_start3A_822 = arith.constant 0 : i32
    %dma_start3A_823 = tpu.memref_slice %arg4[%select_n3A_798, %mul3A_816, %dma_start3A_822] : memref<26x16384x128xf32, #tpu.memory_space<hbm>> -> memref<1x32x128xf32, #tpu.memory_space<hbm>>
    %dma_start3A_824 = tpu.memref_squeeze %dma_start3A_823 : memref<1x32x128xf32, #tpu.memory_space<hbm>> -> memref<32x128xf32, #tpu.memory_space<hbm>>
    %dma_start3A_825 = arith.constant 0 : i32
    %dma_start3A_826 = tpu.memref_slice %arg4[%select_n3A_798, %mul3A_816, %dma_start3A_825] : memref<26x16384x128xf32, #tpu.memory_space<hbm>> -> memref<1x32x128xf32, #tpu.memory_space<hbm>>
    %dma_start3A_827 = tpu.memref_squeeze %dma_start3A_826 : memref<1x32x128xf32, #tpu.memory_space<hbm>> -> memref<32x128xf32, #tpu.memory_space<hbm>>
    %dma_start3A_828 = arith.constant 0 : i32
    %dma_start3A_829 = arith.constant 0 : i32
    %dma_start3A_830 = tpu.memref_slice %arg6[%dma_start3A_817, %dma_start3A_828, %dma_start3A_829] : memref<8x32x128xf32, #tpu.memory_space<vmem>> -> memref<1x32x128xf32, #tpu.memory_space<vmem>>
    %dma_start3A_831 = tpu.memref_squeeze %dma_start3A_830 : memref<1x32x128xf32, #tpu.memory_space<vmem>> -> memref<32x128xf32, #tpu.memory_space<vmem>>
    tpu.enqueue_dma source(%dma_start3A_831 : memref<32x128xf32, #tpu.memory_space<vmem>>) target(%dma_start3A_827 : memref<32x128xf32, #tpu.memory_space<hbm>>) target_semaphore(%arg21 : memref<!tpu.dma_semaphore, #tpu.memory_space<semaphore_mem>>)
    %add3A_832 = arith.constant 6 : i32
    %add3A_833 = arith.addi %mul3A_2, %add3A_832 : i32
    %jit3A_834 = arith.constant 512 : i32
    %div3A_835 = arith.divsi %add3A_833, %jit3A_834 : i32
    %sign3A_836 = arith.constant 0 : i32
    %sign3A_837 = arith.cmpi sgt, %add3A_833, %sign3A_836 : i32
    %sign3A_838 = arith.extui %sign3A_837 : i1 to i32
    %sign3A_839 = arith.constant 0 : i32
    %sign3A_840 = arith.cmpi slt, %add3A_833, %sign3A_839 : i32
    %sign3A_841 = arith.extui %sign3A_840 : i1 to i32
    %sign3A_842 = arith.subi %sign3A_838, %sign3A_841 : i32
    %sign3A_843 = arith.constant 0 : i32
    %sign3A_844 = arith.cmpi sgt, %jit3A_834, %sign3A_843 : i32
    %sign3A_845 = arith.extui %sign3A_844 : i1 to i32
    %sign3A_846 = arith.constant 0 : i32
    %sign3A_847 = arith.cmpi slt, %jit3A_834, %sign3A_846 : i32
    %sign3A_848 = arith.extui %sign3A_847 : i1 to i32
    %sign3A_849 = arith.subi %sign3A_845, %sign3A_848 : i32
    %ne3A_850 = arith.cmpi ne, %sign3A_842, %sign3A_849 : i32
    %rem3A_851 = arith.remsi %add3A_833, %jit3A_834 : i32
    %ne3A_852 = arith.constant 0 : i32
    %ne3A_853 = arith.cmpi ne, %rem3A_851, %ne3A_852 : i32
    %and3A_854 = arith.andi %ne3A_850, %ne3A_853 : i1
    %sub3A_855 = arith.constant 1 : i32
    %sub3A_856 = arith.subi %div3A_835, %sub3A_855 : i32
    %select_n3A_857 = arith.select %and3A_854, %sub3A_856, %div3A_835 : i32
    %jit3A_858 = arith.constant 512 : i32
    %eq3A_859 = arith.constant 0 : i32
    %eq3A_860 = arith.cmpi eq, %jit3A_858, %eq3A_859 : i32
    %jit3A_861 = arith.constant 1 : i32
    %select_n3A_862 = arith.select %eq3A_860, %jit3A_861, %jit3A_858 : i32
    %rem3A_863 = arith.remsi %add3A_833, %select_n3A_862 : i32
    %ne3A_864 = arith.constant 0 : i32
    %ne3A_865 = arith.cmpi ne, %rem3A_863, %ne3A_864 : i32
    %lt3A_866 = arith.constant 0 : i32
    %lt3A_867 = arith.cmpi slt, %rem3A_863, %lt3A_866 : i32
    %lt3A_868 = arith.constant 0 : i32
    %lt3A_869 = arith.cmpi slt, %select_n3A_862, %lt3A_868 : i32
    %ne3A_870 = arith.xori %lt3A_867, %lt3A_869 : i1
    %and3A_871 = arith.andi %ne3A_870, %ne3A_865 : i1
    %add3A_872 = arith.addi %rem3A_863, %select_n3A_862 : i32
    %select_n3A_873 = arith.select %and3A_871, %add3A_872, %rem3A_863 : i32
    %mul3A_874 = arith.constant 32 : i32
    %mul3A_875 = arith.muli %select_n3A_873, %mul3A_874 : i32
    %dma_wait3A_876 = arith.constant 4 : i32
    %dma_wait3A_877 = arith.constant 0 : i32
    %dma_wait3A_878 = arith.constant 0 : i32
    %dma_wait3A_879 = tpu.memref_slice %arg6[%dma_wait3A_876, %dma_wait3A_877, %dma_wait3A_878] : memref<8x32x128xf32, #tpu.memory_space<vmem>> -> memref<1x32x128xf32, #tpu.memory_space<vmem>>
    %dma_wait3A_880 = tpu.memref_squeeze %dma_wait3A_879 : memref<1x32x128xf32, #tpu.memory_space<vmem>> -> memref<32x128xf32, #tpu.memory_space<vmem>>
    %dma_wait3A_881 = arith.constant 0 : i32
    %dma_wait3A_882 = tpu.memref_slice %arg4[%select_n3A_857, %mul3A_875, %dma_wait3A_881] : memref<26x16384x128xf32, #tpu.memory_space<hbm>> -> memref<1x32x128xf32, #tpu.memory_space<hbm>>
    %dma_wait3A_883 = tpu.memref_squeeze %dma_wait3A_882 : memref<1x32x128xf32, #tpu.memory_space<hbm>> -> memref<32x128xf32, #tpu.memory_space<hbm>>
    %dma_wait3A_884 = arith.constant 0 : i32
    %dma_wait3A_885 = tpu.memref_slice %arg4[%select_n3A_857, %mul3A_875, %dma_wait3A_884] : memref<26x16384x128xf32, #tpu.memory_space<hbm>> -> memref<1x32x128xf32, #tpu.memory_space<hbm>>
    %dma_wait3A_886 = tpu.memref_squeeze %dma_wait3A_885 : memref<1x32x128xf32, #tpu.memory_space<hbm>> -> memref<32x128xf32, #tpu.memory_space<hbm>>
    %dma_wait3A_887 = arith.constant 0 : i32
    %dma_wait3A_888 = arith.constant 0 : i32
    %dma_wait3A_889 = tpu.memref_slice %arg6[%dma_wait3A_876, %dma_wait3A_887, %dma_wait3A_888] : memref<8x32x128xf32, #tpu.memory_space<vmem>> -> memref<1x32x128xf32, #tpu.memory_space<vmem>>
    %dma_wait3A_890 = tpu.memref_squeeze %dma_wait3A_889 : memref<1x32x128xf32, #tpu.memory_space<vmem>> -> memref<32x128xf32, #tpu.memory_space<vmem>>
    tpu.wait_dma2 semaphore(%arg19 : memref<!tpu.dma_semaphore, #tpu.memory_space<semaphore_mem>>) src(%dma_wait3A_890 : memref<32x128xf32, #tpu.memory_space<vmem>>) dst(%dma_wait3A_886 : memref<32x128xf32, #tpu.memory_space<hbm>>)
    %dma_start3A_891 = arith.constant 4 : i32
    %dma_start3A_892 = arith.constant 0 : i32
    %dma_start3A_893 = arith.constant 0 : i32
    %dma_start3A_894 = tpu.memref_slice %arg6[%dma_start3A_891, %dma_start3A_892, %dma_start3A_893] : memref<8x32x128xf32, #tpu.memory_space<vmem>> -> memref<1x32x128xf32, #tpu.memory_space<vmem>>
    %dma_start3A_895 = tpu.memref_squeeze %dma_start3A_894 : memref<1x32x128xf32, #tpu.memory_space<vmem>> -> memref<32x128xf32, #tpu.memory_space<vmem>>
    %dma_start3A_896 = arith.constant 384 : i32
    %dma_start3A_897 = tpu.memref_slice %arg5[%dma_start3A_896] : memref<13312xi32, #tpu.memory_space<vmem>> -> memref<32xi32, #tpu.memory_space<vmem>>
    %dma_start3A_898 = arith.constant 0 : i32
    %dma_start3A_899 = arith.constant 0 : i32
    %dma_start3A_900 = tpu.memref_slice %arg2[%dma_start3A_898, %dma_start3A_899] : memref<100000x128xf32, #tpu.memory_space<hbm>> -> memref<100000x128xf32, #tpu.memory_space<hbm>>
    tpu.enqueue_indirect_dma source(%dma_start3A_900 : memref<100000x128xf32, #tpu.memory_space<hbm>>) target(%dma_start3A_895 : memref<32x128xf32, #tpu.memory_space<vmem>>) offsets(%dma_start3A_897 : memref<32xi32, #tpu.memory_space<vmem>>) semaphore(%arg11 : memref<!tpu.dma_semaphore, #tpu.memory_space<semaphore_mem>>)
    %dma_wait3A_901 = arith.constant 7 : i32
    %dma_wait3A_902 = arith.constant 0 : i32
    %dma_wait3A_903 = arith.constant 0 : i32
    %dma_wait3A_904 = tpu.memref_slice %arg6[%dma_wait3A_901, %dma_wait3A_902, %dma_wait3A_903] : memref<8x32x128xf32, #tpu.memory_space<vmem>> -> memref<1x32x128xf32, #tpu.memory_space<vmem>>
    %dma_wait3A_905 = tpu.memref_squeeze %dma_wait3A_904 : memref<1x32x128xf32, #tpu.memory_space<vmem>> -> memref<32x128xf32, #tpu.memory_space<vmem>>
    %dma_wait3A_906 = arith.constant 224 : i32
    %dma_wait3A_907 = tpu.memref_slice %arg5[%dma_wait3A_906] : memref<13312xi32, #tpu.memory_space<vmem>> -> memref<32xi32, #tpu.memory_space<vmem>>
    %dma_wait3A_908 = arith.constant 0 : i32
    %dma_wait3A_909 = arith.constant 0 : i32
    %dma_wait3A_910 = tpu.memref_slice %arg2[%dma_wait3A_908, %dma_wait3A_909] : memref<100000x128xf32, #tpu.memory_space<hbm>> -> memref<100000x128xf32, #tpu.memory_space<hbm>>
    tpu.wait_indirect_dma semaphore(%arg14 : memref<!tpu.dma_semaphore, #tpu.memory_space<semaphore_mem>>) src(%dma_wait3A_910 : memref<100000x128xf32, #tpu.memory_space<hbm>>) dst(%dma_wait3A_905 : memref<32x128xf32, #tpu.memory_space<vmem>>)
    %add3A_911 = arith.constant 7 : i32
    %add3A_912 = arith.addi %mul3A_2, %add3A_911 : i32
    %jit3A_913 = arith.constant 512 : i32
    %div3A_914 = arith.divsi %add3A_912, %jit3A_913 : i32
    %sign3A_915 = arith.constant 0 : i32
    %sign3A_916 = arith.cmpi sgt, %add3A_912, %sign3A_915 : i32
    %sign3A_917 = arith.extui %sign3A_916 : i1 to i32
    %sign3A_918 = arith.constant 0 : i32
    %sign3A_919 = arith.cmpi slt, %add3A_912, %sign3A_918 : i32
    %sign3A_920 = arith.extui %sign3A_919 : i1 to i32
    %sign3A_921 = arith.subi %sign3A_917, %sign3A_920 : i32
    %sign3A_922 = arith.constant 0 : i32
    %sign3A_923 = arith.cmpi sgt, %jit3A_913, %sign3A_922 : i32
    %sign3A_924 = arith.extui %sign3A_923 : i1 to i32
    %sign3A_925 = arith.constant 0 : i32
    %sign3A_926 = arith.cmpi slt, %jit3A_913, %sign3A_925 : i32
    %sign3A_927 = arith.extui %sign3A_926 : i1 to i32
    %sign3A_928 = arith.subi %sign3A_924, %sign3A_927 : i32
    %ne3A_929 = arith.cmpi ne, %sign3A_921, %sign3A_928 : i32
    %rem3A_930 = arith.remsi %add3A_912, %jit3A_913 : i32
    %ne3A_931 = arith.constant 0 : i32
    %ne3A_932 = arith.cmpi ne, %rem3A_930, %ne3A_931 : i32
    %and3A_933 = arith.andi %ne3A_929, %ne3A_932 : i1
    %sub3A_934 = arith.constant 1 : i32
    %sub3A_935 = arith.subi %div3A_914, %sub3A_934 : i32
    %select_n3A_936 = arith.select %and3A_933, %sub3A_935, %div3A_914 : i32
    %jit3A_937 = arith.constant 512 : i32
    %eq3A_938 = arith.constant 0 : i32
    %eq3A_939 = arith.cmpi eq, %jit3A_937, %eq3A_938 : i32
    %jit3A_940 = arith.constant 1 : i32
    %select_n3A_941 = arith.select %eq3A_939, %jit3A_940, %jit3A_937 : i32
    %rem3A_942 = arith.remsi %add3A_912, %select_n3A_941 : i32
    %ne3A_943 = arith.constant 0 : i32
    %ne3A_944 = arith.cmpi ne, %rem3A_942, %ne3A_943 : i32
    %lt3A_945 = arith.constant 0 : i32
    %lt3A_946 = arith.cmpi slt, %rem3A_942, %lt3A_945 : i32
    %lt3A_947 = arith.constant 0 : i32
    %lt3A_948 = arith.cmpi slt, %select_n3A_941, %lt3A_947 : i32
    %ne3A_949 = arith.xori %lt3A_946, %lt3A_948 : i1
    %and3A_950 = arith.andi %ne3A_949, %ne3A_944 : i1
    %add3A_951 = arith.addi %rem3A_942, %select_n3A_941 : i32
    %select_n3A_952 = arith.select %and3A_950, %add3A_951, %rem3A_942 : i32
    %mul3A_953 = arith.constant 32 : i32
    %mul3A_954 = arith.muli %select_n3A_952, %mul3A_953 : i32
    %dma_start3A_955 = arith.constant 7 : i32
    %dma_start3A_956 = arith.constant 0 : i32
    %dma_start3A_957 = arith.constant 0 : i32
    %dma_start3A_958 = tpu.memref_slice %arg6[%dma_start3A_955, %dma_start3A_956, %dma_start3A_957] : memref<8x32x128xf32, #tpu.memory_space<vmem>> -> memref<1x32x128xf32, #tpu.memory_space<vmem>>
    %dma_start3A_959 = tpu.memref_squeeze %dma_start3A_958 : memref<1x32x128xf32, #tpu.memory_space<vmem>> -> memref<32x128xf32, #tpu.memory_space<vmem>>
    %dma_start3A_960 = arith.constant 0 : i32
    %dma_start3A_961 = tpu.memref_slice %arg4[%select_n3A_936, %mul3A_954, %dma_start3A_960] : memref<26x16384x128xf32, #tpu.memory_space<hbm>> -> memref<1x32x128xf32, #tpu.memory_space<hbm>>
    %dma_start3A_962 = tpu.memref_squeeze %dma_start3A_961 : memref<1x32x128xf32, #tpu.memory_space<hbm>> -> memref<32x128xf32, #tpu.memory_space<hbm>>
    %dma_start3A_963 = arith.constant 0 : i32
    %dma_start3A_964 = tpu.memref_slice %arg4[%select_n3A_936, %mul3A_954, %dma_start3A_963] : memref<26x16384x128xf32, #tpu.memory_space<hbm>> -> memref<1x32x128xf32, #tpu.memory_space<hbm>>
    %dma_start3A_965 = tpu.memref_squeeze %dma_start3A_964 : memref<1x32x128xf32, #tpu.memory_space<hbm>> -> memref<32x128xf32, #tpu.memory_space<hbm>>
    %dma_start3A_966 = arith.constant 0 : i32
    %dma_start3A_967 = arith.constant 0 : i32
    %dma_start3A_968 = tpu.memref_slice %arg6[%dma_start3A_955, %dma_start3A_966, %dma_start3A_967] : memref<8x32x128xf32, #tpu.memory_space<vmem>> -> memref<1x32x128xf32, #tpu.memory_space<vmem>>
    %dma_start3A_969 = tpu.memref_squeeze %dma_start3A_968 : memref<1x32x128xf32, #tpu.memory_space<vmem>> -> memref<32x128xf32, #tpu.memory_space<vmem>>
    tpu.enqueue_dma source(%dma_start3A_969 : memref<32x128xf32, #tpu.memory_space<vmem>>) target(%dma_start3A_965 : memref<32x128xf32, #tpu.memory_space<hbm>>) target_semaphore(%arg22 : memref<!tpu.dma_semaphore, #tpu.memory_space<semaphore_mem>>)
    %add3A_970 = arith.constant 7 : i32
    %add3A_971 = arith.addi %mul3A_2, %add3A_970 : i32
    %jit3A_972 = arith.constant 512 : i32
    %div3A_973 = arith.divsi %add3A_971, %jit3A_972 : i32
    %sign3A_974 = arith.constant 0 : i32
    %sign3A_975 = arith.cmpi sgt, %add3A_971, %sign3A_974 : i32
    %sign3A_976 = arith.extui %sign3A_975 : i1 to i32
    %sign3A_977 = arith.constant 0 : i32
    %sign3A_978 = arith.cmpi slt, %add3A_971, %sign3A_977 : i32
    %sign3A_979 = arith.extui %sign3A_978 : i1 to i32
    %sign3A_980 = arith.subi %sign3A_976, %sign3A_979 : i32
    %sign3A_981 = arith.constant 0 : i32
    %sign3A_982 = arith.cmpi sgt, %jit3A_972, %sign3A_981 : i32
    %sign3A_983 = arith.extui %sign3A_982 : i1 to i32
    %sign3A_984 = arith.constant 0 : i32
    %sign3A_985 = arith.cmpi slt, %jit3A_972, %sign3A_984 : i32
    %sign3A_986 = arith.extui %sign3A_985 : i1 to i32
    %sign3A_987 = arith.subi %sign3A_983, %sign3A_986 : i32
    %ne3A_988 = arith.cmpi ne, %sign3A_980, %sign3A_987 : i32
    %rem3A_989 = arith.remsi %add3A_971, %jit3A_972 : i32
    %ne3A_990 = arith.constant 0 : i32
    %ne3A_991 = arith.cmpi ne, %rem3A_989, %ne3A_990 : i32
    %and3A_992 = arith.andi %ne3A_988, %ne3A_991 : i1
    %sub3A_993 = arith.constant 1 : i32
    %sub3A_994 = arith.subi %div3A_973, %sub3A_993 : i32
    %select_n3A_995 = arith.select %and3A_992, %sub3A_994, %div3A_973 : i32
    %jit3A_996 = arith.constant 512 : i32
    %eq3A_997 = arith.constant 0 : i32
    %eq3A_998 = arith.cmpi eq, %jit3A_996, %eq3A_997 : i32
    %jit3A_999 = arith.constant 1 : i32
    %select_n3A_1000 = arith.select %eq3A_998, %jit3A_999, %jit3A_996 : i32
    %rem3A_1001 = arith.remsi %add3A_971, %select_n3A_1000 : i32
    %ne3A_1002 = arith.constant 0 : i32
    %ne3A_1003 = arith.cmpi ne, %rem3A_1001, %ne3A_1002 : i32
    %lt3A_1004 = arith.constant 0 : i32
    %lt3A_1005 = arith.cmpi slt, %rem3A_1001, %lt3A_1004 : i32
    %lt3A_1006 = arith.constant 0 : i32
    %lt3A_1007 = arith.cmpi slt, %select_n3A_1000, %lt3A_1006 : i32
    %ne3A_1008 = arith.xori %lt3A_1005, %lt3A_1007 : i1
    %and3A_1009 = arith.andi %ne3A_1008, %ne3A_1003 : i1
    %add3A_1010 = arith.addi %rem3A_1001, %select_n3A_1000 : i32
    %select_n3A_1011 = arith.select %and3A_1009, %add3A_1010, %rem3A_1001 : i32
    %mul3A_1012 = arith.constant 32 : i32
    %mul3A_1013 = arith.muli %select_n3A_1011, %mul3A_1012 : i32
    %dma_wait3A_1014 = arith.constant 5 : i32
    %dma_wait3A_1015 = arith.constant 0 : i32
    %dma_wait3A_1016 = arith.constant 0 : i32
    %dma_wait3A_1017 = tpu.memref_slice %arg6[%dma_wait3A_1014, %dma_wait3A_1015, %dma_wait3A_1016] : memref<8x32x128xf32, #tpu.memory_space<vmem>> -> memref<1x32x128xf32, #tpu.memory_space<vmem>>
    %dma_wait3A_1018 = tpu.memref_squeeze %dma_wait3A_1017 : memref<1x32x128xf32, #tpu.memory_space<vmem>> -> memref<32x128xf32, #tpu.memory_space<vmem>>
    %dma_wait3A_1019 = arith.constant 0 : i32
    %dma_wait3A_1020 = tpu.memref_slice %arg4[%select_n3A_995, %mul3A_1013, %dma_wait3A_1019] : memref<26x16384x128xf32, #tpu.memory_space<hbm>> -> memref<1x32x128xf32, #tpu.memory_space<hbm>>
    %dma_wait3A_1021 = tpu.memref_squeeze %dma_wait3A_1020 : memref<1x32x128xf32, #tpu.memory_space<hbm>> -> memref<32x128xf32, #tpu.memory_space<hbm>>
    %dma_wait3A_1022 = arith.constant 0 : i32
    %dma_wait3A_1023 = tpu.memref_slice %arg4[%select_n3A_995, %mul3A_1013, %dma_wait3A_1022] : memref<26x16384x128xf32, #tpu.memory_space<hbm>> -> memref<1x32x128xf32, #tpu.memory_space<hbm>>
    %dma_wait3A_1024 = tpu.memref_squeeze %dma_wait3A_1023 : memref<1x32x128xf32, #tpu.memory_space<hbm>> -> memref<32x128xf32, #tpu.memory_space<hbm>>
    %dma_wait3A_1025 = arith.constant 0 : i32
    %dma_wait3A_1026 = arith.constant 0 : i32
    %dma_wait3A_1027 = tpu.memref_slice %arg6[%dma_wait3A_1014, %dma_wait3A_1025, %dma_wait3A_1026] : memref<8x32x128xf32, #tpu.memory_space<vmem>> -> memref<1x32x128xf32, #tpu.memory_space<vmem>>
    %dma_wait3A_1028 = tpu.memref_squeeze %dma_wait3A_1027 : memref<1x32x128xf32, #tpu.memory_space<vmem>> -> memref<32x128xf32, #tpu.memory_space<vmem>>
    tpu.wait_dma2 semaphore(%arg20 : memref<!tpu.dma_semaphore, #tpu.memory_space<semaphore_mem>>) src(%dma_wait3A_1028 : memref<32x128xf32, #tpu.memory_space<vmem>>) dst(%dma_wait3A_1024 : memref<32x128xf32, #tpu.memory_space<hbm>>)
    %dma_start3A_1029 = arith.constant 5 : i32
    %dma_start3A_1030 = arith.constant 0 : i32
    %dma_start3A_1031 = arith.constant 0 : i32
    %dma_start3A_1032 = tpu.memref_slice %arg6[%dma_start3A_1029, %dma_start3A_1030, %dma_start3A_1031] : memref<8x32x128xf32, #tpu.memory_space<vmem>> -> memref<1x32x128xf32, #tpu.memory_space<vmem>>
    %dma_start3A_1033 = tpu.memref_squeeze %dma_start3A_1032 : memref<1x32x128xf32, #tpu.memory_space<vmem>> -> memref<32x128xf32, #tpu.memory_space<vmem>>
    %dma_start3A_1034 = arith.constant 416 : i32
    %dma_start3A_1035 = tpu.memref_slice %arg5[%dma_start3A_1034] : memref<13312xi32, #tpu.memory_space<vmem>> -> memref<32xi32, #tpu.memory_space<vmem>>
    %dma_start3A_1036 = arith.constant 0 : i32
    %dma_start3A_1037 = arith.constant 0 : i32
    %dma_start3A_1038 = tpu.memref_slice %arg2[%dma_start3A_1036, %dma_start3A_1037] : memref<100000x128xf32, #tpu.memory_space<hbm>> -> memref<100000x128xf32, #tpu.memory_space<hbm>>
    tpu.enqueue_indirect_dma source(%dma_start3A_1038 : memref<100000x128xf32, #tpu.memory_space<hbm>>) target(%dma_start3A_1033 : memref<32x128xf32, #tpu.memory_space<vmem>>) offsets(%dma_start3A_1035 : memref<32xi32, #tpu.memory_space<vmem>>) semaphore(%arg12 : memref<!tpu.dma_semaphore, #tpu.memory_space<semaphore_mem>>)
    %scan3A = arith.constant 0 : i32
    %scan3A_1039 = arith.constant 1 : i32
    %scan3A_1040 = arith.constant 50 : i32
    %scan3A_1041 = arith.addi %scan3A_1039, %scan3A_1040 : i32
    %scan3A_1042 = arith.constant 1 : i32
    scf.for %scan3A_2206 = %scan3A_1039 to %scan3A_1041 step %scan3A_1042  : i32 {
      %mul3A_2207 = arith.constant 8 : i32
      %mul3A_2208 = arith.muli %scan3A_2206, %mul3A_2207 : i32
      %add3A_2209 = arith.constant 0 : i32
      %add3A_2210 = arith.addi %mul3A_2208, %add3A_2209 : i32
      %mul3A_2211 = arith.constant 32 : i32
      %mul3A_2212 = arith.muli %add3A_2210, %mul3A_2211 : i32
      %dma_wait3A_2213 = arith.constant 0 : i32
      %dma_wait3A_2214 = arith.constant 0 : i32
      %dma_wait3A_2215 = arith.constant 0 : i32
      %dma_wait3A_2216 = tpu.memref_slice %arg6[%dma_wait3A_2213, %dma_wait3A_2214, %dma_wait3A_2215] : memref<8x32x128xf32, #tpu.memory_space<vmem>> -> memref<1x32x128xf32, #tpu.memory_space<vmem>>
      %dma_wait3A_2217 = tpu.memref_squeeze %dma_wait3A_2216 : memref<1x32x128xf32, #tpu.memory_space<vmem>> -> memref<32x128xf32, #tpu.memory_space<vmem>>
      %dma_wait3A_2218 = tpu.memref_slice %arg5[%mul3A_2212] : memref<13312xi32, #tpu.memory_space<vmem>> -> memref<32xi32, #tpu.memory_space<vmem>>
      %dma_wait3A_2219 = arith.constant 0 : i32
      %dma_wait3A_2220 = arith.constant 0 : i32
      %dma_wait3A_2221 = tpu.memref_slice %arg2[%dma_wait3A_2219, %dma_wait3A_2220] : memref<100000x128xf32, #tpu.memory_space<hbm>> -> memref<100000x128xf32, #tpu.memory_space<hbm>>
      tpu.wait_indirect_dma semaphore(%arg7 : memref<!tpu.dma_semaphore, #tpu.memory_space<semaphore_mem>>) src(%dma_wait3A_2221 : memref<100000x128xf32, #tpu.memory_space<hbm>>) dst(%dma_wait3A_2217 : memref<32x128xf32, #tpu.memory_space<vmem>>)
      %add3A_2222 = arith.addi %mul3A_2, %add3A_2210 : i32
      %jit3A_2223 = arith.constant 512 : i32
      %div3A_2224 = arith.divsi %add3A_2222, %jit3A_2223 : i32
      %sign3A_2225 = arith.constant 0 : i32
      %sign3A_2226 = arith.cmpi sgt, %add3A_2222, %sign3A_2225 : i32
      %sign3A_2227 = arith.extui %sign3A_2226 : i1 to i32
      %sign3A_2228 = arith.constant 0 : i32
      %sign3A_2229 = arith.cmpi slt, %add3A_2222, %sign3A_2228 : i32
      %sign3A_2230 = arith.extui %sign3A_2229 : i1 to i32
      %sign3A_2231 = arith.subi %sign3A_2227, %sign3A_2230 : i32
      %sign3A_2232 = arith.constant 0 : i32
      %sign3A_2233 = arith.cmpi sgt, %jit3A_2223, %sign3A_2232 : i32
      %sign3A_2234 = arith.extui %sign3A_2233 : i1 to i32
      %sign3A_2235 = arith.constant 0 : i32
      %sign3A_2236 = arith.cmpi slt, %jit3A_2223, %sign3A_2235 : i32
      %sign3A_2237 = arith.extui %sign3A_2236 : i1 to i32
      %sign3A_2238 = arith.subi %sign3A_2234, %sign3A_2237 : i32
      %ne3A_2239 = arith.cmpi ne, %sign3A_2231, %sign3A_2238 : i32
      %rem3A_2240 = arith.remsi %add3A_2222, %jit3A_2223 : i32
      %ne3A_2241 = arith.constant 0 : i32
      %ne3A_2242 = arith.cmpi ne, %rem3A_2240, %ne3A_2241 : i32
      %and3A_2243 = arith.andi %ne3A_2239, %ne3A_2242 : i1
      %sub3A_2244 = arith.constant 1 : i32
      %sub3A_2245 = arith.subi %div3A_2224, %sub3A_2244 : i32
      %select_n3A_2246 = arith.select %and3A_2243, %sub3A_2245, %div3A_2224 : i32
      %jit3A_2247 = arith.constant 512 : i32
      %eq3A_2248 = arith.constant 0 : i32
      %eq3A_2249 = arith.cmpi eq, %jit3A_2247, %eq3A_2248 : i32
      %jit3A_2250 = arith.constant 1 : i32
      %select_n3A_2251 = arith.select %eq3A_2249, %jit3A_2250, %jit3A_2247 : i32
      %rem3A_2252 = arith.remsi %add3A_2222, %select_n3A_2251 : i32
      %ne3A_2253 = arith.constant 0 : i32
      %ne3A_2254 = arith.cmpi ne, %rem3A_2252, %ne3A_2253 : i32
      %lt3A_2255 = arith.constant 0 : i32
      %lt3A_2256 = arith.cmpi slt, %rem3A_2252, %lt3A_2255 : i32
      %lt3A_2257 = arith.constant 0 : i32
      %lt3A_2258 = arith.cmpi slt, %select_n3A_2251, %lt3A_2257 : i32
      %ne3A_2259 = arith.xori %lt3A_2256, %lt3A_2258 : i1
      %and3A_2260 = arith.andi %ne3A_2259, %ne3A_2254 : i1
      %add3A_2261 = arith.addi %rem3A_2252, %select_n3A_2251 : i32
      %select_n3A_2262 = arith.select %and3A_2260, %add3A_2261, %rem3A_2252 : i32
      %mul3A_2263 = arith.constant 32 : i32
      %mul3A_2264 = arith.muli %select_n3A_2262, %mul3A_2263 : i32
      %dma_start3A_2265 = arith.constant 0 : i32
      %dma_start3A_2266 = arith.constant 0 : i32
      %dma_start3A_2267 = arith.constant 0 : i32
      %dma_start3A_2268 = tpu.memref_slice %arg6[%dma_start3A_2265, %dma_start3A_2266, %dma_start3A_2267] : memref<8x32x128xf32, #tpu.memory_space<vmem>> -> memref<1x32x128xf32, #tpu.memory_space<vmem>>
      %dma_start3A_2269 = tpu.memref_squeeze %dma_start3A_2268 : memref<1x32x128xf32, #tpu.memory_space<vmem>> -> memref<32x128xf32, #tpu.memory_space<vmem>>
      %dma_start3A_2270 = arith.constant 0 : i32
      %dma_start3A_2271 = tpu.memref_slice %arg4[%select_n3A_2246, %mul3A_2264, %dma_start3A_2270] : memref<26x16384x128xf32, #tpu.memory_space<hbm>> -> memref<1x32x128xf32, #tpu.memory_space<hbm>>
      %dma_start3A_2272 = tpu.memref_squeeze %dma_start3A_2271 : memref<1x32x128xf32, #tpu.memory_space<hbm>> -> memref<32x128xf32, #tpu.memory_space<hbm>>
      %dma_start3A_2273 = arith.constant 0 : i32
      %dma_start3A_2274 = tpu.memref_slice %arg4[%select_n3A_2246, %mul3A_2264, %dma_start3A_2273] : memref<26x16384x128xf32, #tpu.memory_space<hbm>> -> memref<1x32x128xf32, #tpu.memory_space<hbm>>
      %dma_start3A_2275 = tpu.memref_squeeze %dma_start3A_2274 : memref<1x32x128xf32, #tpu.memory_space<hbm>> -> memref<32x128xf32, #tpu.memory_space<hbm>>
      %dma_start3A_2276 = arith.constant 0 : i32
      %dma_start3A_2277 = arith.constant 0 : i32
      %dma_start3A_2278 = tpu.memref_slice %arg6[%dma_start3A_2265, %dma_start3A_2276, %dma_start3A_2277] : memref<8x32x128xf32, #tpu.memory_space<vmem>> -> memref<1x32x128xf32, #tpu.memory_space<vmem>>
      %dma_start3A_2279 = tpu.memref_squeeze %dma_start3A_2278 : memref<1x32x128xf32, #tpu.memory_space<vmem>> -> memref<32x128xf32, #tpu.memory_space<vmem>>
      tpu.enqueue_dma source(%dma_start3A_2279 : memref<32x128xf32, #tpu.memory_space<vmem>>) target(%dma_start3A_2275 : memref<32x128xf32, #tpu.memory_space<hbm>>) target_semaphore(%arg15 : memref<!tpu.dma_semaphore, #tpu.memory_space<semaphore_mem>>)
      %add3A_2280 = arith.constant 6 : i32
      %add3A_2281 = arith.addi %add3A_2210, %add3A_2280 : i32
      %add3A_2282 = arith.addi %mul3A_2, %add3A_2210 : i32
      %jit3A_2283 = arith.constant 512 : i32
      %div3A_2284 = arith.divsi %add3A_2282, %jit3A_2283 : i32
      %sign3A_2285 = arith.constant 0 : i32
      %sign3A_2286 = arith.cmpi sgt, %add3A_2282, %sign3A_2285 : i32
      %sign3A_2287 = arith.extui %sign3A_2286 : i1 to i32
      %sign3A_2288 = arith.constant 0 : i32
      %sign3A_2289 = arith.cmpi slt, %add3A_2282, %sign3A_2288 : i32
      %sign3A_2290 = arith.extui %sign3A_2289 : i1 to i32
      %sign3A_2291 = arith.subi %sign3A_2287, %sign3A_2290 : i32
      %sign3A_2292 = arith.constant 0 : i32
      %sign3A_2293 = arith.cmpi sgt, %jit3A_2283, %sign3A_2292 : i32
      %sign3A_2294 = arith.extui %sign3A_2293 : i1 to i32
      %sign3A_2295 = arith.constant 0 : i32
      %sign3A_2296 = arith.cmpi slt, %jit3A_2283, %sign3A_2295 : i32
      %sign3A_2297 = arith.extui %sign3A_2296 : i1 to i32
      %sign3A_2298 = arith.subi %sign3A_2294, %sign3A_2297 : i32
      %ne3A_2299 = arith.cmpi ne, %sign3A_2291, %sign3A_2298 : i32
      %rem3A_2300 = arith.remsi %add3A_2282, %jit3A_2283 : i32
      %ne3A_2301 = arith.constant 0 : i32
      %ne3A_2302 = arith.cmpi ne, %rem3A_2300, %ne3A_2301 : i32
      %and3A_2303 = arith.andi %ne3A_2299, %ne3A_2302 : i1
      %sub3A_2304 = arith.constant 1 : i32
      %sub3A_2305 = arith.subi %div3A_2284, %sub3A_2304 : i32
      %select_n3A_2306 = arith.select %and3A_2303, %sub3A_2305, %div3A_2284 : i32
      %jit3A_2307 = arith.constant 512 : i32
      %eq3A_2308 = arith.constant 0 : i32
      %eq3A_2309 = arith.cmpi eq, %jit3A_2307, %eq3A_2308 : i32
      %jit3A_2310 = arith.constant 1 : i32
      %select_n3A_2311 = arith.select %eq3A_2309, %jit3A_2310, %jit3A_2307 : i32
      %rem3A_2312 = arith.remsi %add3A_2282, %select_n3A_2311 : i32
      %ne3A_2313 = arith.constant 0 : i32
      %ne3A_2314 = arith.cmpi ne, %rem3A_2312, %ne3A_2313 : i32
      %lt3A_2315 = arith.constant 0 : i32
      %lt3A_2316 = arith.cmpi slt, %rem3A_2312, %lt3A_2315 : i32
      %lt3A_2317 = arith.constant 0 : i32
      %lt3A_2318 = arith.cmpi slt, %select_n3A_2311, %lt3A_2317 : i32
      %ne3A_2319 = arith.xori %lt3A_2316, %lt3A_2318 : i1
      %and3A_2320 = arith.andi %ne3A_2319, %ne3A_2314 : i1
      %add3A_2321 = arith.addi %rem3A_2312, %select_n3A_2311 : i32
      %select_n3A_2322 = arith.select %and3A_2320, %add3A_2321, %rem3A_2312 : i32
      %mul3A_2323 = arith.constant 32 : i32
      %mul3A_2324 = arith.muli %select_n3A_2322, %mul3A_2323 : i32
      %dma_wait3A_2325 = arith.constant 6 : i32
      %dma_wait3A_2326 = arith.constant 0 : i32
      %dma_wait3A_2327 = arith.constant 0 : i32
      %dma_wait3A_2328 = tpu.memref_slice %arg6[%dma_wait3A_2325, %dma_wait3A_2326, %dma_wait3A_2327] : memref<8x32x128xf32, #tpu.memory_space<vmem>> -> memref<1x32x128xf32, #tpu.memory_space<vmem>>
      %dma_wait3A_2329 = tpu.memref_squeeze %dma_wait3A_2328 : memref<1x32x128xf32, #tpu.memory_space<vmem>> -> memref<32x128xf32, #tpu.memory_space<vmem>>
      %dma_wait3A_2330 = arith.constant 0 : i32
      %dma_wait3A_2331 = tpu.memref_slice %arg4[%select_n3A_2306, %mul3A_2324, %dma_wait3A_2330] : memref<26x16384x128xf32, #tpu.memory_space<hbm>> -> memref<1x32x128xf32, #tpu.memory_space<hbm>>
      %dma_wait3A_2332 = tpu.memref_squeeze %dma_wait3A_2331 : memref<1x32x128xf32, #tpu.memory_space<hbm>> -> memref<32x128xf32, #tpu.memory_space<hbm>>
      %dma_wait3A_2333 = arith.constant 0 : i32
      %dma_wait3A_2334 = tpu.memref_slice %arg4[%select_n3A_2306, %mul3A_2324, %dma_wait3A_2333] : memref<26x16384x128xf32, #tpu.memory_space<hbm>> -> memref<1x32x128xf32, #tpu.memory_space<hbm>>
      %dma_wait3A_2335 = tpu.memref_squeeze %dma_wait3A_2334 : memref<1x32x128xf32, #tpu.memory_space<hbm>> -> memref<32x128xf32, #tpu.memory_space<hbm>>
      %dma_wait3A_2336 = arith.constant 0 : i32
      %dma_wait3A_2337 = arith.constant 0 : i32
      %dma_wait3A_2338 = tpu.memref_slice %arg6[%dma_wait3A_2325, %dma_wait3A_2336, %dma_wait3A_2337] : memref<8x32x128xf32, #tpu.memory_space<vmem>> -> memref<1x32x128xf32, #tpu.memory_space<vmem>>
      %dma_wait3A_2339 = tpu.memref_squeeze %dma_wait3A_2338 : memref<1x32x128xf32, #tpu.memory_space<vmem>> -> memref<32x128xf32, #tpu.memory_space<vmem>>
      tpu.wait_dma2 semaphore(%arg21 : memref<!tpu.dma_semaphore, #tpu.memory_space<semaphore_mem>>) src(%dma_wait3A_2339 : memref<32x128xf32, #tpu.memory_space<vmem>>) dst(%dma_wait3A_2335 : memref<32x128xf32, #tpu.memory_space<hbm>>)
      %mul3A_2340 = arith.constant 32 : i32
      %mul3A_2341 = arith.muli %add3A_2281, %mul3A_2340 : i32
      %dma_start3A_2342 = arith.constant 6 : i32
      %dma_start3A_2343 = arith.constant 0 : i32
      %dma_start3A_2344 = arith.constant 0 : i32
      %dma_start3A_2345 = tpu.memref_slice %arg6[%dma_start3A_2342, %dma_start3A_2343, %dma_start3A_2344] : memref<8x32x128xf32, #tpu.memory_space<vmem>> -> memref<1x32x128xf32, #tpu.memory_space<vmem>>
      %dma_start3A_2346 = tpu.memref_squeeze %dma_start3A_2345 : memref<1x32x128xf32, #tpu.memory_space<vmem>> -> memref<32x128xf32, #tpu.memory_space<vmem>>
      %dma_start3A_2347 = tpu.memref_slice %arg5[%mul3A_2341] : memref<13312xi32, #tpu.memory_space<vmem>> -> memref<32xi32, #tpu.memory_space<vmem>>
      %dma_start3A_2348 = arith.constant 0 : i32
      %dma_start3A_2349 = arith.constant 0 : i32
      %dma_start3A_2350 = tpu.memref_slice %arg2[%dma_start3A_2348, %dma_start3A_2349] : memref<100000x128xf32, #tpu.memory_space<hbm>> -> memref<100000x128xf32, #tpu.memory_space<hbm>>
      tpu.enqueue_indirect_dma source(%dma_start3A_2350 : memref<100000x128xf32, #tpu.memory_space<hbm>>) target(%dma_start3A_2346 : memref<32x128xf32, #tpu.memory_space<vmem>>) offsets(%dma_start3A_2347 : memref<32xi32, #tpu.memory_space<vmem>>) semaphore(%arg13 : memref<!tpu.dma_semaphore, #tpu.memory_space<semaphore_mem>>)
      %mul3A_2351 = arith.constant 8 : i32
      %mul3A_2352 = arith.muli %scan3A_2206, %mul3A_2351 : i32
      %add3A_2353 = arith.constant 1 : i32
      %add3A_2354 = arith.addi %mul3A_2352, %add3A_2353 : i32
      %mul3A_2355 = arith.constant 32 : i32
      %mul3A_2356 = arith.muli %add3A_2354, %mul3A_2355 : i32
      %dma_wait3A_2357 = arith.constant 1 : i32
      %dma_wait3A_2358 = arith.constant 0 : i32
      %dma_wait3A_2359 = arith.constant 0 : i32
      %dma_wait3A_2360 = tpu.memref_slice %arg6[%dma_wait3A_2357, %dma_wait3A_2358, %dma_wait3A_2359] : memref<8x32x128xf32, #tpu.memory_space<vmem>> -> memref<1x32x128xf32, #tpu.memory_space<vmem>>
      %dma_wait3A_2361 = tpu.memref_squeeze %dma_wait3A_2360 : memref<1x32x128xf32, #tpu.memory_space<vmem>> -> memref<32x128xf32, #tpu.memory_space<vmem>>
      %dma_wait3A_2362 = tpu.memref_slice %arg5[%mul3A_2356] : memref<13312xi32, #tpu.memory_space<vmem>> -> memref<32xi32, #tpu.memory_space<vmem>>
      %dma_wait3A_2363 = arith.constant 0 : i32
      %dma_wait3A_2364 = arith.constant 0 : i32
      %dma_wait3A_2365 = tpu.memref_slice %arg2[%dma_wait3A_2363, %dma_wait3A_2364] : memref<100000x128xf32, #tpu.memory_space<hbm>> -> memref<100000x128xf32, #tpu.memory_space<hbm>>
      tpu.wait_indirect_dma semaphore(%arg8 : memref<!tpu.dma_semaphore, #tpu.memory_space<semaphore_mem>>) src(%dma_wait3A_2365 : memref<100000x128xf32, #tpu.memory_space<hbm>>) dst(%dma_wait3A_2361 : memref<32x128xf32, #tpu.memory_space<vmem>>)
      %add3A_2366 = arith.addi %mul3A_2, %add3A_2354 : i32
      %jit3A_2367 = arith.constant 512 : i32
      %div3A_2368 = arith.divsi %add3A_2366, %jit3A_2367 : i32
      %sign3A_2369 = arith.constant 0 : i32
      %sign3A_2370 = arith.cmpi sgt, %add3A_2366, %sign3A_2369 : i32
      %sign3A_2371 = arith.extui %sign3A_2370 : i1 to i32
      %sign3A_2372 = arith.constant 0 : i32
      %sign3A_2373 = arith.cmpi slt, %add3A_2366, %sign3A_2372 : i32
      %sign3A_2374 = arith.extui %sign3A_2373 : i1 to i32
      %sign3A_2375 = arith.subi %sign3A_2371, %sign3A_2374 : i32
      %sign3A_2376 = arith.constant 0 : i32
      %sign3A_2377 = arith.cmpi sgt, %jit3A_2367, %sign3A_2376 : i32
      %sign3A_2378 = arith.extui %sign3A_2377 : i1 to i32
      %sign3A_2379 = arith.constant 0 : i32
      %sign3A_2380 = arith.cmpi slt, %jit3A_2367, %sign3A_2379 : i32
      %sign3A_2381 = arith.extui %sign3A_2380 : i1 to i32
      %sign3A_2382 = arith.subi %sign3A_2378, %sign3A_2381 : i32
      %ne3A_2383 = arith.cmpi ne, %sign3A_2375, %sign3A_2382 : i32
      %rem3A_2384 = arith.remsi %add3A_2366, %jit3A_2367 : i32
      %ne3A_2385 = arith.constant 0 : i32
      %ne3A_2386 = arith.cmpi ne, %rem3A_2384, %ne3A_2385 : i32
      %and3A_2387 = arith.andi %ne3A_2383, %ne3A_2386 : i1
      %sub3A_2388 = arith.constant 1 : i32
      %sub3A_2389 = arith.subi %div3A_2368, %sub3A_2388 : i32
      %select_n3A_2390 = arith.select %and3A_2387, %sub3A_2389, %div3A_2368 : i32
      %jit3A_2391 = arith.constant 512 : i32
      %eq3A_2392 = arith.constant 0 : i32
      %eq3A_2393 = arith.cmpi eq, %jit3A_2391, %eq3A_2392 : i32
      %jit3A_2394 = arith.constant 1 : i32
      %select_n3A_2395 = arith.select %eq3A_2393, %jit3A_2394, %jit3A_2391 : i32
      %rem3A_2396 = arith.remsi %add3A_2366, %select_n3A_2395 : i32
      %ne3A_2397 = arith.constant 0 : i32
      %ne3A_2398 = arith.cmpi ne, %rem3A_2396, %ne3A_2397 : i32
      %lt3A_2399 = arith.constant 0 : i32
      %lt3A_2400 = arith.cmpi slt, %rem3A_2396, %lt3A_2399 : i32
      %lt3A_2401 = arith.constant 0 : i32
      %lt3A_2402 = arith.cmpi slt, %select_n3A_2395, %lt3A_2401 : i32
      %ne3A_2403 = arith.xori %lt3A_2400, %lt3A_2402 : i1
      %and3A_2404 = arith.andi %ne3A_2403, %ne3A_2398 : i1
      %add3A_2405 = arith.addi %rem3A_2396, %select_n3A_2395 : i32
      %select_n3A_2406 = arith.select %and3A_2404, %add3A_2405, %rem3A_2396 : i32
      %mul3A_2407 = arith.constant 32 : i32
      %mul3A_2408 = arith.muli %select_n3A_2406, %mul3A_2407 : i32
      %dma_start3A_2409 = arith.constant 1 : i32
      %dma_start3A_2410 = arith.constant 0 : i32
      %dma_start3A_2411 = arith.constant 0 : i32
      %dma_start3A_2412 = tpu.memref_slice %arg6[%dma_start3A_2409, %dma_start3A_2410, %dma_start3A_2411] : memref<8x32x128xf32, #tpu.memory_space<vmem>> -> memref<1x32x128xf32, #tpu.memory_space<vmem>>
      %dma_start3A_2413 = tpu.memref_squeeze %dma_start3A_2412 : memref<1x32x128xf32, #tpu.memory_space<vmem>> -> memref<32x128xf32, #tpu.memory_space<vmem>>
      %dma_start3A_2414 = arith.constant 0 : i32
      %dma_start3A_2415 = tpu.memref_slice %arg4[%select_n3A_2390, %mul3A_2408, %dma_start3A_2414] : memref<26x16384x128xf32, #tpu.memory_space<hbm>> -> memref<1x32x128xf32, #tpu.memory_space<hbm>>
      %dma_start3A_2416 = tpu.memref_squeeze %dma_start3A_2415 : memref<1x32x128xf32, #tpu.memory_space<hbm>> -> memref<32x128xf32, #tpu.memory_space<hbm>>
      %dma_start3A_2417 = arith.constant 0 : i32
      %dma_start3A_2418 = tpu.memref_slice %arg4[%select_n3A_2390, %mul3A_2408, %dma_start3A_2417] : memref<26x16384x128xf32, #tpu.memory_space<hbm>> -> memref<1x32x128xf32, #tpu.memory_space<hbm>>
      %dma_start3A_2419 = tpu.memref_squeeze %dma_start3A_2418 : memref<1x32x128xf32, #tpu.memory_space<hbm>> -> memref<32x128xf32, #tpu.memory_space<hbm>>
      %dma_start3A_2420 = arith.constant 0 : i32
      %dma_start3A_2421 = arith.constant 0 : i32
      %dma_start3A_2422 = tpu.memref_slice %arg6[%dma_start3A_2409, %dma_start3A_2420, %dma_start3A_2421] : memref<8x32x128xf32, #tpu.memory_space<vmem>> -> memref<1x32x128xf32, #tpu.memory_space<vmem>>
      %dma_start3A_2423 = tpu.memref_squeeze %dma_start3A_2422 : memref<1x32x128xf32, #tpu.memory_space<vmem>> -> memref<32x128xf32, #tpu.memory_space<vmem>>
      tpu.enqueue_dma source(%dma_start3A_2423 : memref<32x128xf32, #tpu.memory_space<vmem>>) target(%dma_start3A_2419 : memref<32x128xf32, #tpu.memory_space<hbm>>) target_semaphore(%arg16 : memref<!tpu.dma_semaphore, #tpu.memory_space<semaphore_mem>>)
      %add3A_2424 = arith.constant 6 : i32
      %add3A_2425 = arith.addi %add3A_2354, %add3A_2424 : i32
      %add3A_2426 = arith.addi %mul3A_2, %add3A_2354 : i32
      %jit3A_2427 = arith.constant 512 : i32
      %div3A_2428 = arith.divsi %add3A_2426, %jit3A_2427 : i32
      %sign3A_2429 = arith.constant 0 : i32
      %sign3A_2430 = arith.cmpi sgt, %add3A_2426, %sign3A_2429 : i32
      %sign3A_2431 = arith.extui %sign3A_2430 : i1 to i32
      %sign3A_2432 = arith.constant 0 : i32
      %sign3A_2433 = arith.cmpi slt, %add3A_2426, %sign3A_2432 : i32
      %sign3A_2434 = arith.extui %sign3A_2433 : i1 to i32
      %sign3A_2435 = arith.subi %sign3A_2431, %sign3A_2434 : i32
      %sign3A_2436 = arith.constant 0 : i32
      %sign3A_2437 = arith.cmpi sgt, %jit3A_2427, %sign3A_2436 : i32
      %sign3A_2438 = arith.extui %sign3A_2437 : i1 to i32
      %sign3A_2439 = arith.constant 0 : i32
      %sign3A_2440 = arith.cmpi slt, %jit3A_2427, %sign3A_2439 : i32
      %sign3A_2441 = arith.extui %sign3A_2440 : i1 to i32
      %sign3A_2442 = arith.subi %sign3A_2438, %sign3A_2441 : i32
      %ne3A_2443 = arith.cmpi ne, %sign3A_2435, %sign3A_2442 : i32
      %rem3A_2444 = arith.remsi %add3A_2426, %jit3A_2427 : i32
      %ne3A_2445 = arith.constant 0 : i32
      %ne3A_2446 = arith.cmpi ne, %rem3A_2444, %ne3A_2445 : i32
      %and3A_2447 = arith.andi %ne3A_2443, %ne3A_2446 : i1
      %sub3A_2448 = arith.constant 1 : i32
      %sub3A_2449 = arith.subi %div3A_2428, %sub3A_2448 : i32
      %select_n3A_2450 = arith.select %and3A_2447, %sub3A_2449, %div3A_2428 : i32
      %jit3A_2451 = arith.constant 512 : i32
      %eq3A_2452 = arith.constant 0 : i32
      %eq3A_2453 = arith.cmpi eq, %jit3A_2451, %eq3A_2452 : i32
      %jit3A_2454 = arith.constant 1 : i32
      %select_n3A_2455 = arith.select %eq3A_2453, %jit3A_2454, %jit3A_2451 : i32
      %rem3A_2456 = arith.remsi %add3A_2426, %select_n3A_2455 : i32
      %ne3A_2457 = arith.constant 0 : i32
      %ne3A_2458 = arith.cmpi ne, %rem3A_2456, %ne3A_2457 : i32
      %lt3A_2459 = arith.constant 0 : i32
      %lt3A_2460 = arith.cmpi slt, %rem3A_2456, %lt3A_2459 : i32
      %lt3A_2461 = arith.constant 0 : i32
      %lt3A_2462 = arith.cmpi slt, %select_n3A_2455, %lt3A_2461 : i32
      %ne3A_2463 = arith.xori %lt3A_2460, %lt3A_2462 : i1
      %and3A_2464 = arith.andi %ne3A_2463, %ne3A_2458 : i1
      %add3A_2465 = arith.addi %rem3A_2456, %select_n3A_2455 : i32
      %select_n3A_2466 = arith.select %and3A_2464, %add3A_2465, %rem3A_2456 : i32
      %mul3A_2467 = arith.constant 32 : i32
      %mul3A_2468 = arith.muli %select_n3A_2466, %mul3A_2467 : i32
      %dma_wait3A_2469 = arith.constant 7 : i32
      %dma_wait3A_2470 = arith.constant 0 : i32
      %dma_wait3A_2471 = arith.constant 0 : i32
      %dma_wait3A_2472 = tpu.memref_slice %arg6[%dma_wait3A_2469, %dma_wait3A_2470, %dma_wait3A_2471] : memref<8x32x128xf32, #tpu.memory_space<vmem>> -> memref<1x32x128xf32, #tpu.memory_space<vmem>>
      %dma_wait3A_2473 = tpu.memref_squeeze %dma_wait3A_2472 : memref<1x32x128xf32, #tpu.memory_space<vmem>> -> memref<32x128xf32, #tpu.memory_space<vmem>>
      %dma_wait3A_2474 = arith.constant 0 : i32
      %dma_wait3A_2475 = tpu.memref_slice %arg4[%select_n3A_2450, %mul3A_2468, %dma_wait3A_2474] : memref<26x16384x128xf32, #tpu.memory_space<hbm>> -> memref<1x32x128xf32, #tpu.memory_space<hbm>>
      %dma_wait3A_2476 = tpu.memref_squeeze %dma_wait3A_2475 : memref<1x32x128xf32, #tpu.memory_space<hbm>> -> memref<32x128xf32, #tpu.memory_space<hbm>>
      %dma_wait3A_2477 = arith.constant 0 : i32
      %dma_wait3A_2478 = tpu.memref_slice %arg4[%select_n3A_2450, %mul3A_2468, %dma_wait3A_2477] : memref<26x16384x128xf32, #tpu.memory_space<hbm>> -> memref<1x32x128xf32, #tpu.memory_space<hbm>>
      %dma_wait3A_2479 = tpu.memref_squeeze %dma_wait3A_2478 : memref<1x32x128xf32, #tpu.memory_space<hbm>> -> memref<32x128xf32, #tpu.memory_space<hbm>>
      %dma_wait3A_2480 = arith.constant 0 : i32
      %dma_wait3A_2481 = arith.constant 0 : i32
      %dma_wait3A_2482 = tpu.memref_slice %arg6[%dma_wait3A_2469, %dma_wait3A_2480, %dma_wait3A_2481] : memref<8x32x128xf32, #tpu.memory_space<vmem>> -> memref<1x32x128xf32, #tpu.memory_space<vmem>>
      %dma_wait3A_2483 = tpu.memref_squeeze %dma_wait3A_2482 : memref<1x32x128xf32, #tpu.memory_space<vmem>> -> memref<32x128xf32, #tpu.memory_space<vmem>>
      tpu.wait_dma2 semaphore(%arg22 : memref<!tpu.dma_semaphore, #tpu.memory_space<semaphore_mem>>) src(%dma_wait3A_2483 : memref<32x128xf32, #tpu.memory_space<vmem>>) dst(%dma_wait3A_2479 : memref<32x128xf32, #tpu.memory_space<hbm>>)
      %mul3A_2484 = arith.constant 32 : i32
      %mul3A_2485 = arith.muli %add3A_2425, %mul3A_2484 : i32
      %dma_start3A_2486 = arith.constant 7 : i32
      %dma_start3A_2487 = arith.constant 0 : i32
      %dma_start3A_2488 = arith.constant 0 : i32
      %dma_start3A_2489 = tpu.memref_slice %arg6[%dma_start3A_2486, %dma_start3A_2487, %dma_start3A_2488] : memref<8x32x128xf32, #tpu.memory_space<vmem>> -> memref<1x32x128xf32, #tpu.memory_space<vmem>>
      %dma_start3A_2490 = tpu.memref_squeeze %dma_start3A_2489 : memref<1x32x128xf32, #tpu.memory_space<vmem>> -> memref<32x128xf32, #tpu.memory_space<vmem>>
      %dma_start3A_2491 = tpu.memref_slice %arg5[%mul3A_2485] : memref<13312xi32, #tpu.memory_space<vmem>> -> memref<32xi32, #tpu.memory_space<vmem>>
      %dma_start3A_2492 = arith.constant 0 : i32
      %dma_start3A_2493 = arith.constant 0 : i32
      %dma_start3A_2494 = tpu.memref_slice %arg2[%dma_start3A_2492, %dma_start3A_2493] : memref<100000x128xf32, #tpu.memory_space<hbm>> -> memref<100000x128xf32, #tpu.memory_space<hbm>>
      tpu.enqueue_indirect_dma source(%dma_start3A_2494 : memref<100000x128xf32, #tpu.memory_space<hbm>>) target(%dma_start3A_2490 : memref<32x128xf32, #tpu.memory_space<vmem>>) offsets(%dma_start3A_2491 : memref<32xi32, #tpu.memory_space<vmem>>) semaphore(%arg14 : memref<!tpu.dma_semaphore, #tpu.memory_space<semaphore_mem>>)
      %mul3A_2495 = arith.constant 8 : i32
      %mul3A_2496 = arith.muli %scan3A_2206, %mul3A_2495 : i32
      %add3A_2497 = arith.constant 2 : i32
      %add3A_2498 = arith.addi %mul3A_2496, %add3A_2497 : i32
      %mul3A_2499 = arith.constant 32 : i32
      %mul3A_2500 = arith.muli %add3A_2498, %mul3A_2499 : i32
      %dma_wait3A_2501 = arith.constant 2 : i32
      %dma_wait3A_2502 = arith.constant 0 : i32
      %dma_wait3A_2503 = arith.constant 0 : i32
      %dma_wait3A_2504 = tpu.memref_slice %arg6[%dma_wait3A_2501, %dma_wait3A_2502, %dma_wait3A_2503] : memref<8x32x128xf32, #tpu.memory_space<vmem>> -> memref<1x32x128xf32, #tpu.memory_space<vmem>>
      %dma_wait3A_2505 = tpu.memref_squeeze %dma_wait3A_2504 : memref<1x32x128xf32, #tpu.memory_space<vmem>> -> memref<32x128xf32, #tpu.memory_space<vmem>>
      %dma_wait3A_2506 = tpu.memref_slice %arg5[%mul3A_2500] : memref<13312xi32, #tpu.memory_space<vmem>> -> memref<32xi32, #tpu.memory_space<vmem>>
      %dma_wait3A_2507 = arith.constant 0 : i32
      %dma_wait3A_2508 = arith.constant 0 : i32
      %dma_wait3A_2509 = tpu.memref_slice %arg2[%dma_wait3A_2507, %dma_wait3A_2508] : memref<100000x128xf32, #tpu.memory_space<hbm>> -> memref<100000x128xf32, #tpu.memory_space<hbm>>
      tpu.wait_indirect_dma semaphore(%arg9 : memref<!tpu.dma_semaphore, #tpu.memory_space<semaphore_mem>>) src(%dma_wait3A_2509 : memref<100000x128xf32, #tpu.memory_space<hbm>>) dst(%dma_wait3A_2505 : memref<32x128xf32, #tpu.memory_space<vmem>>)
      %add3A_2510 = arith.addi %mul3A_2, %add3A_2498 : i32
      %jit3A_2511 = arith.constant 512 : i32
      %div3A_2512 = arith.divsi %add3A_2510, %jit3A_2511 : i32
      %sign3A_2513 = arith.constant 0 : i32
      %sign3A_2514 = arith.cmpi sgt, %add3A_2510, %sign3A_2513 : i32
      %sign3A_2515 = arith.extui %sign3A_2514 : i1 to i32
      %sign3A_2516 = arith.constant 0 : i32
      %sign3A_2517 = arith.cmpi slt, %add3A_2510, %sign3A_2516 : i32
      %sign3A_2518 = arith.extui %sign3A_2517 : i1 to i32
      %sign3A_2519 = arith.subi %sign3A_2515, %sign3A_2518 : i32
      %sign3A_2520 = arith.constant 0 : i32
      %sign3A_2521 = arith.cmpi sgt, %jit3A_2511, %sign3A_2520 : i32
      %sign3A_2522 = arith.extui %sign3A_2521 : i1 to i32
      %sign3A_2523 = arith.constant 0 : i32
      %sign3A_2524 = arith.cmpi slt, %jit3A_2511, %sign3A_2523 : i32
      %sign3A_2525 = arith.extui %sign3A_2524 : i1 to i32
      %sign3A_2526 = arith.subi %sign3A_2522, %sign3A_2525 : i32
      %ne3A_2527 = arith.cmpi ne, %sign3A_2519, %sign3A_2526 : i32
      %rem3A_2528 = arith.remsi %add3A_2510, %jit3A_2511 : i32
      %ne3A_2529 = arith.constant 0 : i32
      %ne3A_2530 = arith.cmpi ne, %rem3A_2528, %ne3A_2529 : i32
      %and3A_2531 = arith.andi %ne3A_2527, %ne3A_2530 : i1
      %sub3A_2532 = arith.constant 1 : i32
      %sub3A_2533 = arith.subi %div3A_2512, %sub3A_2532 : i32
      %select_n3A_2534 = arith.select %and3A_2531, %sub3A_2533, %div3A_2512 : i32
      %jit3A_2535 = arith.constant 512 : i32
      %eq3A_2536 = arith.constant 0 : i32
      %eq3A_2537 = arith.cmpi eq, %jit3A_2535, %eq3A_2536 : i32
      %jit3A_2538 = arith.constant 1 : i32
      %select_n3A_2539 = arith.select %eq3A_2537, %jit3A_2538, %jit3A_2535 : i32
      %rem3A_2540 = arith.remsi %add3A_2510, %select_n3A_2539 : i32
      %ne3A_2541 = arith.constant 0 : i32
      %ne3A_2542 = arith.cmpi ne, %rem3A_2540, %ne3A_2541 : i32
      %lt3A_2543 = arith.constant 0 : i32
      %lt3A_2544 = arith.cmpi slt, %rem3A_2540, %lt3A_2543 : i32
      %lt3A_2545 = arith.constant 0 : i32
      %lt3A_2546 = arith.cmpi slt, %select_n3A_2539, %lt3A_2545 : i32
      %ne3A_2547 = arith.xori %lt3A_2544, %lt3A_2546 : i1
      %and3A_2548 = arith.andi %ne3A_2547, %ne3A_2542 : i1
      %add3A_2549 = arith.addi %rem3A_2540, %select_n3A_2539 : i32
      %select_n3A_2550 = arith.select %and3A_2548, %add3A_2549, %rem3A_2540 : i32
      %mul3A_2551 = arith.constant 32 : i32
      %mul3A_2552 = arith.muli %select_n3A_2550, %mul3A_2551 : i32
      %dma_start3A_2553 = arith.constant 2 : i32
      %dma_start3A_2554 = arith.constant 0 : i32
      %dma_start3A_2555 = arith.constant 0 : i32
      %dma_start3A_2556 = tpu.memref_slice %arg6[%dma_start3A_2553, %dma_start3A_2554, %dma_start3A_2555] : memref<8x32x128xf32, #tpu.memory_space<vmem>> -> memref<1x32x128xf32, #tpu.memory_space<vmem>>
      %dma_start3A_2557 = tpu.memref_squeeze %dma_start3A_2556 : memref<1x32x128xf32, #tpu.memory_space<vmem>> -> memref<32x128xf32, #tpu.memory_space<vmem>>
      %dma_start3A_2558 = arith.constant 0 : i32
      %dma_start3A_2559 = tpu.memref_slice %arg4[%select_n3A_2534, %mul3A_2552, %dma_start3A_2558] : memref<26x16384x128xf32, #tpu.memory_space<hbm>> -> memref<1x32x128xf32, #tpu.memory_space<hbm>>
      %dma_start3A_2560 = tpu.memref_squeeze %dma_start3A_2559 : memref<1x32x128xf32, #tpu.memory_space<hbm>> -> memref<32x128xf32, #tpu.memory_space<hbm>>
      %dma_start3A_2561 = arith.constant 0 : i32
      %dma_start3A_2562 = tpu.memref_slice %arg4[%select_n3A_2534, %mul3A_2552, %dma_start3A_2561] : memref<26x16384x128xf32, #tpu.memory_space<hbm>> -> memref<1x32x128xf32, #tpu.memory_space<hbm>>
      %dma_start3A_2563 = tpu.memref_squeeze %dma_start3A_2562 : memref<1x32x128xf32, #tpu.memory_space<hbm>> -> memref<32x128xf32, #tpu.memory_space<hbm>>
      %dma_start3A_2564 = arith.constant 0 : i32
      %dma_start3A_2565 = arith.constant 0 : i32
      %dma_start3A_2566 = tpu.memref_slice %arg6[%dma_start3A_2553, %dma_start3A_2564, %dma_start3A_2565] : memref<8x32x128xf32, #tpu.memory_space<vmem>> -> memref<1x32x128xf32, #tpu.memory_space<vmem>>
      %dma_start3A_2567 = tpu.memref_squeeze %dma_start3A_2566 : memref<1x32x128xf32, #tpu.memory_space<vmem>> -> memref<32x128xf32, #tpu.memory_space<vmem>>
      tpu.enqueue_dma source(%dma_start3A_2567 : memref<32x128xf32, #tpu.memory_space<vmem>>) target(%dma_start3A_2563 : memref<32x128xf32, #tpu.memory_space<hbm>>) target_semaphore(%arg17 : memref<!tpu.dma_semaphore, #tpu.memory_space<semaphore_mem>>)
      %add3A_2568 = arith.constant 6 : i32
      %add3A_2569 = arith.addi %add3A_2498, %add3A_2568 : i32
      %add3A_2570 = arith.addi %mul3A_2, %add3A_2498 : i32
      %jit3A_2571 = arith.constant 512 : i32
      %div3A_2572 = arith.divsi %add3A_2570, %jit3A_2571 : i32
      %sign3A_2573 = arith.constant 0 : i32
      %sign3A_2574 = arith.cmpi sgt, %add3A_2570, %sign3A_2573 : i32
      %sign3A_2575 = arith.extui %sign3A_2574 : i1 to i32
      %sign3A_2576 = arith.constant 0 : i32
      %sign3A_2577 = arith.cmpi slt, %add3A_2570, %sign3A_2576 : i32
      %sign3A_2578 = arith.extui %sign3A_2577 : i1 to i32
      %sign3A_2579 = arith.subi %sign3A_2575, %sign3A_2578 : i32
      %sign3A_2580 = arith.constant 0 : i32
      %sign3A_2581 = arith.cmpi sgt, %jit3A_2571, %sign3A_2580 : i32
      %sign3A_2582 = arith.extui %sign3A_2581 : i1 to i32
      %sign3A_2583 = arith.constant 0 : i32
      %sign3A_2584 = arith.cmpi slt, %jit3A_2571, %sign3A_2583 : i32
      %sign3A_2585 = arith.extui %sign3A_2584 : i1 to i32
      %sign3A_2586 = arith.subi %sign3A_2582, %sign3A_2585 : i32
      %ne3A_2587 = arith.cmpi ne, %sign3A_2579, %sign3A_2586 : i32
      %rem3A_2588 = arith.remsi %add3A_2570, %jit3A_2571 : i32
      %ne3A_2589 = arith.constant 0 : i32
      %ne3A_2590 = arith.cmpi ne, %rem3A_2588, %ne3A_2589 : i32
      %and3A_2591 = arith.andi %ne3A_2587, %ne3A_2590 : i1
      %sub3A_2592 = arith.constant 1 : i32
      %sub3A_2593 = arith.subi %div3A_2572, %sub3A_2592 : i32
      %select_n3A_2594 = arith.select %and3A_2591, %sub3A_2593, %div3A_2572 : i32
      %jit3A_2595 = arith.constant 512 : i32
      %eq3A_2596 = arith.constant 0 : i32
      %eq3A_2597 = arith.cmpi eq, %jit3A_2595, %eq3A_2596 : i32
      %jit3A_2598 = arith.constant 1 : i32
      %select_n3A_2599 = arith.select %eq3A_2597, %jit3A_2598, %jit3A_2595 : i32
      %rem3A_2600 = arith.remsi %add3A_2570, %select_n3A_2599 : i32
      %ne3A_2601 = arith.constant 0 : i32
      %ne3A_2602 = arith.cmpi ne, %rem3A_2600, %ne3A_2601 : i32
      %lt3A_2603 = arith.constant 0 : i32
      %lt3A_2604 = arith.cmpi slt, %rem3A_2600, %lt3A_2603 : i32
      %lt3A_2605 = arith.constant 0 : i32
      %lt3A_2606 = arith.cmpi slt, %select_n3A_2599, %lt3A_2605 : i32
      %ne3A_2607 = arith.xori %lt3A_2604, %lt3A_2606 : i1
      %and3A_2608 = arith.andi %ne3A_2607, %ne3A_2602 : i1
      %add3A_2609 = arith.addi %rem3A_2600, %select_n3A_2599 : i32
      %select_n3A_2610 = arith.select %and3A_2608, %add3A_2609, %rem3A_2600 : i32
      %mul3A_2611 = arith.constant 32 : i32
      %mul3A_2612 = arith.muli %select_n3A_2610, %mul3A_2611 : i32
      %dma_wait3A_2613 = arith.constant 0 : i32
      %dma_wait3A_2614 = arith.constant 0 : i32
      %dma_wait3A_2615 = arith.constant 0 : i32
      %dma_wait3A_2616 = tpu.memref_slice %arg6[%dma_wait3A_2613, %dma_wait3A_2614, %dma_wait3A_2615] : memref<8x32x128xf32, #tpu.memory_space<vmem>> -> memref<1x32x128xf32, #tpu.memory_space<vmem>>
      %dma_wait3A_2617 = tpu.memref_squeeze %dma_wait3A_2616 : memref<1x32x128xf32, #tpu.memory_space<vmem>> -> memref<32x128xf32, #tpu.memory_space<vmem>>
      %dma_wait3A_2618 = arith.constant 0 : i32
      %dma_wait3A_2619 = tpu.memref_slice %arg4[%select_n3A_2594, %mul3A_2612, %dma_wait3A_2618] : memref<26x16384x128xf32, #tpu.memory_space<hbm>> -> memref<1x32x128xf32, #tpu.memory_space<hbm>>
      %dma_wait3A_2620 = tpu.memref_squeeze %dma_wait3A_2619 : memref<1x32x128xf32, #tpu.memory_space<hbm>> -> memref<32x128xf32, #tpu.memory_space<hbm>>
      %dma_wait3A_2621 = arith.constant 0 : i32
      %dma_wait3A_2622 = tpu.memref_slice %arg4[%select_n3A_2594, %mul3A_2612, %dma_wait3A_2621] : memref<26x16384x128xf32, #tpu.memory_space<hbm>> -> memref<1x32x128xf32, #tpu.memory_space<hbm>>
      %dma_wait3A_2623 = tpu.memref_squeeze %dma_wait3A_2622 : memref<1x32x128xf32, #tpu.memory_space<hbm>> -> memref<32x128xf32, #tpu.memory_space<hbm>>
      %dma_wait3A_2624 = arith.constant 0 : i32
      %dma_wait3A_2625 = arith.constant 0 : i32
      %dma_wait3A_2626 = tpu.memref_slice %arg6[%dma_wait3A_2613, %dma_wait3A_2624, %dma_wait3A_2625] : memref<8x32x128xf32, #tpu.memory_space<vmem>> -> memref<1x32x128xf32, #tpu.memory_space<vmem>>
      %dma_wait3A_2627 = tpu.memref_squeeze %dma_wait3A_2626 : memref<1x32x128xf32, #tpu.memory_space<vmem>> -> memref<32x128xf32, #tpu.memory_space<vmem>>
      tpu.wait_dma2 semaphore(%arg15 : memref<!tpu.dma_semaphore, #tpu.memory_space<semaphore_mem>>) src(%dma_wait3A_2627 : memref<32x128xf32, #tpu.memory_space<vmem>>) dst(%dma_wait3A_2623 : memref<32x128xf32, #tpu.memory_space<hbm>>)
      %mul3A_2628 = arith.constant 32 : i32
      %mul3A_2629 = arith.muli %add3A_2569, %mul3A_2628 : i32
      %dma_start3A_2630 = arith.constant 0 : i32
      %dma_start3A_2631 = arith.constant 0 : i32
      %dma_start3A_2632 = arith.constant 0 : i32
      %dma_start3A_2633 = tpu.memref_slice %arg6[%dma_start3A_2630, %dma_start3A_2631, %dma_start3A_2632] : memref<8x32x128xf32, #tpu.memory_space<vmem>> -> memref<1x32x128xf32, #tpu.memory_space<vmem>>
      %dma_start3A_2634 = tpu.memref_squeeze %dma_start3A_2633 : memref<1x32x128xf32, #tpu.memory_space<vmem>> -> memref<32x128xf32, #tpu.memory_space<vmem>>
      %dma_start3A_2635 = tpu.memref_slice %arg5[%mul3A_2629] : memref<13312xi32, #tpu.memory_space<vmem>> -> memref<32xi32, #tpu.memory_space<vmem>>
      %dma_start3A_2636 = arith.constant 0 : i32
      %dma_start3A_2637 = arith.constant 0 : i32
      %dma_start3A_2638 = tpu.memref_slice %arg2[%dma_start3A_2636, %dma_start3A_2637] : memref<100000x128xf32, #tpu.memory_space<hbm>> -> memref<100000x128xf32, #tpu.memory_space<hbm>>
      tpu.enqueue_indirect_dma source(%dma_start3A_2638 : memref<100000x128xf32, #tpu.memory_space<hbm>>) target(%dma_start3A_2634 : memref<32x128xf32, #tpu.memory_space<vmem>>) offsets(%dma_start3A_2635 : memref<32xi32, #tpu.memory_space<vmem>>) semaphore(%arg7 : memref<!tpu.dma_semaphore, #tpu.memory_space<semaphore_mem>>)
      %mul3A_2639 = arith.constant 8 : i32
      %mul3A_2640 = arith.muli %scan3A_2206, %mul3A_2639 : i32
      %add3A_2641 = arith.constant 3 : i32
      %add3A_2642 = arith.addi %mul3A_2640, %add3A_2641 : i32
      %mul3A_2643 = arith.constant 32 : i32
      %mul3A_2644 = arith.muli %add3A_2642, %mul3A_2643 : i32
      %dma_wait3A_2645 = arith.constant 3 : i32
      %dma_wait3A_2646 = arith.constant 0 : i32
      %dma_wait3A_2647 = arith.constant 0 : i32
      %dma_wait3A_2648 = tpu.memref_slice %arg6[%dma_wait3A_2645, %dma_wait3A_2646, %dma_wait3A_2647] : memref<8x32x128xf32, #tpu.memory_space<vmem>> -> memref<1x32x128xf32, #tpu.memory_space<vmem>>
      %dma_wait3A_2649 = tpu.memref_squeeze %dma_wait3A_2648 : memref<1x32x128xf32, #tpu.memory_space<vmem>> -> memref<32x128xf32, #tpu.memory_space<vmem>>
      %dma_wait3A_2650 = tpu.memref_slice %arg5[%mul3A_2644] : memref<13312xi32, #tpu.memory_space<vmem>> -> memref<32xi32, #tpu.memory_space<vmem>>
      %dma_wait3A_2651 = arith.constant 0 : i32
      %dma_wait3A_2652 = arith.constant 0 : i32
      %dma_wait3A_2653 = tpu.memref_slice %arg2[%dma_wait3A_2651, %dma_wait3A_2652] : memref<100000x128xf32, #tpu.memory_space<hbm>> -> memref<100000x128xf32, #tpu.memory_space<hbm>>
      tpu.wait_indirect_dma semaphore(%arg10 : memref<!tpu.dma_semaphore, #tpu.memory_space<semaphore_mem>>) src(%dma_wait3A_2653 : memref<100000x128xf32, #tpu.memory_space<hbm>>) dst(%dma_wait3A_2649 : memref<32x128xf32, #tpu.memory_space<vmem>>)
      %add3A_2654 = arith.addi %mul3A_2, %add3A_2642 : i32
      %jit3A_2655 = arith.constant 512 : i32
      %div3A_2656 = arith.divsi %add3A_2654, %jit3A_2655 : i32
      %sign3A_2657 = arith.constant 0 : i32
      %sign3A_2658 = arith.cmpi sgt, %add3A_2654, %sign3A_2657 : i32
      %sign3A_2659 = arith.extui %sign3A_2658 : i1 to i32
      %sign3A_2660 = arith.constant 0 : i32
      %sign3A_2661 = arith.cmpi slt, %add3A_2654, %sign3A_2660 : i32
      %sign3A_2662 = arith.extui %sign3A_2661 : i1 to i32
      %sign3A_2663 = arith.subi %sign3A_2659, %sign3A_2662 : i32
      %sign3A_2664 = arith.constant 0 : i32
      %sign3A_2665 = arith.cmpi sgt, %jit3A_2655, %sign3A_2664 : i32
      %sign3A_2666 = arith.extui %sign3A_2665 : i1 to i32
      %sign3A_2667 = arith.constant 0 : i32
      %sign3A_2668 = arith.cmpi slt, %jit3A_2655, %sign3A_2667 : i32
      %sign3A_2669 = arith.extui %sign3A_2668 : i1 to i32
      %sign3A_2670 = arith.subi %sign3A_2666, %sign3A_2669 : i32
      %ne3A_2671 = arith.cmpi ne, %sign3A_2663, %sign3A_2670 : i32
      %rem3A_2672 = arith.remsi %add3A_2654, %jit3A_2655 : i32
      %ne3A_2673 = arith.constant 0 : i32
      %ne3A_2674 = arith.cmpi ne, %rem3A_2672, %ne3A_2673 : i32
      %and3A_2675 = arith.andi %ne3A_2671, %ne3A_2674 : i1
      %sub3A_2676 = arith.constant 1 : i32
      %sub3A_2677 = arith.subi %div3A_2656, %sub3A_2676 : i32
      %select_n3A_2678 = arith.select %and3A_2675, %sub3A_2677, %div3A_2656 : i32
      %jit3A_2679 = arith.constant 512 : i32
      %eq3A_2680 = arith.constant 0 : i32
      %eq3A_2681 = arith.cmpi eq, %jit3A_2679, %eq3A_2680 : i32
      %jit3A_2682 = arith.constant 1 : i32
      %select_n3A_2683 = arith.select %eq3A_2681, %jit3A_2682, %jit3A_2679 : i32
      %rem3A_2684 = arith.remsi %add3A_2654, %select_n3A_2683 : i32
      %ne3A_2685 = arith.constant 0 : i32
      %ne3A_2686 = arith.cmpi ne, %rem3A_2684, %ne3A_2685 : i32
      %lt3A_2687 = arith.constant 0 : i32
      %lt3A_2688 = arith.cmpi slt, %rem3A_2684, %lt3A_2687 : i32
      %lt3A_2689 = arith.constant 0 : i32
      %lt3A_2690 = arith.cmpi slt, %select_n3A_2683, %lt3A_2689 : i32
      %ne3A_2691 = arith.xori %lt3A_2688, %lt3A_2690 : i1
      %and3A_2692 = arith.andi %ne3A_2691, %ne3A_2686 : i1
      %add3A_2693 = arith.addi %rem3A_2684, %select_n3A_2683 : i32
      %select_n3A_2694 = arith.select %and3A_2692, %add3A_2693, %rem3A_2684 : i32
      %mul3A_2695 = arith.constant 32 : i32
      %mul3A_2696 = arith.muli %select_n3A_2694, %mul3A_2695 : i32
      %dma_start3A_2697 = arith.constant 3 : i32
      %dma_start3A_2698 = arith.constant 0 : i32
      %dma_start3A_2699 = arith.constant 0 : i32
      %dma_start3A_2700 = tpu.memref_slice %arg6[%dma_start3A_2697, %dma_start3A_2698, %dma_start3A_2699] : memref<8x32x128xf32, #tpu.memory_space<vmem>> -> memref<1x32x128xf32, #tpu.memory_space<vmem>>
      %dma_start3A_2701 = tpu.memref_squeeze %dma_start3A_2700 : memref<1x32x128xf32, #tpu.memory_space<vmem>> -> memref<32x128xf32, #tpu.memory_space<vmem>>
      %dma_start3A_2702 = arith.constant 0 : i32
      %dma_start3A_2703 = tpu.memref_slice %arg4[%select_n3A_2678, %mul3A_2696, %dma_start3A_2702] : memref<26x16384x128xf32, #tpu.memory_space<hbm>> -> memref<1x32x128xf32, #tpu.memory_space<hbm>>
      %dma_start3A_2704 = tpu.memref_squeeze %dma_start3A_2703 : memref<1x32x128xf32, #tpu.memory_space<hbm>> -> memref<32x128xf32, #tpu.memory_space<hbm>>
      %dma_start3A_2705 = arith.constant 0 : i32
      %dma_start3A_2706 = tpu.memref_slice %arg4[%select_n3A_2678, %mul3A_2696, %dma_start3A_2705] : memref<26x16384x128xf32, #tpu.memory_space<hbm>> -> memref<1x32x128xf32, #tpu.memory_space<hbm>>
      %dma_start3A_2707 = tpu.memref_squeeze %dma_start3A_2706 : memref<1x32x128xf32, #tpu.memory_space<hbm>> -> memref<32x128xf32, #tpu.memory_space<hbm>>
      %dma_start3A_2708 = arith.constant 0 : i32
      %dma_start3A_2709 = arith.constant 0 : i32
      %dma_start3A_2710 = tpu.memref_slice %arg6[%dma_start3A_2697, %dma_start3A_2708, %dma_start3A_2709] : memref<8x32x128xf32, #tpu.memory_space<vmem>> -> memref<1x32x128xf32, #tpu.memory_space<vmem>>
      %dma_start3A_2711 = tpu.memref_squeeze %dma_start3A_2710 : memref<1x32x128xf32, #tpu.memory_space<vmem>> -> memref<32x128xf32, #tpu.memory_space<vmem>>
      tpu.enqueue_dma source(%dma_start3A_2711 : memref<32x128xf32, #tpu.memory_space<vmem>>) target(%dma_start3A_2707 : memref<32x128xf32, #tpu.memory_space<hbm>>) target_semaphore(%arg18 : memref<!tpu.dma_semaphore, #tpu.memory_space<semaphore_mem>>)
      %add3A_2712 = arith.constant 6 : i32
      %add3A_2713 = arith.addi %add3A_2642, %add3A_2712 : i32
      %add3A_2714 = arith.addi %mul3A_2, %add3A_2642 : i32
      %jit3A_2715 = arith.constant 512 : i32
      %div3A_2716 = arith.divsi %add3A_2714, %jit3A_2715 : i32
      %sign3A_2717 = arith.constant 0 : i32
      %sign3A_2718 = arith.cmpi sgt, %add3A_2714, %sign3A_2717 : i32
      %sign3A_2719 = arith.extui %sign3A_2718 : i1 to i32
      %sign3A_2720 = arith.constant 0 : i32
      %sign3A_2721 = arith.cmpi slt, %add3A_2714, %sign3A_2720 : i32
      %sign3A_2722 = arith.extui %sign3A_2721 : i1 to i32
      %sign3A_2723 = arith.subi %sign3A_2719, %sign3A_2722 : i32
      %sign3A_2724 = arith.constant 0 : i32
      %sign3A_2725 = arith.cmpi sgt, %jit3A_2715, %sign3A_2724 : i32
      %sign3A_2726 = arith.extui %sign3A_2725 : i1 to i32
      %sign3A_2727 = arith.constant 0 : i32
      %sign3A_2728 = arith.cmpi slt, %jit3A_2715, %sign3A_2727 : i32
      %sign3A_2729 = arith.extui %sign3A_2728 : i1 to i32
      %sign3A_2730 = arith.subi %sign3A_2726, %sign3A_2729 : i32
      %ne3A_2731 = arith.cmpi ne, %sign3A_2723, %sign3A_2730 : i32
      %rem3A_2732 = arith.remsi %add3A_2714, %jit3A_2715 : i32
      %ne3A_2733 = arith.constant 0 : i32
      %ne3A_2734 = arith.cmpi ne, %rem3A_2732, %ne3A_2733 : i32
      %and3A_2735 = arith.andi %ne3A_2731, %ne3A_2734 : i1
      %sub3A_2736 = arith.constant 1 : i32
      %sub3A_2737 = arith.subi %div3A_2716, %sub3A_2736 : i32
      %select_n3A_2738 = arith.select %and3A_2735, %sub3A_2737, %div3A_2716 : i32
      %jit3A_2739 = arith.constant 512 : i32
      %eq3A_2740 = arith.constant 0 : i32
      %eq3A_2741 = arith.cmpi eq, %jit3A_2739, %eq3A_2740 : i32
      %jit3A_2742 = arith.constant 1 : i32
      %select_n3A_2743 = arith.select %eq3A_2741, %jit3A_2742, %jit3A_2739 : i32
      %rem3A_2744 = arith.remsi %add3A_2714, %select_n3A_2743 : i32
      %ne3A_2745 = arith.constant 0 : i32
      %ne3A_2746 = arith.cmpi ne, %rem3A_2744, %ne3A_2745 : i32
      %lt3A_2747 = arith.constant 0 : i32
      %lt3A_2748 = arith.cmpi slt, %rem3A_2744, %lt3A_2747 : i32
      %lt3A_2749 = arith.constant 0 : i32
      %lt3A_2750 = arith.cmpi slt, %select_n3A_2743, %lt3A_2749 : i32
      %ne3A_2751 = arith.xori %lt3A_2748, %lt3A_2750 : i1
      %and3A_2752 = arith.andi %ne3A_2751, %ne3A_2746 : i1
      %add3A_2753 = arith.addi %rem3A_2744, %select_n3A_2743 : i32
      %select_n3A_2754 = arith.select %and3A_2752, %add3A_2753, %rem3A_2744 : i32
      %mul3A_2755 = arith.constant 32 : i32
      %mul3A_2756 = arith.muli %select_n3A_2754, %mul3A_2755 : i32
      %dma_wait3A_2757 = arith.constant 1 : i32
      %dma_wait3A_2758 = arith.constant 0 : i32
      %dma_wait3A_2759 = arith.constant 0 : i32
      %dma_wait3A_2760 = tpu.memref_slice %arg6[%dma_wait3A_2757, %dma_wait3A_2758, %dma_wait3A_2759] : memref<8x32x128xf32, #tpu.memory_space<vmem>> -> memref<1x32x128xf32, #tpu.memory_space<vmem>>
      %dma_wait3A_2761 = tpu.memref_squeeze %dma_wait3A_2760 : memref<1x32x128xf32, #tpu.memory_space<vmem>> -> memref<32x128xf32, #tpu.memory_space<vmem>>
      %dma_wait3A_2762 = arith.constant 0 : i32
      %dma_wait3A_2763 = tpu.memref_slice %arg4[%select_n3A_2738, %mul3A_2756, %dma_wait3A_2762] : memref<26x16384x128xf32, #tpu.memory_space<hbm>> -> memref<1x32x128xf32, #tpu.memory_space<hbm>>
      %dma_wait3A_2764 = tpu.memref_squeeze %dma_wait3A_2763 : memref<1x32x128xf32, #tpu.memory_space<hbm>> -> memref<32x128xf32, #tpu.memory_space<hbm>>
      %dma_wait3A_2765 = arith.constant 0 : i32
      %dma_wait3A_2766 = tpu.memref_slice %arg4[%select_n3A_2738, %mul3A_2756, %dma_wait3A_2765] : memref<26x16384x128xf32, #tpu.memory_space<hbm>> -> memref<1x32x128xf32, #tpu.memory_space<hbm>>
      %dma_wait3A_2767 = tpu.memref_squeeze %dma_wait3A_2766 : memref<1x32x128xf32, #tpu.memory_space<hbm>> -> memref<32x128xf32, #tpu.memory_space<hbm>>
      %dma_wait3A_2768 = arith.constant 0 : i32
      %dma_wait3A_2769 = arith.constant 0 : i32
      %dma_wait3A_2770 = tpu.memref_slice %arg6[%dma_wait3A_2757, %dma_wait3A_2768, %dma_wait3A_2769] : memref<8x32x128xf32, #tpu.memory_space<vmem>> -> memref<1x32x128xf32, #tpu.memory_space<vmem>>
      %dma_wait3A_2771 = tpu.memref_squeeze %dma_wait3A_2770 : memref<1x32x128xf32, #tpu.memory_space<vmem>> -> memref<32x128xf32, #tpu.memory_space<vmem>>
      tpu.wait_dma2 semaphore(%arg16 : memref<!tpu.dma_semaphore, #tpu.memory_space<semaphore_mem>>) src(%dma_wait3A_2771 : memref<32x128xf32, #tpu.memory_space<vmem>>) dst(%dma_wait3A_2767 : memref<32x128xf32, #tpu.memory_space<hbm>>)
      %mul3A_2772 = arith.constant 32 : i32
      %mul3A_2773 = arith.muli %add3A_2713, %mul3A_2772 : i32
      %dma_start3A_2774 = arith.constant 1 : i32
      %dma_start3A_2775 = arith.constant 0 : i32
      %dma_start3A_2776 = arith.constant 0 : i32
      %dma_start3A_2777 = tpu.memref_slice %arg6[%dma_start3A_2774, %dma_start3A_2775, %dma_start3A_2776] : memref<8x32x128xf32, #tpu.memory_space<vmem>> -> memref<1x32x128xf32, #tpu.memory_space<vmem>>
      %dma_start3A_2778 = tpu.memref_squeeze %dma_start3A_2777 : memref<1x32x128xf32, #tpu.memory_space<vmem>> -> memref<32x128xf32, #tpu.memory_space<vmem>>
      %dma_start3A_2779 = tpu.memref_slice %arg5[%mul3A_2773] : memref<13312xi32, #tpu.memory_space<vmem>> -> memref<32xi32, #tpu.memory_space<vmem>>
      %dma_start3A_2780 = arith.constant 0 : i32
      %dma_start3A_2781 = arith.constant 0 : i32
      %dma_start3A_2782 = tpu.memref_slice %arg2[%dma_start3A_2780, %dma_start3A_2781] : memref<100000x128xf32, #tpu.memory_space<hbm>> -> memref<100000x128xf32, #tpu.memory_space<hbm>>
      tpu.enqueue_indirect_dma source(%dma_start3A_2782 : memref<100000x128xf32, #tpu.memory_space<hbm>>) target(%dma_start3A_2778 : memref<32x128xf32, #tpu.memory_space<vmem>>) offsets(%dma_start3A_2779 : memref<32xi32, #tpu.memory_space<vmem>>) semaphore(%arg8 : memref<!tpu.dma_semaphore, #tpu.memory_space<semaphore_mem>>)
      %mul3A_2783 = arith.constant 8 : i32
      %mul3A_2784 = arith.muli %scan3A_2206, %mul3A_2783 : i32
      %add3A_2785 = arith.constant 4 : i32
      %add3A_2786 = arith.addi %mul3A_2784, %add3A_2785 : i32
      %mul3A_2787 = arith.constant 32 : i32
      %mul3A_2788 = arith.muli %add3A_2786, %mul3A_2787 : i32
      %dma_wait3A_2789 = arith.constant 4 : i32
      %dma_wait3A_2790 = arith.constant 0 : i32
      %dma_wait3A_2791 = arith.constant 0 : i32
      %dma_wait3A_2792 = tpu.memref_slice %arg6[%dma_wait3A_2789, %dma_wait3A_2790, %dma_wait3A_2791] : memref<8x32x128xf32, #tpu.memory_space<vmem>> -> memref<1x32x128xf32, #tpu.memory_space<vmem>>
      %dma_wait3A_2793 = tpu.memref_squeeze %dma_wait3A_2792 : memref<1x32x128xf32, #tpu.memory_space<vmem>> -> memref<32x128xf32, #tpu.memory_space<vmem>>
      %dma_wait3A_2794 = tpu.memref_slice %arg5[%mul3A_2788] : memref<13312xi32, #tpu.memory_space<vmem>> -> memref<32xi32, #tpu.memory_space<vmem>>
      %dma_wait3A_2795 = arith.constant 0 : i32
      %dma_wait3A_2796 = arith.constant 0 : i32
      %dma_wait3A_2797 = tpu.memref_slice %arg2[%dma_wait3A_2795, %dma_wait3A_2796] : memref<100000x128xf32, #tpu.memory_space<hbm>> -> memref<100000x128xf32, #tpu.memory_space<hbm>>
      tpu.wait_indirect_dma semaphore(%arg11 : memref<!tpu.dma_semaphore, #tpu.memory_space<semaphore_mem>>) src(%dma_wait3A_2797 : memref<100000x128xf32, #tpu.memory_space<hbm>>) dst(%dma_wait3A_2793 : memref<32x128xf32, #tpu.memory_space<vmem>>)
      %add3A_2798 = arith.addi %mul3A_2, %add3A_2786 : i32
      %jit3A_2799 = arith.constant 512 : i32
      %div3A_2800 = arith.divsi %add3A_2798, %jit3A_2799 : i32
      %sign3A_2801 = arith.constant 0 : i32
      %sign3A_2802 = arith.cmpi sgt, %add3A_2798, %sign3A_2801 : i32
      %sign3A_2803 = arith.extui %sign3A_2802 : i1 to i32
      %sign3A_2804 = arith.constant 0 : i32
      %sign3A_2805 = arith.cmpi slt, %add3A_2798, %sign3A_2804 : i32
      %sign3A_2806 = arith.extui %sign3A_2805 : i1 to i32
      %sign3A_2807 = arith.subi %sign3A_2803, %sign3A_2806 : i32
      %sign3A_2808 = arith.constant 0 : i32
      %sign3A_2809 = arith.cmpi sgt, %jit3A_2799, %sign3A_2808 : i32
      %sign3A_2810 = arith.extui %sign3A_2809 : i1 to i32
      %sign3A_2811 = arith.constant 0 : i32
      %sign3A_2812 = arith.cmpi slt, %jit3A_2799, %sign3A_2811 : i32
      %sign3A_2813 = arith.extui %sign3A_2812 : i1 to i32
      %sign3A_2814 = arith.subi %sign3A_2810, %sign3A_2813 : i32
      %ne3A_2815 = arith.cmpi ne, %sign3A_2807, %sign3A_2814 : i32
      %rem3A_2816 = arith.remsi %add3A_2798, %jit3A_2799 : i32
      %ne3A_2817 = arith.constant 0 : i32
      %ne3A_2818 = arith.cmpi ne, %rem3A_2816, %ne3A_2817 : i32
      %and3A_2819 = arith.andi %ne3A_2815, %ne3A_2818 : i1
      %sub3A_2820 = arith.constant 1 : i32
      %sub3A_2821 = arith.subi %div3A_2800, %sub3A_2820 : i32
      %select_n3A_2822 = arith.select %and3A_2819, %sub3A_2821, %div3A_2800 : i32
      %jit3A_2823 = arith.constant 512 : i32
      %eq3A_2824 = arith.constant 0 : i32
      %eq3A_2825 = arith.cmpi eq, %jit3A_2823, %eq3A_2824 : i32
      %jit3A_2826 = arith.constant 1 : i32
      %select_n3A_2827 = arith.select %eq3A_2825, %jit3A_2826, %jit3A_2823 : i32
      %rem3A_2828 = arith.remsi %add3A_2798, %select_n3A_2827 : i32
      %ne3A_2829 = arith.constant 0 : i32
      %ne3A_2830 = arith.cmpi ne, %rem3A_2828, %ne3A_2829 : i32
      %lt3A_2831 = arith.constant 0 : i32
      %lt3A_2832 = arith.cmpi slt, %rem3A_2828, %lt3A_2831 : i32
      %lt3A_2833 = arith.constant 0 : i32
      %lt3A_2834 = arith.cmpi slt, %select_n3A_2827, %lt3A_2833 : i32
      %ne3A_2835 = arith.xori %lt3A_2832, %lt3A_2834 : i1
      %and3A_2836 = arith.andi %ne3A_2835, %ne3A_2830 : i1
      %add3A_2837 = arith.addi %rem3A_2828, %select_n3A_2827 : i32
      %select_n3A_2838 = arith.select %and3A_2836, %add3A_2837, %rem3A_2828 : i32
      %mul3A_2839 = arith.constant 32 : i32
      %mul3A_2840 = arith.muli %select_n3A_2838, %mul3A_2839 : i32
      %dma_start3A_2841 = arith.constant 4 : i32
      %dma_start3A_2842 = arith.constant 0 : i32
      %dma_start3A_2843 = arith.constant 0 : i32
      %dma_start3A_2844 = tpu.memref_slice %arg6[%dma_start3A_2841, %dma_start3A_2842, %dma_start3A_2843] : memref<8x32x128xf32, #tpu.memory_space<vmem>> -> memref<1x32x128xf32, #tpu.memory_space<vmem>>
      %dma_start3A_2845 = tpu.memref_squeeze %dma_start3A_2844 : memref<1x32x128xf32, #tpu.memory_space<vmem>> -> memref<32x128xf32, #tpu.memory_space<vmem>>
      %dma_start3A_2846 = arith.constant 0 : i32
      %dma_start3A_2847 = tpu.memref_slice %arg4[%select_n3A_2822, %mul3A_2840, %dma_start3A_2846] : memref<26x16384x128xf32, #tpu.memory_space<hbm>> -> memref<1x32x128xf32, #tpu.memory_space<hbm>>
      %dma_start3A_2848 = tpu.memref_squeeze %dma_start3A_2847 : memref<1x32x128xf32, #tpu.memory_space<hbm>> -> memref<32x128xf32, #tpu.memory_space<hbm>>
      %dma_start3A_2849 = arith.constant 0 : i32
      %dma_start3A_2850 = tpu.memref_slice %arg4[%select_n3A_2822, %mul3A_2840, %dma_start3A_2849] : memref<26x16384x128xf32, #tpu.memory_space<hbm>> -> memref<1x32x128xf32, #tpu.memory_space<hbm>>
      %dma_start3A_2851 = tpu.memref_squeeze %dma_start3A_2850 : memref<1x32x128xf32, #tpu.memory_space<hbm>> -> memref<32x128xf32, #tpu.memory_space<hbm>>
      %dma_start3A_2852 = arith.constant 0 : i32
      %dma_start3A_2853 = arith.constant 0 : i32
      %dma_start3A_2854 = tpu.memref_slice %arg6[%dma_start3A_2841, %dma_start3A_2852, %dma_start3A_2853] : memref<8x32x128xf32, #tpu.memory_space<vmem>> -> memref<1x32x128xf32, #tpu.memory_space<vmem>>
      %dma_start3A_2855 = tpu.memref_squeeze %dma_start3A_2854 : memref<1x32x128xf32, #tpu.memory_space<vmem>> -> memref<32x128xf32, #tpu.memory_space<vmem>>
      tpu.enqueue_dma source(%dma_start3A_2855 : memref<32x128xf32, #tpu.memory_space<vmem>>) target(%dma_start3A_2851 : memref<32x128xf32, #tpu.memory_space<hbm>>) target_semaphore(%arg19 : memref<!tpu.dma_semaphore, #tpu.memory_space<semaphore_mem>>)
      %add3A_2856 = arith.constant 6 : i32
      %add3A_2857 = arith.addi %add3A_2786, %add3A_2856 : i32
      %add3A_2858 = arith.addi %mul3A_2, %add3A_2786 : i32
      %jit3A_2859 = arith.constant 512 : i32
      %div3A_2860 = arith.divsi %add3A_2858, %jit3A_2859 : i32
      %sign3A_2861 = arith.constant 0 : i32
      %sign3A_2862 = arith.cmpi sgt, %add3A_2858, %sign3A_2861 : i32
      %sign3A_2863 = arith.extui %sign3A_2862 : i1 to i32
      %sign3A_2864 = arith.constant 0 : i32
      %sign3A_2865 = arith.cmpi slt, %add3A_2858, %sign3A_2864 : i32
      %sign3A_2866 = arith.extui %sign3A_2865 : i1 to i32
      %sign3A_2867 = arith.subi %sign3A_2863, %sign3A_2866 : i32
      %sign3A_2868 = arith.constant 0 : i32
      %sign3A_2869 = arith.cmpi sgt, %jit3A_2859, %sign3A_2868 : i32
      %sign3A_2870 = arith.extui %sign3A_2869 : i1 to i32
      %sign3A_2871 = arith.constant 0 : i32
      %sign3A_2872 = arith.cmpi slt, %jit3A_2859, %sign3A_2871 : i32
      %sign3A_2873 = arith.extui %sign3A_2872 : i1 to i32
      %sign3A_2874 = arith.subi %sign3A_2870, %sign3A_2873 : i32
      %ne3A_2875 = arith.cmpi ne, %sign3A_2867, %sign3A_2874 : i32
      %rem3A_2876 = arith.remsi %add3A_2858, %jit3A_2859 : i32
      %ne3A_2877 = arith.constant 0 : i32
      %ne3A_2878 = arith.cmpi ne, %rem3A_2876, %ne3A_2877 : i32
      %and3A_2879 = arith.andi %ne3A_2875, %ne3A_2878 : i1
      %sub3A_2880 = arith.constant 1 : i32
      %sub3A_2881 = arith.subi %div3A_2860, %sub3A_2880 : i32
      %select_n3A_2882 = arith.select %and3A_2879, %sub3A_2881, %div3A_2860 : i32
      %jit3A_2883 = arith.constant 512 : i32
      %eq3A_2884 = arith.constant 0 : i32
      %eq3A_2885 = arith.cmpi eq, %jit3A_2883, %eq3A_2884 : i32
      %jit3A_2886 = arith.constant 1 : i32
      %select_n3A_2887 = arith.select %eq3A_2885, %jit3A_2886, %jit3A_2883 : i32
      %rem3A_2888 = arith.remsi %add3A_2858, %select_n3A_2887 : i32
      %ne3A_2889 = arith.constant 0 : i32
      %ne3A_2890 = arith.cmpi ne, %rem3A_2888, %ne3A_2889 : i32
      %lt3A_2891 = arith.constant 0 : i32
      %lt3A_2892 = arith.cmpi slt, %rem3A_2888, %lt3A_2891 : i32
      %lt3A_2893 = arith.constant 0 : i32
      %lt3A_2894 = arith.cmpi slt, %select_n3A_2887, %lt3A_2893 : i32
      %ne3A_2895 = arith.xori %lt3A_2892, %lt3A_2894 : i1
      %and3A_2896 = arith.andi %ne3A_2895, %ne3A_2890 : i1
      %add3A_2897 = arith.addi %rem3A_2888, %select_n3A_2887 : i32
      %select_n3A_2898 = arith.select %and3A_2896, %add3A_2897, %rem3A_2888 : i32
      %mul3A_2899 = arith.constant 32 : i32
      %mul3A_2900 = arith.muli %select_n3A_2898, %mul3A_2899 : i32
      %dma_wait3A_2901 = arith.constant 2 : i32
      %dma_wait3A_2902 = arith.constant 0 : i32
      %dma_wait3A_2903 = arith.constant 0 : i32
      %dma_wait3A_2904 = tpu.memref_slice %arg6[%dma_wait3A_2901, %dma_wait3A_2902, %dma_wait3A_2903] : memref<8x32x128xf32, #tpu.memory_space<vmem>> -> memref<1x32x128xf32, #tpu.memory_space<vmem>>
      %dma_wait3A_2905 = tpu.memref_squeeze %dma_wait3A_2904 : memref<1x32x128xf32, #tpu.memory_space<vmem>> -> memref<32x128xf32, #tpu.memory_space<vmem>>
      %dma_wait3A_2906 = arith.constant 0 : i32
      %dma_wait3A_2907 = tpu.memref_slice %arg4[%select_n3A_2882, %mul3A_2900, %dma_wait3A_2906] : memref<26x16384x128xf32, #tpu.memory_space<hbm>> -> memref<1x32x128xf32, #tpu.memory_space<hbm>>
      %dma_wait3A_2908 = tpu.memref_squeeze %dma_wait3A_2907 : memref<1x32x128xf32, #tpu.memory_space<hbm>> -> memref<32x128xf32, #tpu.memory_space<hbm>>
      %dma_wait3A_2909 = arith.constant 0 : i32
      %dma_wait3A_2910 = tpu.memref_slice %arg4[%select_n3A_2882, %mul3A_2900, %dma_wait3A_2909] : memref<26x16384x128xf32, #tpu.memory_space<hbm>> -> memref<1x32x128xf32, #tpu.memory_space<hbm>>
      %dma_wait3A_2911 = tpu.memref_squeeze %dma_wait3A_2910 : memref<1x32x128xf32, #tpu.memory_space<hbm>> -> memref<32x128xf32, #tpu.memory_space<hbm>>
      %dma_wait3A_2912 = arith.constant 0 : i32
      %dma_wait3A_2913 = arith.constant 0 : i32
      %dma_wait3A_2914 = tpu.memref_slice %arg6[%dma_wait3A_2901, %dma_wait3A_2912, %dma_wait3A_2913] : memref<8x32x128xf32, #tpu.memory_space<vmem>> -> memref<1x32x128xf32, #tpu.memory_space<vmem>>
      %dma_wait3A_2915 = tpu.memref_squeeze %dma_wait3A_2914 : memref<1x32x128xf32, #tpu.memory_space<vmem>> -> memref<32x128xf32, #tpu.memory_space<vmem>>
      tpu.wait_dma2 semaphore(%arg17 : memref<!tpu.dma_semaphore, #tpu.memory_space<semaphore_mem>>) src(%dma_wait3A_2915 : memref<32x128xf32, #tpu.memory_space<vmem>>) dst(%dma_wait3A_2911 : memref<32x128xf32, #tpu.memory_space<hbm>>)
      %mul3A_2916 = arith.constant 32 : i32
      %mul3A_2917 = arith.muli %add3A_2857, %mul3A_2916 : i32
      %dma_start3A_2918 = arith.constant 2 : i32
      %dma_start3A_2919 = arith.constant 0 : i32
      %dma_start3A_2920 = arith.constant 0 : i32
      %dma_start3A_2921 = tpu.memref_slice %arg6[%dma_start3A_2918, %dma_start3A_2919, %dma_start3A_2920] : memref<8x32x128xf32, #tpu.memory_space<vmem>> -> memref<1x32x128xf32, #tpu.memory_space<vmem>>
      %dma_start3A_2922 = tpu.memref_squeeze %dma_start3A_2921 : memref<1x32x128xf32, #tpu.memory_space<vmem>> -> memref<32x128xf32, #tpu.memory_space<vmem>>
      %dma_start3A_2923 = tpu.memref_slice %arg5[%mul3A_2917] : memref<13312xi32, #tpu.memory_space<vmem>> -> memref<32xi32, #tpu.memory_space<vmem>>
      %dma_start3A_2924 = arith.constant 0 : i32
      %dma_start3A_2925 = arith.constant 0 : i32
      %dma_start3A_2926 = tpu.memref_slice %arg2[%dma_start3A_2924, %dma_start3A_2925] : memref<100000x128xf32, #tpu.memory_space<hbm>> -> memref<100000x128xf32, #tpu.memory_space<hbm>>
      tpu.enqueue_indirect_dma source(%dma_start3A_2926 : memref<100000x128xf32, #tpu.memory_space<hbm>>) target(%dma_start3A_2922 : memref<32x128xf32, #tpu.memory_space<vmem>>) offsets(%dma_start3A_2923 : memref<32xi32, #tpu.memory_space<vmem>>) semaphore(%arg9 : memref<!tpu.dma_semaphore, #tpu.memory_space<semaphore_mem>>)
      %mul3A_2927 = arith.constant 8 : i32
      %mul3A_2928 = arith.muli %scan3A_2206, %mul3A_2927 : i32
      %add3A_2929 = arith.constant 5 : i32
      %add3A_2930 = arith.addi %mul3A_2928, %add3A_2929 : i32
      %mul3A_2931 = arith.constant 32 : i32
      %mul3A_2932 = arith.muli %add3A_2930, %mul3A_2931 : i32
      %dma_wait3A_2933 = arith.constant 5 : i32
      %dma_wait3A_2934 = arith.constant 0 : i32
      %dma_wait3A_2935 = arith.constant 0 : i32
      %dma_wait3A_2936 = tpu.memref_slice %arg6[%dma_wait3A_2933, %dma_wait3A_2934, %dma_wait3A_2935] : memref<8x32x128xf32, #tpu.memory_space<vmem>> -> memref<1x32x128xf32, #tpu.memory_space<vmem>>
      %dma_wait3A_2937 = tpu.memref_squeeze %dma_wait3A_2936 : memref<1x32x128xf32, #tpu.memory_space<vmem>> -> memref<32x128xf32, #tpu.memory_space<vmem>>
      %dma_wait3A_2938 = tpu.memref_slice %arg5[%mul3A_2932] : memref<13312xi32, #tpu.memory_space<vmem>> -> memref<32xi32, #tpu.memory_space<vmem>>
      %dma_wait3A_2939 = arith.constant 0 : i32
      %dma_wait3A_2940 = arith.constant 0 : i32
      %dma_wait3A_2941 = tpu.memref_slice %arg2[%dma_wait3A_2939, %dma_wait3A_2940] : memref<100000x128xf32, #tpu.memory_space<hbm>> -> memref<100000x128xf32, #tpu.memory_space<hbm>>
      tpu.wait_indirect_dma semaphore(%arg12 : memref<!tpu.dma_semaphore, #tpu.memory_space<semaphore_mem>>) src(%dma_wait3A_2941 : memref<100000x128xf32, #tpu.memory_space<hbm>>) dst(%dma_wait3A_2937 : memref<32x128xf32, #tpu.memory_space<vmem>>)
      %add3A_2942 = arith.addi %mul3A_2, %add3A_2930 : i32
      %jit3A_2943 = arith.constant 512 : i32
      %div3A_2944 = arith.divsi %add3A_2942, %jit3A_2943 : i32
      %sign3A_2945 = arith.constant 0 : i32
      %sign3A_2946 = arith.cmpi sgt, %add3A_2942, %sign3A_2945 : i32
      %sign3A_2947 = arith.extui %sign3A_2946 : i1 to i32
      %sign3A_2948 = arith.constant 0 : i32
      %sign3A_2949 = arith.cmpi slt, %add3A_2942, %sign3A_2948 : i32
      %sign3A_2950 = arith.extui %sign3A_2949 : i1 to i32
      %sign3A_2951 = arith.subi %sign3A_2947, %sign3A_2950 : i32
      %sign3A_2952 = arith.constant 0 : i32
      %sign3A_2953 = arith.cmpi sgt, %jit3A_2943, %sign3A_2952 : i32
      %sign3A_2954 = arith.extui %sign3A_2953 : i1 to i32
      %sign3A_2955 = arith.constant 0 : i32
      %sign3A_2956 = arith.cmpi slt, %jit3A_2943, %sign3A_2955 : i32
      %sign3A_2957 = arith.extui %sign3A_2956 : i1 to i32
      %sign3A_2958 = arith.subi %sign3A_2954, %sign3A_2957 : i32
      %ne3A_2959 = arith.cmpi ne, %sign3A_2951, %sign3A_2958 : i32
      %rem3A_2960 = arith.remsi %add3A_2942, %jit3A_2943 : i32
      %ne3A_2961 = arith.constant 0 : i32
      %ne3A_2962 = arith.cmpi ne, %rem3A_2960, %ne3A_2961 : i32
      %and3A_2963 = arith.andi %ne3A_2959, %ne3A_2962 : i1
      %sub3A_2964 = arith.constant 1 : i32
      %sub3A_2965 = arith.subi %div3A_2944, %sub3A_2964 : i32
      %select_n3A_2966 = arith.select %and3A_2963, %sub3A_2965, %div3A_2944 : i32
      %jit3A_2967 = arith.constant 512 : i32
      %eq3A_2968 = arith.constant 0 : i32
      %eq3A_2969 = arith.cmpi eq, %jit3A_2967, %eq3A_2968 : i32
      %jit3A_2970 = arith.constant 1 : i32
      %select_n3A_2971 = arith.select %eq3A_2969, %jit3A_2970, %jit3A_2967 : i32
      %rem3A_2972 = arith.remsi %add3A_2942, %select_n3A_2971 : i32
      %ne3A_2973 = arith.constant 0 : i32
      %ne3A_2974 = arith.cmpi ne, %rem3A_2972, %ne3A_2973 : i32
      %lt3A_2975 = arith.constant 0 : i32
      %lt3A_2976 = arith.cmpi slt, %rem3A_2972, %lt3A_2975 : i32
      %lt3A_2977 = arith.constant 0 : i32
      %lt3A_2978 = arith.cmpi slt, %select_n3A_2971, %lt3A_2977 : i32
      %ne3A_2979 = arith.xori %lt3A_2976, %lt3A_2978 : i1
      %and3A_2980 = arith.andi %ne3A_2979, %ne3A_2974 : i1
      %add3A_2981 = arith.addi %rem3A_2972, %select_n3A_2971 : i32
      %select_n3A_2982 = arith.select %and3A_2980, %add3A_2981, %rem3A_2972 : i32
      %mul3A_2983 = arith.constant 32 : i32
      %mul3A_2984 = arith.muli %select_n3A_2982, %mul3A_2983 : i32
      %dma_start3A_2985 = arith.constant 5 : i32
      %dma_start3A_2986 = arith.constant 0 : i32
      %dma_start3A_2987 = arith.constant 0 : i32
      %dma_start3A_2988 = tpu.memref_slice %arg6[%dma_start3A_2985, %dma_start3A_2986, %dma_start3A_2987] : memref<8x32x128xf32, #tpu.memory_space<vmem>> -> memref<1x32x128xf32, #tpu.memory_space<vmem>>
      %dma_start3A_2989 = tpu.memref_squeeze %dma_start3A_2988 : memref<1x32x128xf32, #tpu.memory_space<vmem>> -> memref<32x128xf32, #tpu.memory_space<vmem>>
      %dma_start3A_2990 = arith.constant 0 : i32
      %dma_start3A_2991 = tpu.memref_slice %arg4[%select_n3A_2966, %mul3A_2984, %dma_start3A_2990] : memref<26x16384x128xf32, #tpu.memory_space<hbm>> -> memref<1x32x128xf32, #tpu.memory_space<hbm>>
      %dma_start3A_2992 = tpu.memref_squeeze %dma_start3A_2991 : memref<1x32x128xf32, #tpu.memory_space<hbm>> -> memref<32x128xf32, #tpu.memory_space<hbm>>
      %dma_start3A_2993 = arith.constant 0 : i32
      %dma_start3A_2994 = tpu.memref_slice %arg4[%select_n3A_2966, %mul3A_2984, %dma_start3A_2993] : memref<26x16384x128xf32, #tpu.memory_space<hbm>> -> memref<1x32x128xf32, #tpu.memory_space<hbm>>
      %dma_start3A_2995 = tpu.memref_squeeze %dma_start3A_2994 : memref<1x32x128xf32, #tpu.memory_space<hbm>> -> memref<32x128xf32, #tpu.memory_space<hbm>>
      %dma_start3A_2996 = arith.constant 0 : i32
      %dma_start3A_2997 = arith.constant 0 : i32
      %dma_start3A_2998 = tpu.memref_slice %arg6[%dma_start3A_2985, %dma_start3A_2996, %dma_start3A_2997] : memref<8x32x128xf32, #tpu.memory_space<vmem>> -> memref<1x32x128xf32, #tpu.memory_space<vmem>>
      %dma_start3A_2999 = tpu.memref_squeeze %dma_start3A_2998 : memref<1x32x128xf32, #tpu.memory_space<vmem>> -> memref<32x128xf32, #tpu.memory_space<vmem>>
      tpu.enqueue_dma source(%dma_start3A_2999 : memref<32x128xf32, #tpu.memory_space<vmem>>) target(%dma_start3A_2995 : memref<32x128xf32, #tpu.memory_space<hbm>>) target_semaphore(%arg20 : memref<!tpu.dma_semaphore, #tpu.memory_space<semaphore_mem>>)
      %add3A_3000 = arith.constant 6 : i32
      %add3A_3001 = arith.addi %add3A_2930, %add3A_3000 : i32
      %add3A_3002 = arith.addi %mul3A_2, %add3A_2930 : i32
      %jit3A_3003 = arith.constant 512 : i32
      %div3A_3004 = arith.divsi %add3A_3002, %jit3A_3003 : i32
      %sign3A_3005 = arith.constant 0 : i32
      %sign3A_3006 = arith.cmpi sgt, %add3A_3002, %sign3A_3005 : i32
      %sign3A_3007 = arith.extui %sign3A_3006 : i1 to i32
      %sign3A_3008 = arith.constant 0 : i32
      %sign3A_3009 = arith.cmpi slt, %add3A_3002, %sign3A_3008 : i32
      %sign3A_3010 = arith.extui %sign3A_3009 : i1 to i32
      %sign3A_3011 = arith.subi %sign3A_3007, %sign3A_3010 : i32
      %sign3A_3012 = arith.constant 0 : i32
      %sign3A_3013 = arith.cmpi sgt, %jit3A_3003, %sign3A_3012 : i32
      %sign3A_3014 = arith.extui %sign3A_3013 : i1 to i32
      %sign3A_3015 = arith.constant 0 : i32
      %sign3A_3016 = arith.cmpi slt, %jit3A_3003, %sign3A_3015 : i32
      %sign3A_3017 = arith.extui %sign3A_3016 : i1 to i32
      %sign3A_3018 = arith.subi %sign3A_3014, %sign3A_3017 : i32
      %ne3A_3019 = arith.cmpi ne, %sign3A_3011, %sign3A_3018 : i32
      %rem3A_3020 = arith.remsi %add3A_3002, %jit3A_3003 : i32
      %ne3A_3021 = arith.constant 0 : i32
      %ne3A_3022 = arith.cmpi ne, %rem3A_3020, %ne3A_3021 : i32
      %and3A_3023 = arith.andi %ne3A_3019, %ne3A_3022 : i1
      %sub3A_3024 = arith.constant 1 : i32
      %sub3A_3025 = arith.subi %div3A_3004, %sub3A_3024 : i32
      %select_n3A_3026 = arith.select %and3A_3023, %sub3A_3025, %div3A_3004 : i32
      %jit3A_3027 = arith.constant 512 : i32
      %eq3A_3028 = arith.constant 0 : i32
      %eq3A_3029 = arith.cmpi eq, %jit3A_3027, %eq3A_3028 : i32
      %jit3A_3030 = arith.constant 1 : i32
      %select_n3A_3031 = arith.select %eq3A_3029, %jit3A_3030, %jit3A_3027 : i32
      %rem3A_3032 = arith.remsi %add3A_3002, %select_n3A_3031 : i32
      %ne3A_3033 = arith.constant 0 : i32
      %ne3A_3034 = arith.cmpi ne, %rem3A_3032, %ne3A_3033 : i32
      %lt3A_3035 = arith.constant 0 : i32
      %lt3A_3036 = arith.cmpi slt, %rem3A_3032, %lt3A_3035 : i32
      %lt3A_3037 = arith.constant 0 : i32
      %lt3A_3038 = arith.cmpi slt, %select_n3A_3031, %lt3A_3037 : i32
      %ne3A_3039 = arith.xori %lt3A_3036, %lt3A_3038 : i1
      %and3A_3040 = arith.andi %ne3A_3039, %ne3A_3034 : i1
      %add3A_3041 = arith.addi %rem3A_3032, %select_n3A_3031 : i32
      %select_n3A_3042 = arith.select %and3A_3040, %add3A_3041, %rem3A_3032 : i32
      %mul3A_3043 = arith.constant 32 : i32
      %mul3A_3044 = arith.muli %select_n3A_3042, %mul3A_3043 : i32
      %dma_wait3A_3045 = arith.constant 3 : i32
      %dma_wait3A_3046 = arith.constant 0 : i32
      %dma_wait3A_3047 = arith.constant 0 : i32
      %dma_wait3A_3048 = tpu.memref_slice %arg6[%dma_wait3A_3045, %dma_wait3A_3046, %dma_wait3A_3047] : memref<8x32x128xf32, #tpu.memory_space<vmem>> -> memref<1x32x128xf32, #tpu.memory_space<vmem>>
      %dma_wait3A_3049 = tpu.memref_squeeze %dma_wait3A_3048 : memref<1x32x128xf32, #tpu.memory_space<vmem>> -> memref<32x128xf32, #tpu.memory_space<vmem>>
      %dma_wait3A_3050 = arith.constant 0 : i32
      %dma_wait3A_3051 = tpu.memref_slice %arg4[%select_n3A_3026, %mul3A_3044, %dma_wait3A_3050] : memref<26x16384x128xf32, #tpu.memory_space<hbm>> -> memref<1x32x128xf32, #tpu.memory_space<hbm>>
      %dma_wait3A_3052 = tpu.memref_squeeze %dma_wait3A_3051 : memref<1x32x128xf32, #tpu.memory_space<hbm>> -> memref<32x128xf32, #tpu.memory_space<hbm>>
      %dma_wait3A_3053 = arith.constant 0 : i32
      %dma_wait3A_3054 = tpu.memref_slice %arg4[%select_n3A_3026, %mul3A_3044, %dma_wait3A_3053] : memref<26x16384x128xf32, #tpu.memory_space<hbm>> -> memref<1x32x128xf32, #tpu.memory_space<hbm>>
      %dma_wait3A_3055 = tpu.memref_squeeze %dma_wait3A_3054 : memref<1x32x128xf32, #tpu.memory_space<hbm>> -> memref<32x128xf32, #tpu.memory_space<hbm>>
      %dma_wait3A_3056 = arith.constant 0 : i32
      %dma_wait3A_3057 = arith.constant 0 : i32
      %dma_wait3A_3058 = tpu.memref_slice %arg6[%dma_wait3A_3045, %dma_wait3A_3056, %dma_wait3A_3057] : memref<8x32x128xf32, #tpu.memory_space<vmem>> -> memref<1x32x128xf32, #tpu.memory_space<vmem>>
      %dma_wait3A_3059 = tpu.memref_squeeze %dma_wait3A_3058 : memref<1x32x128xf32, #tpu.memory_space<vmem>> -> memref<32x128xf32, #tpu.memory_space<vmem>>
      tpu.wait_dma2 semaphore(%arg18 : memref<!tpu.dma_semaphore, #tpu.memory_space<semaphore_mem>>) src(%dma_wait3A_3059 : memref<32x128xf32, #tpu.memory_space<vmem>>) dst(%dma_wait3A_3055 : memref<32x128xf32, #tpu.memory_space<hbm>>)
      %mul3A_3060 = arith.constant 32 : i32
      %mul3A_3061 = arith.muli %add3A_3001, %mul3A_3060 : i32
      %dma_start3A_3062 = arith.constant 3 : i32
      %dma_start3A_3063 = arith.constant 0 : i32
      %dma_start3A_3064 = arith.constant 0 : i32
      %dma_start3A_3065 = tpu.memref_slice %arg6[%dma_start3A_3062, %dma_start3A_3063, %dma_start3A_3064] : memref<8x32x128xf32, #tpu.memory_space<vmem>> -> memref<1x32x128xf32, #tpu.memory_space<vmem>>
      %dma_start3A_3066 = tpu.memref_squeeze %dma_start3A_3065 : memref<1x32x128xf32, #tpu.memory_space<vmem>> -> memref<32x128xf32, #tpu.memory_space<vmem>>
      %dma_start3A_3067 = tpu.memref_slice %arg5[%mul3A_3061] : memref<13312xi32, #tpu.memory_space<vmem>> -> memref<32xi32, #tpu.memory_space<vmem>>
      %dma_start3A_3068 = arith.constant 0 : i32
      %dma_start3A_3069 = arith.constant 0 : i32
      %dma_start3A_3070 = tpu.memref_slice %arg2[%dma_start3A_3068, %dma_start3A_3069] : memref<100000x128xf32, #tpu.memory_space<hbm>> -> memref<100000x128xf32, #tpu.memory_space<hbm>>
      tpu.enqueue_indirect_dma source(%dma_start3A_3070 : memref<100000x128xf32, #tpu.memory_space<hbm>>) target(%dma_start3A_3066 : memref<32x128xf32, #tpu.memory_space<vmem>>) offsets(%dma_start3A_3067 : memref<32xi32, #tpu.memory_space<vmem>>) semaphore(%arg10 : memref<!tpu.dma_semaphore, #tpu.memory_space<semaphore_mem>>)
      %mul3A_3071 = arith.constant 8 : i32
      %mul3A_3072 = arith.muli %scan3A_2206, %mul3A_3071 : i32
      %add3A_3073 = arith.constant 6 : i32
      %add3A_3074 = arith.addi %mul3A_3072, %add3A_3073 : i32
      %mul3A_3075 = arith.constant 32 : i32
      %mul3A_3076 = arith.muli %add3A_3074, %mul3A_3075 : i32
      %dma_wait3A_3077 = arith.constant 6 : i32
      %dma_wait3A_3078 = arith.constant 0 : i32
      %dma_wait3A_3079 = arith.constant 0 : i32
      %dma_wait3A_3080 = tpu.memref_slice %arg6[%dma_wait3A_3077, %dma_wait3A_3078, %dma_wait3A_3079] : memref<8x32x128xf32, #tpu.memory_space<vmem>> -> memref<1x32x128xf32, #tpu.memory_space<vmem>>
      %dma_wait3A_3081 = tpu.memref_squeeze %dma_wait3A_3080 : memref<1x32x128xf32, #tpu.memory_space<vmem>> -> memref<32x128xf32, #tpu.memory_space<vmem>>
      %dma_wait3A_3082 = tpu.memref_slice %arg5[%mul3A_3076] : memref<13312xi32, #tpu.memory_space<vmem>> -> memref<32xi32, #tpu.memory_space<vmem>>
      %dma_wait3A_3083 = arith.constant 0 : i32
      %dma_wait3A_3084 = arith.constant 0 : i32
      %dma_wait3A_3085 = tpu.memref_slice %arg2[%dma_wait3A_3083, %dma_wait3A_3084] : memref<100000x128xf32, #tpu.memory_space<hbm>> -> memref<100000x128xf32, #tpu.memory_space<hbm>>
      tpu.wait_indirect_dma semaphore(%arg13 : memref<!tpu.dma_semaphore, #tpu.memory_space<semaphore_mem>>) src(%dma_wait3A_3085 : memref<100000x128xf32, #tpu.memory_space<hbm>>) dst(%dma_wait3A_3081 : memref<32x128xf32, #tpu.memory_space<vmem>>)
      %add3A_3086 = arith.addi %mul3A_2, %add3A_3074 : i32
      %jit3A_3087 = arith.constant 512 : i32
      %div3A_3088 = arith.divsi %add3A_3086, %jit3A_3087 : i32
      %sign3A_3089 = arith.constant 0 : i32
      %sign3A_3090 = arith.cmpi sgt, %add3A_3086, %sign3A_3089 : i32
      %sign3A_3091 = arith.extui %sign3A_3090 : i1 to i32
      %sign3A_3092 = arith.constant 0 : i32
      %sign3A_3093 = arith.cmpi slt, %add3A_3086, %sign3A_3092 : i32
      %sign3A_3094 = arith.extui %sign3A_3093 : i1 to i32
      %sign3A_3095 = arith.subi %sign3A_3091, %sign3A_3094 : i32
      %sign3A_3096 = arith.constant 0 : i32
      %sign3A_3097 = arith.cmpi sgt, %jit3A_3087, %sign3A_3096 : i32
      %sign3A_3098 = arith.extui %sign3A_3097 : i1 to i32
      %sign3A_3099 = arith.constant 0 : i32
      %sign3A_3100 = arith.cmpi slt, %jit3A_3087, %sign3A_3099 : i32
      %sign3A_3101 = arith.extui %sign3A_3100 : i1 to i32
      %sign3A_3102 = arith.subi %sign3A_3098, %sign3A_3101 : i32
      %ne3A_3103 = arith.cmpi ne, %sign3A_3095, %sign3A_3102 : i32
      %rem3A_3104 = arith.remsi %add3A_3086, %jit3A_3087 : i32
      %ne3A_3105 = arith.constant 0 : i32
      %ne3A_3106 = arith.cmpi ne, %rem3A_3104, %ne3A_3105 : i32
      %and3A_3107 = arith.andi %ne3A_3103, %ne3A_3106 : i1
      %sub3A_3108 = arith.constant 1 : i32
      %sub3A_3109 = arith.subi %div3A_3088, %sub3A_3108 : i32
      %select_n3A_3110 = arith.select %and3A_3107, %sub3A_3109, %div3A_3088 : i32
      %jit3A_3111 = arith.constant 512 : i32
      %eq3A_3112 = arith.constant 0 : i32
      %eq3A_3113 = arith.cmpi eq, %jit3A_3111, %eq3A_3112 : i32
      %jit3A_3114 = arith.constant 1 : i32
      %select_n3A_3115 = arith.select %eq3A_3113, %jit3A_3114, %jit3A_3111 : i32
      %rem3A_3116 = arith.remsi %add3A_3086, %select_n3A_3115 : i32
      %ne3A_3117 = arith.constant 0 : i32
      %ne3A_3118 = arith.cmpi ne, %rem3A_3116, %ne3A_3117 : i32
      %lt3A_3119 = arith.constant 0 : i32
      %lt3A_3120 = arith.cmpi slt, %rem3A_3116, %lt3A_3119 : i32
      %lt3A_3121 = arith.constant 0 : i32
      %lt3A_3122 = arith.cmpi slt, %select_n3A_3115, %lt3A_3121 : i32
      %ne3A_3123 = arith.xori %lt3A_3120, %lt3A_3122 : i1
      %and3A_3124 = arith.andi %ne3A_3123, %ne3A_3118 : i1
      %add3A_3125 = arith.addi %rem3A_3116, %select_n3A_3115 : i32
      %select_n3A_3126 = arith.select %and3A_3124, %add3A_3125, %rem3A_3116 : i32
      %mul3A_3127 = arith.constant 32 : i32
      %mul3A_3128 = arith.muli %select_n3A_3126, %mul3A_3127 : i32
      %dma_start3A_3129 = arith.constant 6 : i32
      %dma_start3A_3130 = arith.constant 0 : i32
      %dma_start3A_3131 = arith.constant 0 : i32
      %dma_start3A_3132 = tpu.memref_slice %arg6[%dma_start3A_3129, %dma_start3A_3130, %dma_start3A_3131] : memref<8x32x128xf32, #tpu.memory_space<vmem>> -> memref<1x32x128xf32, #tpu.memory_space<vmem>>
      %dma_start3A_3133 = tpu.memref_squeeze %dma_start3A_3132 : memref<1x32x128xf32, #tpu.memory_space<vmem>> -> memref<32x128xf32, #tpu.memory_space<vmem>>
      %dma_start3A_3134 = arith.constant 0 : i32
      %dma_start3A_3135 = tpu.memref_slice %arg4[%select_n3A_3110, %mul3A_3128, %dma_start3A_3134] : memref<26x16384x128xf32, #tpu.memory_space<hbm>> -> memref<1x32x128xf32, #tpu.memory_space<hbm>>
      %dma_start3A_3136 = tpu.memref_squeeze %dma_start3A_3135 : memref<1x32x128xf32, #tpu.memory_space<hbm>> -> memref<32x128xf32, #tpu.memory_space<hbm>>
      %dma_start3A_3137 = arith.constant 0 : i32
      %dma_start3A_3138 = tpu.memref_slice %arg4[%select_n3A_3110, %mul3A_3128, %dma_start3A_3137] : memref<26x16384x128xf32, #tpu.memory_space<hbm>> -> memref<1x32x128xf32, #tpu.memory_space<hbm>>
      %dma_start3A_3139 = tpu.memref_squeeze %dma_start3A_3138 : memref<1x32x128xf32, #tpu.memory_space<hbm>> -> memref<32x128xf32, #tpu.memory_space<hbm>>
      %dma_start3A_3140 = arith.constant 0 : i32
      %dma_start3A_3141 = arith.constant 0 : i32
      %dma_start3A_3142 = tpu.memref_slice %arg6[%dma_start3A_3129, %dma_start3A_3140, %dma_start3A_3141] : memref<8x32x128xf32, #tpu.memory_space<vmem>> -> memref<1x32x128xf32, #tpu.memory_space<vmem>>
      %dma_start3A_3143 = tpu.memref_squeeze %dma_start3A_3142 : memref<1x32x128xf32, #tpu.memory_space<vmem>> -> memref<32x128xf32, #tpu.memory_space<vmem>>
      tpu.enqueue_dma source(%dma_start3A_3143 : memref<32x128xf32, #tpu.memory_space<vmem>>) target(%dma_start3A_3139 : memref<32x128xf32, #tpu.memory_space<hbm>>) target_semaphore(%arg21 : memref<!tpu.dma_semaphore, #tpu.memory_space<semaphore_mem>>)
      %add3A_3144 = arith.constant 6 : i32
      %add3A_3145 = arith.addi %add3A_3074, %add3A_3144 : i32
      %add3A_3146 = arith.addi %mul3A_2, %add3A_3074 : i32
      %jit3A_3147 = arith.constant 512 : i32
      %div3A_3148 = arith.divsi %add3A_3146, %jit3A_3147 : i32
      %sign3A_3149 = arith.constant 0 : i32
      %sign3A_3150 = arith.cmpi sgt, %add3A_3146, %sign3A_3149 : i32
      %sign3A_3151 = arith.extui %sign3A_3150 : i1 to i32
      %sign3A_3152 = arith.constant 0 : i32
      %sign3A_3153 = arith.cmpi slt, %add3A_3146, %sign3A_3152 : i32
      %sign3A_3154 = arith.extui %sign3A_3153 : i1 to i32
      %sign3A_3155 = arith.subi %sign3A_3151, %sign3A_3154 : i32
      %sign3A_3156 = arith.constant 0 : i32
      %sign3A_3157 = arith.cmpi sgt, %jit3A_3147, %sign3A_3156 : i32
      %sign3A_3158 = arith.extui %sign3A_3157 : i1 to i32
      %sign3A_3159 = arith.constant 0 : i32
      %sign3A_3160 = arith.cmpi slt, %jit3A_3147, %sign3A_3159 : i32
      %sign3A_3161 = arith.extui %sign3A_3160 : i1 to i32
      %sign3A_3162 = arith.subi %sign3A_3158, %sign3A_3161 : i32
      %ne3A_3163 = arith.cmpi ne, %sign3A_3155, %sign3A_3162 : i32
      %rem3A_3164 = arith.remsi %add3A_3146, %jit3A_3147 : i32
      %ne3A_3165 = arith.constant 0 : i32
      %ne3A_3166 = arith.cmpi ne, %rem3A_3164, %ne3A_3165 : i32
      %and3A_3167 = arith.andi %ne3A_3163, %ne3A_3166 : i1
      %sub3A_3168 = arith.constant 1 : i32
      %sub3A_3169 = arith.subi %div3A_3148, %sub3A_3168 : i32
      %select_n3A_3170 = arith.select %and3A_3167, %sub3A_3169, %div3A_3148 : i32
      %jit3A_3171 = arith.constant 512 : i32
      %eq3A_3172 = arith.constant 0 : i32
      %eq3A_3173 = arith.cmpi eq, %jit3A_3171, %eq3A_3172 : i32
      %jit3A_3174 = arith.constant 1 : i32
      %select_n3A_3175 = arith.select %eq3A_3173, %jit3A_3174, %jit3A_3171 : i32
      %rem3A_3176 = arith.remsi %add3A_3146, %select_n3A_3175 : i32
      %ne3A_3177 = arith.constant 0 : i32
      %ne3A_3178 = arith.cmpi ne, %rem3A_3176, %ne3A_3177 : i32
      %lt3A_3179 = arith.constant 0 : i32
      %lt3A_3180 = arith.cmpi slt, %rem3A_3176, %lt3A_3179 : i32
      %lt3A_3181 = arith.constant 0 : i32
      %lt3A_3182 = arith.cmpi slt, %select_n3A_3175, %lt3A_3181 : i32
      %ne3A_3183 = arith.xori %lt3A_3180, %lt3A_3182 : i1
      %and3A_3184 = arith.andi %ne3A_3183, %ne3A_3178 : i1
      %add3A_3185 = arith.addi %rem3A_3176, %select_n3A_3175 : i32
      %select_n3A_3186 = arith.select %and3A_3184, %add3A_3185, %rem3A_3176 : i32
      %mul3A_3187 = arith.constant 32 : i32
      %mul3A_3188 = arith.muli %select_n3A_3186, %mul3A_3187 : i32
      %dma_wait3A_3189 = arith.constant 4 : i32
      %dma_wait3A_3190 = arith.constant 0 : i32
      %dma_wait3A_3191 = arith.constant 0 : i32
      %dma_wait3A_3192 = tpu.memref_slice %arg6[%dma_wait3A_3189, %dma_wait3A_3190, %dma_wait3A_3191] : memref<8x32x128xf32, #tpu.memory_space<vmem>> -> memref<1x32x128xf32, #tpu.memory_space<vmem>>
      %dma_wait3A_3193 = tpu.memref_squeeze %dma_wait3A_3192 : memref<1x32x128xf32, #tpu.memory_space<vmem>> -> memref<32x128xf32, #tpu.memory_space<vmem>>
      %dma_wait3A_3194 = arith.constant 0 : i32
      %dma_wait3A_3195 = tpu.memref_slice %arg4[%select_n3A_3170, %mul3A_3188, %dma_wait3A_3194] : memref<26x16384x128xf32, #tpu.memory_space<hbm>> -> memref<1x32x128xf32, #tpu.memory_space<hbm>>
      %dma_wait3A_3196 = tpu.memref_squeeze %dma_wait3A_3195 : memref<1x32x128xf32, #tpu.memory_space<hbm>> -> memref<32x128xf32, #tpu.memory_space<hbm>>
      %dma_wait3A_3197 = arith.constant 0 : i32
      %dma_wait3A_3198 = tpu.memref_slice %arg4[%select_n3A_3170, %mul3A_3188, %dma_wait3A_3197] : memref<26x16384x128xf32, #tpu.memory_space<hbm>> -> memref<1x32x128xf32, #tpu.memory_space<hbm>>
      %dma_wait3A_3199 = tpu.memref_squeeze %dma_wait3A_3198 : memref<1x32x128xf32, #tpu.memory_space<hbm>> -> memref<32x128xf32, #tpu.memory_space<hbm>>
      %dma_wait3A_3200 = arith.constant 0 : i32
      %dma_wait3A_3201 = arith.constant 0 : i32
      %dma_wait3A_3202 = tpu.memref_slice %arg6[%dma_wait3A_3189, %dma_wait3A_3200, %dma_wait3A_3201] : memref<8x32x128xf32, #tpu.memory_space<vmem>> -> memref<1x32x128xf32, #tpu.memory_space<vmem>>
      %dma_wait3A_3203 = tpu.memref_squeeze %dma_wait3A_3202 : memref<1x32x128xf32, #tpu.memory_space<vmem>> -> memref<32x128xf32, #tpu.memory_space<vmem>>
      tpu.wait_dma2 semaphore(%arg19 : memref<!tpu.dma_semaphore, #tpu.memory_space<semaphore_mem>>) src(%dma_wait3A_3203 : memref<32x128xf32, #tpu.memory_space<vmem>>) dst(%dma_wait3A_3199 : memref<32x128xf32, #tpu.memory_space<hbm>>)
      %mul3A_3204 = arith.constant 32 : i32
      %mul3A_3205 = arith.muli %add3A_3145, %mul3A_3204 : i32
      %dma_start3A_3206 = arith.constant 4 : i32
      %dma_start3A_3207 = arith.constant 0 : i32
      %dma_start3A_3208 = arith.constant 0 : i32
      %dma_start3A_3209 = tpu.memref_slice %arg6[%dma_start3A_3206, %dma_start3A_3207, %dma_start3A_3208] : memref<8x32x128xf32, #tpu.memory_space<vmem>> -> memref<1x32x128xf32, #tpu.memory_space<vmem>>
      %dma_start3A_3210 = tpu.memref_squeeze %dma_start3A_3209 : memref<1x32x128xf32, #tpu.memory_space<vmem>> -> memref<32x128xf32, #tpu.memory_space<vmem>>
      %dma_start3A_3211 = tpu.memref_slice %arg5[%mul3A_3205] : memref<13312xi32, #tpu.memory_space<vmem>> -> memref<32xi32, #tpu.memory_space<vmem>>
      %dma_start3A_3212 = arith.constant 0 : i32
      %dma_start3A_3213 = arith.constant 0 : i32
      %dma_start3A_3214 = tpu.memref_slice %arg2[%dma_start3A_3212, %dma_start3A_3213] : memref<100000x128xf32, #tpu.memory_space<hbm>> -> memref<100000x128xf32, #tpu.memory_space<hbm>>
      tpu.enqueue_indirect_dma source(%dma_start3A_3214 : memref<100000x128xf32, #tpu.memory_space<hbm>>) target(%dma_start3A_3210 : memref<32x128xf32, #tpu.memory_space<vmem>>) offsets(%dma_start3A_3211 : memref<32xi32, #tpu.memory_space<vmem>>) semaphore(%arg11 : memref<!tpu.dma_semaphore, #tpu.memory_space<semaphore_mem>>)
      %mul3A_3215 = arith.constant 8 : i32
      %mul3A_3216 = arith.muli %scan3A_2206, %mul3A_3215 : i32
      %add3A_3217 = arith.constant 7 : i32
      %add3A_3218 = arith.addi %mul3A_3216, %add3A_3217 : i32
      %mul3A_3219 = arith.constant 32 : i32
      %mul3A_3220 = arith.muli %add3A_3218, %mul3A_3219 : i32
      %dma_wait3A_3221 = arith.constant 7 : i32
      %dma_wait3A_3222 = arith.constant 0 : i32
      %dma_wait3A_3223 = arith.constant 0 : i32
      %dma_wait3A_3224 = tpu.memref_slice %arg6[%dma_wait3A_3221, %dma_wait3A_3222, %dma_wait3A_3223] : memref<8x32x128xf32, #tpu.memory_space<vmem>> -> memref<1x32x128xf32, #tpu.memory_space<vmem>>
      %dma_wait3A_3225 = tpu.memref_squeeze %dma_wait3A_3224 : memref<1x32x128xf32, #tpu.memory_space<vmem>> -> memref<32x128xf32, #tpu.memory_space<vmem>>
      %dma_wait3A_3226 = tpu.memref_slice %arg5[%mul3A_3220] : memref<13312xi32, #tpu.memory_space<vmem>> -> memref<32xi32, #tpu.memory_space<vmem>>
      %dma_wait3A_3227 = arith.constant 0 : i32
      %dma_wait3A_3228 = arith.constant 0 : i32
      %dma_wait3A_3229 = tpu.memref_slice %arg2[%dma_wait3A_3227, %dma_wait3A_3228] : memref<100000x128xf32, #tpu.memory_space<hbm>> -> memref<100000x128xf32, #tpu.memory_space<hbm>>
      tpu.wait_indirect_dma semaphore(%arg14 : memref<!tpu.dma_semaphore, #tpu.memory_space<semaphore_mem>>) src(%dma_wait3A_3229 : memref<100000x128xf32, #tpu.memory_space<hbm>>) dst(%dma_wait3A_3225 : memref<32x128xf32, #tpu.memory_space<vmem>>)
      %add3A_3230 = arith.addi %mul3A_2, %add3A_3218 : i32
      %jit3A_3231 = arith.constant 512 : i32
      %div3A_3232 = arith.divsi %add3A_3230, %jit3A_3231 : i32
      %sign3A_3233 = arith.constant 0 : i32
      %sign3A_3234 = arith.cmpi sgt, %add3A_3230, %sign3A_3233 : i32
      %sign3A_3235 = arith.extui %sign3A_3234 : i1 to i32
      %sign3A_3236 = arith.constant 0 : i32
      %sign3A_3237 = arith.cmpi slt, %add3A_3230, %sign3A_3236 : i32
      %sign3A_3238 = arith.extui %sign3A_3237 : i1 to i32
      %sign3A_3239 = arith.subi %sign3A_3235, %sign3A_3238 : i32
      %sign3A_3240 = arith.constant 0 : i32
      %sign3A_3241 = arith.cmpi sgt, %jit3A_3231, %sign3A_3240 : i32
      %sign3A_3242 = arith.extui %sign3A_3241 : i1 to i32
      %sign3A_3243 = arith.constant 0 : i32
      %sign3A_3244 = arith.cmpi slt, %jit3A_3231, %sign3A_3243 : i32
      %sign3A_3245 = arith.extui %sign3A_3244 : i1 to i32
      %sign3A_3246 = arith.subi %sign3A_3242, %sign3A_3245 : i32
      %ne3A_3247 = arith.cmpi ne, %sign3A_3239, %sign3A_3246 : i32
      %rem3A_3248 = arith.remsi %add3A_3230, %jit3A_3231 : i32
      %ne3A_3249 = arith.constant 0 : i32
      %ne3A_3250 = arith.cmpi ne, %rem3A_3248, %ne3A_3249 : i32
      %and3A_3251 = arith.andi %ne3A_3247, %ne3A_3250 : i1
      %sub3A_3252 = arith.constant 1 : i32
      %sub3A_3253 = arith.subi %div3A_3232, %sub3A_3252 : i32
      %select_n3A_3254 = arith.select %and3A_3251, %sub3A_3253, %div3A_3232 : i32
      %jit3A_3255 = arith.constant 512 : i32
      %eq3A_3256 = arith.constant 0 : i32
      %eq3A_3257 = arith.cmpi eq, %jit3A_3255, %eq3A_3256 : i32
      %jit3A_3258 = arith.constant 1 : i32
      %select_n3A_3259 = arith.select %eq3A_3257, %jit3A_3258, %jit3A_3255 : i32
      %rem3A_3260 = arith.remsi %add3A_3230, %select_n3A_3259 : i32
      %ne3A_3261 = arith.constant 0 : i32
      %ne3A_3262 = arith.cmpi ne, %rem3A_3260, %ne3A_3261 : i32
      %lt3A_3263 = arith.constant 0 : i32
      %lt3A_3264 = arith.cmpi slt, %rem3A_3260, %lt3A_3263 : i32
      %lt3A_3265 = arith.constant 0 : i32
      %lt3A_3266 = arith.cmpi slt, %select_n3A_3259, %lt3A_3265 : i32
      %ne3A_3267 = arith.xori %lt3A_3264, %lt3A_3266 : i1
      %and3A_3268 = arith.andi %ne3A_3267, %ne3A_3262 : i1
      %add3A_3269 = arith.addi %rem3A_3260, %select_n3A_3259 : i32
      %select_n3A_3270 = arith.select %and3A_3268, %add3A_3269, %rem3A_3260 : i32
      %mul3A_3271 = arith.constant 32 : i32
      %mul3A_3272 = arith.muli %select_n3A_3270, %mul3A_3271 : i32
      %dma_start3A_3273 = arith.constant 7 : i32
      %dma_start3A_3274 = arith.constant 0 : i32
      %dma_start3A_3275 = arith.constant 0 : i32
      %dma_start3A_3276 = tpu.memref_slice %arg6[%dma_start3A_3273, %dma_start3A_3274, %dma_start3A_3275] : memref<8x32x128xf32, #tpu.memory_space<vmem>> -> memref<1x32x128xf32, #tpu.memory_space<vmem>>
      %dma_start3A_3277 = tpu.memref_squeeze %dma_start3A_3276 : memref<1x32x128xf32, #tpu.memory_space<vmem>> -> memref<32x128xf32, #tpu.memory_space<vmem>>
      %dma_start3A_3278 = arith.constant 0 : i32
      %dma_start3A_3279 = tpu.memref_slice %arg4[%select_n3A_3254, %mul3A_3272, %dma_start3A_3278] : memref<26x16384x128xf32, #tpu.memory_space<hbm>> -> memref<1x32x128xf32, #tpu.memory_space<hbm>>
      %dma_start3A_3280 = tpu.memref_squeeze %dma_start3A_3279 : memref<1x32x128xf32, #tpu.memory_space<hbm>> -> memref<32x128xf32, #tpu.memory_space<hbm>>
      %dma_start3A_3281 = arith.constant 0 : i32
      %dma_start3A_3282 = tpu.memref_slice %arg4[%select_n3A_3254, %mul3A_3272, %dma_start3A_3281] : memref<26x16384x128xf32, #tpu.memory_space<hbm>> -> memref<1x32x128xf32, #tpu.memory_space<hbm>>
      %dma_start3A_3283 = tpu.memref_squeeze %dma_start3A_3282 : memref<1x32x128xf32, #tpu.memory_space<hbm>> -> memref<32x128xf32, #tpu.memory_space<hbm>>
      %dma_start3A_3284 = arith.constant 0 : i32
      %dma_start3A_3285 = arith.constant 0 : i32
      %dma_start3A_3286 = tpu.memref_slice %arg6[%dma_start3A_3273, %dma_start3A_3284, %dma_start3A_3285] : memref<8x32x128xf32, #tpu.memory_space<vmem>> -> memref<1x32x128xf32, #tpu.memory_space<vmem>>
      %dma_start3A_3287 = tpu.memref_squeeze %dma_start3A_3286 : memref<1x32x128xf32, #tpu.memory_space<vmem>> -> memref<32x128xf32, #tpu.memory_space<vmem>>
      tpu.enqueue_dma source(%dma_start3A_3287 : memref<32x128xf32, #tpu.memory_space<vmem>>) target(%dma_start3A_3283 : memref<32x128xf32, #tpu.memory_space<hbm>>) target_semaphore(%arg22 : memref<!tpu.dma_semaphore, #tpu.memory_space<semaphore_mem>>)
      %add3A_3288 = arith.constant 6 : i32
      %add3A_3289 = arith.addi %add3A_3218, %add3A_3288 : i32
      %add3A_3290 = arith.addi %mul3A_2, %add3A_3218 : i32
      %jit3A_3291 = arith.constant 512 : i32
      %div3A_3292 = arith.divsi %add3A_3290, %jit3A_3291 : i32
      %sign3A_3293 = arith.constant 0 : i32
      %sign3A_3294 = arith.cmpi sgt, %add3A_3290, %sign3A_3293 : i32
      %sign3A_3295 = arith.extui %sign3A_3294 : i1 to i32
      %sign3A_3296 = arith.constant 0 : i32
      %sign3A_3297 = arith.cmpi slt, %add3A_3290, %sign3A_3296 : i32
      %sign3A_3298 = arith.extui %sign3A_3297 : i1 to i32
      %sign3A_3299 = arith.subi %sign3A_3295, %sign3A_3298 : i32
      %sign3A_3300 = arith.constant 0 : i32
      %sign3A_3301 = arith.cmpi sgt, %jit3A_3291, %sign3A_3300 : i32
      %sign3A_3302 = arith.extui %sign3A_3301 : i1 to i32
      %sign3A_3303 = arith.constant 0 : i32
      %sign3A_3304 = arith.cmpi slt, %jit3A_3291, %sign3A_3303 : i32
      %sign3A_3305 = arith.extui %sign3A_3304 : i1 to i32
      %sign3A_3306 = arith.subi %sign3A_3302, %sign3A_3305 : i32
      %ne3A_3307 = arith.cmpi ne, %sign3A_3299, %sign3A_3306 : i32
      %rem3A_3308 = arith.remsi %add3A_3290, %jit3A_3291 : i32
      %ne3A_3309 = arith.constant 0 : i32
      %ne3A_3310 = arith.cmpi ne, %rem3A_3308, %ne3A_3309 : i32
      %and3A_3311 = arith.andi %ne3A_3307, %ne3A_3310 : i1
      %sub3A_3312 = arith.constant 1 : i32
      %sub3A_3313 = arith.subi %div3A_3292, %sub3A_3312 : i32
      %select_n3A_3314 = arith.select %and3A_3311, %sub3A_3313, %div3A_3292 : i32
      %jit3A_3315 = arith.constant 512 : i32
      %eq3A_3316 = arith.constant 0 : i32
      %eq3A_3317 = arith.cmpi eq, %jit3A_3315, %eq3A_3316 : i32
      %jit3A_3318 = arith.constant 1 : i32
      %select_n3A_3319 = arith.select %eq3A_3317, %jit3A_3318, %jit3A_3315 : i32
      %rem3A_3320 = arith.remsi %add3A_3290, %select_n3A_3319 : i32
      %ne3A_3321 = arith.constant 0 : i32
      %ne3A_3322 = arith.cmpi ne, %rem3A_3320, %ne3A_3321 : i32
      %lt3A_3323 = arith.constant 0 : i32
      %lt3A_3324 = arith.cmpi slt, %rem3A_3320, %lt3A_3323 : i32
      %lt3A_3325 = arith.constant 0 : i32
      %lt3A_3326 = arith.cmpi slt, %select_n3A_3319, %lt3A_3325 : i32
      %ne3A_3327 = arith.xori %lt3A_3324, %lt3A_3326 : i1
      %and3A_3328 = arith.andi %ne3A_3327, %ne3A_3322 : i1
      %add3A_3329 = arith.addi %rem3A_3320, %select_n3A_3319 : i32
      %select_n3A_3330 = arith.select %and3A_3328, %add3A_3329, %rem3A_3320 : i32
      %mul3A_3331 = arith.constant 32 : i32
      %mul3A_3332 = arith.muli %select_n3A_3330, %mul3A_3331 : i32
      %dma_wait3A_3333 = arith.constant 5 : i32
      %dma_wait3A_3334 = arith.constant 0 : i32
      %dma_wait3A_3335 = arith.constant 0 : i32
      %dma_wait3A_3336 = tpu.memref_slice %arg6[%dma_wait3A_3333, %dma_wait3A_3334, %dma_wait3A_3335] : memref<8x32x128xf32, #tpu.memory_space<vmem>> -> memref<1x32x128xf32, #tpu.memory_space<vmem>>
      %dma_wait3A_3337 = tpu.memref_squeeze %dma_wait3A_3336 : memref<1x32x128xf32, #tpu.memory_space<vmem>> -> memref<32x128xf32, #tpu.memory_space<vmem>>
      %dma_wait3A_3338 = arith.constant 0 : i32
      %dma_wait3A_3339 = tpu.memref_slice %arg4[%select_n3A_3314, %mul3A_3332, %dma_wait3A_3338] : memref<26x16384x128xf32, #tpu.memory_space<hbm>> -> memref<1x32x128xf32, #tpu.memory_space<hbm>>
      %dma_wait3A_3340 = tpu.memref_squeeze %dma_wait3A_3339 : memref<1x32x128xf32, #tpu.memory_space<hbm>> -> memref<32x128xf32, #tpu.memory_space<hbm>>
      %dma_wait3A_3341 = arith.constant 0 : i32
      %dma_wait3A_3342 = tpu.memref_slice %arg4[%select_n3A_3314, %mul3A_3332, %dma_wait3A_3341] : memref<26x16384x128xf32, #tpu.memory_space<hbm>> -> memref<1x32x128xf32, #tpu.memory_space<hbm>>
      %dma_wait3A_3343 = tpu.memref_squeeze %dma_wait3A_3342 : memref<1x32x128xf32, #tpu.memory_space<hbm>> -> memref<32x128xf32, #tpu.memory_space<hbm>>
      %dma_wait3A_3344 = arith.constant 0 : i32
      %dma_wait3A_3345 = arith.constant 0 : i32
      %dma_wait3A_3346 = tpu.memref_slice %arg6[%dma_wait3A_3333, %dma_wait3A_3344, %dma_wait3A_3345] : memref<8x32x128xf32, #tpu.memory_space<vmem>> -> memref<1x32x128xf32, #tpu.memory_space<vmem>>
      %dma_wait3A_3347 = tpu.memref_squeeze %dma_wait3A_3346 : memref<1x32x128xf32, #tpu.memory_space<vmem>> -> memref<32x128xf32, #tpu.memory_space<vmem>>
      tpu.wait_dma2 semaphore(%arg20 : memref<!tpu.dma_semaphore, #tpu.memory_space<semaphore_mem>>) src(%dma_wait3A_3347 : memref<32x128xf32, #tpu.memory_space<vmem>>) dst(%dma_wait3A_3343 : memref<32x128xf32, #tpu.memory_space<hbm>>)
      %mul3A_3348 = arith.constant 32 : i32
      %mul3A_3349 = arith.muli %add3A_3289, %mul3A_3348 : i32
      %dma_start3A_3350 = arith.constant 5 : i32
      %dma_start3A_3351 = arith.constant 0 : i32
      %dma_start3A_3352 = arith.constant 0 : i32
      %dma_start3A_3353 = tpu.memref_slice %arg6[%dma_start3A_3350, %dma_start3A_3351, %dma_start3A_3352] : memref<8x32x128xf32, #tpu.memory_space<vmem>> -> memref<1x32x128xf32, #tpu.memory_space<vmem>>
      %dma_start3A_3354 = tpu.memref_squeeze %dma_start3A_3353 : memref<1x32x128xf32, #tpu.memory_space<vmem>> -> memref<32x128xf32, #tpu.memory_space<vmem>>
      %dma_start3A_3355 = tpu.memref_slice %arg5[%mul3A_3349] : memref<13312xi32, #tpu.memory_space<vmem>> -> memref<32xi32, #tpu.memory_space<vmem>>
      %dma_start3A_3356 = arith.constant 0 : i32
      %dma_start3A_3357 = arith.constant 0 : i32
      %dma_start3A_3358 = tpu.memref_slice %arg2[%dma_start3A_3356, %dma_start3A_3357] : memref<100000x128xf32, #tpu.memory_space<hbm>> -> memref<100000x128xf32, #tpu.memory_space<hbm>>
      tpu.enqueue_indirect_dma source(%dma_start3A_3358 : memref<100000x128xf32, #tpu.memory_space<hbm>>) target(%dma_start3A_3354 : memref<32x128xf32, #tpu.memory_space<vmem>>) offsets(%dma_start3A_3355 : memref<32xi32, #tpu.memory_space<vmem>>) semaphore(%arg12 : memref<!tpu.dma_semaphore, #tpu.memory_space<semaphore_mem>>)
    }
    %scan3A_1043 = arith.constant 50 : i32
    %dma_wait3A_1044 = arith.constant 0 : i32
    %dma_wait3A_1045 = arith.constant 0 : i32
    %dma_wait3A_1046 = arith.constant 0 : i32
    %dma_wait3A_1047 = tpu.memref_slice %arg6[%dma_wait3A_1044, %dma_wait3A_1045, %dma_wait3A_1046] : memref<8x32x128xf32, #tpu.memory_space<vmem>> -> memref<1x32x128xf32, #tpu.memory_space<vmem>>
    %dma_wait3A_1048 = tpu.memref_squeeze %dma_wait3A_1047 : memref<1x32x128xf32, #tpu.memory_space<vmem>> -> memref<32x128xf32, #tpu.memory_space<vmem>>
    %dma_wait3A_1049 = arith.constant 13056 : i32
    %dma_wait3A_1050 = tpu.memref_slice %arg5[%dma_wait3A_1049] : memref<13312xi32, #tpu.memory_space<vmem>> -> memref<32xi32, #tpu.memory_space<vmem>>
    %dma_wait3A_1051 = arith.constant 0 : i32
    %dma_wait3A_1052 = arith.constant 0 : i32
    %dma_wait3A_1053 = tpu.memref_slice %arg2[%dma_wait3A_1051, %dma_wait3A_1052] : memref<100000x128xf32, #tpu.memory_space<hbm>> -> memref<100000x128xf32, #tpu.memory_space<hbm>>
    tpu.wait_indirect_dma semaphore(%arg7 : memref<!tpu.dma_semaphore, #tpu.memory_space<semaphore_mem>>) src(%dma_wait3A_1053 : memref<100000x128xf32, #tpu.memory_space<hbm>>) dst(%dma_wait3A_1048 : memref<32x128xf32, #tpu.memory_space<vmem>>)
    %add3A_1054 = arith.constant 408 : i32
    %add3A_1055 = arith.addi %mul3A_2, %add3A_1054 : i32
    %jit3A_1056 = arith.constant 512 : i32
    %div3A_1057 = arith.divsi %add3A_1055, %jit3A_1056 : i32
    %sign3A_1058 = arith.constant 0 : i32
    %sign3A_1059 = arith.cmpi sgt, %add3A_1055, %sign3A_1058 : i32
    %sign3A_1060 = arith.extui %sign3A_1059 : i1 to i32
    %sign3A_1061 = arith.constant 0 : i32
    %sign3A_1062 = arith.cmpi slt, %add3A_1055, %sign3A_1061 : i32
    %sign3A_1063 = arith.extui %sign3A_1062 : i1 to i32
    %sign3A_1064 = arith.subi %sign3A_1060, %sign3A_1063 : i32
    %sign3A_1065 = arith.constant 0 : i32
    %sign3A_1066 = arith.cmpi sgt, %jit3A_1056, %sign3A_1065 : i32
    %sign3A_1067 = arith.extui %sign3A_1066 : i1 to i32
    %sign3A_1068 = arith.constant 0 : i32
    %sign3A_1069 = arith.cmpi slt, %jit3A_1056, %sign3A_1068 : i32
    %sign3A_1070 = arith.extui %sign3A_1069 : i1 to i32
    %sign3A_1071 = arith.subi %sign3A_1067, %sign3A_1070 : i32
    %ne3A_1072 = arith.cmpi ne, %sign3A_1064, %sign3A_1071 : i32
    %rem3A_1073 = arith.remsi %add3A_1055, %jit3A_1056 : i32
    %ne3A_1074 = arith.constant 0 : i32
    %ne3A_1075 = arith.cmpi ne, %rem3A_1073, %ne3A_1074 : i32
    %and3A_1076 = arith.andi %ne3A_1072, %ne3A_1075 : i1
    %sub3A_1077 = arith.constant 1 : i32
    %sub3A_1078 = arith.subi %div3A_1057, %sub3A_1077 : i32
    %select_n3A_1079 = arith.select %and3A_1076, %sub3A_1078, %div3A_1057 : i32
    %jit3A_1080 = arith.constant 512 : i32
    %eq3A_1081 = arith.constant 0 : i32
    %eq3A_1082 = arith.cmpi eq, %jit3A_1080, %eq3A_1081 : i32
    %jit3A_1083 = arith.constant 1 : i32
    %select_n3A_1084 = arith.select %eq3A_1082, %jit3A_1083, %jit3A_1080 : i32
    %rem3A_1085 = arith.remsi %add3A_1055, %select_n3A_1084 : i32
    %ne3A_1086 = arith.constant 0 : i32
    %ne3A_1087 = arith.cmpi ne, %rem3A_1085, %ne3A_1086 : i32
    %lt3A_1088 = arith.constant 0 : i32
    %lt3A_1089 = arith.cmpi slt, %rem3A_1085, %lt3A_1088 : i32
    %lt3A_1090 = arith.constant 0 : i32
    %lt3A_1091 = arith.cmpi slt, %select_n3A_1084, %lt3A_1090 : i32
    %ne3A_1092 = arith.xori %lt3A_1089, %lt3A_1091 : i1
    %and3A_1093 = arith.andi %ne3A_1092, %ne3A_1087 : i1
    %add3A_1094 = arith.addi %rem3A_1085, %select_n3A_1084 : i32
    %select_n3A_1095 = arith.select %and3A_1093, %add3A_1094, %rem3A_1085 : i32
    %mul3A_1096 = arith.constant 32 : i32
    %mul3A_1097 = arith.muli %select_n3A_1095, %mul3A_1096 : i32
    %dma_start3A_1098 = arith.constant 0 : i32
    %dma_start3A_1099 = arith.constant 0 : i32
    %dma_start3A_1100 = arith.constant 0 : i32
    %dma_start3A_1101 = tpu.memref_slice %arg6[%dma_start3A_1098, %dma_start3A_1099, %dma_start3A_1100] : memref<8x32x128xf32, #tpu.memory_space<vmem>> -> memref<1x32x128xf32, #tpu.memory_space<vmem>>
    %dma_start3A_1102 = tpu.memref_squeeze %dma_start3A_1101 : memref<1x32x128xf32, #tpu.memory_space<vmem>> -> memref<32x128xf32, #tpu.memory_space<vmem>>
    %dma_start3A_1103 = arith.constant 0 : i32
    %dma_start3A_1104 = tpu.memref_slice %arg4[%select_n3A_1079, %mul3A_1097, %dma_start3A_1103] : memref<26x16384x128xf32, #tpu.memory_space<hbm>> -> memref<1x32x128xf32, #tpu.memory_space<hbm>>
    %dma_start3A_1105 = tpu.memref_squeeze %dma_start3A_1104 : memref<1x32x128xf32, #tpu.memory_space<hbm>> -> memref<32x128xf32, #tpu.memory_space<hbm>>
    %dma_start3A_1106 = arith.constant 0 : i32
    %dma_start3A_1107 = tpu.memref_slice %arg4[%select_n3A_1079, %mul3A_1097, %dma_start3A_1106] : memref<26x16384x128xf32, #tpu.memory_space<hbm>> -> memref<1x32x128xf32, #tpu.memory_space<hbm>>
    %dma_start3A_1108 = tpu.memref_squeeze %dma_start3A_1107 : memref<1x32x128xf32, #tpu.memory_space<hbm>> -> memref<32x128xf32, #tpu.memory_space<hbm>>
    %dma_start3A_1109 = arith.constant 0 : i32
    %dma_start3A_1110 = arith.constant 0 : i32
    %dma_start3A_1111 = tpu.memref_slice %arg6[%dma_start3A_1098, %dma_start3A_1109, %dma_start3A_1110] : memref<8x32x128xf32, #tpu.memory_space<vmem>> -> memref<1x32x128xf32, #tpu.memory_space<vmem>>
    %dma_start3A_1112 = tpu.memref_squeeze %dma_start3A_1111 : memref<1x32x128xf32, #tpu.memory_space<vmem>> -> memref<32x128xf32, #tpu.memory_space<vmem>>
    tpu.enqueue_dma source(%dma_start3A_1112 : memref<32x128xf32, #tpu.memory_space<vmem>>) target(%dma_start3A_1108 : memref<32x128xf32, #tpu.memory_space<hbm>>) target_semaphore(%arg15 : memref<!tpu.dma_semaphore, #tpu.memory_space<semaphore_mem>>)
    %add3A_1113 = arith.constant 408 : i32
    %add3A_1114 = arith.addi %mul3A_2, %add3A_1113 : i32
    %jit3A_1115 = arith.constant 512 : i32
    %div3A_1116 = arith.divsi %add3A_1114, %jit3A_1115 : i32
    %sign3A_1117 = arith.constant 0 : i32
    %sign3A_1118 = arith.cmpi sgt, %add3A_1114, %sign3A_1117 : i32
    %sign3A_1119 = arith.extui %sign3A_1118 : i1 to i32
    %sign3A_1120 = arith.constant 0 : i32
    %sign3A_1121 = arith.cmpi slt, %add3A_1114, %sign3A_1120 : i32
    %sign3A_1122 = arith.extui %sign3A_1121 : i1 to i32
    %sign3A_1123 = arith.subi %sign3A_1119, %sign3A_1122 : i32
    %sign3A_1124 = arith.constant 0 : i32
    %sign3A_1125 = arith.cmpi sgt, %jit3A_1115, %sign3A_1124 : i32
    %sign3A_1126 = arith.extui %sign3A_1125 : i1 to i32
    %sign3A_1127 = arith.constant 0 : i32
    %sign3A_1128 = arith.cmpi slt, %jit3A_1115, %sign3A_1127 : i32
    %sign3A_1129 = arith.extui %sign3A_1128 : i1 to i32
    %sign3A_1130 = arith.subi %sign3A_1126, %sign3A_1129 : i32
    %ne3A_1131 = arith.cmpi ne, %sign3A_1123, %sign3A_1130 : i32
    %rem3A_1132 = arith.remsi %add3A_1114, %jit3A_1115 : i32
    %ne3A_1133 = arith.constant 0 : i32
    %ne3A_1134 = arith.cmpi ne, %rem3A_1132, %ne3A_1133 : i32
    %and3A_1135 = arith.andi %ne3A_1131, %ne3A_1134 : i1
    %sub3A_1136 = arith.constant 1 : i32
    %sub3A_1137 = arith.subi %div3A_1116, %sub3A_1136 : i32
    %select_n3A_1138 = arith.select %and3A_1135, %sub3A_1137, %div3A_1116 : i32
    %jit3A_1139 = arith.constant 512 : i32
    %eq3A_1140 = arith.constant 0 : i32
    %eq3A_1141 = arith.cmpi eq, %jit3A_1139, %eq3A_1140 : i32
    %jit3A_1142 = arith.constant 1 : i32
    %select_n3A_1143 = arith.select %eq3A_1141, %jit3A_1142, %jit3A_1139 : i32
    %rem3A_1144 = arith.remsi %add3A_1114, %select_n3A_1143 : i32
    %ne3A_1145 = arith.constant 0 : i32
    %ne3A_1146 = arith.cmpi ne, %rem3A_1144, %ne3A_1145 : i32
    %lt3A_1147 = arith.constant 0 : i32
    %lt3A_1148 = arith.cmpi slt, %rem3A_1144, %lt3A_1147 : i32
    %lt3A_1149 = arith.constant 0 : i32
    %lt3A_1150 = arith.cmpi slt, %select_n3A_1143, %lt3A_1149 : i32
    %ne3A_1151 = arith.xori %lt3A_1148, %lt3A_1150 : i1
    %and3A_1152 = arith.andi %ne3A_1151, %ne3A_1146 : i1
    %add3A_1153 = arith.addi %rem3A_1144, %select_n3A_1143 : i32
    %select_n3A_1154 = arith.select %and3A_1152, %add3A_1153, %rem3A_1144 : i32
    %mul3A_1155 = arith.constant 32 : i32
    %mul3A_1156 = arith.muli %select_n3A_1154, %mul3A_1155 : i32
    %dma_wait3A_1157 = arith.constant 6 : i32
    %dma_wait3A_1158 = arith.constant 0 : i32
    %dma_wait3A_1159 = arith.constant 0 : i32
    %dma_wait3A_1160 = tpu.memref_slice %arg6[%dma_wait3A_1157, %dma_wait3A_1158, %dma_wait3A_1159] : memref<8x32x128xf32, #tpu.memory_space<vmem>> -> memref<1x32x128xf32, #tpu.memory_space<vmem>>
    %dma_wait3A_1161 = tpu.memref_squeeze %dma_wait3A_1160 : memref<1x32x128xf32, #tpu.memory_space<vmem>> -> memref<32x128xf32, #tpu.memory_space<vmem>>
    %dma_wait3A_1162 = arith.constant 0 : i32
    %dma_wait3A_1163 = tpu.memref_slice %arg4[%select_n3A_1138, %mul3A_1156, %dma_wait3A_1162] : memref<26x16384x128xf32, #tpu.memory_space<hbm>> -> memref<1x32x128xf32, #tpu.memory_space<hbm>>
    %dma_wait3A_1164 = tpu.memref_squeeze %dma_wait3A_1163 : memref<1x32x128xf32, #tpu.memory_space<hbm>> -> memref<32x128xf32, #tpu.memory_space<hbm>>
    %dma_wait3A_1165 = arith.constant 0 : i32
    %dma_wait3A_1166 = tpu.memref_slice %arg4[%select_n3A_1138, %mul3A_1156, %dma_wait3A_1165] : memref<26x16384x128xf32, #tpu.memory_space<hbm>> -> memref<1x32x128xf32, #tpu.memory_space<hbm>>
    %dma_wait3A_1167 = tpu.memref_squeeze %dma_wait3A_1166 : memref<1x32x128xf32, #tpu.memory_space<hbm>> -> memref<32x128xf32, #tpu.memory_space<hbm>>
    %dma_wait3A_1168 = arith.constant 0 : i32
    %dma_wait3A_1169 = arith.constant 0 : i32
    %dma_wait3A_1170 = tpu.memref_slice %arg6[%dma_wait3A_1157, %dma_wait3A_1168, %dma_wait3A_1169] : memref<8x32x128xf32, #tpu.memory_space<vmem>> -> memref<1x32x128xf32, #tpu.memory_space<vmem>>
    %dma_wait3A_1171 = tpu.memref_squeeze %dma_wait3A_1170 : memref<1x32x128xf32, #tpu.memory_space<vmem>> -> memref<32x128xf32, #tpu.memory_space<vmem>>
    tpu.wait_dma2 semaphore(%arg21 : memref<!tpu.dma_semaphore, #tpu.memory_space<semaphore_mem>>) src(%dma_wait3A_1171 : memref<32x128xf32, #tpu.memory_space<vmem>>) dst(%dma_wait3A_1167 : memref<32x128xf32, #tpu.memory_space<hbm>>)
    %dma_start3A_1172 = arith.constant 6 : i32
    %dma_start3A_1173 = arith.constant 0 : i32
    %dma_start3A_1174 = arith.constant 0 : i32
    %dma_start3A_1175 = tpu.memref_slice %arg6[%dma_start3A_1172, %dma_start3A_1173, %dma_start3A_1174] : memref<8x32x128xf32, #tpu.memory_space<vmem>> -> memref<1x32x128xf32, #tpu.memory_space<vmem>>
    %dma_start3A_1176 = tpu.memref_squeeze %dma_start3A_1175 : memref<1x32x128xf32, #tpu.memory_space<vmem>> -> memref<32x128xf32, #tpu.memory_space<vmem>>
    %dma_start3A_1177 = arith.constant 13248 : i32
    %dma_start3A_1178 = tpu.memref_slice %arg5[%dma_start3A_1177] : memref<13312xi32, #tpu.memory_space<vmem>> -> memref<32xi32, #tpu.memory_space<vmem>>
    %dma_start3A_1179 = arith.constant 0 : i32
    %dma_start3A_1180 = arith.constant 0 : i32
    %dma_start3A_1181 = tpu.memref_slice %arg2[%dma_start3A_1179, %dma_start3A_1180] : memref<100000x128xf32, #tpu.memory_space<hbm>> -> memref<100000x128xf32, #tpu.memory_space<hbm>>
    tpu.enqueue_indirect_dma source(%dma_start3A_1181 : memref<100000x128xf32, #tpu.memory_space<hbm>>) target(%dma_start3A_1176 : memref<32x128xf32, #tpu.memory_space<vmem>>) offsets(%dma_start3A_1178 : memref<32xi32, #tpu.memory_space<vmem>>) semaphore(%arg13 : memref<!tpu.dma_semaphore, #tpu.memory_space<semaphore_mem>>)
    %dma_wait3A_1182 = arith.constant 1 : i32
    %dma_wait3A_1183 = arith.constant 0 : i32
    %dma_wait3A_1184 = arith.constant 0 : i32
    %dma_wait3A_1185 = tpu.memref_slice %arg6[%dma_wait3A_1182, %dma_wait3A_1183, %dma_wait3A_1184] : memref<8x32x128xf32, #tpu.memory_space<vmem>> -> memref<1x32x128xf32, #tpu.memory_space<vmem>>
    %dma_wait3A_1186 = tpu.memref_squeeze %dma_wait3A_1185 : memref<1x32x128xf32, #tpu.memory_space<vmem>> -> memref<32x128xf32, #tpu.memory_space<vmem>>
    %dma_wait3A_1187 = arith.constant 13088 : i32
    %dma_wait3A_1188 = tpu.memref_slice %arg5[%dma_wait3A_1187] : memref<13312xi32, #tpu.memory_space<vmem>> -> memref<32xi32, #tpu.memory_space<vmem>>
    %dma_wait3A_1189 = arith.constant 0 : i32
    %dma_wait3A_1190 = arith.constant 0 : i32
    %dma_wait3A_1191 = tpu.memref_slice %arg2[%dma_wait3A_1189, %dma_wait3A_1190] : memref<100000x128xf32, #tpu.memory_space<hbm>> -> memref<100000x128xf32, #tpu.memory_space<hbm>>
    tpu.wait_indirect_dma semaphore(%arg8 : memref<!tpu.dma_semaphore, #tpu.memory_space<semaphore_mem>>) src(%dma_wait3A_1191 : memref<100000x128xf32, #tpu.memory_space<hbm>>) dst(%dma_wait3A_1186 : memref<32x128xf32, #tpu.memory_space<vmem>>)
    %add3A_1192 = arith.constant 409 : i32
    %add3A_1193 = arith.addi %mul3A_2, %add3A_1192 : i32
    %jit3A_1194 = arith.constant 512 : i32
    %div3A_1195 = arith.divsi %add3A_1193, %jit3A_1194 : i32
    %sign3A_1196 = arith.constant 0 : i32
    %sign3A_1197 = arith.cmpi sgt, %add3A_1193, %sign3A_1196 : i32
    %sign3A_1198 = arith.extui %sign3A_1197 : i1 to i32
    %sign3A_1199 = arith.constant 0 : i32
    %sign3A_1200 = arith.cmpi slt, %add3A_1193, %sign3A_1199 : i32
    %sign3A_1201 = arith.extui %sign3A_1200 : i1 to i32
    %sign3A_1202 = arith.subi %sign3A_1198, %sign3A_1201 : i32
    %sign3A_1203 = arith.constant 0 : i32
    %sign3A_1204 = arith.cmpi sgt, %jit3A_1194, %sign3A_1203 : i32
    %sign3A_1205 = arith.extui %sign3A_1204 : i1 to i32
    %sign3A_1206 = arith.constant 0 : i32
    %sign3A_1207 = arith.cmpi slt, %jit3A_1194, %sign3A_1206 : i32
    %sign3A_1208 = arith.extui %sign3A_1207 : i1 to i32
    %sign3A_1209 = arith.subi %sign3A_1205, %sign3A_1208 : i32
    %ne3A_1210 = arith.cmpi ne, %sign3A_1202, %sign3A_1209 : i32
    %rem3A_1211 = arith.remsi %add3A_1193, %jit3A_1194 : i32
    %ne3A_1212 = arith.constant 0 : i32
    %ne3A_1213 = arith.cmpi ne, %rem3A_1211, %ne3A_1212 : i32
    %and3A_1214 = arith.andi %ne3A_1210, %ne3A_1213 : i1
    %sub3A_1215 = arith.constant 1 : i32
    %sub3A_1216 = arith.subi %div3A_1195, %sub3A_1215 : i32
    %select_n3A_1217 = arith.select %and3A_1214, %sub3A_1216, %div3A_1195 : i32
    %jit3A_1218 = arith.constant 512 : i32
    %eq3A_1219 = arith.constant 0 : i32
    %eq3A_1220 = arith.cmpi eq, %jit3A_1218, %eq3A_1219 : i32
    %jit3A_1221 = arith.constant 1 : i32
    %select_n3A_1222 = arith.select %eq3A_1220, %jit3A_1221, %jit3A_1218 : i32
    %rem3A_1223 = arith.remsi %add3A_1193, %select_n3A_1222 : i32
    %ne3A_1224 = arith.constant 0 : i32
    %ne3A_1225 = arith.cmpi ne, %rem3A_1223, %ne3A_1224 : i32
    %lt3A_1226 = arith.constant 0 : i32
    %lt3A_1227 = arith.cmpi slt, %rem3A_1223, %lt3A_1226 : i32
    %lt3A_1228 = arith.constant 0 : i32
    %lt3A_1229 = arith.cmpi slt, %select_n3A_1222, %lt3A_1228 : i32
    %ne3A_1230 = arith.xori %lt3A_1227, %lt3A_1229 : i1
    %and3A_1231 = arith.andi %ne3A_1230, %ne3A_1225 : i1
    %add3A_1232 = arith.addi %rem3A_1223, %select_n3A_1222 : i32
    %select_n3A_1233 = arith.select %and3A_1231, %add3A_1232, %rem3A_1223 : i32
    %mul3A_1234 = arith.constant 32 : i32
    %mul3A_1235 = arith.muli %select_n3A_1233, %mul3A_1234 : i32
    %dma_start3A_1236 = arith.constant 1 : i32
    %dma_start3A_1237 = arith.constant 0 : i32
    %dma_start3A_1238 = arith.constant 0 : i32
    %dma_start3A_1239 = tpu.memref_slice %arg6[%dma_start3A_1236, %dma_start3A_1237, %dma_start3A_1238] : memref<8x32x128xf32, #tpu.memory_space<vmem>> -> memref<1x32x128xf32, #tpu.memory_space<vmem>>
    %dma_start3A_1240 = tpu.memref_squeeze %dma_start3A_1239 : memref<1x32x128xf32, #tpu.memory_space<vmem>> -> memref<32x128xf32, #tpu.memory_space<vmem>>
    %dma_start3A_1241 = arith.constant 0 : i32
    %dma_start3A_1242 = tpu.memref_slice %arg4[%select_n3A_1217, %mul3A_1235, %dma_start3A_1241] : memref<26x16384x128xf32, #tpu.memory_space<hbm>> -> memref<1x32x128xf32, #tpu.memory_space<hbm>>
    %dma_start3A_1243 = tpu.memref_squeeze %dma_start3A_1242 : memref<1x32x128xf32, #tpu.memory_space<hbm>> -> memref<32x128xf32, #tpu.memory_space<hbm>>
    %dma_start3A_1244 = arith.constant 0 : i32
    %dma_start3A_1245 = tpu.memref_slice %arg4[%select_n3A_1217, %mul3A_1235, %dma_start3A_1244] : memref<26x16384x128xf32, #tpu.memory_space<hbm>> -> memref<1x32x128xf32, #tpu.memory_space<hbm>>
    %dma_start3A_1246 = tpu.memref_squeeze %dma_start3A_1245 : memref<1x32x128xf32, #tpu.memory_space<hbm>> -> memref<32x128xf32, #tpu.memory_space<hbm>>
    %dma_start3A_1247 = arith.constant 0 : i32
    %dma_start3A_1248 = arith.constant 0 : i32
    %dma_start3A_1249 = tpu.memref_slice %arg6[%dma_start3A_1236, %dma_start3A_1247, %dma_start3A_1248] : memref<8x32x128xf32, #tpu.memory_space<vmem>> -> memref<1x32x128xf32, #tpu.memory_space<vmem>>
    %dma_start3A_1250 = tpu.memref_squeeze %dma_start3A_1249 : memref<1x32x128xf32, #tpu.memory_space<vmem>> -> memref<32x128xf32, #tpu.memory_space<vmem>>
    tpu.enqueue_dma source(%dma_start3A_1250 : memref<32x128xf32, #tpu.memory_space<vmem>>) target(%dma_start3A_1246 : memref<32x128xf32, #tpu.memory_space<hbm>>) target_semaphore(%arg16 : memref<!tpu.dma_semaphore, #tpu.memory_space<semaphore_mem>>)
    %add3A_1251 = arith.constant 409 : i32
    %add3A_1252 = arith.addi %mul3A_2, %add3A_1251 : i32
    %jit3A_1253 = arith.constant 512 : i32
    %div3A_1254 = arith.divsi %add3A_1252, %jit3A_1253 : i32
    %sign3A_1255 = arith.constant 0 : i32
    %sign3A_1256 = arith.cmpi sgt, %add3A_1252, %sign3A_1255 : i32
    %sign3A_1257 = arith.extui %sign3A_1256 : i1 to i32
    %sign3A_1258 = arith.constant 0 : i32
    %sign3A_1259 = arith.cmpi slt, %add3A_1252, %sign3A_1258 : i32
    %sign3A_1260 = arith.extui %sign3A_1259 : i1 to i32
    %sign3A_1261 = arith.subi %sign3A_1257, %sign3A_1260 : i32
    %sign3A_1262 = arith.constant 0 : i32
    %sign3A_1263 = arith.cmpi sgt, %jit3A_1253, %sign3A_1262 : i32
    %sign3A_1264 = arith.extui %sign3A_1263 : i1 to i32
    %sign3A_1265 = arith.constant 0 : i32
    %sign3A_1266 = arith.cmpi slt, %jit3A_1253, %sign3A_1265 : i32
    %sign3A_1267 = arith.extui %sign3A_1266 : i1 to i32
    %sign3A_1268 = arith.subi %sign3A_1264, %sign3A_1267 : i32
    %ne3A_1269 = arith.cmpi ne, %sign3A_1261, %sign3A_1268 : i32
    %rem3A_1270 = arith.remsi %add3A_1252, %jit3A_1253 : i32
    %ne3A_1271 = arith.constant 0 : i32
    %ne3A_1272 = arith.cmpi ne, %rem3A_1270, %ne3A_1271 : i32
    %and3A_1273 = arith.andi %ne3A_1269, %ne3A_1272 : i1
    %sub3A_1274 = arith.constant 1 : i32
    %sub3A_1275 = arith.subi %div3A_1254, %sub3A_1274 : i32
    %select_n3A_1276 = arith.select %and3A_1273, %sub3A_1275, %div3A_1254 : i32
    %jit3A_1277 = arith.constant 512 : i32
    %eq3A_1278 = arith.constant 0 : i32
    %eq3A_1279 = arith.cmpi eq, %jit3A_1277, %eq3A_1278 : i32
    %jit3A_1280 = arith.constant 1 : i32
    %select_n3A_1281 = arith.select %eq3A_1279, %jit3A_1280, %jit3A_1277 : i32
    %rem3A_1282 = arith.remsi %add3A_1252, %select_n3A_1281 : i32
    %ne3A_1283 = arith.constant 0 : i32
    %ne3A_1284 = arith.cmpi ne, %rem3A_1282, %ne3A_1283 : i32
    %lt3A_1285 = arith.constant 0 : i32
    %lt3A_1286 = arith.cmpi slt, %rem3A_1282, %lt3A_1285 : i32
    %lt3A_1287 = arith.constant 0 : i32
    %lt3A_1288 = arith.cmpi slt, %select_n3A_1281, %lt3A_1287 : i32
    %ne3A_1289 = arith.xori %lt3A_1286, %lt3A_1288 : i1
    %and3A_1290 = arith.andi %ne3A_1289, %ne3A_1284 : i1
    %add3A_1291 = arith.addi %rem3A_1282, %select_n3A_1281 : i32
    %select_n3A_1292 = arith.select %and3A_1290, %add3A_1291, %rem3A_1282 : i32
    %mul3A_1293 = arith.constant 32 : i32
    %mul3A_1294 = arith.muli %select_n3A_1292, %mul3A_1293 : i32
    %dma_wait3A_1295 = arith.constant 7 : i32
    %dma_wait3A_1296 = arith.constant 0 : i32
    %dma_wait3A_1297 = arith.constant 0 : i32
    %dma_wait3A_1298 = tpu.memref_slice %arg6[%dma_wait3A_1295, %dma_wait3A_1296, %dma_wait3A_1297] : memref<8x32x128xf32, #tpu.memory_space<vmem>> -> memref<1x32x128xf32, #tpu.memory_space<vmem>>
    %dma_wait3A_1299 = tpu.memref_squeeze %dma_wait3A_1298 : memref<1x32x128xf32, #tpu.memory_space<vmem>> -> memref<32x128xf32, #tpu.memory_space<vmem>>
    %dma_wait3A_1300 = arith.constant 0 : i32
    %dma_wait3A_1301 = tpu.memref_slice %arg4[%select_n3A_1276, %mul3A_1294, %dma_wait3A_1300] : memref<26x16384x128xf32, #tpu.memory_space<hbm>> -> memref<1x32x128xf32, #tpu.memory_space<hbm>>
    %dma_wait3A_1302 = tpu.memref_squeeze %dma_wait3A_1301 : memref<1x32x128xf32, #tpu.memory_space<hbm>> -> memref<32x128xf32, #tpu.memory_space<hbm>>
    %dma_wait3A_1303 = arith.constant 0 : i32
    %dma_wait3A_1304 = tpu.memref_slice %arg4[%select_n3A_1276, %mul3A_1294, %dma_wait3A_1303] : memref<26x16384x128xf32, #tpu.memory_space<hbm>> -> memref<1x32x128xf32, #tpu.memory_space<hbm>>
    %dma_wait3A_1305 = tpu.memref_squeeze %dma_wait3A_1304 : memref<1x32x128xf32, #tpu.memory_space<hbm>> -> memref<32x128xf32, #tpu.memory_space<hbm>>
    %dma_wait3A_1306 = arith.constant 0 : i32
    %dma_wait3A_1307 = arith.constant 0 : i32
    %dma_wait3A_1308 = tpu.memref_slice %arg6[%dma_wait3A_1295, %dma_wait3A_1306, %dma_wait3A_1307] : memref<8x32x128xf32, #tpu.memory_space<vmem>> -> memref<1x32x128xf32, #tpu.memory_space<vmem>>
    %dma_wait3A_1309 = tpu.memref_squeeze %dma_wait3A_1308 : memref<1x32x128xf32, #tpu.memory_space<vmem>> -> memref<32x128xf32, #tpu.memory_space<vmem>>
    tpu.wait_dma2 semaphore(%arg22 : memref<!tpu.dma_semaphore, #tpu.memory_space<semaphore_mem>>) src(%dma_wait3A_1309 : memref<32x128xf32, #tpu.memory_space<vmem>>) dst(%dma_wait3A_1305 : memref<32x128xf32, #tpu.memory_space<hbm>>)
    %dma_start3A_1310 = arith.constant 7 : i32
    %dma_start3A_1311 = arith.constant 0 : i32
    %dma_start3A_1312 = arith.constant 0 : i32
    %dma_start3A_1313 = tpu.memref_slice %arg6[%dma_start3A_1310, %dma_start3A_1311, %dma_start3A_1312] : memref<8x32x128xf32, #tpu.memory_space<vmem>> -> memref<1x32x128xf32, #tpu.memory_space<vmem>>
    %dma_start3A_1314 = tpu.memref_squeeze %dma_start3A_1313 : memref<1x32x128xf32, #tpu.memory_space<vmem>> -> memref<32x128xf32, #tpu.memory_space<vmem>>
    %dma_start3A_1315 = arith.constant 13280 : i32
    %dma_start3A_1316 = tpu.memref_slice %arg5[%dma_start3A_1315] : memref<13312xi32, #tpu.memory_space<vmem>> -> memref<32xi32, #tpu.memory_space<vmem>>
    %dma_start3A_1317 = arith.constant 0 : i32
    %dma_start3A_1318 = arith.constant 0 : i32
    %dma_start3A_1319 = tpu.memref_slice %arg2[%dma_start3A_1317, %dma_start3A_1318] : memref<100000x128xf32, #tpu.memory_space<hbm>> -> memref<100000x128xf32, #tpu.memory_space<hbm>>
    tpu.enqueue_indirect_dma source(%dma_start3A_1319 : memref<100000x128xf32, #tpu.memory_space<hbm>>) target(%dma_start3A_1314 : memref<32x128xf32, #tpu.memory_space<vmem>>) offsets(%dma_start3A_1316 : memref<32xi32, #tpu.memory_space<vmem>>) semaphore(%arg14 : memref<!tpu.dma_semaphore, #tpu.memory_space<semaphore_mem>>)
    %dma_wait3A_1320 = arith.constant 2 : i32
    %dma_wait3A_1321 = arith.constant 0 : i32
    %dma_wait3A_1322 = arith.constant 0 : i32
    %dma_wait3A_1323 = tpu.memref_slice %arg6[%dma_wait3A_1320, %dma_wait3A_1321, %dma_wait3A_1322] : memref<8x32x128xf32, #tpu.memory_space<vmem>> -> memref<1x32x128xf32, #tpu.memory_space<vmem>>
    %dma_wait3A_1324 = tpu.memref_squeeze %dma_wait3A_1323 : memref<1x32x128xf32, #tpu.memory_space<vmem>> -> memref<32x128xf32, #tpu.memory_space<vmem>>
    %dma_wait3A_1325 = arith.constant 13120 : i32
    %dma_wait3A_1326 = tpu.memref_slice %arg5[%dma_wait3A_1325] : memref<13312xi32, #tpu.memory_space<vmem>> -> memref<32xi32, #tpu.memory_space<vmem>>
    %dma_wait3A_1327 = arith.constant 0 : i32
    %dma_wait3A_1328 = arith.constant 0 : i32
    %dma_wait3A_1329 = tpu.memref_slice %arg2[%dma_wait3A_1327, %dma_wait3A_1328] : memref<100000x128xf32, #tpu.memory_space<hbm>> -> memref<100000x128xf32, #tpu.memory_space<hbm>>
    tpu.wait_indirect_dma semaphore(%arg9 : memref<!tpu.dma_semaphore, #tpu.memory_space<semaphore_mem>>) src(%dma_wait3A_1329 : memref<100000x128xf32, #tpu.memory_space<hbm>>) dst(%dma_wait3A_1324 : memref<32x128xf32, #tpu.memory_space<vmem>>)
    %add3A_1330 = arith.constant 410 : i32
    %add3A_1331 = arith.addi %mul3A_2, %add3A_1330 : i32
    %jit3A_1332 = arith.constant 512 : i32
    %div3A_1333 = arith.divsi %add3A_1331, %jit3A_1332 : i32
    %sign3A_1334 = arith.constant 0 : i32
    %sign3A_1335 = arith.cmpi sgt, %add3A_1331, %sign3A_1334 : i32
    %sign3A_1336 = arith.extui %sign3A_1335 : i1 to i32
    %sign3A_1337 = arith.constant 0 : i32
    %sign3A_1338 = arith.cmpi slt, %add3A_1331, %sign3A_1337 : i32
    %sign3A_1339 = arith.extui %sign3A_1338 : i1 to i32
    %sign3A_1340 = arith.subi %sign3A_1336, %sign3A_1339 : i32
    %sign3A_1341 = arith.constant 0 : i32
    %sign3A_1342 = arith.cmpi sgt, %jit3A_1332, %sign3A_1341 : i32
    %sign3A_1343 = arith.extui %sign3A_1342 : i1 to i32
    %sign3A_1344 = arith.constant 0 : i32
    %sign3A_1345 = arith.cmpi slt, %jit3A_1332, %sign3A_1344 : i32
    %sign3A_1346 = arith.extui %sign3A_1345 : i1 to i32
    %sign3A_1347 = arith.subi %sign3A_1343, %sign3A_1346 : i32
    %ne3A_1348 = arith.cmpi ne, %sign3A_1340, %sign3A_1347 : i32
    %rem3A_1349 = arith.remsi %add3A_1331, %jit3A_1332 : i32
    %ne3A_1350 = arith.constant 0 : i32
    %ne3A_1351 = arith.cmpi ne, %rem3A_1349, %ne3A_1350 : i32
    %and3A_1352 = arith.andi %ne3A_1348, %ne3A_1351 : i1
    %sub3A_1353 = arith.constant 1 : i32
    %sub3A_1354 = arith.subi %div3A_1333, %sub3A_1353 : i32
    %select_n3A_1355 = arith.select %and3A_1352, %sub3A_1354, %div3A_1333 : i32
    %jit3A_1356 = arith.constant 512 : i32
    %eq3A_1357 = arith.constant 0 : i32
    %eq3A_1358 = arith.cmpi eq, %jit3A_1356, %eq3A_1357 : i32
    %jit3A_1359 = arith.constant 1 : i32
    %select_n3A_1360 = arith.select %eq3A_1358, %jit3A_1359, %jit3A_1356 : i32
    %rem3A_1361 = arith.remsi %add3A_1331, %select_n3A_1360 : i32
    %ne3A_1362 = arith.constant 0 : i32
    %ne3A_1363 = arith.cmpi ne, %rem3A_1361, %ne3A_1362 : i32
    %lt3A_1364 = arith.constant 0 : i32
    %lt3A_1365 = arith.cmpi slt, %rem3A_1361, %lt3A_1364 : i32
    %lt3A_1366 = arith.constant 0 : i32
    %lt3A_1367 = arith.cmpi slt, %select_n3A_1360, %lt3A_1366 : i32
    %ne3A_1368 = arith.xori %lt3A_1365, %lt3A_1367 : i1
    %and3A_1369 = arith.andi %ne3A_1368, %ne3A_1363 : i1
    %add3A_1370 = arith.addi %rem3A_1361, %select_n3A_1360 : i32
    %select_n3A_1371 = arith.select %and3A_1369, %add3A_1370, %rem3A_1361 : i32
    %mul3A_1372 = arith.constant 32 : i32
    %mul3A_1373 = arith.muli %select_n3A_1371, %mul3A_1372 : i32
    %dma_start3A_1374 = arith.constant 2 : i32
    %dma_start3A_1375 = arith.constant 0 : i32
    %dma_start3A_1376 = arith.constant 0 : i32
    %dma_start3A_1377 = tpu.memref_slice %arg6[%dma_start3A_1374, %dma_start3A_1375, %dma_start3A_1376] : memref<8x32x128xf32, #tpu.memory_space<vmem>> -> memref<1x32x128xf32, #tpu.memory_space<vmem>>
    %dma_start3A_1378 = tpu.memref_squeeze %dma_start3A_1377 : memref<1x32x128xf32, #tpu.memory_space<vmem>> -> memref<32x128xf32, #tpu.memory_space<vmem>>
    %dma_start3A_1379 = arith.constant 0 : i32
    %dma_start3A_1380 = tpu.memref_slice %arg4[%select_n3A_1355, %mul3A_1373, %dma_start3A_1379] : memref<26x16384x128xf32, #tpu.memory_space<hbm>> -> memref<1x32x128xf32, #tpu.memory_space<hbm>>
    %dma_start3A_1381 = tpu.memref_squeeze %dma_start3A_1380 : memref<1x32x128xf32, #tpu.memory_space<hbm>> -> memref<32x128xf32, #tpu.memory_space<hbm>>
    %dma_start3A_1382 = arith.constant 0 : i32
    %dma_start3A_1383 = tpu.memref_slice %arg4[%select_n3A_1355, %mul3A_1373, %dma_start3A_1382] : memref<26x16384x128xf32, #tpu.memory_space<hbm>> -> memref<1x32x128xf32, #tpu.memory_space<hbm>>
    %dma_start3A_1384 = tpu.memref_squeeze %dma_start3A_1383 : memref<1x32x128xf32, #tpu.memory_space<hbm>> -> memref<32x128xf32, #tpu.memory_space<hbm>>
    %dma_start3A_1385 = arith.constant 0 : i32
    %dma_start3A_1386 = arith.constant 0 : i32
    %dma_start3A_1387 = tpu.memref_slice %arg6[%dma_start3A_1374, %dma_start3A_1385, %dma_start3A_1386] : memref<8x32x128xf32, #tpu.memory_space<vmem>> -> memref<1x32x128xf32, #tpu.memory_space<vmem>>
    %dma_start3A_1388 = tpu.memref_squeeze %dma_start3A_1387 : memref<1x32x128xf32, #tpu.memory_space<vmem>> -> memref<32x128xf32, #tpu.memory_space<vmem>>
    tpu.enqueue_dma source(%dma_start3A_1388 : memref<32x128xf32, #tpu.memory_space<vmem>>) target(%dma_start3A_1384 : memref<32x128xf32, #tpu.memory_space<hbm>>) target_semaphore(%arg17 : memref<!tpu.dma_semaphore, #tpu.memory_space<semaphore_mem>>)
    %dma_wait3A_1389 = arith.constant 3 : i32
    %dma_wait3A_1390 = arith.constant 0 : i32
    %dma_wait3A_1391 = arith.constant 0 : i32
    %dma_wait3A_1392 = tpu.memref_slice %arg6[%dma_wait3A_1389, %dma_wait3A_1390, %dma_wait3A_1391] : memref<8x32x128xf32, #tpu.memory_space<vmem>> -> memref<1x32x128xf32, #tpu.memory_space<vmem>>
    %dma_wait3A_1393 = tpu.memref_squeeze %dma_wait3A_1392 : memref<1x32x128xf32, #tpu.memory_space<vmem>> -> memref<32x128xf32, #tpu.memory_space<vmem>>
    %dma_wait3A_1394 = arith.constant 13152 : i32
    %dma_wait3A_1395 = tpu.memref_slice %arg5[%dma_wait3A_1394] : memref<13312xi32, #tpu.memory_space<vmem>> -> memref<32xi32, #tpu.memory_space<vmem>>
    %dma_wait3A_1396 = arith.constant 0 : i32
    %dma_wait3A_1397 = arith.constant 0 : i32
    %dma_wait3A_1398 = tpu.memref_slice %arg2[%dma_wait3A_1396, %dma_wait3A_1397] : memref<100000x128xf32, #tpu.memory_space<hbm>> -> memref<100000x128xf32, #tpu.memory_space<hbm>>
    tpu.wait_indirect_dma semaphore(%arg10 : memref<!tpu.dma_semaphore, #tpu.memory_space<semaphore_mem>>) src(%dma_wait3A_1398 : memref<100000x128xf32, #tpu.memory_space<hbm>>) dst(%dma_wait3A_1393 : memref<32x128xf32, #tpu.memory_space<vmem>>)
    %add3A_1399 = arith.constant 411 : i32
    %add3A_1400 = arith.addi %mul3A_2, %add3A_1399 : i32
    %jit3A_1401 = arith.constant 512 : i32
    %div3A_1402 = arith.divsi %add3A_1400, %jit3A_1401 : i32
    %sign3A_1403 = arith.constant 0 : i32
    %sign3A_1404 = arith.cmpi sgt, %add3A_1400, %sign3A_1403 : i32
    %sign3A_1405 = arith.extui %sign3A_1404 : i1 to i32
    %sign3A_1406 = arith.constant 0 : i32
    %sign3A_1407 = arith.cmpi slt, %add3A_1400, %sign3A_1406 : i32
    %sign3A_1408 = arith.extui %sign3A_1407 : i1 to i32
    %sign3A_1409 = arith.subi %sign3A_1405, %sign3A_1408 : i32
    %sign3A_1410 = arith.constant 0 : i32
    %sign3A_1411 = arith.cmpi sgt, %jit3A_1401, %sign3A_1410 : i32
    %sign3A_1412 = arith.extui %sign3A_1411 : i1 to i32
    %sign3A_1413 = arith.constant 0 : i32
    %sign3A_1414 = arith.cmpi slt, %jit3A_1401, %sign3A_1413 : i32
    %sign3A_1415 = arith.extui %sign3A_1414 : i1 to i32
    %sign3A_1416 = arith.subi %sign3A_1412, %sign3A_1415 : i32
    %ne3A_1417 = arith.cmpi ne, %sign3A_1409, %sign3A_1416 : i32
    %rem3A_1418 = arith.remsi %add3A_1400, %jit3A_1401 : i32
    %ne3A_1419 = arith.constant 0 : i32
    %ne3A_1420 = arith.cmpi ne, %rem3A_1418, %ne3A_1419 : i32
    %and3A_1421 = arith.andi %ne3A_1417, %ne3A_1420 : i1
    %sub3A_1422 = arith.constant 1 : i32
    %sub3A_1423 = arith.subi %div3A_1402, %sub3A_1422 : i32
    %select_n3A_1424 = arith.select %and3A_1421, %sub3A_1423, %div3A_1402 : i32
    %jit3A_1425 = arith.constant 512 : i32
    %eq3A_1426 = arith.constant 0 : i32
    %eq3A_1427 = arith.cmpi eq, %jit3A_1425, %eq3A_1426 : i32
    %jit3A_1428 = arith.constant 1 : i32
    %select_n3A_1429 = arith.select %eq3A_1427, %jit3A_1428, %jit3A_1425 : i32
    %rem3A_1430 = arith.remsi %add3A_1400, %select_n3A_1429 : i32
    %ne3A_1431 = arith.constant 0 : i32
    %ne3A_1432 = arith.cmpi ne, %rem3A_1430, %ne3A_1431 : i32
    %lt3A_1433 = arith.constant 0 : i32
    %lt3A_1434 = arith.cmpi slt, %rem3A_1430, %lt3A_1433 : i32
    %lt3A_1435 = arith.constant 0 : i32
    %lt3A_1436 = arith.cmpi slt, %select_n3A_1429, %lt3A_1435 : i32
    %ne3A_1437 = arith.xori %lt3A_1434, %lt3A_1436 : i1
    %and3A_1438 = arith.andi %ne3A_1437, %ne3A_1432 : i1
    %add3A_1439 = arith.addi %rem3A_1430, %select_n3A_1429 : i32
    %select_n3A_1440 = arith.select %and3A_1438, %add3A_1439, %rem3A_1430 : i32
    %mul3A_1441 = arith.constant 32 : i32
    %mul3A_1442 = arith.muli %select_n3A_1440, %mul3A_1441 : i32
    %dma_start3A_1443 = arith.constant 3 : i32
    %dma_start3A_1444 = arith.constant 0 : i32
    %dma_start3A_1445 = arith.constant 0 : i32
    %dma_start3A_1446 = tpu.memref_slice %arg6[%dma_start3A_1443, %dma_start3A_1444, %dma_start3A_1445] : memref<8x32x128xf32, #tpu.memory_space<vmem>> -> memref<1x32x128xf32, #tpu.memory_space<vmem>>
    %dma_start3A_1447 = tpu.memref_squeeze %dma_start3A_1446 : memref<1x32x128xf32, #tpu.memory_space<vmem>> -> memref<32x128xf32, #tpu.memory_space<vmem>>
    %dma_start3A_1448 = arith.constant 0 : i32
    %dma_start3A_1449 = tpu.memref_slice %arg4[%select_n3A_1424, %mul3A_1442, %dma_start3A_1448] : memref<26x16384x128xf32, #tpu.memory_space<hbm>> -> memref<1x32x128xf32, #tpu.memory_space<hbm>>
    %dma_start3A_1450 = tpu.memref_squeeze %dma_start3A_1449 : memref<1x32x128xf32, #tpu.memory_space<hbm>> -> memref<32x128xf32, #tpu.memory_space<hbm>>
    %dma_start3A_1451 = arith.constant 0 : i32
    %dma_start3A_1452 = tpu.memref_slice %arg4[%select_n3A_1424, %mul3A_1442, %dma_start3A_1451] : memref<26x16384x128xf32, #tpu.memory_space<hbm>> -> memref<1x32x128xf32, #tpu.memory_space<hbm>>
    %dma_start3A_1453 = tpu.memref_squeeze %dma_start3A_1452 : memref<1x32x128xf32, #tpu.memory_space<hbm>> -> memref<32x128xf32, #tpu.memory_space<hbm>>
    %dma_start3A_1454 = arith.constant 0 : i32
    %dma_start3A_1455 = arith.constant 0 : i32
    %dma_start3A_1456 = tpu.memref_slice %arg6[%dma_start3A_1443, %dma_start3A_1454, %dma_start3A_1455] : memref<8x32x128xf32, #tpu.memory_space<vmem>> -> memref<1x32x128xf32, #tpu.memory_space<vmem>>
    %dma_start3A_1457 = tpu.memref_squeeze %dma_start3A_1456 : memref<1x32x128xf32, #tpu.memory_space<vmem>> -> memref<32x128xf32, #tpu.memory_space<vmem>>
    tpu.enqueue_dma source(%dma_start3A_1457 : memref<32x128xf32, #tpu.memory_space<vmem>>) target(%dma_start3A_1453 : memref<32x128xf32, #tpu.memory_space<hbm>>) target_semaphore(%arg18 : memref<!tpu.dma_semaphore, #tpu.memory_space<semaphore_mem>>)
    %dma_wait3A_1458 = arith.constant 4 : i32
    %dma_wait3A_1459 = arith.constant 0 : i32
    %dma_wait3A_1460 = arith.constant 0 : i32
    %dma_wait3A_1461 = tpu.memref_slice %arg6[%dma_wait3A_1458, %dma_wait3A_1459, %dma_wait3A_1460] : memref<8x32x128xf32, #tpu.memory_space<vmem>> -> memref<1x32x128xf32, #tpu.memory_space<vmem>>
    %dma_wait3A_1462 = tpu.memref_squeeze %dma_wait3A_1461 : memref<1x32x128xf32, #tpu.memory_space<vmem>> -> memref<32x128xf32, #tpu.memory_space<vmem>>
    %dma_wait3A_1463 = arith.constant 13184 : i32
    %dma_wait3A_1464 = tpu.memref_slice %arg5[%dma_wait3A_1463] : memref<13312xi32, #tpu.memory_space<vmem>> -> memref<32xi32, #tpu.memory_space<vmem>>
    %dma_wait3A_1465 = arith.constant 0 : i32
    %dma_wait3A_1466 = arith.constant 0 : i32
    %dma_wait3A_1467 = tpu.memref_slice %arg2[%dma_wait3A_1465, %dma_wait3A_1466] : memref<100000x128xf32, #tpu.memory_space<hbm>> -> memref<100000x128xf32, #tpu.memory_space<hbm>>
    tpu.wait_indirect_dma semaphore(%arg11 : memref<!tpu.dma_semaphore, #tpu.memory_space<semaphore_mem>>) src(%dma_wait3A_1467 : memref<100000x128xf32, #tpu.memory_space<hbm>>) dst(%dma_wait3A_1462 : memref<32x128xf32, #tpu.memory_space<vmem>>)
    %add3A_1468 = arith.constant 412 : i32
    %add3A_1469 = arith.addi %mul3A_2, %add3A_1468 : i32
    %jit3A_1470 = arith.constant 512 : i32
    %div3A_1471 = arith.divsi %add3A_1469, %jit3A_1470 : i32
    %sign3A_1472 = arith.constant 0 : i32
    %sign3A_1473 = arith.cmpi sgt, %add3A_1469, %sign3A_1472 : i32
    %sign3A_1474 = arith.extui %sign3A_1473 : i1 to i32
    %sign3A_1475 = arith.constant 0 : i32
    %sign3A_1476 = arith.cmpi slt, %add3A_1469, %sign3A_1475 : i32
    %sign3A_1477 = arith.extui %sign3A_1476 : i1 to i32
    %sign3A_1478 = arith.subi %sign3A_1474, %sign3A_1477 : i32
    %sign3A_1479 = arith.constant 0 : i32
    %sign3A_1480 = arith.cmpi sgt, %jit3A_1470, %sign3A_1479 : i32
    %sign3A_1481 = arith.extui %sign3A_1480 : i1 to i32
    %sign3A_1482 = arith.constant 0 : i32
    %sign3A_1483 = arith.cmpi slt, %jit3A_1470, %sign3A_1482 : i32
    %sign3A_1484 = arith.extui %sign3A_1483 : i1 to i32
    %sign3A_1485 = arith.subi %sign3A_1481, %sign3A_1484 : i32
    %ne3A_1486 = arith.cmpi ne, %sign3A_1478, %sign3A_1485 : i32
    %rem3A_1487 = arith.remsi %add3A_1469, %jit3A_1470 : i32
    %ne3A_1488 = arith.constant 0 : i32
    %ne3A_1489 = arith.cmpi ne, %rem3A_1487, %ne3A_1488 : i32
    %and3A_1490 = arith.andi %ne3A_1486, %ne3A_1489 : i1
    %sub3A_1491 = arith.constant 1 : i32
    %sub3A_1492 = arith.subi %div3A_1471, %sub3A_1491 : i32
    %select_n3A_1493 = arith.select %and3A_1490, %sub3A_1492, %div3A_1471 : i32
    %jit3A_1494 = arith.constant 512 : i32
    %eq3A_1495 = arith.constant 0 : i32
    %eq3A_1496 = arith.cmpi eq, %jit3A_1494, %eq3A_1495 : i32
    %jit3A_1497 = arith.constant 1 : i32
    %select_n3A_1498 = arith.select %eq3A_1496, %jit3A_1497, %jit3A_1494 : i32
    %rem3A_1499 = arith.remsi %add3A_1469, %select_n3A_1498 : i32
    %ne3A_1500 = arith.constant 0 : i32
    %ne3A_1501 = arith.cmpi ne, %rem3A_1499, %ne3A_1500 : i32
    %lt3A_1502 = arith.constant 0 : i32
    %lt3A_1503 = arith.cmpi slt, %rem3A_1499, %lt3A_1502 : i32
    %lt3A_1504 = arith.constant 0 : i32
    %lt3A_1505 = arith.cmpi slt, %select_n3A_1498, %lt3A_1504 : i32
    %ne3A_1506 = arith.xori %lt3A_1503, %lt3A_1505 : i1
    %and3A_1507 = arith.andi %ne3A_1506, %ne3A_1501 : i1
    %add3A_1508 = arith.addi %rem3A_1499, %select_n3A_1498 : i32
    %select_n3A_1509 = arith.select %and3A_1507, %add3A_1508, %rem3A_1499 : i32
    %mul3A_1510 = arith.constant 32 : i32
    %mul3A_1511 = arith.muli %select_n3A_1509, %mul3A_1510 : i32
    %dma_start3A_1512 = arith.constant 4 : i32
    %dma_start3A_1513 = arith.constant 0 : i32
    %dma_start3A_1514 = arith.constant 0 : i32
    %dma_start3A_1515 = tpu.memref_slice %arg6[%dma_start3A_1512, %dma_start3A_1513, %dma_start3A_1514] : memref<8x32x128xf32, #tpu.memory_space<vmem>> -> memref<1x32x128xf32, #tpu.memory_space<vmem>>
    %dma_start3A_1516 = tpu.memref_squeeze %dma_start3A_1515 : memref<1x32x128xf32, #tpu.memory_space<vmem>> -> memref<32x128xf32, #tpu.memory_space<vmem>>
    %dma_start3A_1517 = arith.constant 0 : i32
    %dma_start3A_1518 = tpu.memref_slice %arg4[%select_n3A_1493, %mul3A_1511, %dma_start3A_1517] : memref<26x16384x128xf32, #tpu.memory_space<hbm>> -> memref<1x32x128xf32, #tpu.memory_space<hbm>>
    %dma_start3A_1519 = tpu.memref_squeeze %dma_start3A_1518 : memref<1x32x128xf32, #tpu.memory_space<hbm>> -> memref<32x128xf32, #tpu.memory_space<hbm>>
    %dma_start3A_1520 = arith.constant 0 : i32
    %dma_start3A_1521 = tpu.memref_slice %arg4[%select_n3A_1493, %mul3A_1511, %dma_start3A_1520] : memref<26x16384x128xf32, #tpu.memory_space<hbm>> -> memref<1x32x128xf32, #tpu.memory_space<hbm>>
    %dma_start3A_1522 = tpu.memref_squeeze %dma_start3A_1521 : memref<1x32x128xf32, #tpu.memory_space<hbm>> -> memref<32x128xf32, #tpu.memory_space<hbm>>
    %dma_start3A_1523 = arith.constant 0 : i32
    %dma_start3A_1524 = arith.constant 0 : i32
    %dma_start3A_1525 = tpu.memref_slice %arg6[%dma_start3A_1512, %dma_start3A_1523, %dma_start3A_1524] : memref<8x32x128xf32, #tpu.memory_space<vmem>> -> memref<1x32x128xf32, #tpu.memory_space<vmem>>
    %dma_start3A_1526 = tpu.memref_squeeze %dma_start3A_1525 : memref<1x32x128xf32, #tpu.memory_space<vmem>> -> memref<32x128xf32, #tpu.memory_space<vmem>>
    tpu.enqueue_dma source(%dma_start3A_1526 : memref<32x128xf32, #tpu.memory_space<vmem>>) target(%dma_start3A_1522 : memref<32x128xf32, #tpu.memory_space<hbm>>) target_semaphore(%arg19 : memref<!tpu.dma_semaphore, #tpu.memory_space<semaphore_mem>>)
    %dma_wait3A_1527 = arith.constant 5 : i32
    %dma_wait3A_1528 = arith.constant 0 : i32
    %dma_wait3A_1529 = arith.constant 0 : i32
    %dma_wait3A_1530 = tpu.memref_slice %arg6[%dma_wait3A_1527, %dma_wait3A_1528, %dma_wait3A_1529] : memref<8x32x128xf32, #tpu.memory_space<vmem>> -> memref<1x32x128xf32, #tpu.memory_space<vmem>>
    %dma_wait3A_1531 = tpu.memref_squeeze %dma_wait3A_1530 : memref<1x32x128xf32, #tpu.memory_space<vmem>> -> memref<32x128xf32, #tpu.memory_space<vmem>>
    %dma_wait3A_1532 = arith.constant 13216 : i32
    %dma_wait3A_1533 = tpu.memref_slice %arg5[%dma_wait3A_1532] : memref<13312xi32, #tpu.memory_space<vmem>> -> memref<32xi32, #tpu.memory_space<vmem>>
    %dma_wait3A_1534 = arith.constant 0 : i32
    %dma_wait3A_1535 = arith.constant 0 : i32
    %dma_wait3A_1536 = tpu.memref_slice %arg2[%dma_wait3A_1534, %dma_wait3A_1535] : memref<100000x128xf32, #tpu.memory_space<hbm>> -> memref<100000x128xf32, #tpu.memory_space<hbm>>
    tpu.wait_indirect_dma semaphore(%arg12 : memref<!tpu.dma_semaphore, #tpu.memory_space<semaphore_mem>>) src(%dma_wait3A_1536 : memref<100000x128xf32, #tpu.memory_space<hbm>>) dst(%dma_wait3A_1531 : memref<32x128xf32, #tpu.memory_space<vmem>>)
    %add3A_1537 = arith.constant 413 : i32
    %add3A_1538 = arith.addi %mul3A_2, %add3A_1537 : i32
    %jit3A_1539 = arith.constant 512 : i32
    %div3A_1540 = arith.divsi %add3A_1538, %jit3A_1539 : i32
    %sign3A_1541 = arith.constant 0 : i32
    %sign3A_1542 = arith.cmpi sgt, %add3A_1538, %sign3A_1541 : i32
    %sign3A_1543 = arith.extui %sign3A_1542 : i1 to i32
    %sign3A_1544 = arith.constant 0 : i32
    %sign3A_1545 = arith.cmpi slt, %add3A_1538, %sign3A_1544 : i32
    %sign3A_1546 = arith.extui %sign3A_1545 : i1 to i32
    %sign3A_1547 = arith.subi %sign3A_1543, %sign3A_1546 : i32
    %sign3A_1548 = arith.constant 0 : i32
    %sign3A_1549 = arith.cmpi sgt, %jit3A_1539, %sign3A_1548 : i32
    %sign3A_1550 = arith.extui %sign3A_1549 : i1 to i32
    %sign3A_1551 = arith.constant 0 : i32
    %sign3A_1552 = arith.cmpi slt, %jit3A_1539, %sign3A_1551 : i32
    %sign3A_1553 = arith.extui %sign3A_1552 : i1 to i32
    %sign3A_1554 = arith.subi %sign3A_1550, %sign3A_1553 : i32
    %ne3A_1555 = arith.cmpi ne, %sign3A_1547, %sign3A_1554 : i32
    %rem3A_1556 = arith.remsi %add3A_1538, %jit3A_1539 : i32
    %ne3A_1557 = arith.constant 0 : i32
    %ne3A_1558 = arith.cmpi ne, %rem3A_1556, %ne3A_1557 : i32
    %and3A_1559 = arith.andi %ne3A_1555, %ne3A_1558 : i1
    %sub3A_1560 = arith.constant 1 : i32
    %sub3A_1561 = arith.subi %div3A_1540, %sub3A_1560 : i32
    %select_n3A_1562 = arith.select %and3A_1559, %sub3A_1561, %div3A_1540 : i32
    %jit3A_1563 = arith.constant 512 : i32
    %eq3A_1564 = arith.constant 0 : i32
    %eq3A_1565 = arith.cmpi eq, %jit3A_1563, %eq3A_1564 : i32
    %jit3A_1566 = arith.constant 1 : i32
    %select_n3A_1567 = arith.select %eq3A_1565, %jit3A_1566, %jit3A_1563 : i32
    %rem3A_1568 = arith.remsi %add3A_1538, %select_n3A_1567 : i32
    %ne3A_1569 = arith.constant 0 : i32
    %ne3A_1570 = arith.cmpi ne, %rem3A_1568, %ne3A_1569 : i32
    %lt3A_1571 = arith.constant 0 : i32
    %lt3A_1572 = arith.cmpi slt, %rem3A_1568, %lt3A_1571 : i32
    %lt3A_1573 = arith.constant 0 : i32
    %lt3A_1574 = arith.cmpi slt, %select_n3A_1567, %lt3A_1573 : i32
    %ne3A_1575 = arith.xori %lt3A_1572, %lt3A_1574 : i1
    %and3A_1576 = arith.andi %ne3A_1575, %ne3A_1570 : i1
    %add3A_1577 = arith.addi %rem3A_1568, %select_n3A_1567 : i32
    %select_n3A_1578 = arith.select %and3A_1576, %add3A_1577, %rem3A_1568 : i32
    %mul3A_1579 = arith.constant 32 : i32
    %mul3A_1580 = arith.muli %select_n3A_1578, %mul3A_1579 : i32
    %dma_start3A_1581 = arith.constant 5 : i32
    %dma_start3A_1582 = arith.constant 0 : i32
    %dma_start3A_1583 = arith.constant 0 : i32
    %dma_start3A_1584 = tpu.memref_slice %arg6[%dma_start3A_1581, %dma_start3A_1582, %dma_start3A_1583] : memref<8x32x128xf32, #tpu.memory_space<vmem>> -> memref<1x32x128xf32, #tpu.memory_space<vmem>>
    %dma_start3A_1585 = tpu.memref_squeeze %dma_start3A_1584 : memref<1x32x128xf32, #tpu.memory_space<vmem>> -> memref<32x128xf32, #tpu.memory_space<vmem>>
    %dma_start3A_1586 = arith.constant 0 : i32
    %dma_start3A_1587 = tpu.memref_slice %arg4[%select_n3A_1562, %mul3A_1580, %dma_start3A_1586] : memref<26x16384x128xf32, #tpu.memory_space<hbm>> -> memref<1x32x128xf32, #tpu.memory_space<hbm>>
    %dma_start3A_1588 = tpu.memref_squeeze %dma_start3A_1587 : memref<1x32x128xf32, #tpu.memory_space<hbm>> -> memref<32x128xf32, #tpu.memory_space<hbm>>
    %dma_start3A_1589 = arith.constant 0 : i32
    %dma_start3A_1590 = tpu.memref_slice %arg4[%select_n3A_1562, %mul3A_1580, %dma_start3A_1589] : memref<26x16384x128xf32, #tpu.memory_space<hbm>> -> memref<1x32x128xf32, #tpu.memory_space<hbm>>
    %dma_start3A_1591 = tpu.memref_squeeze %dma_start3A_1590 : memref<1x32x128xf32, #tpu.memory_space<hbm>> -> memref<32x128xf32, #tpu.memory_space<hbm>>
    %dma_start3A_1592 = arith.constant 0 : i32
    %dma_start3A_1593 = arith.constant 0 : i32
    %dma_start3A_1594 = tpu.memref_slice %arg6[%dma_start3A_1581, %dma_start3A_1592, %dma_start3A_1593] : memref<8x32x128xf32, #tpu.memory_space<vmem>> -> memref<1x32x128xf32, #tpu.memory_space<vmem>>
    %dma_start3A_1595 = tpu.memref_squeeze %dma_start3A_1594 : memref<1x32x128xf32, #tpu.memory_space<vmem>> -> memref<32x128xf32, #tpu.memory_space<vmem>>
    tpu.enqueue_dma source(%dma_start3A_1595 : memref<32x128xf32, #tpu.memory_space<vmem>>) target(%dma_start3A_1591 : memref<32x128xf32, #tpu.memory_space<hbm>>) target_semaphore(%arg20 : memref<!tpu.dma_semaphore, #tpu.memory_space<semaphore_mem>>)
    %dma_wait3A_1596 = arith.constant 6 : i32
    %dma_wait3A_1597 = arith.constant 0 : i32
    %dma_wait3A_1598 = arith.constant 0 : i32
    %dma_wait3A_1599 = tpu.memref_slice %arg6[%dma_wait3A_1596, %dma_wait3A_1597, %dma_wait3A_1598] : memref<8x32x128xf32, #tpu.memory_space<vmem>> -> memref<1x32x128xf32, #tpu.memory_space<vmem>>
    %dma_wait3A_1600 = tpu.memref_squeeze %dma_wait3A_1599 : memref<1x32x128xf32, #tpu.memory_space<vmem>> -> memref<32x128xf32, #tpu.memory_space<vmem>>
    %dma_wait3A_1601 = arith.constant 13248 : i32
    %dma_wait3A_1602 = tpu.memref_slice %arg5[%dma_wait3A_1601] : memref<13312xi32, #tpu.memory_space<vmem>> -> memref<32xi32, #tpu.memory_space<vmem>>
    %dma_wait3A_1603 = arith.constant 0 : i32
    %dma_wait3A_1604 = arith.constant 0 : i32
    %dma_wait3A_1605 = tpu.memref_slice %arg2[%dma_wait3A_1603, %dma_wait3A_1604] : memref<100000x128xf32, #tpu.memory_space<hbm>> -> memref<100000x128xf32, #tpu.memory_space<hbm>>
    tpu.wait_indirect_dma semaphore(%arg13 : memref<!tpu.dma_semaphore, #tpu.memory_space<semaphore_mem>>) src(%dma_wait3A_1605 : memref<100000x128xf32, #tpu.memory_space<hbm>>) dst(%dma_wait3A_1600 : memref<32x128xf32, #tpu.memory_space<vmem>>)
    %add3A_1606 = arith.constant 414 : i32
    %add3A_1607 = arith.addi %mul3A_2, %add3A_1606 : i32
    %jit3A_1608 = arith.constant 512 : i32
    %div3A_1609 = arith.divsi %add3A_1607, %jit3A_1608 : i32
    %sign3A_1610 = arith.constant 0 : i32
    %sign3A_1611 = arith.cmpi sgt, %add3A_1607, %sign3A_1610 : i32
    %sign3A_1612 = arith.extui %sign3A_1611 : i1 to i32
    %sign3A_1613 = arith.constant 0 : i32
    %sign3A_1614 = arith.cmpi slt, %add3A_1607, %sign3A_1613 : i32
    %sign3A_1615 = arith.extui %sign3A_1614 : i1 to i32
    %sign3A_1616 = arith.subi %sign3A_1612, %sign3A_1615 : i32
    %sign3A_1617 = arith.constant 0 : i32
    %sign3A_1618 = arith.cmpi sgt, %jit3A_1608, %sign3A_1617 : i32
    %sign3A_1619 = arith.extui %sign3A_1618 : i1 to i32
    %sign3A_1620 = arith.constant 0 : i32
    %sign3A_1621 = arith.cmpi slt, %jit3A_1608, %sign3A_1620 : i32
    %sign3A_1622 = arith.extui %sign3A_1621 : i1 to i32
    %sign3A_1623 = arith.subi %sign3A_1619, %sign3A_1622 : i32
    %ne3A_1624 = arith.cmpi ne, %sign3A_1616, %sign3A_1623 : i32
    %rem3A_1625 = arith.remsi %add3A_1607, %jit3A_1608 : i32
    %ne3A_1626 = arith.constant 0 : i32
    %ne3A_1627 = arith.cmpi ne, %rem3A_1625, %ne3A_1626 : i32
    %and3A_1628 = arith.andi %ne3A_1624, %ne3A_1627 : i1
    %sub3A_1629 = arith.constant 1 : i32
    %sub3A_1630 = arith.subi %div3A_1609, %sub3A_1629 : i32
    %select_n3A_1631 = arith.select %and3A_1628, %sub3A_1630, %div3A_1609 : i32
    %jit3A_1632 = arith.constant 512 : i32
    %eq3A_1633 = arith.constant 0 : i32
    %eq3A_1634 = arith.cmpi eq, %jit3A_1632, %eq3A_1633 : i32
    %jit3A_1635 = arith.constant 1 : i32
    %select_n3A_1636 = arith.select %eq3A_1634, %jit3A_1635, %jit3A_1632 : i32
    %rem3A_1637 = arith.remsi %add3A_1607, %select_n3A_1636 : i32
    %ne3A_1638 = arith.constant 0 : i32
    %ne3A_1639 = arith.cmpi ne, %rem3A_1637, %ne3A_1638 : i32
    %lt3A_1640 = arith.constant 0 : i32
    %lt3A_1641 = arith.cmpi slt, %rem3A_1637, %lt3A_1640 : i32
    %lt3A_1642 = arith.constant 0 : i32
    %lt3A_1643 = arith.cmpi slt, %select_n3A_1636, %lt3A_1642 : i32
    %ne3A_1644 = arith.xori %lt3A_1641, %lt3A_1643 : i1
    %and3A_1645 = arith.andi %ne3A_1644, %ne3A_1639 : i1
    %add3A_1646 = arith.addi %rem3A_1637, %select_n3A_1636 : i32
    %select_n3A_1647 = arith.select %and3A_1645, %add3A_1646, %rem3A_1637 : i32
    %mul3A_1648 = arith.constant 32 : i32
    %mul3A_1649 = arith.muli %select_n3A_1647, %mul3A_1648 : i32
    %dma_start3A_1650 = arith.constant 6 : i32
    %dma_start3A_1651 = arith.constant 0 : i32
    %dma_start3A_1652 = arith.constant 0 : i32
    %dma_start3A_1653 = tpu.memref_slice %arg6[%dma_start3A_1650, %dma_start3A_1651, %dma_start3A_1652] : memref<8x32x128xf32, #tpu.memory_space<vmem>> -> memref<1x32x128xf32, #tpu.memory_space<vmem>>
    %dma_start3A_1654 = tpu.memref_squeeze %dma_start3A_1653 : memref<1x32x128xf32, #tpu.memory_space<vmem>> -> memref<32x128xf32, #tpu.memory_space<vmem>>
    %dma_start3A_1655 = arith.constant 0 : i32
    %dma_start3A_1656 = tpu.memref_slice %arg4[%select_n3A_1631, %mul3A_1649, %dma_start3A_1655] : memref<26x16384x128xf32, #tpu.memory_space<hbm>> -> memref<1x32x128xf32, #tpu.memory_space<hbm>>
    %dma_start3A_1657 = tpu.memref_squeeze %dma_start3A_1656 : memref<1x32x128xf32, #tpu.memory_space<hbm>> -> memref<32x128xf32, #tpu.memory_space<hbm>>
    %dma_start3A_1658 = arith.constant 0 : i32
    %dma_start3A_1659 = tpu.memref_slice %arg4[%select_n3A_1631, %mul3A_1649, %dma_start3A_1658] : memref<26x16384x128xf32, #tpu.memory_space<hbm>> -> memref<1x32x128xf32, #tpu.memory_space<hbm>>
    %dma_start3A_1660 = tpu.memref_squeeze %dma_start3A_1659 : memref<1x32x128xf32, #tpu.memory_space<hbm>> -> memref<32x128xf32, #tpu.memory_space<hbm>>
    %dma_start3A_1661 = arith.constant 0 : i32
    %dma_start3A_1662 = arith.constant 0 : i32
    %dma_start3A_1663 = tpu.memref_slice %arg6[%dma_start3A_1650, %dma_start3A_1661, %dma_start3A_1662] : memref<8x32x128xf32, #tpu.memory_space<vmem>> -> memref<1x32x128xf32, #tpu.memory_space<vmem>>
    %dma_start3A_1664 = tpu.memref_squeeze %dma_start3A_1663 : memref<1x32x128xf32, #tpu.memory_space<vmem>> -> memref<32x128xf32, #tpu.memory_space<vmem>>
    tpu.enqueue_dma source(%dma_start3A_1664 : memref<32x128xf32, #tpu.memory_space<vmem>>) target(%dma_start3A_1660 : memref<32x128xf32, #tpu.memory_space<hbm>>) target_semaphore(%arg21 : memref<!tpu.dma_semaphore, #tpu.memory_space<semaphore_mem>>)
    %dma_wait3A_1665 = arith.constant 7 : i32
    %dma_wait3A_1666 = arith.constant 0 : i32
    %dma_wait3A_1667 = arith.constant 0 : i32
    %dma_wait3A_1668 = tpu.memref_slice %arg6[%dma_wait3A_1665, %dma_wait3A_1666, %dma_wait3A_1667] : memref<8x32x128xf32, #tpu.memory_space<vmem>> -> memref<1x32x128xf32, #tpu.memory_space<vmem>>
    %dma_wait3A_1669 = tpu.memref_squeeze %dma_wait3A_1668 : memref<1x32x128xf32, #tpu.memory_space<vmem>> -> memref<32x128xf32, #tpu.memory_space<vmem>>
    %dma_wait3A_1670 = arith.constant 13280 : i32
    %dma_wait3A_1671 = tpu.memref_slice %arg5[%dma_wait3A_1670] : memref<13312xi32, #tpu.memory_space<vmem>> -> memref<32xi32, #tpu.memory_space<vmem>>
    %dma_wait3A_1672 = arith.constant 0 : i32
    %dma_wait3A_1673 = arith.constant 0 : i32
    %dma_wait3A_1674 = tpu.memref_slice %arg2[%dma_wait3A_1672, %dma_wait3A_1673] : memref<100000x128xf32, #tpu.memory_space<hbm>> -> memref<100000x128xf32, #tpu.memory_space<hbm>>
    tpu.wait_indirect_dma semaphore(%arg14 : memref<!tpu.dma_semaphore, #tpu.memory_space<semaphore_mem>>) src(%dma_wait3A_1674 : memref<100000x128xf32, #tpu.memory_space<hbm>>) dst(%dma_wait3A_1669 : memref<32x128xf32, #tpu.memory_space<vmem>>)
    %add3A_1675 = arith.constant 415 : i32
    %add3A_1676 = arith.addi %mul3A_2, %add3A_1675 : i32
    %jit3A_1677 = arith.constant 512 : i32
    %div3A_1678 = arith.divsi %add3A_1676, %jit3A_1677 : i32
    %sign3A_1679 = arith.constant 0 : i32
    %sign3A_1680 = arith.cmpi sgt, %add3A_1676, %sign3A_1679 : i32
    %sign3A_1681 = arith.extui %sign3A_1680 : i1 to i32
    %sign3A_1682 = arith.constant 0 : i32
    %sign3A_1683 = arith.cmpi slt, %add3A_1676, %sign3A_1682 : i32
    %sign3A_1684 = arith.extui %sign3A_1683 : i1 to i32
    %sign3A_1685 = arith.subi %sign3A_1681, %sign3A_1684 : i32
    %sign3A_1686 = arith.constant 0 : i32
    %sign3A_1687 = arith.cmpi sgt, %jit3A_1677, %sign3A_1686 : i32
    %sign3A_1688 = arith.extui %sign3A_1687 : i1 to i32
    %sign3A_1689 = arith.constant 0 : i32
    %sign3A_1690 = arith.cmpi slt, %jit3A_1677, %sign3A_1689 : i32
    %sign3A_1691 = arith.extui %sign3A_1690 : i1 to i32
    %sign3A_1692 = arith.subi %sign3A_1688, %sign3A_1691 : i32
    %ne3A_1693 = arith.cmpi ne, %sign3A_1685, %sign3A_1692 : i32
    %rem3A_1694 = arith.remsi %add3A_1676, %jit3A_1677 : i32
    %ne3A_1695 = arith.constant 0 : i32
    %ne3A_1696 = arith.cmpi ne, %rem3A_1694, %ne3A_1695 : i32
    %and3A_1697 = arith.andi %ne3A_1693, %ne3A_1696 : i1
    %sub3A_1698 = arith.constant 1 : i32
    %sub3A_1699 = arith.subi %div3A_1678, %sub3A_1698 : i32
    %select_n3A_1700 = arith.select %and3A_1697, %sub3A_1699, %div3A_1678 : i32
    %jit3A_1701 = arith.constant 512 : i32
    %eq3A_1702 = arith.constant 0 : i32
    %eq3A_1703 = arith.cmpi eq, %jit3A_1701, %eq3A_1702 : i32
    %jit3A_1704 = arith.constant 1 : i32
    %select_n3A_1705 = arith.select %eq3A_1703, %jit3A_1704, %jit3A_1701 : i32
    %rem3A_1706 = arith.remsi %add3A_1676, %select_n3A_1705 : i32
    %ne3A_1707 = arith.constant 0 : i32
    %ne3A_1708 = arith.cmpi ne, %rem3A_1706, %ne3A_1707 : i32
    %lt3A_1709 = arith.constant 0 : i32
    %lt3A_1710 = arith.cmpi slt, %rem3A_1706, %lt3A_1709 : i32
    %lt3A_1711 = arith.constant 0 : i32
    %lt3A_1712 = arith.cmpi slt, %select_n3A_1705, %lt3A_1711 : i32
    %ne3A_1713 = arith.xori %lt3A_1710, %lt3A_1712 : i1
    %and3A_1714 = arith.andi %ne3A_1713, %ne3A_1708 : i1
    %add3A_1715 = arith.addi %rem3A_1706, %select_n3A_1705 : i32
    %select_n3A_1716 = arith.select %and3A_1714, %add3A_1715, %rem3A_1706 : i32
    %mul3A_1717 = arith.constant 32 : i32
    %mul3A_1718 = arith.muli %select_n3A_1716, %mul3A_1717 : i32
    %dma_start3A_1719 = arith.constant 7 : i32
    %dma_start3A_1720 = arith.constant 0 : i32
    %dma_start3A_1721 = arith.constant 0 : i32
    %dma_start3A_1722 = tpu.memref_slice %arg6[%dma_start3A_1719, %dma_start3A_1720, %dma_start3A_1721] : memref<8x32x128xf32, #tpu.memory_space<vmem>> -> memref<1x32x128xf32, #tpu.memory_space<vmem>>
    %dma_start3A_1723 = tpu.memref_squeeze %dma_start3A_1722 : memref<1x32x128xf32, #tpu.memory_space<vmem>> -> memref<32x128xf32, #tpu.memory_space<vmem>>
    %dma_start3A_1724 = arith.constant 0 : i32
    %dma_start3A_1725 = tpu.memref_slice %arg4[%select_n3A_1700, %mul3A_1718, %dma_start3A_1724] : memref<26x16384x128xf32, #tpu.memory_space<hbm>> -> memref<1x32x128xf32, #tpu.memory_space<hbm>>
    %dma_start3A_1726 = tpu.memref_squeeze %dma_start3A_1725 : memref<1x32x128xf32, #tpu.memory_space<hbm>> -> memref<32x128xf32, #tpu.memory_space<hbm>>
    %dma_start3A_1727 = arith.constant 0 : i32
    %dma_start3A_1728 = tpu.memref_slice %arg4[%select_n3A_1700, %mul3A_1718, %dma_start3A_1727] : memref<26x16384x128xf32, #tpu.memory_space<hbm>> -> memref<1x32x128xf32, #tpu.memory_space<hbm>>
    %dma_start3A_1729 = tpu.memref_squeeze %dma_start3A_1728 : memref<1x32x128xf32, #tpu.memory_space<hbm>> -> memref<32x128xf32, #tpu.memory_space<hbm>>
    %dma_start3A_1730 = arith.constant 0 : i32
    %dma_start3A_1731 = arith.constant 0 : i32
    %dma_start3A_1732 = tpu.memref_slice %arg6[%dma_start3A_1719, %dma_start3A_1730, %dma_start3A_1731] : memref<8x32x128xf32, #tpu.memory_space<vmem>> -> memref<1x32x128xf32, #tpu.memory_space<vmem>>
    %dma_start3A_1733 = tpu.memref_squeeze %dma_start3A_1732 : memref<1x32x128xf32, #tpu.memory_space<vmem>> -> memref<32x128xf32, #tpu.memory_space<vmem>>
    tpu.enqueue_dma source(%dma_start3A_1733 : memref<32x128xf32, #tpu.memory_space<vmem>>) target(%dma_start3A_1729 : memref<32x128xf32, #tpu.memory_space<hbm>>) target_semaphore(%arg22 : memref<!tpu.dma_semaphore, #tpu.memory_space<semaphore_mem>>)
    %add3A_1734 = arith.constant 0 : i32
    %add3A_1735 = arith.addi %mul3A_2, %add3A_1734 : i32
    %jit3A_1736 = arith.constant 512 : i32
    %div3A_1737 = arith.divsi %add3A_1735, %jit3A_1736 : i32
    %sign3A_1738 = arith.constant 0 : i32
    %sign3A_1739 = arith.cmpi sgt, %add3A_1735, %sign3A_1738 : i32
    %sign3A_1740 = arith.extui %sign3A_1739 : i1 to i32
    %sign3A_1741 = arith.constant 0 : i32
    %sign3A_1742 = arith.cmpi slt, %add3A_1735, %sign3A_1741 : i32
    %sign3A_1743 = arith.extui %sign3A_1742 : i1 to i32
    %sign3A_1744 = arith.subi %sign3A_1740, %sign3A_1743 : i32
    %sign3A_1745 = arith.constant 0 : i32
    %sign3A_1746 = arith.cmpi sgt, %jit3A_1736, %sign3A_1745 : i32
    %sign3A_1747 = arith.extui %sign3A_1746 : i1 to i32
    %sign3A_1748 = arith.constant 0 : i32
    %sign3A_1749 = arith.cmpi slt, %jit3A_1736, %sign3A_1748 : i32
    %sign3A_1750 = arith.extui %sign3A_1749 : i1 to i32
    %sign3A_1751 = arith.subi %sign3A_1747, %sign3A_1750 : i32
    %ne3A_1752 = arith.cmpi ne, %sign3A_1744, %sign3A_1751 : i32
    %rem3A_1753 = arith.remsi %add3A_1735, %jit3A_1736 : i32
    %ne3A_1754 = arith.constant 0 : i32
    %ne3A_1755 = arith.cmpi ne, %rem3A_1753, %ne3A_1754 : i32
    %and3A_1756 = arith.andi %ne3A_1752, %ne3A_1755 : i1
    %sub3A_1757 = arith.constant 1 : i32
    %sub3A_1758 = arith.subi %div3A_1737, %sub3A_1757 : i32
    %select_n3A_1759 = arith.select %and3A_1756, %sub3A_1758, %div3A_1737 : i32
    %jit3A_1760 = arith.constant 512 : i32
    %eq3A_1761 = arith.constant 0 : i32
    %eq3A_1762 = arith.cmpi eq, %jit3A_1760, %eq3A_1761 : i32
    %jit3A_1763 = arith.constant 1 : i32
    %select_n3A_1764 = arith.select %eq3A_1762, %jit3A_1763, %jit3A_1760 : i32
    %rem3A_1765 = arith.remsi %add3A_1735, %select_n3A_1764 : i32
    %ne3A_1766 = arith.constant 0 : i32
    %ne3A_1767 = arith.cmpi ne, %rem3A_1765, %ne3A_1766 : i32
    %lt3A_1768 = arith.constant 0 : i32
    %lt3A_1769 = arith.cmpi slt, %rem3A_1765, %lt3A_1768 : i32
    %lt3A_1770 = arith.constant 0 : i32
    %lt3A_1771 = arith.cmpi slt, %select_n3A_1764, %lt3A_1770 : i32
    %ne3A_1772 = arith.xori %lt3A_1769, %lt3A_1771 : i1
    %and3A_1773 = arith.andi %ne3A_1772, %ne3A_1767 : i1
    %add3A_1774 = arith.addi %rem3A_1765, %select_n3A_1764 : i32
    %select_n3A_1775 = arith.select %and3A_1773, %add3A_1774, %rem3A_1765 : i32
    %mul3A_1776 = arith.constant 32 : i32
    %mul3A_1777 = arith.muli %select_n3A_1775, %mul3A_1776 : i32
    %dma_wait3A_1778 = arith.constant 0 : i32
    %dma_wait3A_1779 = arith.constant 0 : i32
    %dma_wait3A_1780 = arith.constant 0 : i32
    %dma_wait3A_1781 = tpu.memref_slice %arg6[%dma_wait3A_1778, %dma_wait3A_1779, %dma_wait3A_1780] : memref<8x32x128xf32, #tpu.memory_space<vmem>> -> memref<1x32x128xf32, #tpu.memory_space<vmem>>
    %dma_wait3A_1782 = tpu.memref_squeeze %dma_wait3A_1781 : memref<1x32x128xf32, #tpu.memory_space<vmem>> -> memref<32x128xf32, #tpu.memory_space<vmem>>
    %dma_wait3A_1783 = arith.constant 0 : i32
    %dma_wait3A_1784 = tpu.memref_slice %arg4[%select_n3A_1759, %mul3A_1777, %dma_wait3A_1783] : memref<26x16384x128xf32, #tpu.memory_space<hbm>> -> memref<1x32x128xf32, #tpu.memory_space<hbm>>
    %dma_wait3A_1785 = tpu.memref_squeeze %dma_wait3A_1784 : memref<1x32x128xf32, #tpu.memory_space<hbm>> -> memref<32x128xf32, #tpu.memory_space<hbm>>
    %dma_wait3A_1786 = arith.constant 0 : i32
    %dma_wait3A_1787 = tpu.memref_slice %arg4[%select_n3A_1759, %mul3A_1777, %dma_wait3A_1786] : memref<26x16384x128xf32, #tpu.memory_space<hbm>> -> memref<1x32x128xf32, #tpu.memory_space<hbm>>
    %dma_wait3A_1788 = tpu.memref_squeeze %dma_wait3A_1787 : memref<1x32x128xf32, #tpu.memory_space<hbm>> -> memref<32x128xf32, #tpu.memory_space<hbm>>
    %dma_wait3A_1789 = arith.constant 0 : i32
    %dma_wait3A_1790 = arith.constant 0 : i32
    %dma_wait3A_1791 = tpu.memref_slice %arg6[%dma_wait3A_1778, %dma_wait3A_1789, %dma_wait3A_1790] : memref<8x32x128xf32, #tpu.memory_space<vmem>> -> memref<1x32x128xf32, #tpu.memory_space<vmem>>
    %dma_wait3A_1792 = tpu.memref_squeeze %dma_wait3A_1791 : memref<1x32x128xf32, #tpu.memory_space<vmem>> -> memref<32x128xf32, #tpu.memory_space<vmem>>
    tpu.wait_dma2 semaphore(%arg15 : memref<!tpu.dma_semaphore, #tpu.memory_space<semaphore_mem>>) src(%dma_wait3A_1792 : memref<32x128xf32, #tpu.memory_space<vmem>>) dst(%dma_wait3A_1788 : memref<32x128xf32, #tpu.memory_space<hbm>>)
    %add3A_1793 = arith.constant 0 : i32
    %add3A_1794 = arith.addi %mul3A_2, %add3A_1793 : i32
    %jit3A_1795 = arith.constant 512 : i32
    %div3A_1796 = arith.divsi %add3A_1794, %jit3A_1795 : i32
    %sign3A_1797 = arith.constant 0 : i32
    %sign3A_1798 = arith.cmpi sgt, %add3A_1794, %sign3A_1797 : i32
    %sign3A_1799 = arith.extui %sign3A_1798 : i1 to i32
    %sign3A_1800 = arith.constant 0 : i32
    %sign3A_1801 = arith.cmpi slt, %add3A_1794, %sign3A_1800 : i32
    %sign3A_1802 = arith.extui %sign3A_1801 : i1 to i32
    %sign3A_1803 = arith.subi %sign3A_1799, %sign3A_1802 : i32
    %sign3A_1804 = arith.constant 0 : i32
    %sign3A_1805 = arith.cmpi sgt, %jit3A_1795, %sign3A_1804 : i32
    %sign3A_1806 = arith.extui %sign3A_1805 : i1 to i32
    %sign3A_1807 = arith.constant 0 : i32
    %sign3A_1808 = arith.cmpi slt, %jit3A_1795, %sign3A_1807 : i32
    %sign3A_1809 = arith.extui %sign3A_1808 : i1 to i32
    %sign3A_1810 = arith.subi %sign3A_1806, %sign3A_1809 : i32
    %ne3A_1811 = arith.cmpi ne, %sign3A_1803, %sign3A_1810 : i32
    %rem3A_1812 = arith.remsi %add3A_1794, %jit3A_1795 : i32
    %ne3A_1813 = arith.constant 0 : i32
    %ne3A_1814 = arith.cmpi ne, %rem3A_1812, %ne3A_1813 : i32
    %and3A_1815 = arith.andi %ne3A_1811, %ne3A_1814 : i1
    %sub3A_1816 = arith.constant 1 : i32
    %sub3A_1817 = arith.subi %div3A_1796, %sub3A_1816 : i32
    %select_n3A_1818 = arith.select %and3A_1815, %sub3A_1817, %div3A_1796 : i32
    %jit3A_1819 = arith.constant 512 : i32
    %eq3A_1820 = arith.constant 0 : i32
    %eq3A_1821 = arith.cmpi eq, %jit3A_1819, %eq3A_1820 : i32
    %jit3A_1822 = arith.constant 1 : i32
    %select_n3A_1823 = arith.select %eq3A_1821, %jit3A_1822, %jit3A_1819 : i32
    %rem3A_1824 = arith.remsi %add3A_1794, %select_n3A_1823 : i32
    %ne3A_1825 = arith.constant 0 : i32
    %ne3A_1826 = arith.cmpi ne, %rem3A_1824, %ne3A_1825 : i32
    %lt3A_1827 = arith.constant 0 : i32
    %lt3A_1828 = arith.cmpi slt, %rem3A_1824, %lt3A_1827 : i32
    %lt3A_1829 = arith.constant 0 : i32
    %lt3A_1830 = arith.cmpi slt, %select_n3A_1823, %lt3A_1829 : i32
    %ne3A_1831 = arith.xori %lt3A_1828, %lt3A_1830 : i1
    %and3A_1832 = arith.andi %ne3A_1831, %ne3A_1826 : i1
    %add3A_1833 = arith.addi %rem3A_1824, %select_n3A_1823 : i32
    %select_n3A_1834 = arith.select %and3A_1832, %add3A_1833, %rem3A_1824 : i32
    %mul3A_1835 = arith.constant 32 : i32
    %mul3A_1836 = arith.muli %select_n3A_1834, %mul3A_1835 : i32
    %dma_wait3A_1837 = arith.constant 1 : i32
    %dma_wait3A_1838 = arith.constant 0 : i32
    %dma_wait3A_1839 = arith.constant 0 : i32
    %dma_wait3A_1840 = tpu.memref_slice %arg6[%dma_wait3A_1837, %dma_wait3A_1838, %dma_wait3A_1839] : memref<8x32x128xf32, #tpu.memory_space<vmem>> -> memref<1x32x128xf32, #tpu.memory_space<vmem>>
    %dma_wait3A_1841 = tpu.memref_squeeze %dma_wait3A_1840 : memref<1x32x128xf32, #tpu.memory_space<vmem>> -> memref<32x128xf32, #tpu.memory_space<vmem>>
    %dma_wait3A_1842 = arith.constant 0 : i32
    %dma_wait3A_1843 = tpu.memref_slice %arg4[%select_n3A_1818, %mul3A_1836, %dma_wait3A_1842] : memref<26x16384x128xf32, #tpu.memory_space<hbm>> -> memref<1x32x128xf32, #tpu.memory_space<hbm>>
    %dma_wait3A_1844 = tpu.memref_squeeze %dma_wait3A_1843 : memref<1x32x128xf32, #tpu.memory_space<hbm>> -> memref<32x128xf32, #tpu.memory_space<hbm>>
    %dma_wait3A_1845 = arith.constant 0 : i32
    %dma_wait3A_1846 = tpu.memref_slice %arg4[%select_n3A_1818, %mul3A_1836, %dma_wait3A_1845] : memref<26x16384x128xf32, #tpu.memory_space<hbm>> -> memref<1x32x128xf32, #tpu.memory_space<hbm>>
    %dma_wait3A_1847 = tpu.memref_squeeze %dma_wait3A_1846 : memref<1x32x128xf32, #tpu.memory_space<hbm>> -> memref<32x128xf32, #tpu.memory_space<hbm>>
    %dma_wait3A_1848 = arith.constant 0 : i32
    %dma_wait3A_1849 = arith.constant 0 : i32
    %dma_wait3A_1850 = tpu.memref_slice %arg6[%dma_wait3A_1837, %dma_wait3A_1848, %dma_wait3A_1849] : memref<8x32x128xf32, #tpu.memory_space<vmem>> -> memref<1x32x128xf32, #tpu.memory_space<vmem>>
    %dma_wait3A_1851 = tpu.memref_squeeze %dma_wait3A_1850 : memref<1x32x128xf32, #tpu.memory_space<vmem>> -> memref<32x128xf32, #tpu.memory_space<vmem>>
    tpu.wait_dma2 semaphore(%arg16 : memref<!tpu.dma_semaphore, #tpu.memory_space<semaphore_mem>>) src(%dma_wait3A_1851 : memref<32x128xf32, #tpu.memory_space<vmem>>) dst(%dma_wait3A_1847 : memref<32x128xf32, #tpu.memory_space<hbm>>)
    %add3A_1852 = arith.constant 0 : i32
    %add3A_1853 = arith.addi %mul3A_2, %add3A_1852 : i32
    %jit3A_1854 = arith.constant 512 : i32
    %div3A_1855 = arith.divsi %add3A_1853, %jit3A_1854 : i32
    %sign3A_1856 = arith.constant 0 : i32
    %sign3A_1857 = arith.cmpi sgt, %add3A_1853, %sign3A_1856 : i32
    %sign3A_1858 = arith.extui %sign3A_1857 : i1 to i32
    %sign3A_1859 = arith.constant 0 : i32
    %sign3A_1860 = arith.cmpi slt, %add3A_1853, %sign3A_1859 : i32
    %sign3A_1861 = arith.extui %sign3A_1860 : i1 to i32
    %sign3A_1862 = arith.subi %sign3A_1858, %sign3A_1861 : i32
    %sign3A_1863 = arith.constant 0 : i32
    %sign3A_1864 = arith.cmpi sgt, %jit3A_1854, %sign3A_1863 : i32
    %sign3A_1865 = arith.extui %sign3A_1864 : i1 to i32
    %sign3A_1866 = arith.constant 0 : i32
    %sign3A_1867 = arith.cmpi slt, %jit3A_1854, %sign3A_1866 : i32
    %sign3A_1868 = arith.extui %sign3A_1867 : i1 to i32
    %sign3A_1869 = arith.subi %sign3A_1865, %sign3A_1868 : i32
    %ne3A_1870 = arith.cmpi ne, %sign3A_1862, %sign3A_1869 : i32
    %rem3A_1871 = arith.remsi %add3A_1853, %jit3A_1854 : i32
    %ne3A_1872 = arith.constant 0 : i32
    %ne3A_1873 = arith.cmpi ne, %rem3A_1871, %ne3A_1872 : i32
    %and3A_1874 = arith.andi %ne3A_1870, %ne3A_1873 : i1
    %sub3A_1875 = arith.constant 1 : i32
    %sub3A_1876 = arith.subi %div3A_1855, %sub3A_1875 : i32
    %select_n3A_1877 = arith.select %and3A_1874, %sub3A_1876, %div3A_1855 : i32
    %jit3A_1878 = arith.constant 512 : i32
    %eq3A_1879 = arith.constant 0 : i32
    %eq3A_1880 = arith.cmpi eq, %jit3A_1878, %eq3A_1879 : i32
    %jit3A_1881 = arith.constant 1 : i32
    %select_n3A_1882 = arith.select %eq3A_1880, %jit3A_1881, %jit3A_1878 : i32
    %rem3A_1883 = arith.remsi %add3A_1853, %select_n3A_1882 : i32
    %ne3A_1884 = arith.constant 0 : i32
    %ne3A_1885 = arith.cmpi ne, %rem3A_1883, %ne3A_1884 : i32
    %lt3A_1886 = arith.constant 0 : i32
    %lt3A_1887 = arith.cmpi slt, %rem3A_1883, %lt3A_1886 : i32
    %lt3A_1888 = arith.constant 0 : i32
    %lt3A_1889 = arith.cmpi slt, %select_n3A_1882, %lt3A_1888 : i32
    %ne3A_1890 = arith.xori %lt3A_1887, %lt3A_1889 : i1
    %and3A_1891 = arith.andi %ne3A_1890, %ne3A_1885 : i1
    %add3A_1892 = arith.addi %rem3A_1883, %select_n3A_1882 : i32
    %select_n3A_1893 = arith.select %and3A_1891, %add3A_1892, %rem3A_1883 : i32
    %mul3A_1894 = arith.constant 32 : i32
    %mul3A_1895 = arith.muli %select_n3A_1893, %mul3A_1894 : i32
    %dma_wait3A_1896 = arith.constant 2 : i32
    %dma_wait3A_1897 = arith.constant 0 : i32
    %dma_wait3A_1898 = arith.constant 0 : i32
    %dma_wait3A_1899 = tpu.memref_slice %arg6[%dma_wait3A_1896, %dma_wait3A_1897, %dma_wait3A_1898] : memref<8x32x128xf32, #tpu.memory_space<vmem>> -> memref<1x32x128xf32, #tpu.memory_space<vmem>>
    %dma_wait3A_1900 = tpu.memref_squeeze %dma_wait3A_1899 : memref<1x32x128xf32, #tpu.memory_space<vmem>> -> memref<32x128xf32, #tpu.memory_space<vmem>>
    %dma_wait3A_1901 = arith.constant 0 : i32
    %dma_wait3A_1902 = tpu.memref_slice %arg4[%select_n3A_1877, %mul3A_1895, %dma_wait3A_1901] : memref<26x16384x128xf32, #tpu.memory_space<hbm>> -> memref<1x32x128xf32, #tpu.memory_space<hbm>>
    %dma_wait3A_1903 = tpu.memref_squeeze %dma_wait3A_1902 : memref<1x32x128xf32, #tpu.memory_space<hbm>> -> memref<32x128xf32, #tpu.memory_space<hbm>>
    %dma_wait3A_1904 = arith.constant 0 : i32
    %dma_wait3A_1905 = tpu.memref_slice %arg4[%select_n3A_1877, %mul3A_1895, %dma_wait3A_1904] : memref<26x16384x128xf32, #tpu.memory_space<hbm>> -> memref<1x32x128xf32, #tpu.memory_space<hbm>>
    %dma_wait3A_1906 = tpu.memref_squeeze %dma_wait3A_1905 : memref<1x32x128xf32, #tpu.memory_space<hbm>> -> memref<32x128xf32, #tpu.memory_space<hbm>>
    %dma_wait3A_1907 = arith.constant 0 : i32
    %dma_wait3A_1908 = arith.constant 0 : i32
    %dma_wait3A_1909 = tpu.memref_slice %arg6[%dma_wait3A_1896, %dma_wait3A_1907, %dma_wait3A_1908] : memref<8x32x128xf32, #tpu.memory_space<vmem>> -> memref<1x32x128xf32, #tpu.memory_space<vmem>>
    %dma_wait3A_1910 = tpu.memref_squeeze %dma_wait3A_1909 : memref<1x32x128xf32, #tpu.memory_space<vmem>> -> memref<32x128xf32, #tpu.memory_space<vmem>>
    tpu.wait_dma2 semaphore(%arg17 : memref<!tpu.dma_semaphore, #tpu.memory_space<semaphore_mem>>) src(%dma_wait3A_1910 : memref<32x128xf32, #tpu.memory_space<vmem>>) dst(%dma_wait3A_1906 : memref<32x128xf32, #tpu.memory_space<hbm>>)
    %add3A_1911 = arith.constant 0 : i32
    %add3A_1912 = arith.addi %mul3A_2, %add3A_1911 : i32
    %jit3A_1913 = arith.constant 512 : i32
    %div3A_1914 = arith.divsi %add3A_1912, %jit3A_1913 : i32
    %sign3A_1915 = arith.constant 0 : i32
    %sign3A_1916 = arith.cmpi sgt, %add3A_1912, %sign3A_1915 : i32
    %sign3A_1917 = arith.extui %sign3A_1916 : i1 to i32
    %sign3A_1918 = arith.constant 0 : i32
    %sign3A_1919 = arith.cmpi slt, %add3A_1912, %sign3A_1918 : i32
    %sign3A_1920 = arith.extui %sign3A_1919 : i1 to i32
    %sign3A_1921 = arith.subi %sign3A_1917, %sign3A_1920 : i32
    %sign3A_1922 = arith.constant 0 : i32
    %sign3A_1923 = arith.cmpi sgt, %jit3A_1913, %sign3A_1922 : i32
    %sign3A_1924 = arith.extui %sign3A_1923 : i1 to i32
    %sign3A_1925 = arith.constant 0 : i32
    %sign3A_1926 = arith.cmpi slt, %jit3A_1913, %sign3A_1925 : i32
    %sign3A_1927 = arith.extui %sign3A_1926 : i1 to i32
    %sign3A_1928 = arith.subi %sign3A_1924, %sign3A_1927 : i32
    %ne3A_1929 = arith.cmpi ne, %sign3A_1921, %sign3A_1928 : i32
    %rem3A_1930 = arith.remsi %add3A_1912, %jit3A_1913 : i32
    %ne3A_1931 = arith.constant 0 : i32
    %ne3A_1932 = arith.cmpi ne, %rem3A_1930, %ne3A_1931 : i32
    %and3A_1933 = arith.andi %ne3A_1929, %ne3A_1932 : i1
    %sub3A_1934 = arith.constant 1 : i32
    %sub3A_1935 = arith.subi %div3A_1914, %sub3A_1934 : i32
    %select_n3A_1936 = arith.select %and3A_1933, %sub3A_1935, %div3A_1914 : i32
    %jit3A_1937 = arith.constant 512 : i32
    %eq3A_1938 = arith.constant 0 : i32
    %eq3A_1939 = arith.cmpi eq, %jit3A_1937, %eq3A_1938 : i32
    %jit3A_1940 = arith.constant 1 : i32
    %select_n3A_1941 = arith.select %eq3A_1939, %jit3A_1940, %jit3A_1937 : i32
    %rem3A_1942 = arith.remsi %add3A_1912, %select_n3A_1941 : i32
    %ne3A_1943 = arith.constant 0 : i32
    %ne3A_1944 = arith.cmpi ne, %rem3A_1942, %ne3A_1943 : i32
    %lt3A_1945 = arith.constant 0 : i32
    %lt3A_1946 = arith.cmpi slt, %rem3A_1942, %lt3A_1945 : i32
    %lt3A_1947 = arith.constant 0 : i32
    %lt3A_1948 = arith.cmpi slt, %select_n3A_1941, %lt3A_1947 : i32
    %ne3A_1949 = arith.xori %lt3A_1946, %lt3A_1948 : i1
    %and3A_1950 = arith.andi %ne3A_1949, %ne3A_1944 : i1
    %add3A_1951 = arith.addi %rem3A_1942, %select_n3A_1941 : i32
    %select_n3A_1952 = arith.select %and3A_1950, %add3A_1951, %rem3A_1942 : i32
    %mul3A_1953 = arith.constant 32 : i32
    %mul3A_1954 = arith.muli %select_n3A_1952, %mul3A_1953 : i32
    %dma_wait3A_1955 = arith.constant 3 : i32
    %dma_wait3A_1956 = arith.constant 0 : i32
    %dma_wait3A_1957 = arith.constant 0 : i32
    %dma_wait3A_1958 = tpu.memref_slice %arg6[%dma_wait3A_1955, %dma_wait3A_1956, %dma_wait3A_1957] : memref<8x32x128xf32, #tpu.memory_space<vmem>> -> memref<1x32x128xf32, #tpu.memory_space<vmem>>
    %dma_wait3A_1959 = tpu.memref_squeeze %dma_wait3A_1958 : memref<1x32x128xf32, #tpu.memory_space<vmem>> -> memref<32x128xf32, #tpu.memory_space<vmem>>
    %dma_wait3A_1960 = arith.constant 0 : i32
    %dma_wait3A_1961 = tpu.memref_slice %arg4[%select_n3A_1936, %mul3A_1954, %dma_wait3A_1960] : memref<26x16384x128xf32, #tpu.memory_space<hbm>> -> memref<1x32x128xf32, #tpu.memory_space<hbm>>
    %dma_wait3A_1962 = tpu.memref_squeeze %dma_wait3A_1961 : memref<1x32x128xf32, #tpu.memory_space<hbm>> -> memref<32x128xf32, #tpu.memory_space<hbm>>
    %dma_wait3A_1963 = arith.constant 0 : i32
    %dma_wait3A_1964 = tpu.memref_slice %arg4[%select_n3A_1936, %mul3A_1954, %dma_wait3A_1963] : memref<26x16384x128xf32, #tpu.memory_space<hbm>> -> memref<1x32x128xf32, #tpu.memory_space<hbm>>
    %dma_wait3A_1965 = tpu.memref_squeeze %dma_wait3A_1964 : memref<1x32x128xf32, #tpu.memory_space<hbm>> -> memref<32x128xf32, #tpu.memory_space<hbm>>
    %dma_wait3A_1966 = arith.constant 0 : i32
    %dma_wait3A_1967 = arith.constant 0 : i32
    %dma_wait3A_1968 = tpu.memref_slice %arg6[%dma_wait3A_1955, %dma_wait3A_1966, %dma_wait3A_1967] : memref<8x32x128xf32, #tpu.memory_space<vmem>> -> memref<1x32x128xf32, #tpu.memory_space<vmem>>
    %dma_wait3A_1969 = tpu.memref_squeeze %dma_wait3A_1968 : memref<1x32x128xf32, #tpu.memory_space<vmem>> -> memref<32x128xf32, #tpu.memory_space<vmem>>
    tpu.wait_dma2 semaphore(%arg18 : memref<!tpu.dma_semaphore, #tpu.memory_space<semaphore_mem>>) src(%dma_wait3A_1969 : memref<32x128xf32, #tpu.memory_space<vmem>>) dst(%dma_wait3A_1965 : memref<32x128xf32, #tpu.memory_space<hbm>>)
    %add3A_1970 = arith.constant 0 : i32
    %add3A_1971 = arith.addi %mul3A_2, %add3A_1970 : i32
    %jit3A_1972 = arith.constant 512 : i32
    %div3A_1973 = arith.divsi %add3A_1971, %jit3A_1972 : i32
    %sign3A_1974 = arith.constant 0 : i32
    %sign3A_1975 = arith.cmpi sgt, %add3A_1971, %sign3A_1974 : i32
    %sign3A_1976 = arith.extui %sign3A_1975 : i1 to i32
    %sign3A_1977 = arith.constant 0 : i32
    %sign3A_1978 = arith.cmpi slt, %add3A_1971, %sign3A_1977 : i32
    %sign3A_1979 = arith.extui %sign3A_1978 : i1 to i32
    %sign3A_1980 = arith.subi %sign3A_1976, %sign3A_1979 : i32
    %sign3A_1981 = arith.constant 0 : i32
    %sign3A_1982 = arith.cmpi sgt, %jit3A_1972, %sign3A_1981 : i32
    %sign3A_1983 = arith.extui %sign3A_1982 : i1 to i32
    %sign3A_1984 = arith.constant 0 : i32
    %sign3A_1985 = arith.cmpi slt, %jit3A_1972, %sign3A_1984 : i32
    %sign3A_1986 = arith.extui %sign3A_1985 : i1 to i32
    %sign3A_1987 = arith.subi %sign3A_1983, %sign3A_1986 : i32
    %ne3A_1988 = arith.cmpi ne, %sign3A_1980, %sign3A_1987 : i32
    %rem3A_1989 = arith.remsi %add3A_1971, %jit3A_1972 : i32
    %ne3A_1990 = arith.constant 0 : i32
    %ne3A_1991 = arith.cmpi ne, %rem3A_1989, %ne3A_1990 : i32
    %and3A_1992 = arith.andi %ne3A_1988, %ne3A_1991 : i1
    %sub3A_1993 = arith.constant 1 : i32
    %sub3A_1994 = arith.subi %div3A_1973, %sub3A_1993 : i32
    %select_n3A_1995 = arith.select %and3A_1992, %sub3A_1994, %div3A_1973 : i32
    %jit3A_1996 = arith.constant 512 : i32
    %eq3A_1997 = arith.constant 0 : i32
    %eq3A_1998 = arith.cmpi eq, %jit3A_1996, %eq3A_1997 : i32
    %jit3A_1999 = arith.constant 1 : i32
    %select_n3A_2000 = arith.select %eq3A_1998, %jit3A_1999, %jit3A_1996 : i32
    %rem3A_2001 = arith.remsi %add3A_1971, %select_n3A_2000 : i32
    %ne3A_2002 = arith.constant 0 : i32
    %ne3A_2003 = arith.cmpi ne, %rem3A_2001, %ne3A_2002 : i32
    %lt3A_2004 = arith.constant 0 : i32
    %lt3A_2005 = arith.cmpi slt, %rem3A_2001, %lt3A_2004 : i32
    %lt3A_2006 = arith.constant 0 : i32
    %lt3A_2007 = arith.cmpi slt, %select_n3A_2000, %lt3A_2006 : i32
    %ne3A_2008 = arith.xori %lt3A_2005, %lt3A_2007 : i1
    %and3A_2009 = arith.andi %ne3A_2008, %ne3A_2003 : i1
    %add3A_2010 = arith.addi %rem3A_2001, %select_n3A_2000 : i32
    %select_n3A_2011 = arith.select %and3A_2009, %add3A_2010, %rem3A_2001 : i32
    %mul3A_2012 = arith.constant 32 : i32
    %mul3A_2013 = arith.muli %select_n3A_2011, %mul3A_2012 : i32
    %dma_wait3A_2014 = arith.constant 4 : i32
    %dma_wait3A_2015 = arith.constant 0 : i32
    %dma_wait3A_2016 = arith.constant 0 : i32
    %dma_wait3A_2017 = tpu.memref_slice %arg6[%dma_wait3A_2014, %dma_wait3A_2015, %dma_wait3A_2016] : memref<8x32x128xf32, #tpu.memory_space<vmem>> -> memref<1x32x128xf32, #tpu.memory_space<vmem>>
    %dma_wait3A_2018 = tpu.memref_squeeze %dma_wait3A_2017 : memref<1x32x128xf32, #tpu.memory_space<vmem>> -> memref<32x128xf32, #tpu.memory_space<vmem>>
    %dma_wait3A_2019 = arith.constant 0 : i32
    %dma_wait3A_2020 = tpu.memref_slice %arg4[%select_n3A_1995, %mul3A_2013, %dma_wait3A_2019] : memref<26x16384x128xf32, #tpu.memory_space<hbm>> -> memref<1x32x128xf32, #tpu.memory_space<hbm>>
    %dma_wait3A_2021 = tpu.memref_squeeze %dma_wait3A_2020 : memref<1x32x128xf32, #tpu.memory_space<hbm>> -> memref<32x128xf32, #tpu.memory_space<hbm>>
    %dma_wait3A_2022 = arith.constant 0 : i32
    %dma_wait3A_2023 = tpu.memref_slice %arg4[%select_n3A_1995, %mul3A_2013, %dma_wait3A_2022] : memref<26x16384x128xf32, #tpu.memory_space<hbm>> -> memref<1x32x128xf32, #tpu.memory_space<hbm>>
    %dma_wait3A_2024 = tpu.memref_squeeze %dma_wait3A_2023 : memref<1x32x128xf32, #tpu.memory_space<hbm>> -> memref<32x128xf32, #tpu.memory_space<hbm>>
    %dma_wait3A_2025 = arith.constant 0 : i32
    %dma_wait3A_2026 = arith.constant 0 : i32
    %dma_wait3A_2027 = tpu.memref_slice %arg6[%dma_wait3A_2014, %dma_wait3A_2025, %dma_wait3A_2026] : memref<8x32x128xf32, #tpu.memory_space<vmem>> -> memref<1x32x128xf32, #tpu.memory_space<vmem>>
    %dma_wait3A_2028 = tpu.memref_squeeze %dma_wait3A_2027 : memref<1x32x128xf32, #tpu.memory_space<vmem>> -> memref<32x128xf32, #tpu.memory_space<vmem>>
    tpu.wait_dma2 semaphore(%arg19 : memref<!tpu.dma_semaphore, #tpu.memory_space<semaphore_mem>>) src(%dma_wait3A_2028 : memref<32x128xf32, #tpu.memory_space<vmem>>) dst(%dma_wait3A_2024 : memref<32x128xf32, #tpu.memory_space<hbm>>)
    %add3A_2029 = arith.constant 0 : i32
    %add3A_2030 = arith.addi %mul3A_2, %add3A_2029 : i32
    %jit3A_2031 = arith.constant 512 : i32
    %div3A_2032 = arith.divsi %add3A_2030, %jit3A_2031 : i32
    %sign3A_2033 = arith.constant 0 : i32
    %sign3A_2034 = arith.cmpi sgt, %add3A_2030, %sign3A_2033 : i32
    %sign3A_2035 = arith.extui %sign3A_2034 : i1 to i32
    %sign3A_2036 = arith.constant 0 : i32
    %sign3A_2037 = arith.cmpi slt, %add3A_2030, %sign3A_2036 : i32
    %sign3A_2038 = arith.extui %sign3A_2037 : i1 to i32
    %sign3A_2039 = arith.subi %sign3A_2035, %sign3A_2038 : i32
    %sign3A_2040 = arith.constant 0 : i32
    %sign3A_2041 = arith.cmpi sgt, %jit3A_2031, %sign3A_2040 : i32
    %sign3A_2042 = arith.extui %sign3A_2041 : i1 to i32
    %sign3A_2043 = arith.constant 0 : i32
    %sign3A_2044 = arith.cmpi slt, %jit3A_2031, %sign3A_2043 : i32
    %sign3A_2045 = arith.extui %sign3A_2044 : i1 to i32
    %sign3A_2046 = arith.subi %sign3A_2042, %sign3A_2045 : i32
    %ne3A_2047 = arith.cmpi ne, %sign3A_2039, %sign3A_2046 : i32
    %rem3A_2048 = arith.remsi %add3A_2030, %jit3A_2031 : i32
    %ne3A_2049 = arith.constant 0 : i32
    %ne3A_2050 = arith.cmpi ne, %rem3A_2048, %ne3A_2049 : i32
    %and3A_2051 = arith.andi %ne3A_2047, %ne3A_2050 : i1
    %sub3A_2052 = arith.constant 1 : i32
    %sub3A_2053 = arith.subi %div3A_2032, %sub3A_2052 : i32
    %select_n3A_2054 = arith.select %and3A_2051, %sub3A_2053, %div3A_2032 : i32
    %jit3A_2055 = arith.constant 512 : i32
    %eq3A_2056 = arith.constant 0 : i32
    %eq3A_2057 = arith.cmpi eq, %jit3A_2055, %eq3A_2056 : i32
    %jit3A_2058 = arith.constant 1 : i32
    %select_n3A_2059 = arith.select %eq3A_2057, %jit3A_2058, %jit3A_2055 : i32
    %rem3A_2060 = arith.remsi %add3A_2030, %select_n3A_2059 : i32
    %ne3A_2061 = arith.constant 0 : i32
    %ne3A_2062 = arith.cmpi ne, %rem3A_2060, %ne3A_2061 : i32
    %lt3A_2063 = arith.constant 0 : i32
    %lt3A_2064 = arith.cmpi slt, %rem3A_2060, %lt3A_2063 : i32
    %lt3A_2065 = arith.constant 0 : i32
    %lt3A_2066 = arith.cmpi slt, %select_n3A_2059, %lt3A_2065 : i32
    %ne3A_2067 = arith.xori %lt3A_2064, %lt3A_2066 : i1
    %and3A_2068 = arith.andi %ne3A_2067, %ne3A_2062 : i1
    %add3A_2069 = arith.addi %rem3A_2060, %select_n3A_2059 : i32
    %select_n3A_2070 = arith.select %and3A_2068, %add3A_2069, %rem3A_2060 : i32
    %mul3A_2071 = arith.constant 32 : i32
    %mul3A_2072 = arith.muli %select_n3A_2070, %mul3A_2071 : i32
    %dma_wait3A_2073 = arith.constant 5 : i32
    %dma_wait3A_2074 = arith.constant 0 : i32
    %dma_wait3A_2075 = arith.constant 0 : i32
    %dma_wait3A_2076 = tpu.memref_slice %arg6[%dma_wait3A_2073, %dma_wait3A_2074, %dma_wait3A_2075] : memref<8x32x128xf32, #tpu.memory_space<vmem>> -> memref<1x32x128xf32, #tpu.memory_space<vmem>>
    %dma_wait3A_2077 = tpu.memref_squeeze %dma_wait3A_2076 : memref<1x32x128xf32, #tpu.memory_space<vmem>> -> memref<32x128xf32, #tpu.memory_space<vmem>>
    %dma_wait3A_2078 = arith.constant 0 : i32
    %dma_wait3A_2079 = tpu.memref_slice %arg4[%select_n3A_2054, %mul3A_2072, %dma_wait3A_2078] : memref<26x16384x128xf32, #tpu.memory_space<hbm>> -> memref<1x32x128xf32, #tpu.memory_space<hbm>>
    %dma_wait3A_2080 = tpu.memref_squeeze %dma_wait3A_2079 : memref<1x32x128xf32, #tpu.memory_space<hbm>> -> memref<32x128xf32, #tpu.memory_space<hbm>>
    %dma_wait3A_2081 = arith.constant 0 : i32
    %dma_wait3A_2082 = tpu.memref_slice %arg4[%select_n3A_2054, %mul3A_2072, %dma_wait3A_2081] : memref<26x16384x128xf32, #tpu.memory_space<hbm>> -> memref<1x32x128xf32, #tpu.memory_space<hbm>>
    %dma_wait3A_2083 = tpu.memref_squeeze %dma_wait3A_2082 : memref<1x32x128xf32, #tpu.memory_space<hbm>> -> memref<32x128xf32, #tpu.memory_space<hbm>>
    %dma_wait3A_2084 = arith.constant 0 : i32
    %dma_wait3A_2085 = arith.constant 0 : i32
    %dma_wait3A_2086 = tpu.memref_slice %arg6[%dma_wait3A_2073, %dma_wait3A_2084, %dma_wait3A_2085] : memref<8x32x128xf32, #tpu.memory_space<vmem>> -> memref<1x32x128xf32, #tpu.memory_space<vmem>>
    %dma_wait3A_2087 = tpu.memref_squeeze %dma_wait3A_2086 : memref<1x32x128xf32, #tpu.memory_space<vmem>> -> memref<32x128xf32, #tpu.memory_space<vmem>>
    tpu.wait_dma2 semaphore(%arg20 : memref<!tpu.dma_semaphore, #tpu.memory_space<semaphore_mem>>) src(%dma_wait3A_2087 : memref<32x128xf32, #tpu.memory_space<vmem>>) dst(%dma_wait3A_2083 : memref<32x128xf32, #tpu.memory_space<hbm>>)
    %add3A_2088 = arith.constant 0 : i32
    %add3A_2089 = arith.addi %mul3A_2, %add3A_2088 : i32
    %jit3A_2090 = arith.constant 512 : i32
    %div3A_2091 = arith.divsi %add3A_2089, %jit3A_2090 : i32
    %sign3A_2092 = arith.constant 0 : i32
    %sign3A_2093 = arith.cmpi sgt, %add3A_2089, %sign3A_2092 : i32
    %sign3A_2094 = arith.extui %sign3A_2093 : i1 to i32
    %sign3A_2095 = arith.constant 0 : i32
    %sign3A_2096 = arith.cmpi slt, %add3A_2089, %sign3A_2095 : i32
    %sign3A_2097 = arith.extui %sign3A_2096 : i1 to i32
    %sign3A_2098 = arith.subi %sign3A_2094, %sign3A_2097 : i32
    %sign3A_2099 = arith.constant 0 : i32
    %sign3A_2100 = arith.cmpi sgt, %jit3A_2090, %sign3A_2099 : i32
    %sign3A_2101 = arith.extui %sign3A_2100 : i1 to i32
    %sign3A_2102 = arith.constant 0 : i32
    %sign3A_2103 = arith.cmpi slt, %jit3A_2090, %sign3A_2102 : i32
    %sign3A_2104 = arith.extui %sign3A_2103 : i1 to i32
    %sign3A_2105 = arith.subi %sign3A_2101, %sign3A_2104 : i32
    %ne3A_2106 = arith.cmpi ne, %sign3A_2098, %sign3A_2105 : i32
    %rem3A_2107 = arith.remsi %add3A_2089, %jit3A_2090 : i32
    %ne3A_2108 = arith.constant 0 : i32
    %ne3A_2109 = arith.cmpi ne, %rem3A_2107, %ne3A_2108 : i32
    %and3A_2110 = arith.andi %ne3A_2106, %ne3A_2109 : i1
    %sub3A_2111 = arith.constant 1 : i32
    %sub3A_2112 = arith.subi %div3A_2091, %sub3A_2111 : i32
    %select_n3A_2113 = arith.select %and3A_2110, %sub3A_2112, %div3A_2091 : i32
    %jit3A_2114 = arith.constant 512 : i32
    %eq3A_2115 = arith.constant 0 : i32
    %eq3A_2116 = arith.cmpi eq, %jit3A_2114, %eq3A_2115 : i32
    %jit3A_2117 = arith.constant 1 : i32
    %select_n3A_2118 = arith.select %eq3A_2116, %jit3A_2117, %jit3A_2114 : i32
    %rem3A_2119 = arith.remsi %add3A_2089, %select_n3A_2118 : i32
    %ne3A_2120 = arith.constant 0 : i32
    %ne3A_2121 = arith.cmpi ne, %rem3A_2119, %ne3A_2120 : i32
    %lt3A_2122 = arith.constant 0 : i32
    %lt3A_2123 = arith.cmpi slt, %rem3A_2119, %lt3A_2122 : i32
    %lt3A_2124 = arith.constant 0 : i32
    %lt3A_2125 = arith.cmpi slt, %select_n3A_2118, %lt3A_2124 : i32
    %ne3A_2126 = arith.xori %lt3A_2123, %lt3A_2125 : i1
    %and3A_2127 = arith.andi %ne3A_2126, %ne3A_2121 : i1
    %add3A_2128 = arith.addi %rem3A_2119, %select_n3A_2118 : i32
    %select_n3A_2129 = arith.select %and3A_2127, %add3A_2128, %rem3A_2119 : i32
    %mul3A_2130 = arith.constant 32 : i32
    %mul3A_2131 = arith.muli %select_n3A_2129, %mul3A_2130 : i32
    %dma_wait3A_2132 = arith.constant 6 : i32
    %dma_wait3A_2133 = arith.constant 0 : i32
    %dma_wait3A_2134 = arith.constant 0 : i32
    %dma_wait3A_2135 = tpu.memref_slice %arg6[%dma_wait3A_2132, %dma_wait3A_2133, %dma_wait3A_2134] : memref<8x32x128xf32, #tpu.memory_space<vmem>> -> memref<1x32x128xf32, #tpu.memory_space<vmem>>
    %dma_wait3A_2136 = tpu.memref_squeeze %dma_wait3A_2135 : memref<1x32x128xf32, #tpu.memory_space<vmem>> -> memref<32x128xf32, #tpu.memory_space<vmem>>
    %dma_wait3A_2137 = arith.constant 0 : i32
    %dma_wait3A_2138 = tpu.memref_slice %arg4[%select_n3A_2113, %mul3A_2131, %dma_wait3A_2137] : memref<26x16384x128xf32, #tpu.memory_space<hbm>> -> memref<1x32x128xf32, #tpu.memory_space<hbm>>
    %dma_wait3A_2139 = tpu.memref_squeeze %dma_wait3A_2138 : memref<1x32x128xf32, #tpu.memory_space<hbm>> -> memref<32x128xf32, #tpu.memory_space<hbm>>
    %dma_wait3A_2140 = arith.constant 0 : i32
    %dma_wait3A_2141 = tpu.memref_slice %arg4[%select_n3A_2113, %mul3A_2131, %dma_wait3A_2140] : memref<26x16384x128xf32, #tpu.memory_space<hbm>> -> memref<1x32x128xf32, #tpu.memory_space<hbm>>
    %dma_wait3A_2142 = tpu.memref_squeeze %dma_wait3A_2141 : memref<1x32x128xf32, #tpu.memory_space<hbm>> -> memref<32x128xf32, #tpu.memory_space<hbm>>
    %dma_wait3A_2143 = arith.constant 0 : i32
    %dma_wait3A_2144 = arith.constant 0 : i32
    %dma_wait3A_2145 = tpu.memref_slice %arg6[%dma_wait3A_2132, %dma_wait3A_2143, %dma_wait3A_2144] : memref<8x32x128xf32, #tpu.memory_space<vmem>> -> memref<1x32x128xf32, #tpu.memory_space<vmem>>
    %dma_wait3A_2146 = tpu.memref_squeeze %dma_wait3A_2145 : memref<1x32x128xf32, #tpu.memory_space<vmem>> -> memref<32x128xf32, #tpu.memory_space<vmem>>
    tpu.wait_dma2 semaphore(%arg21 : memref<!tpu.dma_semaphore, #tpu.memory_space<semaphore_mem>>) src(%dma_wait3A_2146 : memref<32x128xf32, #tpu.memory_space<vmem>>) dst(%dma_wait3A_2142 : memref<32x128xf32, #tpu.memory_space<hbm>>)
    %add3A_2147 = arith.constant 0 : i32
    %add3A_2148 = arith.addi %mul3A_2, %add3A_2147 : i32
    %jit3A_2149 = arith.constant 512 : i32
    %div3A_2150 = arith.divsi %add3A_2148, %jit3A_2149 : i32
    %sign3A_2151 = arith.constant 0 : i32
    %sign3A_2152 = arith.cmpi sgt, %add3A_2148, %sign3A_2151 : i32
    %sign3A_2153 = arith.extui %sign3A_2152 : i1 to i32
    %sign3A_2154 = arith.constant 0 : i32
    %sign3A_2155 = arith.cmpi slt, %add3A_2148, %sign3A_2154 : i32
    %sign3A_2156 = arith.extui %sign3A_2155 : i1 to i32
    %sign3A_2157 = arith.subi %sign3A_2153, %sign3A_2156 : i32
    %sign3A_2158 = arith.constant 0 : i32
    %sign3A_2159 = arith.cmpi sgt, %jit3A_2149, %sign3A_2158 : i32
    %sign3A_2160 = arith.extui %sign3A_2159 : i1 to i32
    %sign3A_2161 = arith.constant 0 : i32
    %sign3A_2162 = arith.cmpi slt, %jit3A_2149, %sign3A_2161 : i32
    %sign3A_2163 = arith.extui %sign3A_2162 : i1 to i32
    %sign3A_2164 = arith.subi %sign3A_2160, %sign3A_2163 : i32
    %ne3A_2165 = arith.cmpi ne, %sign3A_2157, %sign3A_2164 : i32
    %rem3A_2166 = arith.remsi %add3A_2148, %jit3A_2149 : i32
    %ne3A_2167 = arith.constant 0 : i32
    %ne3A_2168 = arith.cmpi ne, %rem3A_2166, %ne3A_2167 : i32
    %and3A_2169 = arith.andi %ne3A_2165, %ne3A_2168 : i1
    %sub3A_2170 = arith.constant 1 : i32
    %sub3A_2171 = arith.subi %div3A_2150, %sub3A_2170 : i32
    %select_n3A_2172 = arith.select %and3A_2169, %sub3A_2171, %div3A_2150 : i32
    %jit3A_2173 = arith.constant 512 : i32
    %eq3A_2174 = arith.constant 0 : i32
    %eq3A_2175 = arith.cmpi eq, %jit3A_2173, %eq3A_2174 : i32
    %jit3A_2176 = arith.constant 1 : i32
    %select_n3A_2177 = arith.select %eq3A_2175, %jit3A_2176, %jit3A_2173 : i32
    %rem3A_2178 = arith.remsi %add3A_2148, %select_n3A_2177 : i32
    %ne3A_2179 = arith.constant 0 : i32
    %ne3A_2180 = arith.cmpi ne, %rem3A_2178, %ne3A_2179 : i32
    %lt3A_2181 = arith.constant 0 : i32
    %lt3A_2182 = arith.cmpi slt, %rem3A_2178, %lt3A_2181 : i32
    %lt3A_2183 = arith.constant 0 : i32
    %lt3A_2184 = arith.cmpi slt, %select_n3A_2177, %lt3A_2183 : i32
    %ne3A_2185 = arith.xori %lt3A_2182, %lt3A_2184 : i1
    %and3A_2186 = arith.andi %ne3A_2185, %ne3A_2180 : i1
    %add3A_2187 = arith.addi %rem3A_2178, %select_n3A_2177 : i32
    %select_n3A_2188 = arith.select %and3A_2186, %add3A_2187, %rem3A_2178 : i32
    %mul3A_2189 = arith.constant 32 : i32
    %mul3A_2190 = arith.muli %select_n3A_2188, %mul3A_2189 : i32
    %dma_wait3A_2191 = arith.constant 7 : i32
    %dma_wait3A_2192 = arith.constant 0 : i32
    %dma_wait3A_2193 = arith.constant 0 : i32
    %dma_wait3A_2194 = tpu.memref_slice %arg6[%dma_wait3A_2191, %dma_wait3A_2192, %dma_wait3A_2193] : memref<8x32x128xf32, #tpu.memory_space<vmem>> -> memref<1x32x128xf32, #tpu.memory_space<vmem>>
    %dma_wait3A_2195 = tpu.memref_squeeze %dma_wait3A_2194 : memref<1x32x128xf32, #tpu.memory_space<vmem>> -> memref<32x128xf32, #tpu.memory_space<vmem>>
    %dma_wait3A_2196 = arith.constant 0 : i32
    %dma_wait3A_2197 = tpu.memref_slice %arg4[%select_n3A_2172, %mul3A_2190, %dma_wait3A_2196] : memref<26x16384x128xf32, #tpu.memory_space<hbm>> -> memref<1x32x128xf32, #tpu.memory_space<hbm>>
    %dma_wait3A_2198 = tpu.memref_squeeze %dma_wait3A_2197 : memref<1x32x128xf32, #tpu.memory_space<hbm>> -> memref<32x128xf32, #tpu.memory_space<hbm>>
    %dma_wait3A_2199 = arith.constant 0 : i32
    %dma_wait3A_2200 = tpu.memref_slice %arg4[%select_n3A_2172, %mul3A_2190, %dma_wait3A_2199] : memref<26x16384x128xf32, #tpu.memory_space<hbm>> -> memref<1x32x128xf32, #tpu.memory_space<hbm>>
    %dma_wait3A_2201 = tpu.memref_squeeze %dma_wait3A_2200 : memref<1x32x128xf32, #tpu.memory_space<hbm>> -> memref<32x128xf32, #tpu.memory_space<hbm>>
    %dma_wait3A_2202 = arith.constant 0 : i32
    %dma_wait3A_2203 = arith.constant 0 : i32
    %dma_wait3A_2204 = tpu.memref_slice %arg6[%dma_wait3A_2191, %dma_wait3A_2202, %dma_wait3A_2203] : memref<8x32x128xf32, #tpu.memory_space<vmem>> -> memref<1x32x128xf32, #tpu.memory_space<vmem>>
    %dma_wait3A_2205 = tpu.memref_squeeze %dma_wait3A_2204 : memref<1x32x128xf32, #tpu.memory_space<vmem>> -> memref<32x128xf32, #tpu.memory_space<vmem>>
    tpu.wait_dma2 semaphore(%arg22 : memref<!tpu.dma_semaphore, #tpu.memory_space<semaphore_mem>>) src(%dma_wait3A_2205 : memref<32x128xf32, #tpu.memory_space<vmem>>) dst(%dma_wait3A_2201 : memref<32x128xf32, #tpu.memory_space<hbm>>)
    return
  }
}

</mosaic_0001>

<sc_bundles>
// kernel: kernel.3.cloned.1.call-start
scs
__scs_entry_jumppad:
0x0: {  	(pc) =	sbr.rel $0x88, $3  }
0x1: {  	(tag) =	ssettag $0x0;
	lr =	simm.s32 $0x1  }
0x2: {  	[smem:$0x3F9F] =	sst lr;
	_ =	strace $0xD0000000  }
0x3: {  	_ = 	snop  }
0x4: {  	_ = 	snop  }
0x5: {  	_ = 	snop  }
0x6: {  	_ = 	snop  }
0x7: {  	_ = 	snop  }
__scs_overlays_trampoline_lowered:
0x8: {  	[smem:$0x3FAE] =	sst s0  }
0x9: {  	[smem:$0x3FAF] =	sst s1  }
0xa: {  	[smem:$0x3FB0] =	sst s2  }
0xb: {  	[smem:$0x3FB1] =	sst s3  }
0xc: {  	[smem:$0x3FB2] =	sst s4  }
0xd: {  	[smem:$0x3FB3] =	sst s5  }
0xe: {  	[smem:$0x3FB4] =	sst s6  }
0xf: {  	[smem:$0x3FB5] =	sst s7  }
0x10: {  	[smem:$0x3FB6] =	sst s8  }
0x11: {  	[smem:$0x3FB7] =	sst s9;
	s0 =	simm.s32 @!p0 $0x0  }
0x12: {  	s1 =	sld [smem:$0x3F9D];
	s0 =	simm.s32 @p0 $0x1  }
0x13: {  	[smem:$0x3FB8] =	sst s0;
	s0 =	simm.s32 @!p1 $0x0  }
0x14: {  	s2 =	sld [smem:$0x3F9C];
	s0 =	simm.s32 @p1 $0x1  }
0x15: {  	[smem:$0x3FB9] =	sst s0;
	s0 =	simm.s32 @!p2 $0x0  }
0x16: {  	s3 =	sld [smem:$0x3FDB];
	s0 =	simm.s32 @p2 $0x1  }
0x17: {  	s4 =	simm.s32 $0x1BF5;
	[smem:$0x3FBB] =	sst s0  }
0x18: {  	s0 =	sld [smem:$0x3F9E];
	_ =	swait.ge [sflag:s4], $0x0  }
0x19: {  	s7 =	sld [smem:$0x3F9F]  }
0x1a: {  	s8 =	sadd.s32 $0xFFFFE003, lr  }
0x1b: {  	s9 =	sadd.s32 $0xFFFFFEF7, lr;
	s5 =	simm.s32 $0xFFFFFFFF;
	p2 =	slt.u32 s8, $0xFFFFF086  }
0x1c: {  	p1 =	slt.u32 s9, $0xF7A;
	s5 =	simm.s32 @!p2 $0x0  }
0x1d: {  	s5 =	simm.s32 @p1 $0x1;
	p0 =	seq.s32 s7, s2  }
0x1e: {  	s7 =	smul.u32 @!p0 $0xF7A, s2;
	p2 =	seq.s32 @!p0 s5, $0x0  }
0x1f: {  	s9 =	smul.u32 $0xF7A, s1;
	s8 =	simm.s32 @!p0 $0x1BF5;
	p2 =	por !p2, p0  }
0x20: {  	[sflag:s8] =	ssyncset.s32 @!p0 $0xFFFFF086;
	s6 =	sadd.s32 @!p0 s3, s7;
	s7 =	simm.s32 @!p0 $0x108  }
0x21: {  	s3 =	sadd.s32 s3, s9;
	s6 =	sadd.s32 @!p0 $0x88, s6;
	s7 =	simm.s32 @p2 $0x1082  }
0x22: {  	[simem:s7], [sflag:s8] =	dma.local @!p0 [hbm:s6], $0xF7A  }
0x23: {  	s9 =	sor.u32 $0xD0000000, s2;
	s6 =	simm.s32 $0x108;
	_ =	swait.ge @!p0 [sflag:s8], $0x0  }
0x24: {  	s3 =	sadd.s32 $0x88, s3;
	s6 =	simm.s32 @!p1 $0x1082;
	[sflag:s4] =	ssyncset.s32 $0xFFFFF086  }
0x25: {  	[simem:s6], [sflag:s4] =	dma.local [hbm:s3], $0xF7A  }
0x26: {  	[smem:$0x3F9F] =	sst s1;
	(tag) =	ssettag s2;
	_ =	strace s9  }
0x27: {  	s1 =	sld [smem:$0x3FAF]  }
0x28: {  	s2 =	sld [smem:$0x3FB0]  }
0x29: {  	s4 =	sld [smem:$0x3FB2]  }
0x2a: {  	p0 =	seq.s32 s5, $0x0;
	s5 =	sld [smem:$0x3FB3]  }
0x2b: {  	s6 =	sld [smem:$0x3FB4]  }
0x2c: {  	s7 =	sld [smem:$0x3FB5]  }
0x2d: {  	s3 =	simm.s32 $0x108;
	s8 =	sld [smem:$0x3FB6]  }
0x2e: {  	s3 =	simm.s32 @!p0 $0x1082;
	s9 =	sld [smem:$0x3FB7]  }
0x2f: {  	lr =	sadd.s32 s0, s3;
	s0 =	sld [smem:$0x3FAE]  }
0x30: {  	s3 =	sld [smem:$0x3FB1]  }
0x31: {  	[smem:$0x3FBA] =	sst s10  }
0x32: {  	s10 =	sld [smem:$0x3FB8];
	_ =	sdelay $0x3  }
0x33: {  	p0 =	seq.s32 s10, $0x1;
	s10 =	sld [smem:$0x3FBA];
	_ =	sdelay $0x3  }
0x34: {  	[smem:$0x3FBA] =	sst s10  }
0x35: {  	s10 =	sld [smem:$0x3FB9];
	_ =	sdelay $0x3  }
0x36: {  	p1 =	seq.s32 s10, $0x1;
	s10 =	sld [smem:$0x3FBA];
	_ =	sdelay $0x3  }
0x37: {  	[smem:$0x3FBA] =	sst s10  }
0x38: {  	s10 =	sld [smem:$0x3FBB]  }
0x39: {  	_ = 	snop;
	(pc) =	sbr.ind lr, $3  }
0x3a: {  	_ = 	snop  }
0x3b: {  	_ = 	snop  }
0x3c: {  	p2 =	seq.s32 s10, $0x1;
	s10 =	sld [smem:$0x3FBA]  }
0x3d: {  	_ =	shalt  }
0x3e: {  	_ =	shalt  }
0x3f: {  	_ =	shalt  }
0x40: {  	_ =	shalt  }
0x41: {  	_ =	shalt  }
0x42: {  	_ =	shalt  }
0x43: {  	_ =	shalt  }
0x44: {  	_ =	shalt  }
0x45: {  	_ =	shalt  }
0x46: {  	_ =	shalt  }
0x47: {  	_ =	shalt  }
0x48: {  	_ =	shalt  }
0x49: {  	_ =	shalt  }
0x4a: {  	_ =	shalt  }
0x4b: {  	_ =	shalt  }
0x4c: {  	_ =	shalt  }
0x4d: {  	_ =	shalt  }
0x4e: {  	_ =	shalt  }
0x4f: {  	_ =	shalt  }
0x50: {  	_ =	shalt  }
0x51: {  	_ =	shalt  }
0x52: {  	_ =	shalt  }
0x53: {  	_ =	shalt  }
0x54: {  	_ =	shalt  }
0x55: {  	_ =	shalt  }
0x56: {  	_ =	shalt  }
0x57: {  	_ =	shalt  }
0x58: {  	_ =	shalt  }
0x59: {  	_ =	shalt  }
0x5a: {  	_ =	shalt  }
0x5b: {  	_ =	shalt  }
0x5c: {  	_ =	shalt  }
0x5d: {  	_ =	shalt  }
0x5e: {  	_ =	shalt  }
0x5f: {  	_ =	shalt  }
0x60: {  	_ =	shalt  }
0x61: {  	_ =	shalt  }
0x62: {  	_ =	shalt  }
0x63: {  	_ =	shalt  }
0x64: {  	_ =	shalt  }
0x65: {  	_ =	shalt  }
0x66: {  	_ =	shalt  }
0x67: {  	_ =	shalt  }
0x68: {  	_ =	shalt  }
0x69: {  	_ =	shalt  }
0x6a: {  	_ =	shalt  }
0x6b: {  	_ =	shalt  }
0x6c: {  	_ =	shalt  }
0x6d: {  	_ =	shalt  }
0x6e: {  	_ =	shalt  }
0x6f: {  	_ =	shalt  }
0x70: {  	_ =	shalt  }
0x71: {  	_ =	shalt  }
0x72: {  	_ =	shalt  }
0x73: {  	_ =	shalt  }
0x74: {  	_ =	shalt  }
0x75: {  	_ =	shalt  }
0x76: {  	_ =	shalt  }
0x77: {  	_ =	shalt  }
0x78: {  	_ =	shalt  }
0x79: {  	_ =	shalt  }
0x7a: {  	_ =	shalt  }
0x7b: {  	_ =	shalt  }
0x7c: {  	_ =	shalt  }
0x7d: {  	_ =	shalt  }
0x7e: {  	_ =	shalt  }
0x7f: {  	_ =	shalt  }
0x80: {  	_ =	shalt  }
0x81: {  	_ =	shalt  }
0x82: {  	_ =	shalt  }
0x83: {  	_ =	shalt  }
0x84: {  	_ =	shalt  }
0x85: {  	_ =	shalt  }
0x86: {  	_ =	shalt  }
0x87: {  	_ =	shalt  }
.Lfunc_end0:
.L_simem_size_0:
called_computation_lowered:
.L_overlay_start_0:
0x88: {  	s2 =	sld [smem:$0x3FD9]  }
0x89: {  	s3 =	sld [smem:$0x3FFE];
	_ =	sdelay $0x1  }
0x8a: {  	s1 =	srdreg.scid  }
0x8b: {  	s0 =	sand.u32 $0x1, s1  }
0x8c: {  	s17 =	sshll.u32 s0, $0xA;
	s2 =	sadd.s32 s3, s2  }
0x8d: {  	s2 =	sadd.s32 s2, s17  }
0x8e: {  	[smem:$0x3FC6] =	sst s2  }
0x8f: {  	_ = 	snop  }
0x90: {  	s2 =	sld [smem:$0x3FC9]  }
0x91: {  	s18 =	sld [smem:$0x3FD0];
	(tm) =	ssettm $0x1  }
0x92: {  	s4 =	sld [smem:$0x3FFB];
	_ =	sdelay $0x3  }
0x93: {  	_ =	strace s4  }
0x94: {  	s4 =	sld [smem:$0x3FFC];
	_ =	sdelay $0x3  }
0x95: {  	_ =	strace s4  }
0x96: {  	s4 =	sld [smem:$0x3FFD];
	_ =	sdelay $0x3  }
0x97: {  	_ =	strace s4  }
0x98: {  	_ =	strace $0x8FFFFFFF  }
0x99: {  	s19 =	sld [smem:$0x3FDB];
	_ =	sdelay $0x1  }
0x9a: {  	s5 =	simm.s32 $_scs_section_size  }
0x9b: {  	s6 =	simm.s32 $_size__tile_overlayer_lowered;
	s7 =	simm.s32 $_tile_overlayer_lowered  }
0x9c: {  	s22 =	simm.s32 $0x1BFF;
	s21 =	sshll.u32 s7, $0x1;
	s4 =	sadd.s32 s5, s19  }
0x9d: {  	s8 =	simm.s32 $0x0;
	s20 =	sshll.u32 s6, $0x1;
	s6 =	sadd.s32 s21, s4  }
0x9e: {  	[timem:s8], [sflag:s22] =	dma.local [hbm:s6], s20  }
0x9f: {  	_ =	swait.ge [sflag:s22], s20  }
0xa0: {  	s5 =	ssub.s32 $0x0, s20;
	[sflag:s22] =	ssyncset.done $0x0  }
0xa1: {  	[sflag:s22] =	ssyncadd.s32 s5;
	_ =	sdelay $0x1  }
0xa2: {  	s23 =	simm.s32 $0x1B8B  }
0xa3: {  	_ =	swait.ge [sflag:s23], $0x1  }
0xa4: {  	[sflag:s23] =	ssyncset.done $0x0  }
0xa5: {  	s25 =	simm.s32 $0x1B8E;
	s24 =	sld [smem:$0x3FFE];
	[sflag:s23] =	ssyncadd.s32 $0xFFFFFFFF  }
0xa6: {  	s26 =	simm.s32 $execute0_lowered;
	[smem:$0x3FD2] =	sst s25  }
0xa7: {  	s6 =	sshll.u32 s26, $0x1;
	_ =	strace $0x80000046;
	[dreg:$0x1] =	wrdreg $0xFFFFFFFF  }
0xa8: {  	s28 =	simm.s32 $_size_execute0_lowered;
	s4 =	sadd.s32 s4, s6;
	[dreg:$0x0] =	wrdreg $0x0  }
0xa9: {  	s6 =	sshll.u32 s28, $0x1;
	[dreg:$0x2] =	wrdreg s4  }
0xaa: {  	[dreg:$0x3] =	wrdreg s6  }
0xab: {  	[dreg:$0x4] =	wrdreg $0xC0  }
0xac: {  	_ =	task [dreg:s8], $0x5FFFF  }
0xad: {  	[dreg:$0x1] =	wrdreg $0xFFFFFFFF  }
0xae: {  	[dreg:$0x0] =	wrdreg $0x60  }
0xaf: {  	[dreg:$0x2] =	wrdreg s2  }
0xb0: {  	[dreg:$0x3] =	wrdreg s24  }
0xb1: {  	[dreg:$0x4] =	wrdreg s18  }
0xb2: {  	[dreg:$0x5] =	wrdreg $0x9  }
0xb3: {  	_ =	task.clear_ibuf [dreg:s8], $0x6FFFF;
	_ =	strace $0x90000046  }
0xb4: {  	s29 =	simm.s32 $0x9;
	_ =	strace $0x80000048  }
0xb5: {  	_ =	swait.ge [sflag:s29], $0x1  }
0xb6: {  	[sflag:s29] =	ssyncadd.s32 $0xFFFFFFFF  }
0xb7: {  	_ =	strace $0x90000048  }
0xb8: {  	_ =	sfence  }
0xb9: {  	s30 =	sld [smem:$0x0];
	_ =	sdelay $0x2  }
0xba: {  	s31 =	sshll.u32 s1, $0xD;
	s1 =	sshrl.u32 s1, $0x2  }
0xbb: {  	s3 =	sand.u32 $0x4000, s31;
	s1 =	sadd.s32 s1, s30  }
0xbc: {  	s0 =	sor.u32 s3, s0;
	s1 =	sshll.u32 s1, $0x11  }
0xbd: {  	s0 =	sor.u32 s1, s0  }
0xbe: {  	s0 =	sadd.s32 $0x8F2B, s0  }
0xbf: {  	[sflag:s0] =	ssyncadd.remote.s32 $0x1  }
0xc0: {  	_ =	sfence.sel $0xFFFF  }
0xc1: {  	[dreg:$0x0] =	wrdreg $0xFFFFFFFF;
	(pc) =	sbr.abs _section_cstart, $3  }
0xc2: {  	[dreg:$0x1] =	wrdreg $0xFFFFFFFF  }
0xc3: {  	_ =	task.clear_ibuf [dreg:s8], $0x2FFFF;
	_ =	strace $0x9FFFFFFF  }
0xc4: {  	(tm) =	ssettm $0x7FFFFFFF  }
0xc5: {  	_ =	shalt  }
tec
execute0_lowered:
.L_overlay_start_1:
0x0: {  	(tag) =	ssettag $0x1  }
0x1: {  	s1 =	rddreg [dreg:$0x0];
	s0 =	srdreg.scid  }
0x2: {  	s7 =	stileid.u32;
	s2 =	rddreg [dreg:$0x1]  }
0x3: {  	s0 =	sand.u32 $0x1, s0;
	s3 =	sshll.u32 s7, $0x1;
	s10 =	smul.u32 $0x340, s7  }
0x4: {  	s3 =	sor.u32 s0, s3;
	s6 =	ssub.s32 $0x2, s0;
	s0 =	smul.u32 $0x1A0, s0  }
0x5: {  	s8 =	rddreg [dreg:$0x2];
	s4 =	simm.s32 $0x0;
	s5 =	smul.u32 $0x680, s3  }
0x6: {  	[smem:$0x7FF] =	sst s4  }
0x7: {  	s3 =	smul.u32 $0x1A0000, s3;
	s0 =	sadd.s32 s0, s10;
	s2 =	sadd.s32 s5, s2  }
0x8: {  	_ =	strace $0x80000047;
	s26 =	sshll.u32 s0, $0x9;
	s2 =	sadd.s32 $0x400, s2  }
0x9: {  	s3 =	sshrl.u32 s3, $0x3;
	s22 =	sor.u32 $0x1800, s26;
	[dreg:$0x8] =	wrdreg s2  }
0xa: {  	s30 =	sshrl.u32 s6, $0x1;
	s3 =	sadd.s32 s8, s3;
	[dreg:$0x4] =	wrdreg s22  }
0xb: {  	s5 =	ssub.s32 s6, s30;
	s24 =	sor.u32 $0x1400, s26;
	[dreg:$0x9] =	wrdreg s3  }
0xc: {  	s29 =	smax.u32 s5, $0x1;
	[dreg:$0x5] =	wrdreg s24  }
0xd: {  	s28 =	sor.u32 $0x1C00, s26;
	[dreg:$0x19] =	wrdreg s29  }
0xe: {  	s30 =	sor.u32 $0x1000, s26;
	[dreg:$0x6] =	wrdreg s28  }
0xf: {  	s8 =	sadd.s32 $0x200, s3;
	[dreg:$0x7] =	wrdreg s30  }
0x10: {  	s9 =	sadd.s32 $0x400, s3;
	[dreg:$0xa] =	wrdreg s8  }
0x11: {  	s11 =	sadd.s32 $0x600, s3;
	[dreg:$0xb] =	wrdreg s9  }
0x12: {  	s12 =	sadd.s32 $0x800, s3;
	[dreg:$0xc] =	wrdreg s11  }
0x13: {  	s13 =	sadd.s32 $0xA00, s3;
	[dreg:$0xd] =	wrdreg s12  }
0x14: {  	s14 =	sadd.s32 $0xC00, s3;
	[dreg:$0xe] =	wrdreg s13  }
0x15: {  	s15 =	sadd.s32 $0xE00, s3;
	[dreg:$0xf] =	wrdreg s14  }
0x16: {  	s16 =	sadd.s32 $0x33000, s3;
	[dreg:$0x10] =	wrdreg s15  }
0x17: {  	s17 =	sadd.s32 $0x33200, s3;
	[dreg:$0x11] =	wrdreg s16  }
0x18: {  	s18 =	sadd.s32 $0x33400, s3;
	[dreg:$0x12] =	wrdreg s17  }
0x19: {  	s19 =	sadd.s32 $0x33600, s3;
	[dreg:$0x13] =	wrdreg s18  }
0x1a: {  	s20 =	sadd.s32 $0x33800, s3;
	[dreg:$0x14] =	wrdreg s19  }
0x1b: {  	s21 =	sadd.s32 $0x33A00, s3;
	[dreg:$0x15] =	wrdreg s20  }
0x1c: {  	s31 =	simm.s32 $0x8400;
	s23 =	sadd.s32 $0x33C00, s3;
	[dreg:$0x16] =	wrdreg s21  }
0x1d: {  	s10 =	simm.s32 $0x9;
	s25 =	sadd.s32 $0x33E00, s3;
	[dreg:$0x17] =	wrdreg s23  }
0x1e: {  	s0 =	simm.s32 $0x0;
	s22 =	simm.s32 $0xF;
	[dreg:$0x18] =	wrdreg s25  }
0x1f: {  	s25 =	simm.s32 $0x20;
	s11 =	simm.s32 $0x4;
	s12 =	simm.s32 $0xA  }
0x20: {  	s13 =	simm.s32 $0x5;
	s14 =	simm.s32 $0xB;
	s15 =	simm.s32 $0x6  }
0x21: {  	s16 =	simm.s32 $0xC;
	s17 =	simm.s32 $0x7;
	s19 =	simm.s32 $0xD  }
0x22: {  	s20 =	simm.s32 $0x8;
	s21 =	simm.s32 $0xE;
	s23 =	simm.s32 $0x10  }
.LBB2_1:
0x23: {  	[dreg:$0x1a] =	wrdreg s0  }
0x24: {  	s3 =	rddreg [dreg:$0x8];
	s6 =	simm.s32 $0x11  }
0x25: {  	[tilespmem:s4], [sflag:$0x11] =	stream.linear.gather [hbm4b:s3+s4], $0x3400, $0x38;
	[tilespmem:$0xB400] =	vst v63  }
0x26: {  	_ =	swait.ge [sflag:s6], $0x3400  }
0x27: {  	[sflag:s6] =	ssyncset.done $0x0  }
0x28: {  	s24 =	simm.s32 $0x3400;
	[sflag:s6] =	ssyncadd.s32 $0xFFFFCC00  }
0x29: {  	[tilespmem:s24], [sflag:$0x1] =	stream.indirect.gather [hbm4b:s1+s25], $0x80, s4, s25, $0xb8;
	[tilespmem:$0xB400] =	vst v63  }
0x2a: {  	s2 =	simm.s32 $0x4400  }
0x2b: {  	[tilespmem:s2], [sflag:$0x2] =	stream.indirect.gather [hbm4b:s1+s25], $0x80, s25, s25, $0xb8;
	[tilespmem:$0xB400] =	vst v63  }
0x2c: {  	s7 =	simm.s32 $0x40;
	s28 =	simm.s32 $0x5400  }
0x2d: {  	[tilespmem:s28], [sflag:$0x3] =	stream.indirect.gather [hbm4b:s1+s25], $0x80, s7, s25, $0xb8;
	[tilespmem:$0xB400] =	vst v63  }
0x2e: {  	s8 =	simm.s32 $0x60;
	s29 =	simm.s32 $0x6400  }
0x2f: {  	[tilespmem:s29], [sflag:$0x4] =	stream.indirect.gather [hbm4b:s1+s25], $0x80, s8, s25, $0xb8;
	[tilespmem:$0xB400] =	vst v63  }
0x30: {  	s9 =	simm.s32 $0x80;
	s5 =	simm.s32 $0x7400  }
0x31: {  	[tilespmem:s5], [sflag:$0x5] =	stream.indirect.gather [hbm4b:s1+s25], $0x80, s9, s25, $0xb8;
	[tilespmem:$0xB400] =	vst v63  }
0x32: {  	s18 =	simm.s32 $0xA0;
	s0 =	simm.s32 $0x1;
	s8 =	simm.s32 $0x8400  }
0x33: {  	[tilespmem:s8], [sflag:$0x6] =	stream.indirect.gather [hbm4b:s1+s25], $0x80, s18, s25, $0xb8;
	[tilespmem:$0xB400] =	vst v63  }
0x34: {  	_ =	swait.ge [sflag:s0], $0x1000  }
0x35: {  	[sflag:s0] =	ssyncset.done $0x0  }
0x36: {  	s30 =	rddreg [dreg:$0x9];
	[sflag:s0] =	ssyncadd.s32 $0xFFFFF000  }
0x37: {  	[hbm4b:s30+s4] =	stream.linear.scatter [tilespmem:s24], [sflag:$0x9], $0x1000, $0x38;
	[tilespmem:$0xB400] =	vst v63  }
0x38: {  	s6 =	simm.s32 $0xC0;
	s30 =	simm.s32 $0x9400  }
0x39: {  	[tilespmem:s30], [sflag:$0x7] =	stream.indirect.gather [hbm4b:s1+s25], $0x80, s6, s25, $0xb8;
	[tilespmem:$0xB400] =	vst v63  }
0x3a: {  	s6 =	simm.s32 $0x2  }
0x3b: {  	_ =	swait.ge [sflag:s6], $0x1000  }
0x3c: {  	[sflag:s6] =	ssyncset.done $0x0  }
0x3d: {  	s7 =	rddreg [dreg:$0xa];
	[sflag:s6] =	ssyncadd.s32 $0xFFFFF000  }
0x3e: {  	[hbm4b:s7+s4] =	stream.linear.scatter [tilespmem:s2], [sflag:$0xA], $0x1000, $0x38;
	[tilespmem:$0xB400] =	vst v63  }
0x3f: {  	s9 =	simm.s32 $0xE0;
	s7 =	simm.s32 $0xA400  }
0x40: {  	[tilespmem:s7], [sflag:$0x8] =	stream.indirect.gather [hbm4b:s1+s25], $0x80, s9, s25, $0xb8;
	[tilespmem:$0xB400] =	vst v63  }
0x41: {  	s9 =	simm.s32 $0x3  }
0x42: {  	_ =	swait.ge [sflag:s9], $0x1000  }
0x43: {  	[sflag:s9] =	ssyncset.done $0x0  }
0x44: {  	s18 =	rddreg [dreg:$0xb];
	[sflag:s9] =	ssyncadd.s32 $0xFFFFF000  }
0x45: {  	[hbm4b:s18+s4] =	stream.linear.scatter [tilespmem:s28], [sflag:$0xB], $0x1000, $0x38;
	[tilespmem:$0xB400] =	vst v63  }
0x46: {  	_ =	swait.ge [sflag:s10], $0x1000  }
0x47: {  	[sflag:s10] =	ssyncset.done $0x0  }
0x48: {  	s18 =	simm.s32 $0x100;
	[sflag:s10] =	ssyncadd.s32 $0xFFFFF000  }
0x49: {  	[tilespmem:s24], [sflag:$0x1] =	stream.indirect.gather [hbm4b:s1+s25], $0x80, s18, s25, $0xb8;
	[tilespmem:$0xB400] =	vst v63  }
0x4a: {  	_ =	swait.ge [sflag:s11], $0x1000  }
0x4b: {  	[sflag:s11] =	ssyncset.done $0x0  }
0x4c: {  	s18 =	rddreg [dreg:$0xc];
	[sflag:s11] =	ssyncadd.s32 $0xFFFFF000  }
0x4d: {  	[hbm4b:s18+s4] =	stream.linear.scatter [tilespmem:s29], [sflag:$0xC], $0x1000, $0x38;
	[tilespmem:$0xB400] =	vst v63  }
0x4e: {  	_ =	swait.ge [sflag:s12], $0x1000  }
0x4f: {  	[sflag:s12] =	ssyncset.done $0x0  }
0x50: {  	s18 =	simm.s32 $0x120;
	[sflag:s12] =	ssyncadd.s32 $0xFFFFF000  }
0x51: {  	[tilespmem:s2], [sflag:$0x2] =	stream.indirect.gather [hbm4b:s1+s25], $0x80, s18, s25, $0xb8;
	[tilespmem:$0xB400] =	vst v63  }
0x52: {  	_ =	swait.ge [sflag:s13], $0x1000  }
0x53: {  	[sflag:s13] =	ssyncset.done $0x0  }
0x54: {  	s18 =	rddreg [dreg:$0xd];
	[sflag:s13] =	ssyncadd.s32 $0xFFFFF000  }
0x55: {  	[hbm4b:s18+s4] =	stream.linear.scatter [tilespmem:s5], [sflag:$0xD], $0x1000, $0x38;
	[tilespmem:$0xB400] =	vst v63  }
0x56: {  	_ =	swait.ge [sflag:s14], $0x1000  }
0x57: {  	[sflag:s14] =	ssyncset.done $0x0  }
0x58: {  	s18 =	simm.s32 $0x140;
	[sflag:s14] =	ssyncadd.s32 $0xFFFFF000  }
0x59: {  	[tilespmem:s28], [sflag:$0x3] =	stream.indirect.gather [hbm4b:s1+s25], $0x80, s18, s25, $0xb8;
	[tilespmem:$0xB400] =	vst v63  }
0x5a: {  	_ =	swait.ge [sflag:s15], $0x1000  }
0x5b: {  	[sflag:s15] =	ssyncset.done $0x0  }
0x5c: {  	s18 =	rddreg [dreg:$0xe];
	[sflag:s15] =	ssyncadd.s32 $0xFFFFF000  }
0x5d: {  	[hbm4b:s18+s4] =	stream.linear.scatter [tilespmem:s8], [sflag:$0xE], $0x1000, $0x38;
	[tilespmem:$0xB400] =	vst v63  }
0x5e: {  	_ =	swait.ge [sflag:s16], $0x1000  }
0x5f: {  	[sflag:s16] =	ssyncset.done $0x0  }
0x60: {  	s18 =	simm.s32 $0x160;
	[sflag:s16] =	ssyncadd.s32 $0xFFFFF000  }
0x61: {  	[tilespmem:s29], [sflag:$0x4] =	stream.indirect.gather [hbm4b:s1+s25], $0x80, s18, s25, $0xb8;
	[tilespmem:$0xB400] =	vst v63  }
0x62: {  	_ =	swait.ge [sflag:s17], $0x1000  }
0x63: {  	[sflag:s17] =	ssyncset.done $0x0  }
0x64: {  	s18 =	rddreg [dreg:$0xf];
	[sflag:s17] =	ssyncadd.s32 $0xFFFFF000  }
0x65: {  	[hbm4b:s18+s4] =	stream.linear.scatter [tilespmem:s30], [sflag:$0xF], $0x1000, $0x38;
	[tilespmem:$0xB400] =	vst v63  }
0x66: {  	_ =	swait.ge [sflag:s19], $0x1000  }
0x67: {  	[sflag:s19] =	ssyncset.done $0x0  }
0x68: {  	s18 =	simm.s32 $0x180;
	[sflag:s19] =	ssyncadd.s32 $0xFFFFF000  }
0x69: {  	[tilespmem:s5], [sflag:$0x5] =	stream.indirect.gather [hbm4b:s1+s25], $0x80, s18, s25, $0xb8;
	[tilespmem:$0xB400] =	vst v63  }
0x6a: {  	_ =	swait.ge [sflag:s20], $0x1000  }
0x6b: {  	[sflag:s20] =	ssyncset.done $0x0  }
0x6c: {  	s18 =	rddreg [dreg:$0x10];
	[sflag:s20] =	ssyncadd.s32 $0xFFFFF000  }
0x6d: {  	[hbm4b:s18+s4] =	stream.linear.scatter [tilespmem:s7], [sflag:$0x10], $0x1000, $0x38;
	[tilespmem:$0xB400] =	vst v63  }
0x6e: {  	_ =	swait.ge [sflag:s21], $0x1000  }
0x6f: {  	[sflag:s21] =	ssyncset.done $0x0  }
0x70: {  	s18 =	simm.s32 $0x1A0;
	[sflag:s21] =	ssyncadd.s32 $0xFFFFF000  }
0x71: {  	[tilespmem:s8], [sflag:$0x6] =	stream.indirect.gather [hbm4b:s1+s25], $0x80, s18, s25, $0xb8;
	[tilespmem:$0xB400] =	vst v63  }
0x72: {  	_ =	swait.ge [sflag:s0], $0x1000  }
0x73: {  	[sflag:s0] =	ssyncset.done $0x0  }
0x74: {  	s3 =	rddreg [dreg:$0x7];
	[sflag:s0] =	ssyncadd.s32 $0xFFFFF000  }
0x75: {  	s18 =	rddreg [dreg:$0x2]  }
0x76: {  	s3 =	sadd.s32 s18, s3  }
0x77: {  	[hbm4b:s3+s4] =	stream.linear.scatter [tilespmem:s24], [sflag:$0x9], $0x1000, $0x38;
	[tilespmem:$0xB400] =	vst v63  }
0x78: {  	_ =	swait.ge [sflag:s22], $0x1000  }
0x79: {  	[sflag:s22] =	ssyncset.done $0x0  }
0x7a: {  	s0 =	simm.s32 $0x1C0;
	[sflag:s22] =	ssyncadd.s32 $0xFFFFF000  }
0x7b: {  	[tilespmem:s30], [sflag:$0x7] =	stream.indirect.gather [hbm4b:s1+s25], $0x80, s0, s25, $0xb8;
	[tilespmem:$0xB400] =	vst v63  }
0x7c: {  	_ =	swait.ge [sflag:s6], $0x1000  }
0x7d: {  	s3 =	sadd.s32 s18, s26;
	[sflag:s6] =	ssyncset.done $0x0  }
0x7e: {  	s0 =	sadd.s32 $0x1200, s3;
	[sflag:s6] =	ssyncadd.s32 $0xFFFFF000  }
0x7f: {  	[hbm4b:s0+s4] =	stream.linear.scatter [tilespmem:s2], [sflag:$0xA], $0x1000, $0x38;
	[tilespmem:$0xB400] =	vst v63  }
0x80: {  	_ =	swait.ge [sflag:s23], $0x1000  }
0x81: {  	[sflag:s23] =	ssyncset.done $0x0  }
0x82: {  	s0 =	simm.s32 $0x1E0;
	[sflag:s23] =	ssyncadd.s32 $0xFFFFF000  }
0x83: {  	[tilespmem:s7], [sflag:$0x8] =	stream.indirect.gather [hbm4b:s1+s25], $0x80, s0, s25, $0xb8;
	[tilespmem:$0xB400] =	vst v63  }
0x84: {  	_ =	swait.ge [sflag:s9], $0x1000  }
0x85: {  	s0 =	rddreg [dreg:$0x5];
	[sflag:s9] =	ssyncset.done $0x0  }
0x86: {  	[sflag:s9] =	ssyncadd.s32 $0xFFFFF000;
	s6 =	sadd.s32 s18, s0  }
0x87: {  	[hbm4b:s6+s4] =	stream.linear.scatter [tilespmem:s28], [sflag:$0xB], $0x1000, $0x38;
	[tilespmem:$0xB400] =	vst v63  }
0x88: {  	_ =	swait.ge [sflag:s10], $0x1000  }
0x89: {  	[sflag:s10] =	ssyncset.done $0x0  }
0x8a: {  	s9 =	simm.s32 $0x200;
	[sflag:s10] =	ssyncadd.s32 $0xFFFFF000  }
0x8b: {  	[tilespmem:s24], [sflag:$0x1] =	stream.indirect.gather [hbm4b:s1+s25], $0x80, s9, s25, $0xb8;
	[tilespmem:$0xB400] =	vst v63  }
0x8c: {  	_ =	swait.ge [sflag:s11], $0x1000  }
0x8d: {  	[sflag:s11] =	ssyncset.done $0x0  }
0x8e: {  	s24 =	sadd.s32 $0x1600, s3;
	[sflag:s11] =	ssyncadd.s32 $0xFFFFF000  }
0x8f: {  	[hbm4b:s24+s4] =	stream.linear.scatter [tilespmem:s29], [sflag:$0xC], $0x1000, $0x38;
	[tilespmem:$0xB400] =	vst v63  }
0x90: {  	_ =	swait.ge [sflag:s12], $0x1000  }
0x91: {  	[sflag:s12] =	ssyncset.done $0x0  }
0x92: {  	s0 =	simm.s32 $0x220;
	[sflag:s12] =	ssyncadd.s32 $0xFFFFF000  }
0x93: {  	[tilespmem:s2], [sflag:$0x2] =	stream.indirect.gather [hbm4b:s1+s25], $0x80, s0, s25, $0xb8;
	[tilespmem:$0xB400] =	vst v63  }
0x94: {  	_ =	swait.ge [sflag:s13], $0x1000  }
0x95: {  	s2 =	rddreg [dreg:$0x4];
	[sflag:s13] =	ssyncset.done $0x0  }
0x96: {  	[sflag:s13] =	ssyncadd.s32 $0xFFFFF000;
	s6 =	sadd.s32 s18, s2  }
0x97: {  	[hbm4b:s6+s4] =	stream.linear.scatter [tilespmem:s5], [sflag:$0xD], $0x1000, $0x38;
	[tilespmem:$0xB400] =	vst v63  }
0x98: {  	_ =	swait.ge [sflag:s14], $0x1000  }
0x99: {  	[sflag:s14] =	ssyncset.done $0x0  }
0x9a: {  	s9 =	simm.s32 $0x240;
	[sflag:s14] =	ssyncadd.s32 $0xFFFFF000  }
0x9b: {  	[tilespmem:s28], [sflag:$0x3] =	stream.indirect.gather [hbm4b:s1+s25], $0x80, s9, s25, $0xb8;
	[tilespmem:$0xB400] =	vst v63  }
0x9c: {  	_ =	swait.ge [sflag:s15], $0x1000  }
0x9d: {  	[sflag:s15] =	ssyncset.done $0x0  }
0x9e: {  	s24 =	sadd.s32 $0x1A00, s3;
	[sflag:s15] =	ssyncadd.s32 $0xFFFFF000  }
0x9f: {  	[hbm4b:s24+s4] =	stream.linear.scatter [tilespmem:s8], [sflag:$0xE], $0x1000, $0x38;
	[tilespmem:$0xB400] =	vst v63  }
0xa0: {  	_ =	swait.ge [sflag:s16], $0x1000  }
0xa1: {  	[sflag:s16] =	ssyncset.done $0x0  }
0xa2: {  	s28 =	simm.s32 $0x260;
	[sflag:s16] =	ssyncadd.s32 $0xFFFFF000  }
0xa3: {  	[tilespmem:s29], [sflag:$0x4] =	stream.indirect.gather [hbm4b:s1+s25], $0x80, s28, s25, $0xb8;
	[tilespmem:$0xB400] =	vst v63  }
0xa4: {  	_ =	swait.ge [sflag:s17], $0x1000  }
0xa5: {  	s29 =	rddreg [dreg:$0x6];
	[sflag:s17] =	ssyncset.done $0x0  }
0xa6: {  	[sflag:s17] =	ssyncadd.s32 $0xFFFFF000;
	s6 =	sadd.s32 s18, s29  }
0xa7: {  	[hbm4b:s6+s4] =	stream.linear.scatter [tilespmem:s30], [sflag:$0xF], $0x1000, $0x38;
	[tilespmem:$0xB400] =	vst v63  }
0xa8: {  	_ =	swait.ge [sflag:s19], $0x1000  }
0xa9: {  	[sflag:s19] =	ssyncset.done $0x0  }
0xaa: {  	s30 =	simm.s32 $0x280;
	[sflag:s19] =	ssyncadd.s32 $0xFFFFF000  }
0xab: {  	[tilespmem:s5], [sflag:$0x5] =	stream.indirect.gather [hbm4b:s1+s25], $0x80, s30, s25, $0xb8;
	[tilespmem:$0xB400] =	vst v63  }
0xac: {  	_ =	swait.ge [sflag:s20], $0x1000  }
0xad: {  	[sflag:s20] =	ssyncset.done $0x0  }
0xae: {  	s3 =	sadd.s32 $0x1E00, s3;
	[sflag:s20] =	ssyncadd.s32 $0xFFFFF000  }
0xaf: {  	[hbm4b:s3+s4] =	stream.linear.scatter [tilespmem:s7], [sflag:$0x10], $0x1000, $0x38;
	[tilespmem:$0xB400] =	vst v63  }
0xb0: {  	_ =	swait.ge [sflag:s21], $0x1000  }
0xb1: {  	s24 =	simm.s32 $0x400;
	[sflag:s21] =	ssyncset.done $0x0  }
0xb2: {  	s6 =	simm.s32 $0x2A0;
	s3 =	sadd.s32 $0x1000, s18;
	[sflag:s21] =	ssyncadd.s32 $0xFFFFF000  }
.LBB2_2:
0xb3: {  	[tilespmem:s31], [sflag:$0x6] =	stream.indirect.gather [hbm4b:s1+s25], $0x80, s6, s25, $0xb8;
	[tilespmem:$0xB400] =	vst v63  }
0xb4: {  	s0 =	simm.s32 $0x1  }
0xb5: {  	_ =	swait.ge [sflag:s0], $0x1000  }
0xb6: {  	s18 =	rddreg [dreg:$0x7];
	[sflag:s0] =	ssyncset.done $0x0  }
0xb7: {  	s2 =	simm.s32 $0x3400;
	[sflag:s0] =	ssyncadd.s32 $0xFFFFF000;
	s18 =	sadd.s32 s3, s18  }
0xb8: {  	[hbm4b:s18+s4] =	stream.linear.scatter [tilespmem:s2], [sflag:$0x9], $0x1000, $0x38;
	[tilespmem:$0xB400] =	vst v63  }
0xb9: {  	s8 =	smov.u32 s24;
	_ =	swait.ge [sflag:s22], $0x1000  }
0xba: {  	s7 =	simm.s32 $0x9400;
	s6 =	sshra.s32 s8, $0x2;
	[sflag:s22] =	ssyncset.done $0x0  }
0xbb: {  	s28 =	simm.s32 $0x2;
	s9 =	sadd.s32 $0x1C0, s6;
	[sflag:s22] =	ssyncadd.s32 $0xFFFFF000  }
0xbc: {  	[tilespmem:s7], [sflag:$0x7] =	stream.indirect.gather [hbm4b:s1+s25], $0x80, s9, s25, $0xb8;
	[tilespmem:$0xB400] =	vst v63  }
0xbd: {  	_ =	swait.ge [sflag:s28], $0x1000  }
0xbe: {  	s18 =	sadd.s32 s3, s26;
	[sflag:s28] =	ssyncset.done $0x0  }
0xbf: {  	s29 =	simm.s32 $0x4400;
	s5 =	sadd.s32 $0x1200, s18;
	[sflag:s28] =	ssyncadd.s32 $0xFFFFF000  }
0xc0: {  	[hbm4b:s5+s4] =	stream.linear.scatter [tilespmem:s29], [sflag:$0xA], $0x1000, $0x38;
	[tilespmem:$0xB400] =	vst v63  }
0xc1: {  	_ =	swait.ge [sflag:s23], $0x1000  }
0xc2: {  	s8 =	sadd.s32 $0x1E0, s6;
	s9 =	simm.s32 $0xA400;
	[sflag:s23] =	ssyncset.done $0x0  }
0xc3: {  	s28 =	smov.u32 s26;
	s26 =	simm.s32 $0x3;
	[sflag:s23] =	ssyncadd.s32 $0xFFFFF000  }
0xc4: {  	[tilespmem:s9], [sflag:$0x8] =	stream.indirect.gather [hbm4b:s1+s25], $0x80, s8, s25, $0xb8;
	[tilespmem:$0xB400] =	vst v63  }
0xc5: {  	_ =	swait.ge [sflag:s26], $0x1000  }
0xc6: {  	s5 =	rddreg [dreg:$0x5];
	[sflag:s26] =	ssyncset.done $0x0  }
0xc7: {  	s0 =	simm.s32 $0x5400;
	[sflag:s26] =	ssyncadd.s32 $0xFFFFF000;
	s26 =	sadd.s32 s3, s5  }
0xc8: {  	[hbm4b:s26+s4] =	stream.linear.scatter [tilespmem:s0], [sflag:$0xB], $0x1000, $0x38;
	[tilespmem:$0xB400] =	vst v63  }
0xc9: {  	_ =	swait.ge [sflag:s10], $0x1000  }
0xca: {  	[sflag:s10] =	ssyncset.done $0x0  }
0xcb: {  	s8 =	sadd.s32 $0x200, s6;
	[sflag:s10] =	ssyncadd.s32 $0xFFFFF000  }
0xcc: {  	[tilespmem:s2], [sflag:$0x1] =	stream.indirect.gather [hbm4b:s1+s25], $0x80, s8, s25, $0xb8;
	[tilespmem:$0xB400] =	vst v63  }
0xcd: {  	_ =	swait.ge [sflag:s11], $0x1000  }
0xce: {  	[sflag:s11] =	ssyncset.done $0x0  }
0xcf: {  	s5 =	simm.s32 $0x6400;
	s2 =	sadd.s32 $0x1600, s18;
	[sflag:s11] =	ssyncadd.s32 $0xFFFFF000  }
0xd0: {  	[hbm4b:s2+s4] =	stream.linear.scatter [tilespmem:s5], [sflag:$0xC], $0x1000, $0x38;
	[tilespmem:$0xB400] =	vst v63  }
0xd1: {  	_ =	swait.ge [sflag:s12], $0x1000  }
0xd2: {  	[sflag:s12] =	ssyncset.done $0x0  }
0xd3: {  	s8 =	sadd.s32 $0x220, s6;
	[sflag:s12] =	ssyncadd.s32 $0xFFFFF000  }
0xd4: {  	[tilespmem:s29], [sflag:$0x2] =	stream.indirect.gather [hbm4b:s1+s25], $0x80, s8, s25, $0xb8;
	[tilespmem:$0xB400] =	vst v63  }
0xd5: {  	_ =	swait.ge [sflag:s13], $0x1000  }
0xd6: {  	s8 =	rddreg [dreg:$0x4];
	[sflag:s13] =	ssyncset.done $0x0  }
0xd7: {  	[sflag:s13] =	ssyncadd.s32 $0xFFFFF000;
	s26 =	sadd.s32 s3, s8;
	s8 =	simm.s32 $0x7400  }
0xd8: {  	[hbm4b:s26+s4] =	stream.linear.scatter [tilespmem:s8], [sflag:$0xD], $0x1000, $0x38;
	[tilespmem:$0xB400] =	vst v63  }
0xd9: {  	_ =	swait.ge [sflag:s14], $0x1000  }
0xda: {  	[sflag:s14] =	ssyncset.done $0x0  }
0xdb: {  	s26 =	sadd.s32 $0x240, s6;
	[sflag:s14] =	ssyncadd.s32 $0xFFFFF000  }
0xdc: {  	[tilespmem:s0], [sflag:$0x3] =	stream.indirect.gather [hbm4b:s1+s25], $0x80, s26, s25, $0xb8;
	[tilespmem:$0xB400] =	vst v63  }
0xdd: {  	_ =	swait.ge [sflag:s15], $0x1000  }
0xde: {  	[sflag:s15] =	ssyncset.done $0x0  }
0xdf: {  	s0 =	sadd.s32 $0x1A00, s18;
	[sflag:s15] =	ssyncadd.s32 $0xFFFFF000  }
0xe0: {  	[hbm4b:s0+s4] =	stream.linear.scatter [tilespmem:s31], [sflag:$0xE], $0x1000, $0x38;
	[tilespmem:$0xB400] =	vst v63  }
0xe1: {  	_ =	swait.ge [sflag:s16], $0x1000  }
0xe2: {  	[sflag:s16] =	ssyncset.done $0x0  }
0xe3: {  	s26 =	sadd.s32 $0x260, s6;
	[sflag:s16] =	ssyncadd.s32 $0xFFFFF000  }
0xe4: {  	[tilespmem:s5], [sflag:$0x4] =	stream.indirect.gather [hbm4b:s1+s25], $0x80, s26, s25, $0xb8;
	[tilespmem:$0xB400] =	vst v63  }
0xe5: {  	_ =	swait.ge [sflag:s17], $0x1000  }
0xe6: {  	s5 =	rddreg [dreg:$0x6];
	[sflag:s17] =	ssyncset.done $0x0  }
0xe7: {  	[sflag:s17] =	ssyncadd.s32 $0xFFFFF000;
	s26 =	sadd.s32 s3, s5  }
0xe8: {  	[hbm4b:s26+s4] =	stream.linear.scatter [tilespmem:s7], [sflag:$0xF], $0x1000, $0x38;
	[tilespmem:$0xB400] =	vst v63  }
0xe9: {  	_ =	swait.ge [sflag:s19], $0x1000  }
0xea: {  	[sflag:s19] =	ssyncset.done $0x0  }
0xeb: {  	s7 =	sadd.s32 $0x280, s6;
	[sflag:s19] =	ssyncadd.s32 $0xFFFFF000  }
0xec: {  	[tilespmem:s8], [sflag:$0x5] =	stream.indirect.gather [hbm4b:s1+s25], $0x80, s7, s25, $0xb8;
	[tilespmem:$0xB400] =	vst v63  }
0xed: {  	p0 =	sne.s32 s24, $0xC400;
	s24 =	sadd.s32 $0x400, s24;
	_ =	swait.ge [sflag:s20], $0x1000  }
0xee: {  	s30 =	simm.s32 $0x3400;
	s2 =	simm.s32 $0x4400;
	[sflag:s20] =	ssyncset.done $0x0  }
.Ltmp0:
0xef: {  	s18 =	sadd.s32 $0x1E00, s18;
	[sflag:s20] =	ssyncadd.s32 $0xFFFFF000;
	(pc) =	sbr.rel @p0 .LBB2_2-.Ltmp0, $4  }
0xf0: {  	[hbm4b:s18+s4] =	stream.linear.scatter [tilespmem:s9], [sflag:$0x10], $0x1000, $0x38;
	[tilespmem:$0xB400] =	vst v63  }
0xf1: {  	s29 =	simm.s32 $0x5400;
	s0 =	simm.s32 $0x6400;
	_ =	swait.ge [sflag:s21], $0x1000  }
0xf2: {  	s5 =	simm.s32 $0x7400;
	s3 =	sadd.s32 $0x1000, s3;
	[sflag:s21] =	ssyncset.done $0x0  }
0xf3: {  	s26 =	smov.u32 s28;
	s6 =	sadd.s32 $0x2A0, s6;
	[sflag:s21] =	ssyncadd.s32 $0xFFFFF000  }
0xf4: {  	s8 =	simm.s32 $0x8400;
	s3 =	simm.s32 $0x1  }
0xf5: {  	[tilespmem:s8], [sflag:$0x6] =	stream.indirect.gather [hbm4b:s1+s25], $0x80, s6, s25, $0xb8;
	[tilespmem:$0xB400] =	vst v63  }
0xf6: {  	_ =	swait.ge [sflag:s3], $0x1000  }
0xf7: {  	[sflag:s3] =	ssyncset.done $0x0  }
0xf8: {  	s6 =	rddreg [dreg:$0x11];
	[sflag:s3] =	ssyncadd.s32 $0xFFFFF000  }
0xf9: {  	[hbm4b:s6+s4] =	stream.linear.scatter [tilespmem:s30], [sflag:$0x9], $0x1000, $0x38;
	[tilespmem:$0xB400] =	vst v63  }
0xfa: {  	_ =	swait.ge [sflag:s22], $0x1000  }
0xfb: {  	s7 =	simm.s32 $0x33C0;
	[sflag:s22] =	ssyncset.done $0x0  }
0xfc: {  	s9 =	simm.s32 $0x2;
	s6 =	simm.s32 $0x9400;
	[sflag:s22] =	ssyncadd.s32 $0xFFFFF000  }
0xfd: {  	[tilespmem:s6], [sflag:$0x7] =	stream.indirect.gather [hbm4b:s1+s25], $0x80, s7, s25, $0xb8;
	[tilespmem:$0xB400] =	vst v63  }
0xfe: {  	_ =	swait.ge [sflag:s9], $0x1000  }
0xff: {  	[sflag:s9] =	ssyncset.done $0x0  }
0x100: {  	s18 =	rddreg [dreg:$0x12];
	[sflag:s9] =	ssyncadd.s32 $0xFFFFF000  }
0x101: {  	[hbm4b:s18+s4] =	stream.linear.scatter [tilespmem:s2], [sflag:$0xA], $0x1000, $0x38;
	[tilespmem:$0xB400] =	vst v63  }
0x102: {  	_ =	swait.ge [sflag:s23], $0x1000  }
0x103: {  	s24 =	simm.s32 $0x33E0;
	[sflag:s23] =	ssyncset.done $0x0  }
0x104: {  	s28 =	simm.s32 $0x3;
	s2 =	simm.s32 $0xA400;
	[sflag:s23] =	ssyncadd.s32 $0xFFFFF000  }
0x105: {  	[tilespmem:s2], [sflag:$0x8] =	stream.indirect.gather [hbm4b:s1+s25], $0x80, s24, s25, $0xb8;
	[tilespmem:$0xB400] =	vst v63  }
0x106: {  	_ =	swait.ge [sflag:s28], $0x1000  }
0x107: {  	[sflag:s28] =	ssyncset.done $0x0  }
0x108: {  	s30 =	rddreg [dreg:$0x13];
	[sflag:s28] =	ssyncadd.s32 $0xFFFFF000  }
0x109: {  	[hbm4b:s30+s4] =	stream.linear.scatter [tilespmem:s29], [sflag:$0xB], $0x1000, $0x38;
	[tilespmem:$0xB400] =	vst v63  }
0x10a: {  	_ =	swait.ge [sflag:s11], $0x1000  }
0x10b: {  	[sflag:s11] =	ssyncset.done $0x0  }
0x10c: {  	s7 =	rddreg [dreg:$0x14];
	[sflag:s11] =	ssyncadd.s32 $0xFFFFF000  }
0x10d: {  	[hbm4b:s7+s4] =	stream.linear.scatter [tilespmem:s0], [sflag:$0xC], $0x1000, $0x38;
	[tilespmem:$0xB400] =	vst v63  }
0x10e: {  	_ =	swait.ge [sflag:s13], $0x1000  }
0x10f: {  	[sflag:s13] =	ssyncset.done $0x0  }
0x110: {  	s9 =	rddreg [dreg:$0x15];
	[sflag:s13] =	ssyncadd.s32 $0xFFFFF000  }
0x111: {  	[hbm4b:s9+s4] =	stream.linear.scatter [tilespmem:s5], [sflag:$0xD], $0x1000, $0x38;
	[tilespmem:$0xB400] =	vst v63  }
0x112: {  	_ =	swait.ge [sflag:s15], $0x1000  }
0x113: {  	[sflag:s15] =	ssyncset.done $0x0  }
0x114: {  	s18 =	rddreg [dreg:$0x16];
	[sflag:s15] =	ssyncadd.s32 $0xFFFFF000  }
0x115: {  	[hbm4b:s18+s4] =	stream.linear.scatter [tilespmem:s8], [sflag:$0xE], $0x1000, $0x38;
	[tilespmem:$0xB400] =	vst v63  }
0x116: {  	_ =	swait.ge [sflag:s17], $0x1000  }
0x117: {  	[sflag:s17] =	ssyncset.done $0x0  }
0x118: {  	s24 =	rddreg [dreg:$0x17];
	[sflag:s17] =	ssyncadd.s32 $0xFFFFF000  }
0x119: {  	[hbm4b:s24+s4] =	stream.linear.scatter [tilespmem:s6], [sflag:$0xF], $0x1000, $0x38;
	[tilespmem:$0xB400] =	vst v63  }
0x11a: {  	_ =	swait.ge [sflag:s20], $0x1000  }
0x11b: {  	[sflag:s20] =	ssyncset.done $0x0  }
0x11c: {  	s28 =	rddreg [dreg:$0x18];
	[sflag:s20] =	ssyncadd.s32 $0xFFFFF000  }
0x11d: {  	[hbm4b:s28+s4] =	stream.linear.scatter [tilespmem:s2], [sflag:$0x10], $0x1000, $0x38;
	[tilespmem:$0xB400] =	vst v63  }
0x11e: {  	_ =	swait.ge [sflag:s10], $0x1000  }
0x11f: {  	[sflag:s10] =	ssyncset.done $0x0  }
0x120: {  	[sflag:s10] =	ssyncadd.s32 $0xFFFFF000  }
0x121: {  	_ =	swait.ge [sflag:s12], $0x1000  }
0x122: {  	[sflag:s12] =	ssyncset.done $0x0  }
0x123: {  	[sflag:s12] =	ssyncadd.s32 $0xFFFFF000  }
0x124: {  	_ =	swait.ge [sflag:s14], $0x1000  }
0x125: {  	[sflag:s14] =	ssyncset.done $0x0  }
0x126: {  	[sflag:s14] =	ssyncadd.s32 $0xFFFFF000  }
0x127: {  	_ =	swait.ge [sflag:s16], $0x1000  }
0x128: {  	[sflag:s16] =	ssyncset.done $0x0  }
0x129: {  	[sflag:s16] =	ssyncadd.s32 $0xFFFFF000  }
0x12a: {  	_ =	swait.ge [sflag:s19], $0x1000  }
0x12b: {  	[sflag:s19] =	ssyncset.done $0x0  }
0x12c: {  	[sflag:s19] =	ssyncadd.s32 $0xFFFFF000  }
0x12d: {  	_ =	swait.ge [sflag:s21], $0x1000  }
0x12e: {  	[sflag:s21] =	ssyncset.done $0x0  }
0x12f: {  	[sflag:s21] =	ssyncadd.s32 $0xFFFFF000  }
0x130: {  	_ =	swait.ge [sflag:s22], $0x1000  }
0x131: {  	[sflag:s22] =	ssyncset.done $0x0  }
0x132: {  	[sflag:s22] =	ssyncadd.s32 $0xFFFFF000  }
0x133: {  	_ =	swait.ge [sflag:s23], $0x1000  }
0x134: {  	s29 =	rddreg [dreg:$0x1a]  }
0x135: {  	s30 =	rddreg [dreg:$0x19];
	s0 =	sadd.s32 $0x1, s29  }
0x136: {  	p0 =	sne.s32 s0, s30  }
.Ltmp1:
0x137: {  	_ = 	snop;
	(pc) =	sbr.rel @p0 .LBB2_1-.Ltmp1, $3  }
0x138: {  	_ =	sdelay $0x1  }
0x139: {  	[sflag:s23] =	ssyncset.done $0x0  }
0x13a: {  	[sflag:s23] =	ssyncadd.s32 $0xFFFFF000  }
0x13b: {  	_ =	sfence.sel $0x180000  }
0x13c: {  	[bflag:$0x0] =	sbarrier.arrive $0xFFFF  }
0x13d: {  	_ =	strace $0x90000047  }
0x13e: {  	s0 =	stileid.u32;
	[bflag:$0x2] =	sbarrier.arrive $0xFFFF  }
0x13f: {  	p0 =	sne.s32 s0, $0x0;
	s0 =	rddreg [dreg:$0x3]  }
0x140: {  	s0 =	sadd.s32 @!p0 $0x100000, s0  }
0x141: {  	[sflag:s0] =	ssyncadd.tile.s32 @!p0 $0x1;
	_ =	shalt  }
.Lfunc_end2:
_tile_overlayer_lowered:
.L_overlay_start_2:
0x142: {  	(tag) =	ssettag $0x2  }
0x143: {  	s0 =	rddreg [dreg:$0x0];
	s2 =	stileid.u32  }
0x144: {  	s1 =	rddreg [dreg:$0x1];
	p0 =	sne.s32 s2, $0x0  }
0x145: {  	s3 =	rddreg [dreg:$0x2];
	[bflag:$0x3] =	sbarrier.arrive $0xFFFF;
	s2 =	simm.s32 @!p0 $0x1C11  }
0x146: {  	[timem:s3], [sflag:s2] =	dma.local @!p0 [hbm:s0], s1  }
0x147: {  	s0 =	simm.s32 @!p0 $0x11  }
0x148: {  	_ =	swait.ge @!p0 [sflag:s0], s1  }
0x149: {  	s1 =	ssub.s32 @!p0 $0x0, s1;
	[sflag:s0] =	ssyncset.done @!p0 $0x0  }
0x14a: {  	[sflag:s0] =	ssyncadd.s32 @!p0 s1  }
0x14b: {  	[bflag:$0x3] =	sbarrier.arrive $0xFFFF  }
0x14c: {  	_ =	shalt  }

</sc_bundles>
